<compile_context>
chip_gen: v7x
topology: tpu7x:2x2x1
jax: 0.10.2.dev20260603
libtpu: 0.0.44.dev20260713+nightly
codegen_flags: <defaults>
</compile_context>

<pallas_src>
import jax
import jax.numpy as jnp
from jax import lax
from jax.experimental import pallas as pl
from jax.experimental.pallas import tpu as pltpu
from jax.experimental.pallas import tpu_sc as plsc

N = 10000
K = 32
D = 128
OUT = 128

S = 8000
BN = 400
BT = 1000
G = 8
NC = 1
NW = 16 * NC



def _fused_body(mb_ref, nf_ref, w_ref, b_ref, out_ref):
    v = mb_ref[...]
    w = jnp.maximum(
        jnp.maximum(v[:, 0:8, :], v[:, 8:16, :]),
        jnp.maximum(v[:, 16:24, :], v[:, 24:32, :]),
    )
    acc = jnp.max(w, axis=1)
    dn = (((1,), (1,)), ((), ()))
    out = lax.dot_general(acc, w_ref[:, :D], dn, preferred_element_type=jnp.float32)
    out += lax.dot_general(nf_ref[...], w_ref[:, D:], dn, preferred_element_type=jnp.float32)
    out_ref[...] = out + b_ref[...]


def _tc_fused(mailbox_h, node_feat, W, b2, rows):
    grid = rows // BN
    return pl.pallas_call(
        _fused_body,
        grid=(grid,),
        in_specs=[
            pl.BlockSpec((BN, K, D), lambda i: (i, 0, 0)),
            pl.BlockSpec((BN, D), lambda i: (i, 0)),
            pl.BlockSpec((OUT, 2 * D), lambda i: (0, 0)),
            pl.BlockSpec((1, OUT), lambda i: (0, 0)),
        ],
        out_specs=pl.BlockSpec((BN, OUT), lambda i: (i, 0)),
        out_shape=jax.ShapeDtypeStruct((N, OUT), jnp.float32),
    )(mailbox_h, node_feat, W, b2)



def _linear_body(full_ref, h_ref, nf_ref, w_ref, b_ref, out_ref):
    del full_ref
    dn = (((1,), (1,)), ((), ()))
    out = lax.dot_general(h_ref[...], w_ref[:, :D], dn, preferred_element_type=jnp.float32)
    out += lax.dot_general(nf_ref[...], w_ref[:, D:], dn, preferred_element_type=jnp.float32)
    out_ref[...] = out + b_ref[...]


def _tc_linear(head_out, h_pool, node_feat, W, b2, rows):
    grid = rows // BT
    off = S // BT
    return pl.pallas_call(
        _linear_body,
        grid=(grid,),
        in_specs=[
            pl.BlockSpec(memory_space=pl.ANY),
            pl.BlockSpec((BT, D), lambda i: (i, 0)),
            pl.BlockSpec((BT, D), lambda i: (i + off, 0)),
            pl.BlockSpec((OUT, 2 * D), lambda i: (0, 0)),
            pl.BlockSpec((1, OUT), lambda i: (0, 0)),
        ],
        out_specs=pl.BlockSpec((BT, OUT), lambda i: (i + off, 0)),
        out_shape=jax.ShapeDtypeStruct((N, OUT), jnp.float32),
        input_output_aliases={0: 0},
    )(head_out, h_pool, node_feat, W, b2)



def _sc_segmax(mailbox_h, row_start, rows):
    ng = rows // G
    trips = -(-ng // NW)
    trips += trips % 2
    npairs = trips // 2

    def body(mb_hbm, out_hbm, in0, in1, out_buf, sem0, sem1, out_sem):
        wid = lax.axis_index("s") * NC + lax.axis_index("c")

        def src(g):
            return mb_hbm.at[pl.ds(row_start + g * G, G)]

        def gidx(j):
            return jnp.minimum(wid + NW * j, ng - 1)

        def compute(in_buf, j):
            def row(r, carry):
                for c in range(D // 16):
                    sl = pl.ds(c * 16, 16)
                    acc = in_buf[r, 0, sl]
                    for k in range(1, K):
                        acc = jnp.maximum(acc, in_buf[r, k, sl])
                    out_buf[j * G + r, sl] = acc
                return carry
            lax.fori_loop(0, G, row, 0)

        pltpu.make_async_copy(src(gidx(0)), in0, sem0).start()

        def pair(p, carry):
            j0 = 2 * p
            g0 = gidx(j0)
            g1 = gidx(j0 + 1)
            pltpu.make_async_copy(src(g0), in0, sem0).wait()
            pltpu.make_async_copy(src(g1), in1, sem1).start()
            compute(in0, j0)
            pltpu.make_async_copy(
                out_buf.at[pl.ds(j0 * G, G)], out_hbm.at[pl.ds(g0 * G, G)], out_sem
            ).start()
            pltpu.make_async_copy(src(g1), in1, sem1).wait()

            @pl.when(j0 + 2 < trips)
            def _():
                pltpu.make_async_copy(src(gidx(j0 + 2)), in0, sem0).start()

            compute(in1, j0 + 1)
            pltpu.make_async_copy(
                out_buf.at[pl.ds((j0 + 1) * G, G)],
                out_hbm.at[pl.ds(g1 * G, G)],
                out_sem,
            ).start()
            return carry

        lax.fori_loop(0, npairs, pair, 0)
        pltpu.make_async_copy(out_buf, out_hbm.at[pl.ds(0, trips * G)], out_sem).wait()

    kern = pl.kernel(
        body,
        out_type=jax.ShapeDtypeStruct((rows, D), jnp.float32),
        mesh=plsc.VectorSubcoreMesh(core_axis_name="c", subcore_axis_name="s", num_cores=NC),
        scratch_types=[
            pltpu.VMEM((G, K, D), jnp.float32),
            pltpu.VMEM((G, K, D), jnp.float32),
            pltpu.VMEM((trips * G, D), jnp.float32),
            pltpu.SemaphoreType.DMA,
            pltpu.SemaphoreType.DMA,
            pltpu.SemaphoreType.DMA,
        ],
    )
    return kern(mailbox_h)



def kernel(mailbox_h, node_feat, W, b):
    b2 = b.reshape(1, OUT)
    h_pool = _sc_segmax(mailbox_h, S, N - S) if S < N else None
    out = _tc_fused(mailbox_h, node_feat, W, b2, S)
    if h_pool is not None:
        out = _tc_linear(out, h_pool, node_feat, W, b2, N - S)
    return out

# --- scband reference (transcript-rebuilt; emitter-appended) ---
"""Pipeline reference for scband-max-aggregator-9509057593727 (READ-ONLY COPY).

The authoritative reference and input builder live on the scoring server;
editing this copy changes nothing except your own understanding.
"""

import jax, jax.numpy as jnp
import numpy as np

N = 10000
K = 32
D = 128
OUT = 128

def setup_inputs(seed: int = 0) -> dict:
    key = jax.random.key(seed)
    k1, k2, k3, k4 = jax.random.split(key, 4)
    mailbox_h = jax.random.normal(k1, (N, K, D), dtype=jnp.float32)
    node_feat = jax.random.normal(k2, (N, D), dtype=jnp.float32)
    # nn.Linear(2*inp_dim, out_dim): weight [out, 2*in], bias [out]
    bound = 1.0 / np.sqrt(2 * D)
    W = jax.random.uniform(k3, (OUT, 2 * D), dtype=jnp.float32, minval=-bound, maxval=bound)
    b = jax.random.uniform(k4, (OUT,), dtype=jnp.float32, minval=-bound, maxval=bound)
    return {"mailbox_h": mailbox_h, "node_feat": node_feat, "W": W, "b": b}

def reference(mailbox_h, node_feat, W, b):
    # h = torch.max(h, dim=1)[0] over the neighbor/mailbox dimension
    h = jnp.max(mailbox_h, axis=1)
    # concat pooled neighbor features with the node's own features
    h = jnp.concatenate([h, node_feat], axis=1)
    # nn.Linear: x @ W.T + b
    out = h @ W.T + b
    return out

if __name__ == "__main__":
    import jax
    _d = setup_inputs()
    print(jax.jit(kernel)(*tuple(_d.values())))

</pallas_src>

<mosaic_0001>
#map = affine_map<(d0, d1) -> (0, 0, 0)>
#map1 = affine_map<(d0, d1) -> (0, 0)>
module attributes {stable_mosaic.version = 14 : i64} {
  func.func @body(%arg0: i32, %arg1: i32, %arg2: memref<10000x32x128xf32, #tpu.memory_space<hbm>>, %arg3: memref<2000x128xf32, #tpu.memory_space<hbm>>, %arg4: memref<8x32x128xf32, #tpu.memory_space<vmem>>, %arg5: memref<8x32x128xf32, #tpu.memory_space<vmem>>, %arg6: memref<128x128xf32, #tpu.memory_space<vmem>>, %arg7: memref<!tpu.dma_semaphore, #tpu.memory_space<semaphore_mem>>, %arg8: memref<!tpu.dma_semaphore, #tpu.memory_space<semaphore_mem>>, %arg9: memref<!tpu.dma_semaphore, #tpu.memory_space<semaphore_mem>>) attributes {dimension_semantics = [#tpu.dimension_semantics<core_parallel>, #tpu.dimension_semantics<subcore_parallel>], iteration_bounds = array<i64: 1, 16>, scalar_prefetch = 0 : i64, scratch_operands = 6 : i64, tpu.core_type = #tpu.core_type<sc_vector_subcore>, window_params = [{transform_indices = #map}, {transform_indices = #map1}]} {
    %mul3A = arith.constant 1 : i32
    %mul3A_0 = arith.muli %arg1, %mul3A : i32
    %add3A = arith.addi %mul3A_0, %arg0 : i32
    %add3A_1 = arith.constant 0 : i32
    %add3A_2 = arith.addi %add3A, %add3A_1 : i32
    %min3A = arith.constant 249 : i32
    %min3A_3 = arith.minsi %add3A_2, %min3A : i32
    %mul3A_4 = arith.constant 8 : i32
    %mul3A_5 = arith.muli %min3A_3, %mul3A_4 : i32
    %add3A_6 = arith.constant 8000 : i32
    %add3A_7 = arith.addi %add3A_6, %mul3A_5 : i32
    %dma_start3A = arith.constant 0 : i32
    %dma_start3A_8 = arith.constant 0 : i32
    %dma_start3A_9 = tpu.memref_slice %arg2[%add3A_7, %dma_start3A, %dma_start3A_8] : memref<10000x32x128xf32, #tpu.memory_space<hbm>> -> memref<8x32x128xf32, #tpu.memory_space<hbm>>
    %dma_start3A_10 = arith.constant 0 : i32
    %dma_start3A_11 = arith.constant 0 : i32
    %dma_start3A_12 = tpu.memref_slice %arg2[%add3A_7, %dma_start3A_10, %dma_start3A_11] : memref<10000x32x128xf32, #tpu.memory_space<hbm>> -> memref<8x32x128xf32, #tpu.memory_space<hbm>>
    tpu.enqueue_dma source(%dma_start3A_12 : memref<8x32x128xf32, #tpu.memory_space<hbm>>) target(%arg4 : memref<8x32x128xf32, #tpu.memory_space<vmem>>) target_semaphore(%arg7 : memref<!tpu.dma_semaphore, #tpu.memory_space<semaphore_mem>>)
    %scan3A = arith.constant 0 : i32
    %scan3A_13 = arith.constant 0 : i32
    %scan3A_14 = arith.constant 8 : i32
    %scan3A_15 = arith.addi %scan3A_13, %scan3A_14 : i32
    %scan3A_16 = arith.constant 1 : i32
    scf.for %scan3A_23 = %scan3A_13 to %scan3A_15 step %scan3A_16  : i32 {
      %mul3A_24 = arith.constant 2 : i32
      %mul3A_25 = arith.muli %mul3A_24, %scan3A_23 : i32
      %mul3A_26 = arith.constant 16 : i32
      %mul3A_27 = arith.muli %mul3A_26, %mul3A_25 : i32
      %add3A_28 = arith.addi %add3A, %mul3A_27 : i32
      %min3A_29 = arith.constant 249 : i32
      %min3A_30 = arith.minsi %add3A_28, %min3A_29 : i32
      %add3A_31 = arith.constant 1 : i32
      %add3A_32 = arith.addi %mul3A_25, %add3A_31 : i32
      %mul3A_33 = arith.constant 16 : i32
      %mul3A_34 = arith.muli %mul3A_33, %add3A_32 : i32
      %add3A_35 = arith.addi %add3A, %mul3A_34 : i32
      %min3A_36 = arith.constant 249 : i32
      %min3A_37 = arith.minsi %add3A_35, %min3A_36 : i32
      %mul3A_38 = arith.constant 8 : i32
      %mul3A_39 = arith.muli %min3A_30, %mul3A_38 : i32
      %add3A_40 = arith.constant 8000 : i32
      %add3A_41 = arith.addi %add3A_40, %mul3A_39 : i32
      %dma_wait3A_42 = arith.constant 0 : i32
      %dma_wait3A_43 = arith.constant 0 : i32
      %dma_wait3A_44 = tpu.memref_slice %arg2[%add3A_41, %dma_wait3A_42, %dma_wait3A_43] : memref<10000x32x128xf32, #tpu.memory_space<hbm>> -> memref<8x32x128xf32, #tpu.memory_space<hbm>>
      %dma_wait3A_45 = arith.constant 0 : i32
      %dma_wait3A_46 = arith.constant 0 : i32
      %dma_wait3A_47 = tpu.memref_slice %arg2[%add3A_41, %dma_wait3A_45, %dma_wait3A_46] : memref<10000x32x128xf32, #tpu.memory_space<hbm>> -> memref<8x32x128xf32, #tpu.memory_space<hbm>>
      tpu.wait_dma2 semaphore(%arg7 : memref<!tpu.dma_semaphore, #tpu.memory_space<semaphore_mem>>) src(%dma_wait3A_47 : memref<8x32x128xf32, #tpu.memory_space<hbm>>) dst(%arg4 : memref<8x32x128xf32, #tpu.memory_space<vmem>>)
      %mul3A_48 = arith.constant 8 : i32
      %mul3A_49 = arith.muli %min3A_37, %mul3A_48 : i32
      %add3A_50 = arith.constant 8000 : i32
      %add3A_51 = arith.addi %add3A_50, %mul3A_49 : i32
      %dma_start3A_52 = arith.constant 0 : i32
      %dma_start3A_53 = arith.constant 0 : i32
      %dma_start3A_54 = tpu.memref_slice %arg2[%add3A_51, %dma_start3A_52, %dma_start3A_53] : memref<10000x32x128xf32, #tpu.memory_space<hbm>> -> memref<8x32x128xf32, #tpu.memory_space<hbm>>
      %dma_start3A_55 = arith.constant 0 : i32
      %dma_start3A_56 = arith.constant 0 : i32
      %dma_start3A_57 = tpu.memref_slice %arg2[%add3A_51, %dma_start3A_55, %dma_start3A_56] : memref<10000x32x128xf32, #tpu.memory_space<hbm>> -> memref<8x32x128xf32, #tpu.memory_space<hbm>>
      tpu.enqueue_dma source(%dma_start3A_57 : memref<8x32x128xf32, #tpu.memory_space<hbm>>) target(%arg5 : memref<8x32x128xf32, #tpu.memory_space<vmem>>) target_semaphore(%arg8 : memref<!tpu.dma_semaphore, #tpu.memory_space<semaphore_mem>>)
      %scan3A_58 = arith.constant 0 : i32
      %scan3A_59 = arith.constant 0 : i32
      %scan3A_60 = arith.constant 8 : i32
      %scan3A_61 = arith.addi %scan3A_59, %scan3A_60 : i32
      %scan3A_62 = arith.constant 1 : i32
      scf.for %scan3A_112 = %scan3A_59 to %scan3A_61 step %scan3A_62  : i32 {
        %get3A = arith.constant 0 : i32
        %get3A_113 = arith.index_cast %scan3A_112 : i32 to index
        %get3A_114 = arith.index_cast %get3A : i32 to index
        %get3A_115 = arith.constant 0 : index
        %get3A_116 = tpu.vector_load %arg4[%get3A_113, %get3A_114, %get3A_115] {strides = array<i32>} : memref<8x32x128xf32, #tpu.memory_space<vmem>>, vector<1x1x16xf32>,
        %get3A_117 = vector.shape_cast %get3A_116 : vector<1x1x16xf32> to vector<16xf32>
        %get3A_118 = arith.constant 1 : i32
        %get3A_119 = arith.index_cast %scan3A_112 : i32 to index
        %get3A_120 = arith.index_cast %get3A_118 : i32 to index
        %get3A_121 = arith.constant 0 : index
        %get3A_122 = tpu.vector_load %arg4[%get3A_119, %get3A_120, %get3A_121] {strides = array<i32>} : memref<8x32x128xf32, #tpu.memory_space<vmem>>, vector<1x1x16xf32>,
        %get3A_123 = vector.shape_cast %get3A_122 : vector<1x1x16xf32> to vector<16xf32>
        %max3A = arith.maximumf %get3A_117, %get3A_123 : vector<16xf32>
        %get3A_124 = arith.constant 2 : i32
        %get3A_125 = arith.index_cast %scan3A_112 : i32 to index
        %get3A_126 = arith.index_cast %get3A_124 : i32 to index
        %get3A_127 = arith.constant 0 : index
        %get3A_128 = tpu.vector_load %arg4[%get3A_125, %get3A_126, %get3A_127] {strides = array<i32>} : memref<8x32x128xf32, #tpu.memory_space<vmem>>, vector<1x1x16xf32>,
        %get3A_129 = vector.shape_cast %get3A_128 : vector<1x1x16xf32> to vector<16xf32>
        %max3A_130 = arith.maximumf %max3A, %get3A_129 : vector<16xf32>
        %get3A_131 = arith.constant 3 : i32
        %get3A_132 = arith.index_cast %scan3A_112 : i32 to index
        %get3A_133 = arith.index_cast %get3A_131 : i32 to index
        %get3A_134 = arith.constant 0 : index
        %get3A_135 = tpu.vector_load %arg4[%get3A_132, %get3A_133, %get3A_134] {strides = array<i32>} : memref<8x32x128xf32, #tpu.memory_space<vmem>>, vector<1x1x16xf32>,
        %get3A_136 = vector.shape_cast %get3A_135 : vector<1x1x16xf32> to vector<16xf32>
        %max3A_137 = arith.maximumf %max3A_130, %get3A_136 : vector<16xf32>
        %get3A_138 = arith.constant 4 : i32
        %get3A_139 = arith.index_cast %scan3A_112 : i32 to index
        %get3A_140 = arith.index_cast %get3A_138 : i32 to index
        %get3A_141 = arith.constant 0 : index
        %get3A_142 = tpu.vector_load %arg4[%get3A_139, %get3A_140, %get3A_141] {strides = array<i32>} : memref<8x32x128xf32, #tpu.memory_space<vmem>>, vector<1x1x16xf32>,
        %get3A_143 = vector.shape_cast %get3A_142 : vector<1x1x16xf32> to vector<16xf32>
        %max3A_144 = arith.maximumf %max3A_137, %get3A_143 : vector<16xf32>
        %get3A_145 = arith.constant 5 : i32
        %get3A_146 = arith.index_cast %scan3A_112 : i32 to index
        %get3A_147 = arith.index_cast %get3A_145 : i32 to index
        %get3A_148 = arith.constant 0 : index
        %get3A_149 = tpu.vector_load %arg4[%get3A_146, %get3A_147, %get3A_148] {strides = array<i32>} : memref<8x32x128xf32, #tpu.memory_space<vmem>>, vector<1x1x16xf32>,
        %get3A_150 = vector.shape_cast %get3A_149 : vector<1x1x16xf32> to vector<16xf32>
        %max3A_151 = arith.maximumf %max3A_144, %get3A_150 : vector<16xf32>
        %get3A_152 = arith.constant 6 : i32
        %get3A_153 = arith.index_cast %scan3A_112 : i32 to index
        %get3A_154 = arith.index_cast %get3A_152 : i32 to index
        %get3A_155 = arith.constant 0 : index
        %get3A_156 = tpu.vector_load %arg4[%get3A_153, %get3A_154, %get3A_155] {strides = array<i32>} : memref<8x32x128xf32, #tpu.memory_space<vmem>>, vector<1x1x16xf32>,
        %get3A_157 = vector.shape_cast %get3A_156 : vector<1x1x16xf32> to vector<16xf32>
        %max3A_158 = arith.maximumf %max3A_151, %get3A_157 : vector<16xf32>
        %get3A_159 = arith.constant 7 : i32
        %get3A_160 = arith.index_cast %scan3A_112 : i32 to index
        %get3A_161 = arith.index_cast %get3A_159 : i32 to index
        %get3A_162 = arith.constant 0 : index
        %get3A_163 = tpu.vector_load %arg4[%get3A_160, %get3A_161, %get3A_162] {strides = array<i32>} : memref<8x32x128xf32, #tpu.memory_space<vmem>>, vector<1x1x16xf32>,
        %get3A_164 = vector.shape_cast %get3A_163 : vector<1x1x16xf32> to vector<16xf32>
        %max3A_165 = arith.maximumf %max3A_158, %get3A_164 : vector<16xf32>
        %get3A_166 = arith.constant 8 : i32
        %get3A_167 = arith.index_cast %scan3A_112 : i32 to index
        %get3A_168 = arith.index_cast %get3A_166 : i32 to index
        %get3A_169 = arith.constant 0 : index
        %get3A_170 = tpu.vector_load %arg4[%get3A_167, %get3A_168, %get3A_169] {strides = array<i32>} : memref<8x32x128xf32, #tpu.memory_space<vmem>>, vector<1x1x16xf32>,
        %get3A_171 = vector.shape_cast %get3A_170 : vector<1x1x16xf32> to vector<16xf32>
        %max3A_172 = arith.maximumf %max3A_165, %get3A_171 : vector<16xf32>
        %get3A_173 = arith.constant 9 : i32
        %get3A_174 = arith.index_cast %scan3A_112 : i32 to index
        %get3A_175 = arith.index_cast %get3A_173 : i32 to index
        %get3A_176 = arith.constant 0 : index
        %get3A_177 = tpu.vector_load %arg4[%get3A_174, %get3A_175, %get3A_176] {strides = array<i32>} : memref<8x32x128xf32, #tpu.memory_space<vmem>>, vector<1x1x16xf32>,
        %get3A_178 = vector.shape_cast %get3A_177 : vector<1x1x16xf32> to vector<16xf32>
        %max3A_179 = arith.maximumf %max3A_172, %get3A_178 : vector<16xf32>
        %get3A_180 = arith.constant 10 : i32
        %get3A_181 = arith.index_cast %scan3A_112 : i32 to index
        %get3A_182 = arith.index_cast %get3A_180 : i32 to index
        %get3A_183 = arith.constant 0 : index
        %get3A_184 = tpu.vector_load %arg4[%get3A_181, %get3A_182, %get3A_183] {strides = array<i32>} : memref<8x32x128xf32, #tpu.memory_space<vmem>>, vector<1x1x16xf32>,
        %get3A_185 = vector.shape_cast %get3A_184 : vector<1x1x16xf32> to vector<16xf32>
        %max3A_186 = arith.maximumf %max3A_179, %get3A_185 : vector<16xf32>
        %get3A_187 = arith.constant 11 : i32
        %get3A_188 = arith.index_cast %scan3A_112 : i32 to index
        %get3A_189 = arith.index_cast %get3A_187 : i32 to index
        %get3A_190 = arith.constant 0 : index
        %get3A_191 = tpu.vector_load %arg4[%get3A_188, %get3A_189, %get3A_190] {strides = array<i32>} : memref<8x32x128xf32, #tpu.memory_space<vmem>>, vector<1x1x16xf32>,
        %get3A_192 = vector.shape_cast %get3A_191 : vector<1x1x16xf32> to vector<16xf32>
        %max3A_193 = arith.maximumf %max3A_186, %get3A_192 : vector<16xf32>
        %get3A_194 = arith.constant 12 : i32
        %get3A_195 = arith.index_cast %scan3A_112 : i32 to index
        %get3A_196 = arith.index_cast %get3A_194 : i32 to index
        %get3A_197 = arith.constant 0 : index
        %get3A_198 = tpu.vector_load %arg4[%get3A_195, %get3A_196, %get3A_197] {strides = array<i32>} : memref<8x32x128xf32, #tpu.memory_space<vmem>>, vector<1x1x16xf32>,
        %get3A_199 = vector.shape_cast %get3A_198 : vector<1x1x16xf32> to vector<16xf32>
        %max3A_200 = arith.maximumf %max3A_193, %get3A_199 : vector<16xf32>
        %get3A_201 = arith.constant 13 : i32
        %get3A_202 = arith.index_cast %scan3A_112 : i32 to index
        %get3A_203 = arith.index_cast %get3A_201 : i32 to index
        %get3A_204 = arith.constant 0 : index
        %get3A_205 = tpu.vector_load %arg4[%get3A_202, %get3A_203, %get3A_204] {strides = array<i32>} : memref<8x32x128xf32, #tpu.memory_space<vmem>>, vector<1x1x16xf32>,
        %get3A_206 = vector.shape_cast %get3A_205 : vector<1x1x16xf32> to vector<16xf32>
        %max3A_207 = arith.maximumf %max3A_200, %get3A_206 : vector<16xf32>
        %get3A_208 = arith.constant 14 : i32
        %get3A_209 = arith.index_cast %scan3A_112 : i32 to index
        %get3A_210 = arith.index_cast %get3A_208 : i32 to index
        %get3A_211 = arith.constant 0 : index
        %get3A_212 = tpu.vector_load %arg4[%get3A_209, %get3A_210, %get3A_211] {strides = array<i32>} : memref<8x32x128xf32, #tpu.memory_space<vmem>>, vector<1x1x16xf32>,
        %get3A_213 = vector.shape_cast %get3A_212 : vector<1x1x16xf32> to vector<16xf32>
        %max3A_214 = arith.maximumf %max3A_207, %get3A_213 : vector<16xf32>
        %get3A_215 = arith.constant 15 : i32
        %get3A_216 = arith.index_cast %scan3A_112 : i32 to index
        %get3A_217 = arith.index_cast %get3A_215 : i32 to index
        %get3A_218 = arith.constant 0 : index
        %get3A_219 = tpu.vector_load %arg4[%get3A_216, %get3A_217, %get3A_218] {strides = array<i32>} : memref<8x32x128xf32, #tpu.memory_space<vmem>>, vector<1x1x16xf32>,
        %get3A_220 = vector.shape_cast %get3A_219 : vector<1x1x16xf32> to vector<16xf32>
        %max3A_221 = arith.maximumf %max3A_214, %get3A_220 : vector<16xf32>
        %get3A_222 = arith.constant 16 : i32
        %get3A_223 = arith.index_cast %scan3A_112 : i32 to index
        %get3A_224 = arith.index_cast %get3A_222 : i32 to index
        %get3A_225 = arith.constant 0 : index
        %get3A_226 = tpu.vector_load %arg4[%get3A_223, %get3A_224, %get3A_225] {strides = array<i32>} : memref<8x32x128xf32, #tpu.memory_space<vmem>>, vector<1x1x16xf32>,
        %get3A_227 = vector.shape_cast %get3A_226 : vector<1x1x16xf32> to vector<16xf32>
        %max3A_228 = arith.maximumf %max3A_221, %get3A_227 : vector<16xf32>
        %get3A_229 = arith.constant 17 : i32
        %get3A_230 = arith.index_cast %scan3A_112 : i32 to index
        %get3A_231 = arith.index_cast %get3A_229 : i32 to index
        %get3A_232 = arith.constant 0 : index
        %get3A_233 = tpu.vector_load %arg4[%get3A_230, %get3A_231, %get3A_232] {strides = array<i32>} : memref<8x32x128xf32, #tpu.memory_space<vmem>>, vector<1x1x16xf32>,
        %get3A_234 = vector.shape_cast %get3A_233 : vector<1x1x16xf32> to vector<16xf32>
        %max3A_235 = arith.maximumf %max3A_228, %get3A_234 : vector<16xf32>
        %get3A_236 = arith.constant 18 : i32
        %get3A_237 = arith.index_cast %scan3A_112 : i32 to index
        %get3A_238 = arith.index_cast %get3A_236 : i32 to index
        %get3A_239 = arith.constant 0 : index
        %get3A_240 = tpu.vector_load %arg4[%get3A_237, %get3A_238, %get3A_239] {strides = array<i32>} : memref<8x32x128xf32, #tpu.memory_space<vmem>>, vector<1x1x16xf32>,
        %get3A_241 = vector.shape_cast %get3A_240 : vector<1x1x16xf32> to vector<16xf32>
        %max3A_242 = arith.maximumf %max3A_235, %get3A_241 : vector<16xf32>
        %get3A_243 = arith.constant 19 : i32
        %get3A_244 = arith.index_cast %scan3A_112 : i32 to index
        %get3A_245 = arith.index_cast %get3A_243 : i32 to index
        %get3A_246 = arith.constant 0 : index
        %get3A_247 = tpu.vector_load %arg4[%get3A_244, %get3A_245, %get3A_246] {strides = array<i32>} : memref<8x32x128xf32, #tpu.memory_space<vmem>>, vector<1x1x16xf32>,
        %get3A_248 = vector.shape_cast %get3A_247 : vector<1x1x16xf32> to vector<16xf32>
        %max3A_249 = arith.maximumf %max3A_242, %get3A_248 : vector<16xf32>
        %get3A_250 = arith.constant 20 : i32
        %get3A_251 = arith.index_cast %scan3A_112 : i32 to index
        %get3A_252 = arith.index_cast %get3A_250 : i32 to index
        %get3A_253 = arith.constant 0 : index
        %get3A_254 = tpu.vector_load %arg4[%get3A_251, %get3A_252, %get3A_253] {strides = array<i32>} : memref<8x32x128xf32, #tpu.memory_space<vmem>>, vector<1x1x16xf32>,
        %get3A_255 = vector.shape_cast %get3A_254 : vector<1x1x16xf32> to vector<16xf32>
        %max3A_256 = arith.maximumf %max3A_249, %get3A_255 : vector<16xf32>
        %get3A_257 = arith.constant 21 : i32
        %get3A_258 = arith.index_cast %scan3A_112 : i32 to index
        %get3A_259 = arith.index_cast %get3A_257 : i32 to index
        %get3A_260 = arith.constant 0 : index
        %get3A_261 = tpu.vector_load %arg4[%get3A_258, %get3A_259, %get3A_260] {strides = array<i32>} : memref<8x32x128xf32, #tpu.memory_space<vmem>>, vector<1x1x16xf32>,
        %get3A_262 = vector.shape_cast %get3A_261 : vector<1x1x16xf32> to vector<16xf32>
        %max3A_263 = arith.maximumf %max3A_256, %get3A_262 : vector<16xf32>
        %get3A_264 = arith.constant 22 : i32
        %get3A_265 = arith.index_cast %scan3A_112 : i32 to index
        %get3A_266 = arith.index_cast %get3A_264 : i32 to index
        %get3A_267 = arith.constant 0 : index
        %get3A_268 = tpu.vector_load %arg4[%get3A_265, %get3A_266, %get3A_267] {strides = array<i32>} : memref<8x32x128xf32, #tpu.memory_space<vmem>>, vector<1x1x16xf32>,
        %get3A_269 = vector.shape_cast %get3A_268 : vector<1x1x16xf32> to vector<16xf32>
        %max3A_270 = arith.maximumf %max3A_263, %get3A_269 : vector<16xf32>
        %get3A_271 = arith.constant 23 : i32
        %get3A_272 = arith.index_cast %scan3A_112 : i32 to index
        %get3A_273 = arith.index_cast %get3A_271 : i32 to index
        %get3A_274 = arith.constant 0 : index
        %get3A_275 = tpu.vector_load %arg4[%get3A_272, %get3A_273, %get3A_274] {strides = array<i32>} : memref<8x32x128xf32, #tpu.memory_space<vmem>>, vector<1x1x16xf32>,
        %get3A_276 = vector.shape_cast %get3A_275 : vector<1x1x16xf32> to vector<16xf32>
        %max3A_277 = arith.maximumf %max3A_270, %get3A_276 : vector<16xf32>
        %get3A_278 = arith.constant 24 : i32
        %get3A_279 = arith.index_cast %scan3A_112 : i32 to index
        %get3A_280 = arith.index_cast %get3A_278 : i32 to index
        %get3A_281 = arith.constant 0 : index
        %get3A_282 = tpu.vector_load %arg4[%get3A_279, %get3A_280, %get3A_281] {strides = array<i32>} : memref<8x32x128xf32, #tpu.memory_space<vmem>>, vector<1x1x16xf32>,
        %get3A_283 = vector.shape_cast %get3A_282 : vector<1x1x16xf32> to vector<16xf32>
        %max3A_284 = arith.maximumf %max3A_277, %get3A_283 : vector<16xf32>
        %get3A_285 = arith.constant 25 : i32
        %get3A_286 = arith.index_cast %scan3A_112 : i32 to index
        %get3A_287 = arith.index_cast %get3A_285 : i32 to index
        %get3A_288 = arith.constant 0 : index
        %get3A_289 = tpu.vector_load %arg4[%get3A_286, %get3A_287, %get3A_288] {strides = array<i32>} : memref<8x32x128xf32, #tpu.memory_space<vmem>>, vector<1x1x16xf32>,
        %get3A_290 = vector.shape_cast %get3A_289 : vector<1x1x16xf32> to vector<16xf32>
        %max3A_291 = arith.maximumf %max3A_284, %get3A_290 : vector<16xf32>
        %get3A_292 = arith.constant 26 : i32
        %get3A_293 = arith.index_cast %scan3A_112 : i32 to index
        %get3A_294 = arith.index_cast %get3A_292 : i32 to index
        %get3A_295 = arith.constant 0 : index
        %get3A_296 = tpu.vector_load %arg4[%get3A_293, %get3A_294, %get3A_295] {strides = array<i32>} : memref<8x32x128xf32, #tpu.memory_space<vmem>>, vector<1x1x16xf32>,
        %get3A_297 = vector.shape_cast %get3A_296 : vector<1x1x16xf32> to vector<16xf32>
        %max3A_298 = arith.maximumf %max3A_291, %get3A_297 : vector<16xf32>
        %get3A_299 = arith.constant 27 : i32
        %get3A_300 = arith.index_cast %scan3A_112 : i32 to index
        %get3A_301 = arith.index_cast %get3A_299 : i32 to index
        %get3A_302 = arith.constant 0 : index
        %get3A_303 = tpu.vector_load %arg4[%get3A_300, %get3A_301, %get3A_302] {strides = array<i32>} : memref<8x32x128xf32, #tpu.memory_space<vmem>>, vector<1x1x16xf32>,
        %get3A_304 = vector.shape_cast %get3A_303 : vector<1x1x16xf32> to vector<16xf32>
        %max3A_305 = arith.maximumf %max3A_298, %get3A_304 : vector<16xf32>
        %get3A_306 = arith.constant 28 : i32
        %get3A_307 = arith.index_cast %scan3A_112 : i32 to index
        %get3A_308 = arith.index_cast %get3A_306 : i32 to index
        %get3A_309 = arith.constant 0 : index
        %get3A_310 = tpu.vector_load %arg4[%get3A_307, %get3A_308, %get3A_309] {strides = array<i32>} : memref<8x32x128xf32, #tpu.memory_space<vmem>>, vector<1x1x16xf32>,
        %get3A_311 = vector.shape_cast %get3A_310 : vector<1x1x16xf32> to vector<16xf32>
        %max3A_312 = arith.maximumf %max3A_305, %get3A_311 : vector<16xf32>
        %get3A_313 = arith.constant 29 : i32
        %get3A_314 = arith.index_cast %scan3A_112 : i32 to index
        %get3A_315 = arith.index_cast %get3A_313 : i32 to index
        %get3A_316 = arith.constant 0 : index
        %get3A_317 = tpu.vector_load %arg4[%get3A_314, %get3A_315, %get3A_316] {strides = array<i32>} : memref<8x32x128xf32, #tpu.memory_space<vmem>>, vector<1x1x16xf32>,
        %get3A_318 = vector.shape_cast %get3A_317 : vector<1x1x16xf32> to vector<16xf32>
        %max3A_319 = arith.maximumf %max3A_312, %get3A_318 : vector<16xf32>
        %get3A_320 = arith.constant 30 : i32
        %get3A_321 = arith.index_cast %scan3A_112 : i32 to index
        %get3A_322 = arith.index_cast %get3A_320 : i32 to index
        %get3A_323 = arith.constant 0 : index
        %get3A_324 = tpu.vector_load %arg4[%get3A_321, %get3A_322, %get3A_323] {strides = array<i32>} : memref<8x32x128xf32, #tpu.memory_space<vmem>>, vector<1x1x16xf32>,
        %get3A_325 = vector.shape_cast %get3A_324 : vector<1x1x16xf32> to vector<16xf32>
        %max3A_326 = arith.maximumf %max3A_319, %get3A_325 : vector<16xf32>
        %get3A_327 = arith.constant 31 : i32
        %get3A_328 = arith.index_cast %scan3A_112 : i32 to index
        %get3A_329 = arith.index_cast %get3A_327 : i32 to index
        %get3A_330 = arith.constant 0 : index
        %get3A_331 = tpu.vector_load %arg4[%get3A_328, %get3A_329, %get3A_330] {strides = array<i32>} : memref<8x32x128xf32, #tpu.memory_space<vmem>>, vector<1x1x16xf32>,
        %get3A_332 = vector.shape_cast %get3A_331 : vector<1x1x16xf32> to vector<16xf32>
        %max3A_333 = arith.maximumf %max3A_326, %get3A_332 : vector<16xf32>
        %mul3A_334 = arith.constant 8 : i32
        %mul3A_335 = arith.muli %mul3A_25, %mul3A_334 : i32
        %add3A_336 = arith.addi %mul3A_335, %scan3A_112 : i32
        %swap3A = arith.index_cast %add3A_336 : i32 to index
        %swap3A_337 = arith.constant 0 : index
        %swap3A_338 = tpu.vector_load %arg6[%swap3A, %swap3A_337] {strides = array<i32>} : memref<128x128xf32, #tpu.memory_space<vmem>>, vector<1x16xf32>,
        %swap3A_339 = vector.shape_cast %swap3A_338 : vector<1x16xf32> to vector<16xf32>
        %swap3A_340 = vector.shape_cast %max3A_333 : vector<16xf32> to vector<1x16xf32>
        tpu.vector_store %arg6[%swap3A, %swap3A_337], %swap3A_340 {strides = array<i32>} : memref<128x128xf32, #tpu.memory_space<vmem>>, vector<1x16xf32>,
        %get3A_341 = arith.constant 0 : i32
        %get3A_342 = arith.index_cast %scan3A_112 : i32 to index
        %get3A_343 = arith.index_cast %get3A_341 : i32 to index
        %get3A_344 = arith.constant 16 : index
        %get3A_345 = tpu.vector_load %arg4[%get3A_342, %get3A_343, %get3A_344] {strides = array<i32>} : memref<8x32x128xf32, #tpu.memory_space<vmem>>, vector<1x1x16xf32>,
        %get3A_346 = vector.shape_cast %get3A_345 : vector<1x1x16xf32> to vector<16xf32>
        %get3A_347 = arith.constant 1 : i32
        %get3A_348 = arith.index_cast %scan3A_112 : i32 to index
        %get3A_349 = arith.index_cast %get3A_347 : i32 to index
        %get3A_350 = arith.constant 16 : index
        %get3A_351 = tpu.vector_load %arg4[%get3A_348, %get3A_349, %get3A_350] {strides = array<i32>} : memref<8x32x128xf32, #tpu.memory_space<vmem>>, vector<1x1x16xf32>,
        %get3A_352 = vector.shape_cast %get3A_351 : vector<1x1x16xf32> to vector<16xf32>
        %max3A_353 = arith.maximumf %get3A_346, %get3A_352 : vector<16xf32>
        %get3A_354 = arith.constant 2 : i32
        %get3A_355 = arith.index_cast %scan3A_112 : i32 to index
        %get3A_356 = arith.index_cast %get3A_354 : i32 to index
        %get3A_357 = arith.constant 16 : index
        %get3A_358 = tpu.vector_load %arg4[%get3A_355, %get3A_356, %get3A_357] {strides = array<i32>} : memref<8x32x128xf32, #tpu.memory_space<vmem>>, vector<1x1x16xf32>,
        %get3A_359 = vector.shape_cast %get3A_358 : vector<1x1x16xf32> to vector<16xf32>
        %max3A_360 = arith.maximumf %max3A_353, %get3A_359 : vector<16xf32>
        %get3A_361 = arith.constant 3 : i32
        %get3A_362 = arith.index_cast %scan3A_112 : i32 to index
        %get3A_363 = arith.index_cast %get3A_361 : i32 to index
        %get3A_364 = arith.constant 16 : index
        %get3A_365 = tpu.vector_load %arg4[%get3A_362, %get3A_363, %get3A_364] {strides = array<i32>} : memref<8x32x128xf32, #tpu.memory_space<vmem>>, vector<1x1x16xf32>,
        %get3A_366 = vector.shape_cast %get3A_365 : vector<1x1x16xf32> to vector<16xf32>
        %max3A_367 = arith.maximumf %max3A_360, %get3A_366 : vector<16xf32>
        %get3A_368 = arith.constant 4 : i32
        %get3A_369 = arith.index_cast %scan3A_112 : i32 to index
        %get3A_370 = arith.index_cast %get3A_368 : i32 to index
        %get3A_371 = arith.constant 16 : index
        %get3A_372 = tpu.vector_load %arg4[%get3A_369, %get3A_370, %get3A_371] {strides = array<i32>} : memref<8x32x128xf32, #tpu.memory_space<vmem>>, vector<1x1x16xf32>,
        %get3A_373 = vector.shape_cast %get3A_372 : vector<1x1x16xf32> to vector<16xf32>
        %max3A_374 = arith.maximumf %max3A_367, %get3A_373 : vector<16xf32>
        %get3A_375 = arith.constant 5 : i32
        %get3A_376 = arith.index_cast %scan3A_112 : i32 to index
        %get3A_377 = arith.index_cast %get3A_375 : i32 to index
        %get3A_378 = arith.constant 16 : index
        %get3A_379 = tpu.vector_load %arg4[%get3A_376, %get3A_377, %get3A_378] {strides = array<i32>} : memref<8x32x128xf32, #tpu.memory_space<vmem>>, vector<1x1x16xf32>,
        %get3A_380 = vector.shape_cast %get3A_379 : vector<1x1x16xf32> to vector<16xf32>
        %max3A_381 = arith.maximumf %max3A_374, %get3A_380 : vector<16xf32>
        %get3A_382 = arith.constant 6 : i32
        %get3A_383 = arith.index_cast %scan3A_112 : i32 to index
        %get3A_384 = arith.index_cast %get3A_382 : i32 to index
        %get3A_385 = arith.constant 16 : index
        %get3A_386 = tpu.vector_load %arg4[%get3A_383, %get3A_384, %get3A_385] {strides = array<i32>} : memref<8x32x128xf32, #tpu.memory_space<vmem>>, vector<1x1x16xf32>,
        %get3A_387 = vector.shape_cast %get3A_386 : vector<1x1x16xf32> to vector<16xf32>
        %max3A_388 = arith.maximumf %max3A_381, %get3A_387 : vector<16xf32>
        %get3A_389 = arith.constant 7 : i32
        %get3A_390 = arith.index_cast %scan3A_112 : i32 to index
        %get3A_391 = arith.index_cast %get3A_389 : i32 to index
        %get3A_392 = arith.constant 16 : index
        %get3A_393 = tpu.vector_load %arg4[%get3A_390, %get3A_391, %get3A_392] {strides = array<i32>} : memref<8x32x128xf32, #tpu.memory_space<vmem>>, vector<1x1x16xf32>,
        %get3A_394 = vector.shape_cast %get3A_393 : vector<1x1x16xf32> to vector<16xf32>
        %max3A_395 = arith.maximumf %max3A_388, %get3A_394 : vector<16xf32>
        %get3A_396 = arith.constant 8 : i32
        %get3A_397 = arith.index_cast %scan3A_112 : i32 to index
        %get3A_398 = arith.index_cast %get3A_396 : i32 to index
        %get3A_399 = arith.constant 16 : index
        %get3A_400 = tpu.vector_load %arg4[%get3A_397, %get3A_398, %get3A_399] {strides = array<i32>} : memref<8x32x128xf32, #tpu.memory_space<vmem>>, vector<1x1x16xf32>,
        %get3A_401 = vector.shape_cast %get3A_400 : vector<1x1x16xf32> to vector<16xf32>
        %max3A_402 = arith.maximumf %max3A_395, %get3A_401 : vector<16xf32>
        %get3A_403 = arith.constant 9 : i32
        %get3A_404 = arith.index_cast %scan3A_112 : i32 to index
        %get3A_405 = arith.index_cast %get3A_403 : i32 to index
        %get3A_406 = arith.constant 16 : index
        %get3A_407 = tpu.vector_load %arg4[%get3A_404, %get3A_405, %get3A_406] {strides = array<i32>} : memref<8x32x128xf32, #tpu.memory_space<vmem>>, vector<1x1x16xf32>,
        %get3A_408 = vector.shape_cast %get3A_407 : vector<1x1x16xf32> to vector<16xf32>
        %max3A_409 = arith.maximumf %max3A_402, %get3A_408 : vector<16xf32>
        %get3A_410 = arith.constant 10 : i32
        %get3A_411 = arith.index_cast %scan3A_112 : i32 to index
        %get3A_412 = arith.index_cast %get3A_410 : i32 to index
        %get3A_413 = arith.constant 16 : index
        %get3A_414 = tpu.vector_load %arg4[%get3A_411, %get3A_412, %get3A_413] {strides = array<i32>} : memref<8x32x128xf32, #tpu.memory_space<vmem>>, vector<1x1x16xf32>,
        %get3A_415 = vector.shape_cast %get3A_414 : vector<1x1x16xf32> to vector<16xf32>
        %max3A_416 = arith.maximumf %max3A_409, %get3A_415 : vector<16xf32>
        %get3A_417 = arith.constant 11 : i32
        %get3A_418 = arith.index_cast %scan3A_112 : i32 to index
        %get3A_419 = arith.index_cast %get3A_417 : i32 to index
        %get3A_420 = arith.constant 16 : index
        %get3A_421 = tpu.vector_load %arg4[%get3A_418, %get3A_419, %get3A_420] {strides = array<i32>} : memref<8x32x128xf32, #tpu.memory_space<vmem>>, vector<1x1x16xf32>,
        %get3A_422 = vector.shape_cast %get3A_421 : vector<1x1x16xf32> to vector<16xf32>
        %max3A_423 = arith.maximumf %max3A_416, %get3A_422 : vector<16xf32>
        %get3A_424 = arith.constant 12 : i32
        %get3A_425 = arith.index_cast %scan3A_112 : i32 to index
        %get3A_426 = arith.index_cast %get3A_424 : i32 to index
        %get3A_427 = arith.constant 16 : index
        %get3A_428 = tpu.vector_load %arg4[%get3A_425, %get3A_426, %get3A_427] {strides = array<i32>} : memref<8x32x128xf32, #tpu.memory_space<vmem>>, vector<1x1x16xf32>,
        %get3A_429 = vector.shape_cast %get3A_428 : vector<1x1x16xf32> to vector<16xf32>
        %max3A_430 = arith.maximumf %max3A_423, %get3A_429 : vector<16xf32>
        %get3A_431 = arith.constant 13 : i32
        %get3A_432 = arith.index_cast %scan3A_112 : i32 to index
        %get3A_433 = arith.index_cast %get3A_431 : i32 to index
        %get3A_434 = arith.constant 16 : index
        %get3A_435 = tpu.vector_load %arg4[%get3A_432, %get3A_433, %get3A_434] {strides = array<i32>} : memref<8x32x128xf32, #tpu.memory_space<vmem>>, vector<1x1x16xf32>,
        %get3A_436 = vector.shape_cast %get3A_435 : vector<1x1x16xf32> to vector<16xf32>
        %max3A_437 = arith.maximumf %max3A_430, %get3A_436 : vector<16xf32>
        %get3A_438 = arith.constant 14 : i32
        %get3A_439 = arith.index_cast %scan3A_112 : i32 to index
        %get3A_440 = arith.index_cast %get3A_438 : i32 to index
        %get3A_441 = arith.constant 16 : index
        %get3A_442 = tpu.vector_load %arg4[%get3A_439, %get3A_440, %get3A_441] {strides = array<i32>} : memref<8x32x128xf32, #tpu.memory_space<vmem>>, vector<1x1x16xf32>,
        %get3A_443 = vector.shape_cast %get3A_442 : vector<1x1x16xf32> to vector<16xf32>
        %max3A_444 = arith.maximumf %max3A_437, %get3A_443 : vector<16xf32>
        %get3A_445 = arith.constant 15 : i32
        %get3A_446 = arith.index_cast %scan3A_112 : i32 to index
        %get3A_447 = arith.index_cast %get3A_445 : i32 to index
        %get3A_448 = arith.constant 16 : index
        %get3A_449 = tpu.vector_load %arg4[%get3A_446, %get3A_447, %get3A_448] {strides = array<i32>} : memref<8x32x128xf32, #tpu.memory_space<vmem>>, vector<1x1x16xf32>,
        %get3A_450 = vector.shape_cast %get3A_449 : vector<1x1x16xf32> to vector<16xf32>
        %max3A_451 = arith.maximumf %max3A_444, %get3A_450 : vector<16xf32>
        %get3A_452 = arith.constant 16 : i32
        %get3A_453 = arith.index_cast %scan3A_112 : i32 to index
        %get3A_454 = arith.index_cast %get3A_452 : i32 to index
        %get3A_455 = arith.constant 16 : index
        %get3A_456 = tpu.vector_load %arg4[%get3A_453, %get3A_454, %get3A_455] {strides = array<i32>} : memref<8x32x128xf32, #tpu.memory_space<vmem>>, vector<1x1x16xf32>,
        %get3A_457 = vector.shape_cast %get3A_456 : vector<1x1x16xf32> to vector<16xf32>
        %max3A_458 = arith.maximumf %max3A_451, %get3A_457 : vector<16xf32>
        %get3A_459 = arith.constant 17 : i32
        %get3A_460 = arith.index_cast %scan3A_112 : i32 to index
        %get3A_461 = arith.index_cast %get3A_459 : i32 to index
        %get3A_462 = arith.constant 16 : index
        %get3A_463 = tpu.vector_load %arg4[%get3A_460, %get3A_461, %get3A_462] {strides = array<i32>} : memref<8x32x128xf32, #tpu.memory_space<vmem>>, vector<1x1x16xf32>,
        %get3A_464 = vector.shape_cast %get3A_463 : vector<1x1x16xf32> to vector<16xf32>
        %max3A_465 = arith.maximumf %max3A_458, %get3A_464 : vector<16xf32>
        %get3A_466 = arith.constant 18 : i32
        %get3A_467 = arith.index_cast %scan3A_112 : i32 to index
        %get3A_468 = arith.index_cast %get3A_466 : i32 to index
        %get3A_469 = arith.constant 16 : index
        %get3A_470 = tpu.vector_load %arg4[%get3A_467, %get3A_468, %get3A_469] {strides = array<i32>} : memref<8x32x128xf32, #tpu.memory_space<vmem>>, vector<1x1x16xf32>,
        %get3A_471 = vector.shape_cast %get3A_470 : vector<1x1x16xf32> to vector<16xf32>
        %max3A_472 = arith.maximumf %max3A_465, %get3A_471 : vector<16xf32>
        %get3A_473 = arith.constant 19 : i32
        %get3A_474 = arith.index_cast %scan3A_112 : i32 to index
        %get3A_475 = arith.index_cast %get3A_473 : i32 to index
        %get3A_476 = arith.constant 16 : index
        %get3A_477 = tpu.vector_load %arg4[%get3A_474, %get3A_475, %get3A_476] {strides = array<i32>} : memref<8x32x128xf32, #tpu.memory_space<vmem>>, vector<1x1x16xf32>,
        %get3A_478 = vector.shape_cast %get3A_477 : vector<1x1x16xf32> to vector<16xf32>
        %max3A_479 = arith.maximumf %max3A_472, %get3A_478 : vector<16xf32>
        %get3A_480 = arith.constant 20 : i32
        %get3A_481 = arith.index_cast %scan3A_112 : i32 to index
        %get3A_482 = arith.index_cast %get3A_480 : i32 to index
        %get3A_483 = arith.constant 16 : index
        %get3A_484 = tpu.vector_load %arg4[%get3A_481, %get3A_482, %get3A_483] {strides = array<i32>} : memref<8x32x128xf32, #tpu.memory_space<vmem>>, vector<1x1x16xf32>,
        %get3A_485 = vector.shape_cast %get3A_484 : vector<1x1x16xf32> to vector<16xf32>
        %max3A_486 = arith.maximumf %max3A_479, %get3A_485 : vector<16xf32>
        %get3A_487 = arith.constant 21 : i32
        %get3A_488 = arith.index_cast %scan3A_112 : i32 to index
        %get3A_489 = arith.index_cast %get3A_487 : i32 to index
        %get3A_490 = arith.constant 16 : index
        %get3A_491 = tpu.vector_load %arg4[%get3A_488, %get3A_489, %get3A_490] {strides = array<i32>} : memref<8x32x128xf32, #tpu.memory_space<vmem>>, vector<1x1x16xf32>,
        %get3A_492 = vector.shape_cast %get3A_491 : vector<1x1x16xf32> to vector<16xf32>
        %max3A_493 = arith.maximumf %max3A_486, %get3A_492 : vector<16xf32>
        %get3A_494 = arith.constant 22 : i32
        %get3A_495 = arith.index_cast %scan3A_112 : i32 to index
        %get3A_496 = arith.index_cast %get3A_494 : i32 to index
        %get3A_497 = arith.constant 16 : index
        %get3A_498 = tpu.vector_load %arg4[%get3A_495, %get3A_496, %get3A_497] {strides = array<i32>} : memref<8x32x128xf32, #tpu.memory_space<vmem>>, vector<1x1x16xf32>,
        %get3A_499 = vector.shape_cast %get3A_498 : vector<1x1x16xf32> to vector<16xf32>
        %max3A_500 = arith.maximumf %max3A_493, %get3A_499 : vector<16xf32>
        %get3A_501 = arith.constant 23 : i32
        %get3A_502 = arith.index_cast %scan3A_112 : i32 to index
        %get3A_503 = arith.index_cast %get3A_501 : i32 to index
        %get3A_504 = arith.constant 16 : index
        %get3A_505 = tpu.vector_load %arg4[%get3A_502, %get3A_503, %get3A_504] {strides = array<i32>} : memref<8x32x128xf32, #tpu.memory_space<vmem>>, vector<1x1x16xf32>,
        %get3A_506 = vector.shape_cast %get3A_505 : vector<1x1x16xf32> to vector<16xf32>
        %max3A_507 = arith.maximumf %max3A_500, %get3A_506 : vector<16xf32>
        %get3A_508 = arith.constant 24 : i32
        %get3A_509 = arith.index_cast %scan3A_112 : i32 to index
        %get3A_510 = arith.index_cast %get3A_508 : i32 to index
        %get3A_511 = arith.constant 16 : index
        %get3A_512 = tpu.vector_load %arg4[%get3A_509, %get3A_510, %get3A_511] {strides = array<i32>} : memref<8x32x128xf32, #tpu.memory_space<vmem>>, vector<1x1x16xf32>,
        %get3A_513 = vector.shape_cast %get3A_512 : vector<1x1x16xf32> to vector<16xf32>
        %max3A_514 = arith.maximumf %max3A_507, %get3A_513 : vector<16xf32>
        %get3A_515 = arith.constant 25 : i32
        %get3A_516 = arith.index_cast %scan3A_112 : i32 to index
        %get3A_517 = arith.index_cast %get3A_515 : i32 to index
        %get3A_518 = arith.constant 16 : index
        %get3A_519 = tpu.vector_load %arg4[%get3A_516, %get3A_517, %get3A_518] {strides = array<i32>} : memref<8x32x128xf32, #tpu.memory_space<vmem>>, vector<1x1x16xf32>,
        %get3A_520 = vector.shape_cast %get3A_519 : vector<1x1x16xf32> to vector<16xf32>
        %max3A_521 = arith.maximumf %max3A_514, %get3A_520 : vector<16xf32>
        %get3A_522 = arith.constant 26 : i32
        %get3A_523 = arith.index_cast %scan3A_112 : i32 to index
        %get3A_524 = arith.index_cast %get3A_522 : i32 to index
        %get3A_525 = arith.constant 16 : index
        %get3A_526 = tpu.vector_load %arg4[%get3A_523, %get3A_524, %get3A_525] {strides = array<i32>} : memref<8x32x128xf32, #tpu.memory_space<vmem>>, vector<1x1x16xf32>,
        %get3A_527 = vector.shape_cast %get3A_526 : vector<1x1x16xf32> to vector<16xf32>
        %max3A_528 = arith.maximumf %max3A_521, %get3A_527 : vector<16xf32>
        %get3A_529 = arith.constant 27 : i32
        %get3A_530 = arith.index_cast %scan3A_112 : i32 to index
        %get3A_531 = arith.index_cast %get3A_529 : i32 to index
        %get3A_532 = arith.constant 16 : index
        %get3A_533 = tpu.vector_load %arg4[%get3A_530, %get3A_531, %get3A_532] {strides = array<i32>} : memref<8x32x128xf32, #tpu.memory_space<vmem>>, vector<1x1x16xf32>,
        %get3A_534 = vector.shape_cast %get3A_533 : vector<1x1x16xf32> to vector<16xf32>
        %max3A_535 = arith.maximumf %max3A_528, %get3A_534 : vector<16xf32>
        %get3A_536 = arith.constant 28 : i32
        %get3A_537 = arith.index_cast %scan3A_112 : i32 to index
        %get3A_538 = arith.index_cast %get3A_536 : i32 to index
        %get3A_539 = arith.constant 16 : index
        %get3A_540 = tpu.vector_load %arg4[%get3A_537, %get3A_538, %get3A_539] {strides = array<i32>} : memref<8x32x128xf32, #tpu.memory_space<vmem>>, vector<1x1x16xf32>,
        %get3A_541 = vector.shape_cast %get3A_540 : vector<1x1x16xf32> to vector<16xf32>
        %max3A_542 = arith.maximumf %max3A_535, %get3A_541 : vector<16xf32>
        %get3A_543 = arith.constant 29 : i32
        %get3A_544 = arith.index_cast %scan3A_112 : i32 to index
        %get3A_545 = arith.index_cast %get3A_543 : i32 to index
        %get3A_546 = arith.constant 16 : index
        %get3A_547 = tpu.vector_load %arg4[%get3A_544, %get3A_545, %get3A_546] {strides = array<i32>} : memref<8x32x128xf32, #tpu.memory_space<vmem>>, vector<1x1x16xf32>,
        %get3A_548 = vector.shape_cast %get3A_547 : vector<1x1x16xf32> to vector<16xf32>
        %max3A_549 = arith.maximumf %max3A_542, %get3A_548 : vector<16xf32>
        %get3A_550 = arith.constant 30 : i32
        %get3A_551 = arith.index_cast %scan3A_112 : i32 to index
        %get3A_552 = arith.index_cast %get3A_550 : i32 to index
        %get3A_553 = arith.constant 16 : index
        %get3A_554 = tpu.vector_load %arg4[%get3A_551, %get3A_552, %get3A_553] {strides = array<i32>} : memref<8x32x128xf32, #tpu.memory_space<vmem>>, vector<1x1x16xf32>,
        %get3A_555 = vector.shape_cast %get3A_554 : vector<1x1x16xf32> to vector<16xf32>
        %max3A_556 = arith.maximumf %max3A_549, %get3A_555 : vector<16xf32>
        %get3A_557 = arith.constant 31 : i32
        %get3A_558 = arith.index_cast %scan3A_112 : i32 to index
        %get3A_559 = arith.index_cast %get3A_557 : i32 to index
        %get3A_560 = arith.constant 16 : index
        %get3A_561 = tpu.vector_load %arg4[%get3A_558, %get3A_559, %get3A_560] {strides = array<i32>} : memref<8x32x128xf32, #tpu.memory_space<vmem>>, vector<1x1x16xf32>,
        %get3A_562 = vector.shape_cast %get3A_561 : vector<1x1x16xf32> to vector<16xf32>
        %max3A_563 = arith.maximumf %max3A_556, %get3A_562 : vector<16xf32>
        %mul3A_564 = arith.constant 8 : i32
        %mul3A_565 = arith.muli %mul3A_25, %mul3A_564 : i32
        %add3A_566 = arith.addi %mul3A_565, %scan3A_112 : i32
        %swap3A_567 = arith.index_cast %add3A_566 : i32 to index
        %swap3A_568 = arith.constant 16 : index
        %swap3A_569 = tpu.vector_load %arg6[%swap3A_567, %swap3A_568] {strides = array<i32>} : memref<128x128xf32, #tpu.memory_space<vmem>>, vector<1x16xf32>,
        %swap3A_570 = vector.shape_cast %swap3A_569 : vector<1x16xf32> to vector<16xf32>
        %swap3A_571 = vector.shape_cast %max3A_563 : vector<16xf32> to vector<1x16xf32>
        tpu.vector_store %arg6[%swap3A_567, %swap3A_568], %swap3A_571 {strides = array<i32>} : memref<128x128xf32, #tpu.memory_space<vmem>>, vector<1x16xf32>,
        %get3A_572 = arith.constant 0 : i32
        %get3A_573 = arith.index_cast %scan3A_112 : i32 to index
        %get3A_574 = arith.index_cast %get3A_572 : i32 to index
        %get3A_575 = arith.constant 32 : index
        %get3A_576 = tpu.vector_load %arg4[%get3A_573, %get3A_574, %get3A_575] {strides = array<i32>} : memref<8x32x128xf32, #tpu.memory_space<vmem>>, vector<1x1x16xf32>,
        %get3A_577 = vector.shape_cast %get3A_576 : vector<1x1x16xf32> to vector<16xf32>
        %get3A_578 = arith.constant 1 : i32
        %get3A_579 = arith.index_cast %scan3A_112 : i32 to index
        %get3A_580 = arith.index_cast %get3A_578 : i32 to index
        %get3A_581 = arith.constant 32 : index
        %get3A_582 = tpu.vector_load %arg4[%get3A_579, %get3A_580, %get3A_581] {strides = array<i32>} : memref<8x32x128xf32, #tpu.memory_space<vmem>>, vector<1x1x16xf32>,
        %get3A_583 = vector.shape_cast %get3A_582 : vector<1x1x16xf32> to vector<16xf32>
        %max3A_584 = arith.maximumf %get3A_577, %get3A_583 : vector<16xf32>
        %get3A_585 = arith.constant 2 : i32
        %get3A_586 = arith.index_cast %scan3A_112 : i32 to index
        %get3A_587 = arith.index_cast %get3A_585 : i32 to index
        %get3A_588 = arith.constant 32 : index
        %get3A_589 = tpu.vector_load %arg4[%get3A_586, %get3A_587, %get3A_588] {strides = array<i32>} : memref<8x32x128xf32, #tpu.memory_space<vmem>>, vector<1x1x16xf32>,
        %get3A_590 = vector.shape_cast %get3A_589 : vector<1x1x16xf32> to vector<16xf32>
        %max3A_591 = arith.maximumf %max3A_584, %get3A_590 : vector<16xf32>
        %get3A_592 = arith.constant 3 : i32
        %get3A_593 = arith.index_cast %scan3A_112 : i32 to index
        %get3A_594 = arith.index_cast %get3A_592 : i32 to index
        %get3A_595 = arith.constant 32 : index
        %get3A_596 = tpu.vector_load %arg4[%get3A_593, %get3A_594, %get3A_595] {strides = array<i32>} : memref<8x32x128xf32, #tpu.memory_space<vmem>>, vector<1x1x16xf32>,
        %get3A_597 = vector.shape_cast %get3A_596 : vector<1x1x16xf32> to vector<16xf32>
        %max3A_598 = arith.maximumf %max3A_591, %get3A_597 : vector<16xf32>
        %get3A_599 = arith.constant 4 : i32
        %get3A_600 = arith.index_cast %scan3A_112 : i32 to index
        %get3A_601 = arith.index_cast %get3A_599 : i32 to index
        %get3A_602 = arith.constant 32 : index
        %get3A_603 = tpu.vector_load %arg4[%get3A_600, %get3A_601, %get3A_602] {strides = array<i32>} : memref<8x32x128xf32, #tpu.memory_space<vmem>>, vector<1x1x16xf32>,
        %get3A_604 = vector.shape_cast %get3A_603 : vector<1x1x16xf32> to vector<16xf32>
        %max3A_605 = arith.maximumf %max3A_598, %get3A_604 : vector<16xf32>
        %get3A_606 = arith.constant 5 : i32
        %get3A_607 = arith.index_cast %scan3A_112 : i32 to index
        %get3A_608 = arith.index_cast %get3A_606 : i32 to index
        %get3A_609 = arith.constant 32 : index
        %get3A_610 = tpu.vector_load %arg4[%get3A_607, %get3A_608, %get3A_609] {strides = array<i32>} : memref<8x32x128xf32, #tpu.memory_space<vmem>>, vector<1x1x16xf32>,
        %get3A_611 = vector.shape_cast %get3A_610 : vector<1x1x16xf32> to vector<16xf32>
        %max3A_612 = arith.maximumf %max3A_605, %get3A_611 : vector<16xf32>
        %get3A_613 = arith.constant 6 : i32
        %get3A_614 = arith.index_cast %scan3A_112 : i32 to index
        %get3A_615 = arith.index_cast %get3A_613 : i32 to index
        %get3A_616 = arith.constant 32 : index
        %get3A_617 = tpu.vector_load %arg4[%get3A_614, %get3A_615, %get3A_616] {strides = array<i32>} : memref<8x32x128xf32, #tpu.memory_space<vmem>>, vector<1x1x16xf32>,
        %get3A_618 = vector.shape_cast %get3A_617 : vector<1x1x16xf32> to vector<16xf32>
        %max3A_619 = arith.maximumf %max3A_612, %get3A_618 : vector<16xf32>
        %get3A_620 = arith.constant 7 : i32
        %get3A_621 = arith.index_cast %scan3A_112 : i32 to index
        %get3A_622 = arith.index_cast %get3A_620 : i32 to index
        %get3A_623 = arith.constant 32 : index
        %get3A_624 = tpu.vector_load %arg4[%get3A_621, %get3A_622, %get3A_623] {strides = array<i32>} : memref<8x32x128xf32, #tpu.memory_space<vmem>>, vector<1x1x16xf32>,
        %get3A_625 = vector.shape_cast %get3A_624 : vector<1x1x16xf32> to vector<16xf32>
        %max3A_626 = arith.maximumf %max3A_619, %get3A_625 : vector<16xf32>
        %get3A_627 = arith.constant 8 : i32
        %get3A_628 = arith.index_cast %scan3A_112 : i32 to index
        %get3A_629 = arith.index_cast %get3A_627 : i32 to index
        %get3A_630 = arith.constant 32 : index
        %get3A_631 = tpu.vector_load %arg4[%get3A_628, %get3A_629, %get3A_630] {strides = array<i32>} : memref<8x32x128xf32, #tpu.memory_space<vmem>>, vector<1x1x16xf32>,
        %get3A_632 = vector.shape_cast %get3A_631 : vector<1x1x16xf32> to vector<16xf32>
        %max3A_633 = arith.maximumf %max3A_626, %get3A_632 : vector<16xf32>
        %get3A_634 = arith.constant 9 : i32
        %get3A_635 = arith.index_cast %scan3A_112 : i32 to index
        %get3A_636 = arith.index_cast %get3A_634 : i32 to index
        %get3A_637 = arith.constant 32 : index
        %get3A_638 = tpu.vector_load %arg4[%get3A_635, %get3A_636, %get3A_637] {strides = array<i32>} : memref<8x32x128xf32, #tpu.memory_space<vmem>>, vector<1x1x16xf32>,
        %get3A_639 = vector.shape_cast %get3A_638 : vector<1x1x16xf32> to vector<16xf32>
        %max3A_640 = arith.maximumf %max3A_633, %get3A_639 : vector<16xf32>
        %get3A_641 = arith.constant 10 : i32
        %get3A_642 = arith.index_cast %scan3A_112 : i32 to index
        %get3A_643 = arith.index_cast %get3A_641 : i32 to index
        %get3A_644 = arith.constant 32 : index
        %get3A_645 = tpu.vector_load %arg4[%get3A_642, %get3A_643, %get3A_644] {strides = array<i32>} : memref<8x32x128xf32, #tpu.memory_space<vmem>>, vector<1x1x16xf32>,
        %get3A_646 = vector.shape_cast %get3A_645 : vector<1x1x16xf32> to vector<16xf32>
        %max3A_647 = arith.maximumf %max3A_640, %get3A_646 : vector<16xf32>
        %get3A_648 = arith.constant 11 : i32
        %get3A_649 = arith.index_cast %scan3A_112 : i32 to index
        %get3A_650 = arith.index_cast %get3A_648 : i32 to index
        %get3A_651 = arith.constant 32 : index
        %get3A_652 = tpu.vector_load %arg4[%get3A_649, %get3A_650, %get3A_651] {strides = array<i32>} : memref<8x32x128xf32, #tpu.memory_space<vmem>>, vector<1x1x16xf32>,
        %get3A_653 = vector.shape_cast %get3A_652 : vector<1x1x16xf32> to vector<16xf32>
        %max3A_654 = arith.maximumf %max3A_647, %get3A_653 : vector<16xf32>
        %get3A_655 = arith.constant 12 : i32
        %get3A_656 = arith.index_cast %scan3A_112 : i32 to index
        %get3A_657 = arith.index_cast %get3A_655 : i32 to index
        %get3A_658 = arith.constant 32 : index
        %get3A_659 = tpu.vector_load %arg4[%get3A_656, %get3A_657, %get3A_658] {strides = array<i32>} : memref<8x32x128xf32, #tpu.memory_space<vmem>>, vector<1x1x16xf32>,
        %get3A_660 = vector.shape_cast %get3A_659 : vector<1x1x16xf32> to vector<16xf32>
        %max3A_661 = arith.maximumf %max3A_654, %get3A_660 : vector<16xf32>
        %get3A_662 = arith.constant 13 : i32
        %get3A_663 = arith.index_cast %scan3A_112 : i32 to index
        %get3A_664 = arith.index_cast %get3A_662 : i32 to index
        %get3A_665 = arith.constant 32 : index
        %get3A_666 = tpu.vector_load %arg4[%get3A_663, %get3A_664, %get3A_665] {strides = array<i32>} : memref<8x32x128xf32, #tpu.memory_space<vmem>>, vector<1x1x16xf32>,
        %get3A_667 = vector.shape_cast %get3A_666 : vector<1x1x16xf32> to vector<16xf32>
        %max3A_668 = arith.maximumf %max3A_661, %get3A_667 : vector<16xf32>
        %get3A_669 = arith.constant 14 : i32
        %get3A_670 = arith.index_cast %scan3A_112 : i32 to index
        %get3A_671 = arith.index_cast %get3A_669 : i32 to index
        %get3A_672 = arith.constant 32 : index
        %get3A_673 = tpu.vector_load %arg4[%get3A_670, %get3A_671, %get3A_672] {strides = array<i32>} : memref<8x32x128xf32, #tpu.memory_space<vmem>>, vector<1x1x16xf32>,
        %get3A_674 = vector.shape_cast %get3A_673 : vector<1x1x16xf32> to vector<16xf32>
        %max3A_675 = arith.maximumf %max3A_668, %get3A_674 : vector<16xf32>
        %get3A_676 = arith.constant 15 : i32
        %get3A_677 = arith.index_cast %scan3A_112 : i32 to index
        %get3A_678 = arith.index_cast %get3A_676 : i32 to index
        %get3A_679 = arith.constant 32 : index
        %get3A_680 = tpu.vector_load %arg4[%get3A_677, %get3A_678, %get3A_679] {strides = array<i32>} : memref<8x32x128xf32, #tpu.memory_space<vmem>>, vector<1x1x16xf32>,
        %get3A_681 = vector.shape_cast %get3A_680 : vector<1x1x16xf32> to vector<16xf32>
        %max3A_682 = arith.maximumf %max3A_675, %get3A_681 : vector<16xf32>
        %get3A_683 = arith.constant 16 : i32
        %get3A_684 = arith.index_cast %scan3A_112 : i32 to index
        %get3A_685 = arith.index_cast %get3A_683 : i32 to index
        %get3A_686 = arith.constant 32 : index
        %get3A_687 = tpu.vector_load %arg4[%get3A_684, %get3A_685, %get3A_686] {strides = array<i32>} : memref<8x32x128xf32, #tpu.memory_space<vmem>>, vector<1x1x16xf32>,
        %get3A_688 = vector.shape_cast %get3A_687 : vector<1x1x16xf32> to vector<16xf32>
        %max3A_689 = arith.maximumf %max3A_682, %get3A_688 : vector<16xf32>
        %get3A_690 = arith.constant 17 : i32
        %get3A_691 = arith.index_cast %scan3A_112 : i32 to index
        %get3A_692 = arith.index_cast %get3A_690 : i32 to index
        %get3A_693 = arith.constant 32 : index
        %get3A_694 = tpu.vector_load %arg4[%get3A_691, %get3A_692, %get3A_693] {strides = array<i32>} : memref<8x32x128xf32, #tpu.memory_space<vmem>>, vector<1x1x16xf32>,
        %get3A_695 = vector.shape_cast %get3A_694 : vector<1x1x16xf32> to vector<16xf32>
        %max3A_696 = arith.maximumf %max3A_689, %get3A_695 : vector<16xf32>
        %get3A_697 = arith.constant 18 : i32
        %get3A_698 = arith.index_cast %scan3A_112 : i32 to index
        %get3A_699 = arith.index_cast %get3A_697 : i32 to index
        %get3A_700 = arith.constant 32 : index
        %get3A_701 = tpu.vector_load %arg4[%get3A_698, %get3A_699, %get3A_700] {strides = array<i32>} : memref<8x32x128xf32, #tpu.memory_space<vmem>>, vector<1x1x16xf32>,
        %get3A_702 = vector.shape_cast %get3A_701 : vector<1x1x16xf32> to vector<16xf32>
        %max3A_703 = arith.maximumf %max3A_696, %get3A_702 : vector<16xf32>
        %get3A_704 = arith.constant 19 : i32
        %get3A_705 = arith.index_cast %scan3A_112 : i32 to index
        %get3A_706 = arith.index_cast %get3A_704 : i32 to index
        %get3A_707 = arith.constant 32 : index
        %get3A_708 = tpu.vector_load %arg4[%get3A_705, %get3A_706, %get3A_707] {strides = array<i32>} : memref<8x32x128xf32, #tpu.memory_space<vmem>>, vector<1x1x16xf32>,
        %get3A_709 = vector.shape_cast %get3A_708 : vector<1x1x16xf32> to vector<16xf32>
        %max3A_710 = arith.maximumf %max3A_703, %get3A_709 : vector<16xf32>
        %get3A_711 = arith.constant 20 : i32
        %get3A_712 = arith.index_cast %scan3A_112 : i32 to index
        %get3A_713 = arith.index_cast %get3A_711 : i32 to index
        %get3A_714 = arith.constant 32 : index
        %get3A_715 = tpu.vector_load %arg4[%get3A_712, %get3A_713, %get3A_714] {strides = array<i32>} : memref<8x32x128xf32, #tpu.memory_space<vmem>>, vector<1x1x16xf32>,
        %get3A_716 = vector.shape_cast %get3A_715 : vector<1x1x16xf32> to vector<16xf32>
        %max3A_717 = arith.maximumf %max3A_710, %get3A_716 : vector<16xf32>
        %get3A_718 = arith.constant 21 : i32
        %get3A_719 = arith.index_cast %scan3A_112 : i32 to index
        %get3A_720 = arith.index_cast %get3A_718 : i32 to index
        %get3A_721 = arith.constant 32 : index
        %get3A_722 = tpu.vector_load %arg4[%get3A_719, %get3A_720, %get3A_721] {strides = array<i32>} : memref<8x32x128xf32, #tpu.memory_space<vmem>>, vector<1x1x16xf32>,
        %get3A_723 = vector.shape_cast %get3A_722 : vector<1x1x16xf32> to vector<16xf32>
        %max3A_724 = arith.maximumf %max3A_717, %get3A_723 : vector<16xf32>
        %get3A_725 = arith.constant 22 : i32
        %get3A_726 = arith.index_cast %scan3A_112 : i32 to index
        %get3A_727 = arith.index_cast %get3A_725 : i32 to index
        %get3A_728 = arith.constant 32 : index
        %get3A_729 = tpu.vector_load %arg4[%get3A_726, %get3A_727, %get3A_728] {strides = array<i32>} : memref<8x32x128xf32, #tpu.memory_space<vmem>>, vector<1x1x16xf32>,
        %get3A_730 = vector.shape_cast %get3A_729 : vector<1x1x16xf32> to vector<16xf32>
        %max3A_731 = arith.maximumf %max3A_724, %get3A_730 : vector<16xf32>
        %get3A_732 = arith.constant 23 : i32
        %get3A_733 = arith.index_cast %scan3A_112 : i32 to index
        %get3A_734 = arith.index_cast %get3A_732 : i32 to index
        %get3A_735 = arith.constant 32 : index
        %get3A_736 = tpu.vector_load %arg4[%get3A_733, %get3A_734, %get3A_735] {strides = array<i32>} : memref<8x32x128xf32, #tpu.memory_space<vmem>>, vector<1x1x16xf32>,
        %get3A_737 = vector.shape_cast %get3A_736 : vector<1x1x16xf32> to vector<16xf32>
        %max3A_738 = arith.maximumf %max3A_731, %get3A_737 : vector<16xf32>
        %get3A_739 = arith.constant 24 : i32
        %get3A_740 = arith.index_cast %scan3A_112 : i32 to index
        %get3A_741 = arith.index_cast %get3A_739 : i32 to index
        %get3A_742 = arith.constant 32 : index
        %get3A_743 = tpu.vector_load %arg4[%get3A_740, %get3A_741, %get3A_742] {strides = array<i32>} : memref<8x32x128xf32, #tpu.memory_space<vmem>>, vector<1x1x16xf32>,
        %get3A_744 = vector.shape_cast %get3A_743 : vector<1x1x16xf32> to vector<16xf32>
        %max3A_745 = arith.maximumf %max3A_738, %get3A_744 : vector<16xf32>
        %get3A_746 = arith.constant 25 : i32
        %get3A_747 = arith.index_cast %scan3A_112 : i32 to index
        %get3A_748 = arith.index_cast %get3A_746 : i32 to index
        %get3A_749 = arith.constant 32 : index
        %get3A_750 = tpu.vector_load %arg4[%get3A_747, %get3A_748, %get3A_749] {strides = array<i32>} : memref<8x32x128xf32, #tpu.memory_space<vmem>>, vector<1x1x16xf32>,
        %get3A_751 = vector.shape_cast %get3A_750 : vector<1x1x16xf32> to vector<16xf32>
        %max3A_752 = arith.maximumf %max3A_745, %get3A_751 : vector<16xf32>
        %get3A_753 = arith.constant 26 : i32
        %get3A_754 = arith.index_cast %scan3A_112 : i32 to index
        %get3A_755 = arith.index_cast %get3A_753 : i32 to index
        %get3A_756 = arith.constant 32 : index
        %get3A_757 = tpu.vector_load %arg4[%get3A_754, %get3A_755, %get3A_756] {strides = array<i32>} : memref<8x32x128xf32, #tpu.memory_space<vmem>>, vector<1x1x16xf32>,
        %get3A_758 = vector.shape_cast %get3A_757 : vector<1x1x16xf32> to vector<16xf32>
        %max3A_759 = arith.maximumf %max3A_752, %get3A_758 : vector<16xf32>
        %get3A_760 = arith.constant 27 : i32
        %get3A_761 = arith.index_cast %scan3A_112 : i32 to index
        %get3A_762 = arith.index_cast %get3A_760 : i32 to index
        %get3A_763 = arith.constant 32 : index
        %get3A_764 = tpu.vector_load %arg4[%get3A_761, %get3A_762, %get3A_763] {strides = array<i32>} : memref<8x32x128xf32, #tpu.memory_space<vmem>>, vector<1x1x16xf32>,
        %get3A_765 = vector.shape_cast %get3A_764 : vector<1x1x16xf32> to vector<16xf32>
        %max3A_766 = arith.maximumf %max3A_759, %get3A_765 : vector<16xf32>
        %get3A_767 = arith.constant 28 : i32
        %get3A_768 = arith.index_cast %scan3A_112 : i32 to index
        %get3A_769 = arith.index_cast %get3A_767 : i32 to index
        %get3A_770 = arith.constant 32 : index
        %get3A_771 = tpu.vector_load %arg4[%get3A_768, %get3A_769, %get3A_770] {strides = array<i32>} : memref<8x32x128xf32, #tpu.memory_space<vmem>>, vector<1x1x16xf32>,
        %get3A_772 = vector.shape_cast %get3A_771 : vector<1x1x16xf32> to vector<16xf32>
        %max3A_773 = arith.maximumf %max3A_766, %get3A_772 : vector<16xf32>
        %get3A_774 = arith.constant 29 : i32
        %get3A_775 = arith.index_cast %scan3A_112 : i32 to index
        %get3A_776 = arith.index_cast %get3A_774 : i32 to index
        %get3A_777 = arith.constant 32 : index
        %get3A_778 = tpu.vector_load %arg4[%get3A_775, %get3A_776, %get3A_777] {strides = array<i32>} : memref<8x32x128xf32, #tpu.memory_space<vmem>>, vector<1x1x16xf32>,
        %get3A_779 = vector.shape_cast %get3A_778 : vector<1x1x16xf32> to vector<16xf32>
        %max3A_780 = arith.maximumf %max3A_773, %get3A_779 : vector<16xf32>
        %get3A_781 = arith.constant 30 : i32
        %get3A_782 = arith.index_cast %scan3A_112 : i32 to index
        %get3A_783 = arith.index_cast %get3A_781 : i32 to index
        %get3A_784 = arith.constant 32 : index
        %get3A_785 = tpu.vector_load %arg4[%get3A_782, %get3A_783, %get3A_784] {strides = array<i32>} : memref<8x32x128xf32, #tpu.memory_space<vmem>>, vector<1x1x16xf32>,
        %get3A_786 = vector.shape_cast %get3A_785 : vector<1x1x16xf32> to vector<16xf32>
        %max3A_787 = arith.maximumf %max3A_780, %get3A_786 : vector<16xf32>
        %get3A_788 = arith.constant 31 : i32
        %get3A_789 = arith.index_cast %scan3A_112 : i32 to index
        %get3A_790 = arith.index_cast %get3A_788 : i32 to index
        %get3A_791 = arith.constant 32 : index
        %get3A_792 = tpu.vector_load %arg4[%get3A_789, %get3A_790, %get3A_791] {strides = array<i32>} : memref<8x32x128xf32, #tpu.memory_space<vmem>>, vector<1x1x16xf32>,
        %get3A_793 = vector.shape_cast %get3A_792 : vector<1x1x16xf32> to vector<16xf32>
        %max3A_794 = arith.maximumf %max3A_787, %get3A_793 : vector<16xf32>
        %mul3A_795 = arith.constant 8 : i32
        %mul3A_796 = arith.muli %mul3A_25, %mul3A_795 : i32
        %add3A_797 = arith.addi %mul3A_796, %scan3A_112 : i32
        %swap3A_798 = arith.index_cast %add3A_797 : i32 to index
        %swap3A_799 = arith.constant 32 : index
        %swap3A_800 = tpu.vector_load %arg6[%swap3A_798, %swap3A_799] {strides = array<i32>} : memref<128x128xf32, #tpu.memory_space<vmem>>, vector<1x16xf32>,
        %swap3A_801 = vector.shape_cast %swap3A_800 : vector<1x16xf32> to vector<16xf32>
        %swap3A_802 = vector.shape_cast %max3A_794 : vector<16xf32> to vector<1x16xf32>
        tpu.vector_store %arg6[%swap3A_798, %swap3A_799], %swap3A_802 {strides = array<i32>} : memref<128x128xf32, #tpu.memory_space<vmem>>, vector<1x16xf32>,
        %get3A_803 = arith.constant 0 : i32
        %get3A_804 = arith.index_cast %scan3A_112 : i32 to index
        %get3A_805 = arith.index_cast %get3A_803 : i32 to index
        %get3A_806 = arith.constant 48 : index
        %get3A_807 = tpu.vector_load %arg4[%get3A_804, %get3A_805, %get3A_806] {strides = array<i32>} : memref<8x32x128xf32, #tpu.memory_space<vmem>>, vector<1x1x16xf32>,
        %get3A_808 = vector.shape_cast %get3A_807 : vector<1x1x16xf32> to vector<16xf32>
        %get3A_809 = arith.constant 1 : i32
        %get3A_810 = arith.index_cast %scan3A_112 : i32 to index
        %get3A_811 = arith.index_cast %get3A_809 : i32 to index
        %get3A_812 = arith.constant 48 : index
        %get3A_813 = tpu.vector_load %arg4[%get3A_810, %get3A_811, %get3A_812] {strides = array<i32>} : memref<8x32x128xf32, #tpu.memory_space<vmem>>, vector<1x1x16xf32>,
        %get3A_814 = vector.shape_cast %get3A_813 : vector<1x1x16xf32> to vector<16xf32>
        %max3A_815 = arith.maximumf %get3A_808, %get3A_814 : vector<16xf32>
        %get3A_816 = arith.constant 2 : i32
        %get3A_817 = arith.index_cast %scan3A_112 : i32 to index
        %get3A_818 = arith.index_cast %get3A_816 : i32 to index
        %get3A_819 = arith.constant 48 : index
        %get3A_820 = tpu.vector_load %arg4[%get3A_817, %get3A_818, %get3A_819] {strides = array<i32>} : memref<8x32x128xf32, #tpu.memory_space<vmem>>, vector<1x1x16xf32>,
        %get3A_821 = vector.shape_cast %get3A_820 : vector<1x1x16xf32> to vector<16xf32>
        %max3A_822 = arith.maximumf %max3A_815, %get3A_821 : vector<16xf32>
        %get3A_823 = arith.constant 3 : i32
        %get3A_824 = arith.index_cast %scan3A_112 : i32 to index
        %get3A_825 = arith.index_cast %get3A_823 : i32 to index
        %get3A_826 = arith.constant 48 : index
        %get3A_827 = tpu.vector_load %arg4[%get3A_824, %get3A_825, %get3A_826] {strides = array<i32>} : memref<8x32x128xf32, #tpu.memory_space<vmem>>, vector<1x1x16xf32>,
        %get3A_828 = vector.shape_cast %get3A_827 : vector<1x1x16xf32> to vector<16xf32>
        %max3A_829 = arith.maximumf %max3A_822, %get3A_828 : vector<16xf32>
        %get3A_830 = arith.constant 4 : i32
        %get3A_831 = arith.index_cast %scan3A_112 : i32 to index
        %get3A_832 = arith.index_cast %get3A_830 : i32 to index
        %get3A_833 = arith.constant 48 : index
        %get3A_834 = tpu.vector_load %arg4[%get3A_831, %get3A_832, %get3A_833] {strides = array<i32>} : memref<8x32x128xf32, #tpu.memory_space<vmem>>, vector<1x1x16xf32>,
        %get3A_835 = vector.shape_cast %get3A_834 : vector<1x1x16xf32> to vector<16xf32>
        %max3A_836 = arith.maximumf %max3A_829, %get3A_835 : vector<16xf32>
        %get3A_837 = arith.constant 5 : i32
        %get3A_838 = arith.index_cast %scan3A_112 : i32 to index
        %get3A_839 = arith.index_cast %get3A_837 : i32 to index
        %get3A_840 = arith.constant 48 : index
        %get3A_841 = tpu.vector_load %arg4[%get3A_838, %get3A_839, %get3A_840] {strides = array<i32>} : memref<8x32x128xf32, #tpu.memory_space<vmem>>, vector<1x1x16xf32>,
        %get3A_842 = vector.shape_cast %get3A_841 : vector<1x1x16xf32> to vector<16xf32>
        %max3A_843 = arith.maximumf %max3A_836, %get3A_842 : vector<16xf32>
        %get3A_844 = arith.constant 6 : i32
        %get3A_845 = arith.index_cast %scan3A_112 : i32 to index
        %get3A_846 = arith.index_cast %get3A_844 : i32 to index
        %get3A_847 = arith.constant 48 : index
        %get3A_848 = tpu.vector_load %arg4[%get3A_845, %get3A_846, %get3A_847] {strides = array<i32>} : memref<8x32x128xf32, #tpu.memory_space<vmem>>, vector<1x1x16xf32>,
        %get3A_849 = vector.shape_cast %get3A_848 : vector<1x1x16xf32> to vector<16xf32>
        %max3A_850 = arith.maximumf %max3A_843, %get3A_849 : vector<16xf32>
        %get3A_851 = arith.constant 7 : i32
        %get3A_852 = arith.index_cast %scan3A_112 : i32 to index
        %get3A_853 = arith.index_cast %get3A_851 : i32 to index
        %get3A_854 = arith.constant 48 : index
        %get3A_855 = tpu.vector_load %arg4[%get3A_852, %get3A_853, %get3A_854] {strides = array<i32>} : memref<8x32x128xf32, #tpu.memory_space<vmem>>, vector<1x1x16xf32>,
        %get3A_856 = vector.shape_cast %get3A_855 : vector<1x1x16xf32> to vector<16xf32>
        %max3A_857 = arith.maximumf %max3A_850, %get3A_856 : vector<16xf32>
        %get3A_858 = arith.constant 8 : i32
        %get3A_859 = arith.index_cast %scan3A_112 : i32 to index
        %get3A_860 = arith.index_cast %get3A_858 : i32 to index
        %get3A_861 = arith.constant 48 : index
        %get3A_862 = tpu.vector_load %arg4[%get3A_859, %get3A_860, %get3A_861] {strides = array<i32>} : memref<8x32x128xf32, #tpu.memory_space<vmem>>, vector<1x1x16xf32>,
        %get3A_863 = vector.shape_cast %get3A_862 : vector<1x1x16xf32> to vector<16xf32>
        %max3A_864 = arith.maximumf %max3A_857, %get3A_863 : vector<16xf32>
        %get3A_865 = arith.constant 9 : i32
        %get3A_866 = arith.index_cast %scan3A_112 : i32 to index
        %get3A_867 = arith.index_cast %get3A_865 : i32 to index
        %get3A_868 = arith.constant 48 : index
        %get3A_869 = tpu.vector_load %arg4[%get3A_866, %get3A_867, %get3A_868] {strides = array<i32>} : memref<8x32x128xf32, #tpu.memory_space<vmem>>, vector<1x1x16xf32>,
        %get3A_870 = vector.shape_cast %get3A_869 : vector<1x1x16xf32> to vector<16xf32>
        %max3A_871 = arith.maximumf %max3A_864, %get3A_870 : vector<16xf32>
        %get3A_872 = arith.constant 10 : i32
        %get3A_873 = arith.index_cast %scan3A_112 : i32 to index
        %get3A_874 = arith.index_cast %get3A_872 : i32 to index
        %get3A_875 = arith.constant 48 : index
        %get3A_876 = tpu.vector_load %arg4[%get3A_873, %get3A_874, %get3A_875] {strides = array<i32>} : memref<8x32x128xf32, #tpu.memory_space<vmem>>, vector<1x1x16xf32>,
        %get3A_877 = vector.shape_cast %get3A_876 : vector<1x1x16xf32> to vector<16xf32>
        %max3A_878 = arith.maximumf %max3A_871, %get3A_877 : vector<16xf32>
        %get3A_879 = arith.constant 11 : i32
        %get3A_880 = arith.index_cast %scan3A_112 : i32 to index
        %get3A_881 = arith.index_cast %get3A_879 : i32 to index
        %get3A_882 = arith.constant 48 : index
        %get3A_883 = tpu.vector_load %arg4[%get3A_880, %get3A_881, %get3A_882] {strides = array<i32>} : memref<8x32x128xf32, #tpu.memory_space<vmem>>, vector<1x1x16xf32>,
        %get3A_884 = vector.shape_cast %get3A_883 : vector<1x1x16xf32> to vector<16xf32>
        %max3A_885 = arith.maximumf %max3A_878, %get3A_884 : vector<16xf32>
        %get3A_886 = arith.constant 12 : i32
        %get3A_887 = arith.index_cast %scan3A_112 : i32 to index
        %get3A_888 = arith.index_cast %get3A_886 : i32 to index
        %get3A_889 = arith.constant 48 : index
        %get3A_890 = tpu.vector_load %arg4[%get3A_887, %get3A_888, %get3A_889] {strides = array<i32>} : memref<8x32x128xf32, #tpu.memory_space<vmem>>, vector<1x1x16xf32>,
        %get3A_891 = vector.shape_cast %get3A_890 : vector<1x1x16xf32> to vector<16xf32>
        %max3A_892 = arith.maximumf %max3A_885, %get3A_891 : vector<16xf32>
        %get3A_893 = arith.constant 13 : i32
        %get3A_894 = arith.index_cast %scan3A_112 : i32 to index
        %get3A_895 = arith.index_cast %get3A_893 : i32 to index
        %get3A_896 = arith.constant 48 : index
        %get3A_897 = tpu.vector_load %arg4[%get3A_894, %get3A_895, %get3A_896] {strides = array<i32>} : memref<8x32x128xf32, #tpu.memory_space<vmem>>, vector<1x1x16xf32>,
        %get3A_898 = vector.shape_cast %get3A_897 : vector<1x1x16xf32> to vector<16xf32>
        %max3A_899 = arith.maximumf %max3A_892, %get3A_898 : vector<16xf32>
        %get3A_900 = arith.constant 14 : i32
        %get3A_901 = arith.index_cast %scan3A_112 : i32 to index
        %get3A_902 = arith.index_cast %get3A_900 : i32 to index
        %get3A_903 = arith.constant 48 : index
        %get3A_904 = tpu.vector_load %arg4[%get3A_901, %get3A_902, %get3A_903] {strides = array<i32>} : memref<8x32x128xf32, #tpu.memory_space<vmem>>, vector<1x1x16xf32>,
        %get3A_905 = vector.shape_cast %get3A_904 : vector<1x1x16xf32> to vector<16xf32>
        %max3A_906 = arith.maximumf %max3A_899, %get3A_905 : vector<16xf32>
        %get3A_907 = arith.constant 15 : i32
        %get3A_908 = arith.index_cast %scan3A_112 : i32 to index
        %get3A_909 = arith.index_cast %get3A_907 : i32 to index
        %get3A_910 = arith.constant 48 : index
        %get3A_911 = tpu.vector_load %arg4[%get3A_908, %get3A_909, %get3A_910] {strides = array<i32>} : memref<8x32x128xf32, #tpu.memory_space<vmem>>, vector<1x1x16xf32>,
        %get3A_912 = vector.shape_cast %get3A_911 : vector<1x1x16xf32> to vector<16xf32>
        %max3A_913 = arith.maximumf %max3A_906, %get3A_912 : vector<16xf32>
        %get3A_914 = arith.constant 16 : i32
        %get3A_915 = arith.index_cast %scan3A_112 : i32 to index
        %get3A_916 = arith.index_cast %get3A_914 : i32 to index
        %get3A_917 = arith.constant 48 : index
        %get3A_918 = tpu.vector_load %arg4[%get3A_915, %get3A_916, %get3A_917] {strides = array<i32>} : memref<8x32x128xf32, #tpu.memory_space<vmem>>, vector<1x1x16xf32>,
        %get3A_919 = vector.shape_cast %get3A_918 : vector<1x1x16xf32> to vector<16xf32>
        %max3A_920 = arith.maximumf %max3A_913, %get3A_919 : vector<16xf32>
        %get3A_921 = arith.constant 17 : i32
        %get3A_922 = arith.index_cast %scan3A_112 : i32 to index
        %get3A_923 = arith.index_cast %get3A_921 : i32 to index
        %get3A_924 = arith.constant 48 : index
        %get3A_925 = tpu.vector_load %arg4[%get3A_922, %get3A_923, %get3A_924] {strides = array<i32>} : memref<8x32x128xf32, #tpu.memory_space<vmem>>, vector<1x1x16xf32>,
        %get3A_926 = vector.shape_cast %get3A_925 : vector<1x1x16xf32> to vector<16xf32>
        %max3A_927 = arith.maximumf %max3A_920, %get3A_926 : vector<16xf32>
        %get3A_928 = arith.constant 18 : i32
        %get3A_929 = arith.index_cast %scan3A_112 : i32 to index
        %get3A_930 = arith.index_cast %get3A_928 : i32 to index
        %get3A_931 = arith.constant 48 : index
        %get3A_932 = tpu.vector_load %arg4[%get3A_929, %get3A_930, %get3A_931] {strides = array<i32>} : memref<8x32x128xf32, #tpu.memory_space<vmem>>, vector<1x1x16xf32>,
        %get3A_933 = vector.shape_cast %get3A_932 : vector<1x1x16xf32> to vector<16xf32>
        %max3A_934 = arith.maximumf %max3A_927, %get3A_933 : vector<16xf32>
        %get3A_935 = arith.constant 19 : i32
        %get3A_936 = arith.index_cast %scan3A_112 : i32 to index
        %get3A_937 = arith.index_cast %get3A_935 : i32 to index
        %get3A_938 = arith.constant 48 : index
        %get3A_939 = tpu.vector_load %arg4[%get3A_936, %get3A_937, %get3A_938] {strides = array<i32>} : memref<8x32x128xf32, #tpu.memory_space<vmem>>, vector<1x1x16xf32>,
        %get3A_940 = vector.shape_cast %get3A_939 : vector<1x1x16xf32> to vector<16xf32>
        %max3A_941 = arith.maximumf %max3A_934, %get3A_940 : vector<16xf32>
        %get3A_942 = arith.constant 20 : i32
        %get3A_943 = arith.index_cast %scan3A_112 : i32 to index
        %get3A_944 = arith.index_cast %get3A_942 : i32 to index
        %get3A_945 = arith.constant 48 : index
        %get3A_946 = tpu.vector_load %arg4[%get3A_943, %get3A_944, %get3A_945] {strides = array<i32>} : memref<8x32x128xf32, #tpu.memory_space<vmem>>, vector<1x1x16xf32>,
        %get3A_947 = vector.shape_cast %get3A_946 : vector<1x1x16xf32> to vector<16xf32>
        %max3A_948 = arith.maximumf %max3A_941, %get3A_947 : vector<16xf32>
        %get3A_949 = arith.constant 21 : i32
        %get3A_950 = arith.index_cast %scan3A_112 : i32 to index
        %get3A_951 = arith.index_cast %get3A_949 : i32 to index
        %get3A_952 = arith.constant 48 : index
        %get3A_953 = tpu.vector_load %arg4[%get3A_950, %get3A_951, %get3A_952] {strides = array<i32>} : memref<8x32x128xf32, #tpu.memory_space<vmem>>, vector<1x1x16xf32>,
        %get3A_954 = vector.shape_cast %get3A_953 : vector<1x1x16xf32> to vector<16xf32>
        %max3A_955 = arith.maximumf %max3A_948, %get3A_954 : vector<16xf32>
        %get3A_956 = arith.constant 22 : i32
        %get3A_957 = arith.index_cast %scan3A_112 : i32 to index
        %get3A_958 = arith.index_cast %get3A_956 : i32 to index
        %get3A_959 = arith.constant 48 : index
        %get3A_960 = tpu.vector_load %arg4[%get3A_957, %get3A_958, %get3A_959] {strides = array<i32>} : memref<8x32x128xf32, #tpu.memory_space<vmem>>, vector<1x1x16xf32>,
        %get3A_961 = vector.shape_cast %get3A_960 : vector<1x1x16xf32> to vector<16xf32>
        %max3A_962 = arith.maximumf %max3A_955, %get3A_961 : vector<16xf32>
        %get3A_963 = arith.constant 23 : i32
        %get3A_964 = arith.index_cast %scan3A_112 : i32 to index
        %get3A_965 = arith.index_cast %get3A_963 : i32 to index
        %get3A_966 = arith.constant 48 : index
        %get3A_967 = tpu.vector_load %arg4[%get3A_964, %get3A_965, %get3A_966] {strides = array<i32>} : memref<8x32x128xf32, #tpu.memory_space<vmem>>, vector<1x1x16xf32>,
        %get3A_968 = vector.shape_cast %get3A_967 : vector<1x1x16xf32> to vector<16xf32>
        %max3A_969 = arith.maximumf %max3A_962, %get3A_968 : vector<16xf32>
        %get3A_970 = arith.constant 24 : i32
        %get3A_971 = arith.index_cast %scan3A_112 : i32 to index
        %get3A_972 = arith.index_cast %get3A_970 : i32 to index
        %get3A_973 = arith.constant 48 : index
        %get3A_974 = tpu.vector_load %arg4[%get3A_971, %get3A_972, %get3A_973] {strides = array<i32>} : memref<8x32x128xf32, #tpu.memory_space<vmem>>, vector<1x1x16xf32>,
        %get3A_975 = vector.shape_cast %get3A_974 : vector<1x1x16xf32> to vector<16xf32>
        %max3A_976 = arith.maximumf %max3A_969, %get3A_975 : vector<16xf32>
        %get3A_977 = arith.constant 25 : i32
        %get3A_978 = arith.index_cast %scan3A_112 : i32 to index
        %get3A_979 = arith.index_cast %get3A_977 : i32 to index
        %get3A_980 = arith.constant 48 : index
        %get3A_981 = tpu.vector_load %arg4[%get3A_978, %get3A_979, %get3A_980] {strides = array<i32>} : memref<8x32x128xf32, #tpu.memory_space<vmem>>, vector<1x1x16xf32>,
        %get3A_982 = vector.shape_cast %get3A_981 : vector<1x1x16xf32> to vector<16xf32>
        %max3A_983 = arith.maximumf %max3A_976, %get3A_982 : vector<16xf32>
        %get3A_984 = arith.constant 26 : i32
        %get3A_985 = arith.index_cast %scan3A_112 : i32 to index
        %get3A_986 = arith.index_cast %get3A_984 : i32 to index
        %get3A_987 = arith.constant 48 : index
        %get3A_988 = tpu.vector_load %arg4[%get3A_985, %get3A_986, %get3A_987] {strides = array<i32>} : memref<8x32x128xf32, #tpu.memory_space<vmem>>, vector<1x1x16xf32>,
        %get3A_989 = vector.shape_cast %get3A_988 : vector<1x1x16xf32> to vector<16xf32>
        %max3A_990 = arith.maximumf %max3A_983, %get3A_989 : vector<16xf32>
        %get3A_991 = arith.constant 27 : i32
        %get3A_992 = arith.index_cast %scan3A_112 : i32 to index
        %get3A_993 = arith.index_cast %get3A_991 : i32 to index
        %get3A_994 = arith.constant 48 : index
        %get3A_995 = tpu.vector_load %arg4[%get3A_992, %get3A_993, %get3A_994] {strides = array<i32>} : memref<8x32x128xf32, #tpu.memory_space<vmem>>, vector<1x1x16xf32>,
        %get3A_996 = vector.shape_cast %get3A_995 : vector<1x1x16xf32> to vector<16xf32>
        %max3A_997 = arith.maximumf %max3A_990, %get3A_996 : vector<16xf32>
        %get3A_998 = arith.constant 28 : i32
        %get3A_999 = arith.index_cast %scan3A_112 : i32 to index
        %get3A_1000 = arith.index_cast %get3A_998 : i32 to index
        %get3A_1001 = arith.constant 48 : index
        %get3A_1002 = tpu.vector_load %arg4[%get3A_999, %get3A_1000, %get3A_1001] {strides = array<i32>} : memref<8x32x128xf32, #tpu.memory_space<vmem>>, vector<1x1x16xf32>,
        %get3A_1003 = vector.shape_cast %get3A_1002 : vector<1x1x16xf32> to vector<16xf32>
        %max3A_1004 = arith.maximumf %max3A_997, %get3A_1003 : vector<16xf32>
        %get3A_1005 = arith.constant 29 : i32
        %get3A_1006 = arith.index_cast %scan3A_112 : i32 to index
        %get3A_1007 = arith.index_cast %get3A_1005 : i32 to index
        %get3A_1008 = arith.constant 48 : index
        %get3A_1009 = tpu.vector_load %arg4[%get3A_1006, %get3A_1007, %get3A_1008] {strides = array<i32>} : memref<8x32x128xf32, #tpu.memory_space<vmem>>, vector<1x1x16xf32>,
        %get3A_1010 = vector.shape_cast %get3A_1009 : vector<1x1x16xf32> to vector<16xf32>
        %max3A_1011 = arith.maximumf %max3A_1004, %get3A_1010 : vector<16xf32>
        %get3A_1012 = arith.constant 30 : i32
        %get3A_1013 = arith.index_cast %scan3A_112 : i32 to index
        %get3A_1014 = arith.index_cast %get3A_1012 : i32 to index
        %get3A_1015 = arith.constant 48 : index
        %get3A_1016 = tpu.vector_load %arg4[%get3A_1013, %get3A_1014, %get3A_1015] {strides = array<i32>} : memref<8x32x128xf32, #tpu.memory_space<vmem>>, vector<1x1x16xf32>,
        %get3A_1017 = vector.shape_cast %get3A_1016 : vector<1x1x16xf32> to vector<16xf32>
        %max3A_1018 = arith.maximumf %max3A_1011, %get3A_1017 : vector<16xf32>
        %get3A_1019 = arith.constant 31 : i32
        %get3A_1020 = arith.index_cast %scan3A_112 : i32 to index
        %get3A_1021 = arith.index_cast %get3A_1019 : i32 to index
        %get3A_1022 = arith.constant 48 : index
        %get3A_1023 = tpu.vector_load %arg4[%get3A_1020, %get3A_1021, %get3A_1022] {strides = array<i32>} : memref<8x32x128xf32, #tpu.memory_space<vmem>>, vector<1x1x16xf32>,
        %get3A_1024 = vector.shape_cast %get3A_1023 : vector<1x1x16xf32> to vector<16xf32>
        %max3A_1025 = arith.maximumf %max3A_1018, %get3A_1024 : vector<16xf32>
        %mul3A_1026 = arith.constant 8 : i32
        %mul3A_1027 = arith.muli %mul3A_25, %mul3A_1026 : i32
        %add3A_1028 = arith.addi %mul3A_1027, %scan3A_112 : i32
        %swap3A_1029 = arith.index_cast %add3A_1028 : i32 to index
        %swap3A_1030 = arith.constant 48 : index
        %swap3A_1031 = tpu.vector_load %arg6[%swap3A_1029, %swap3A_1030] {strides = array<i32>} : memref<128x128xf32, #tpu.memory_space<vmem>>, vector<1x16xf32>,
        %swap3A_1032 = vector.shape_cast %swap3A_1031 : vector<1x16xf32> to vector<16xf32>
        %swap3A_1033 = vector.shape_cast %max3A_1025 : vector<16xf32> to vector<1x16xf32>
        tpu.vector_store %arg6[%swap3A_1029, %swap3A_1030], %swap3A_1033 {strides = array<i32>} : memref<128x128xf32, #tpu.memory_space<vmem>>, vector<1x16xf32>,
        %get3A_1034 = arith.constant 0 : i32
        %get3A_1035 = arith.index_cast %scan3A_112 : i32 to index
        %get3A_1036 = arith.index_cast %get3A_1034 : i32 to index
        %get3A_1037 = arith.constant 64 : index
        %get3A_1038 = tpu.vector_load %arg4[%get3A_1035, %get3A_1036, %get3A_1037] {strides = array<i32>} : memref<8x32x128xf32, #tpu.memory_space<vmem>>, vector<1x1x16xf32>,
        %get3A_1039 = vector.shape_cast %get3A_1038 : vector<1x1x16xf32> to vector<16xf32>
        %get3A_1040 = arith.constant 1 : i32
        %get3A_1041 = arith.index_cast %scan3A_112 : i32 to index
        %get3A_1042 = arith.index_cast %get3A_1040 : i32 to index
        %get3A_1043 = arith.constant 64 : index
        %get3A_1044 = tpu.vector_load %arg4[%get3A_1041, %get3A_1042, %get3A_1043] {strides = array<i32>} : memref<8x32x128xf32, #tpu.memory_space<vmem>>, vector<1x1x16xf32>,
        %get3A_1045 = vector.shape_cast %get3A_1044 : vector<1x1x16xf32> to vector<16xf32>
        %max3A_1046 = arith.maximumf %get3A_1039, %get3A_1045 : vector<16xf32>
        %get3A_1047 = arith.constant 2 : i32
        %get3A_1048 = arith.index_cast %scan3A_112 : i32 to index
        %get3A_1049 = arith.index_cast %get3A_1047 : i32 to index
        %get3A_1050 = arith.constant 64 : index
        %get3A_1051 = tpu.vector_load %arg4[%get3A_1048, %get3A_1049, %get3A_1050] {strides = array<i32>} : memref<8x32x128xf32, #tpu.memory_space<vmem>>, vector<1x1x16xf32>,
        %get3A_1052 = vector.shape_cast %get3A_1051 : vector<1x1x16xf32> to vector<16xf32>
        %max3A_1053 = arith.maximumf %max3A_1046, %get3A_1052 : vector<16xf32>
        %get3A_1054 = arith.constant 3 : i32
        %get3A_1055 = arith.index_cast %scan3A_112 : i32 to index
        %get3A_1056 = arith.index_cast %get3A_1054 : i32 to index
        %get3A_1057 = arith.constant 64 : index
        %get3A_1058 = tpu.vector_load %arg4[%get3A_1055, %get3A_1056, %get3A_1057] {strides = array<i32>} : memref<8x32x128xf32, #tpu.memory_space<vmem>>, vector<1x1x16xf32>,
        %get3A_1059 = vector.shape_cast %get3A_1058 : vector<1x1x16xf32> to vector<16xf32>
        %max3A_1060 = arith.maximumf %max3A_1053, %get3A_1059 : vector<16xf32>
        %get3A_1061 = arith.constant 4 : i32
        %get3A_1062 = arith.index_cast %scan3A_112 : i32 to index
        %get3A_1063 = arith.index_cast %get3A_1061 : i32 to index
        %get3A_1064 = arith.constant 64 : index
        %get3A_1065 = tpu.vector_load %arg4[%get3A_1062, %get3A_1063, %get3A_1064] {strides = array<i32>} : memref<8x32x128xf32, #tpu.memory_space<vmem>>, vector<1x1x16xf32>,
        %get3A_1066 = vector.shape_cast %get3A_1065 : vector<1x1x16xf32> to vector<16xf32>
        %max3A_1067 = arith.maximumf %max3A_1060, %get3A_1066 : vector<16xf32>
        %get3A_1068 = arith.constant 5 : i32
        %get3A_1069 = arith.index_cast %scan3A_112 : i32 to index
        %get3A_1070 = arith.index_cast %get3A_1068 : i32 to index
        %get3A_1071 = arith.constant 64 : index
        %get3A_1072 = tpu.vector_load %arg4[%get3A_1069, %get3A_1070, %get3A_1071] {strides = array<i32>} : memref<8x32x128xf32, #tpu.memory_space<vmem>>, vector<1x1x16xf32>,
        %get3A_1073 = vector.shape_cast %get3A_1072 : vector<1x1x16xf32> to vector<16xf32>
        %max3A_1074 = arith.maximumf %max3A_1067, %get3A_1073 : vector<16xf32>
        %get3A_1075 = arith.constant 6 : i32
        %get3A_1076 = arith.index_cast %scan3A_112 : i32 to index
        %get3A_1077 = arith.index_cast %get3A_1075 : i32 to index
        %get3A_1078 = arith.constant 64 : index
        %get3A_1079 = tpu.vector_load %arg4[%get3A_1076, %get3A_1077, %get3A_1078] {strides = array<i32>} : memref<8x32x128xf32, #tpu.memory_space<vmem>>, vector<1x1x16xf32>,
        %get3A_1080 = vector.shape_cast %get3A_1079 : vector<1x1x16xf32> to vector<16xf32>
        %max3A_1081 = arith.maximumf %max3A_1074, %get3A_1080 : vector<16xf32>
        %get3A_1082 = arith.constant 7 : i32
        %get3A_1083 = arith.index_cast %scan3A_112 : i32 to index
        %get3A_1084 = arith.index_cast %get3A_1082 : i32 to index
        %get3A_1085 = arith.constant 64 : index
        %get3A_1086 = tpu.vector_load %arg4[%get3A_1083, %get3A_1084, %get3A_1085] {strides = array<i32>} : memref<8x32x128xf32, #tpu.memory_space<vmem>>, vector<1x1x16xf32>,
        %get3A_1087 = vector.shape_cast %get3A_1086 : vector<1x1x16xf32> to vector<16xf32>
        %max3A_1088 = arith.maximumf %max3A_1081, %get3A_1087 : vector<16xf32>
        %get3A_1089 = arith.constant 8 : i32
        %get3A_1090 = arith.index_cast %scan3A_112 : i32 to index
        %get3A_1091 = arith.index_cast %get3A_1089 : i32 to index
        %get3A_1092 = arith.constant 64 : index
        %get3A_1093 = tpu.vector_load %arg4[%get3A_1090, %get3A_1091, %get3A_1092] {strides = array<i32>} : memref<8x32x128xf32, #tpu.memory_space<vmem>>, vector<1x1x16xf32>,
        %get3A_1094 = vector.shape_cast %get3A_1093 : vector<1x1x16xf32> to vector<16xf32>
        %max3A_1095 = arith.maximumf %max3A_1088, %get3A_1094 : vector<16xf32>
        %get3A_1096 = arith.constant 9 : i32
        %get3A_1097 = arith.index_cast %scan3A_112 : i32 to index
        %get3A_1098 = arith.index_cast %get3A_1096 : i32 to index
        %get3A_1099 = arith.constant 64 : index
        %get3A_1100 = tpu.vector_load %arg4[%get3A_1097, %get3A_1098, %get3A_1099] {strides = array<i32>} : memref<8x32x128xf32, #tpu.memory_space<vmem>>, vector<1x1x16xf32>,
        %get3A_1101 = vector.shape_cast %get3A_1100 : vector<1x1x16xf32> to vector<16xf32>
        %max3A_1102 = arith.maximumf %max3A_1095, %get3A_1101 : vector<16xf32>
        %get3A_1103 = arith.constant 10 : i32
        %get3A_1104 = arith.index_cast %scan3A_112 : i32 to index
        %get3A_1105 = arith.index_cast %get3A_1103 : i32 to index
        %get3A_1106 = arith.constant 64 : index
        %get3A_1107 = tpu.vector_load %arg4[%get3A_1104, %get3A_1105, %get3A_1106] {strides = array<i32>} : memref<8x32x128xf32, #tpu.memory_space<vmem>>, vector<1x1x16xf32>,
        %get3A_1108 = vector.shape_cast %get3A_1107 : vector<1x1x16xf32> to vector<16xf32>
        %max3A_1109 = arith.maximumf %max3A_1102, %get3A_1108 : vector<16xf32>
        %get3A_1110 = arith.constant 11 : i32
        %get3A_1111 = arith.index_cast %scan3A_112 : i32 to index
        %get3A_1112 = arith.index_cast %get3A_1110 : i32 to index
        %get3A_1113 = arith.constant 64 : index
        %get3A_1114 = tpu.vector_load %arg4[%get3A_1111, %get3A_1112, %get3A_1113] {strides = array<i32>} : memref<8x32x128xf32, #tpu.memory_space<vmem>>, vector<1x1x16xf32>,
        %get3A_1115 = vector.shape_cast %get3A_1114 : vector<1x1x16xf32> to vector<16xf32>
        %max3A_1116 = arith.maximumf %max3A_1109, %get3A_1115 : vector<16xf32>
        %get3A_1117 = arith.constant 12 : i32
        %get3A_1118 = arith.index_cast %scan3A_112 : i32 to index
        %get3A_1119 = arith.index_cast %get3A_1117 : i32 to index
        %get3A_1120 = arith.constant 64 : index
        %get3A_1121 = tpu.vector_load %arg4[%get3A_1118, %get3A_1119, %get3A_1120] {strides = array<i32>} : memref<8x32x128xf32, #tpu.memory_space<vmem>>, vector<1x1x16xf32>,
        %get3A_1122 = vector.shape_cast %get3A_1121 : vector<1x1x16xf32> to vector<16xf32>
        %max3A_1123 = arith.maximumf %max3A_1116, %get3A_1122 : vector<16xf32>
        %get3A_1124 = arith.constant 13 : i32
        %get3A_1125 = arith.index_cast %scan3A_112 : i32 to index
        %get3A_1126 = arith.index_cast %get3A_1124 : i32 to index
        %get3A_1127 = arith.constant 64 : index
        %get3A_1128 = tpu.vector_load %arg4[%get3A_1125, %get3A_1126, %get3A_1127] {strides = array<i32>} : memref<8x32x128xf32, #tpu.memory_space<vmem>>, vector<1x1x16xf32>,
        %get3A_1129 = vector.shape_cast %get3A_1128 : vector<1x1x16xf32> to vector<16xf32>
        %max3A_1130 = arith.maximumf %max3A_1123, %get3A_1129 : vector<16xf32>
        %get3A_1131 = arith.constant 14 : i32
        %get3A_1132 = arith.index_cast %scan3A_112 : i32 to index
        %get3A_1133 = arith.index_cast %get3A_1131 : i32 to index
        %get3A_1134 = arith.constant 64 : index
        %get3A_1135 = tpu.vector_load %arg4[%get3A_1132, %get3A_1133, %get3A_1134] {strides = array<i32>} : memref<8x32x128xf32, #tpu.memory_space<vmem>>, vector<1x1x16xf32>,
        %get3A_1136 = vector.shape_cast %get3A_1135 : vector<1x1x16xf32> to vector<16xf32>
        %max3A_1137 = arith.maximumf %max3A_1130, %get3A_1136 : vector<16xf32>
        %get3A_1138 = arith.constant 15 : i32
        %get3A_1139 = arith.index_cast %scan3A_112 : i32 to index
        %get3A_1140 = arith.index_cast %get3A_1138 : i32 to index
        %get3A_1141 = arith.constant 64 : index
        %get3A_1142 = tpu.vector_load %arg4[%get3A_1139, %get3A_1140, %get3A_1141] {strides = array<i32>} : memref<8x32x128xf32, #tpu.memory_space<vmem>>, vector<1x1x16xf32>,
        %get3A_1143 = vector.shape_cast %get3A_1142 : vector<1x1x16xf32> to vector<16xf32>
        %max3A_1144 = arith.maximumf %max3A_1137, %get3A_1143 : vector<16xf32>
        %get3A_1145 = arith.constant 16 : i32
        %get3A_1146 = arith.index_cast %scan3A_112 : i32 to index
        %get3A_1147 = arith.index_cast %get3A_1145 : i32 to index
        %get3A_1148 = arith.constant 64 : index
        %get3A_1149 = tpu.vector_load %arg4[%get3A_1146, %get3A_1147, %get3A_1148] {strides = array<i32>} : memref<8x32x128xf32, #tpu.memory_space<vmem>>, vector<1x1x16xf32>,
        %get3A_1150 = vector.shape_cast %get3A_1149 : vector<1x1x16xf32> to vector<16xf32>
        %max3A_1151 = arith.maximumf %max3A_1144, %get3A_1150 : vector<16xf32>
        %get3A_1152 = arith.constant 17 : i32
        %get3A_1153 = arith.index_cast %scan3A_112 : i32 to index
        %get3A_1154 = arith.index_cast %get3A_1152 : i32 to index
        %get3A_1155 = arith.constant 64 : index
        %get3A_1156 = tpu.vector_load %arg4[%get3A_1153, %get3A_1154, %get3A_1155] {strides = array<i32>} : memref<8x32x128xf32, #tpu.memory_space<vmem>>, vector<1x1x16xf32>,
        %get3A_1157 = vector.shape_cast %get3A_1156 : vector<1x1x16xf32> to vector<16xf32>
        %max3A_1158 = arith.maximumf %max3A_1151, %get3A_1157 : vector<16xf32>
        %get3A_1159 = arith.constant 18 : i32
        %get3A_1160 = arith.index_cast %scan3A_112 : i32 to index
        %get3A_1161 = arith.index_cast %get3A_1159 : i32 to index
        %get3A_1162 = arith.constant 64 : index
        %get3A_1163 = tpu.vector_load %arg4[%get3A_1160, %get3A_1161, %get3A_1162] {strides = array<i32>} : memref<8x32x128xf32, #tpu.memory_space<vmem>>, vector<1x1x16xf32>,
        %get3A_1164 = vector.shape_cast %get3A_1163 : vector<1x1x16xf32> to vector<16xf32>
        %max3A_1165 = arith.maximumf %max3A_1158, %get3A_1164 : vector<16xf32>
        %get3A_1166 = arith.constant 19 : i32
        %get3A_1167 = arith.index_cast %scan3A_112 : i32 to index
        %get3A_1168 = arith.index_cast %get3A_1166 : i32 to index
        %get3A_1169 = arith.constant 64 : index
        %get3A_1170 = tpu.vector_load %arg4[%get3A_1167, %get3A_1168, %get3A_1169] {strides = array<i32>} : memref<8x32x128xf32, #tpu.memory_space<vmem>>, vector<1x1x16xf32>,
        %get3A_1171 = vector.shape_cast %get3A_1170 : vector<1x1x16xf32> to vector<16xf32>
        %max3A_1172 = arith.maximumf %max3A_1165, %get3A_1171 : vector<16xf32>
        %get3A_1173 = arith.constant 20 : i32
        %get3A_1174 = arith.index_cast %scan3A_112 : i32 to index
        %get3A_1175 = arith.index_cast %get3A_1173 : i32 to index
        %get3A_1176 = arith.constant 64 : index
        %get3A_1177 = tpu.vector_load %arg4[%get3A_1174, %get3A_1175, %get3A_1176] {strides = array<i32>} : memref<8x32x128xf32, #tpu.memory_space<vmem>>, vector<1x1x16xf32>,
        %get3A_1178 = vector.shape_cast %get3A_1177 : vector<1x1x16xf32> to vector<16xf32>
        %max3A_1179 = arith.maximumf %max3A_1172, %get3A_1178 : vector<16xf32>
        %get3A_1180 = arith.constant 21 : i32
        %get3A_1181 = arith.index_cast %scan3A_112 : i32 to index
        %get3A_1182 = arith.index_cast %get3A_1180 : i32 to index
        %get3A_1183 = arith.constant 64 : index
        %get3A_1184 = tpu.vector_load %arg4[%get3A_1181, %get3A_1182, %get3A_1183] {strides = array<i32>} : memref<8x32x128xf32, #tpu.memory_space<vmem>>, vector<1x1x16xf32>,
        %get3A_1185 = vector.shape_cast %get3A_1184 : vector<1x1x16xf32> to vector<16xf32>
        %max3A_1186 = arith.maximumf %max3A_1179, %get3A_1185 : vector<16xf32>
        %get3A_1187 = arith.constant 22 : i32
        %get3A_1188 = arith.index_cast %scan3A_112 : i32 to index
        %get3A_1189 = arith.index_cast %get3A_1187 : i32 to index
        %get3A_1190 = arith.constant 64 : index
        %get3A_1191 = tpu.vector_load %arg4[%get3A_1188, %get3A_1189, %get3A_1190] {strides = array<i32>} : memref<8x32x128xf32, #tpu.memory_space<vmem>>, vector<1x1x16xf32>,
        %get3A_1192 = vector.shape_cast %get3A_1191 : vector<1x1x16xf32> to vector<16xf32>
        %max3A_1193 = arith.maximumf %max3A_1186, %get3A_1192 : vector<16xf32>
        %get3A_1194 = arith.constant 23 : i32
        %get3A_1195 = arith.index_cast %scan3A_112 : i32 to index
        %get3A_1196 = arith.index_cast %get3A_1194 : i32 to index
        %get3A_1197 = arith.constant 64 : index
        %get3A_1198 = tpu.vector_load %arg4[%get3A_1195, %get3A_1196, %get3A_1197] {strides = array<i32>} : memref<8x32x128xf32, #tpu.memory_space<vmem>>, vector<1x1x16xf32>,
        %get3A_1199 = vector.shape_cast %get3A_1198 : vector<1x1x16xf32> to vector<16xf32>
        %max3A_1200 = arith.maximumf %max3A_1193, %get3A_1199 : vector<16xf32>
        %get3A_1201 = arith.constant 24 : i32
        %get3A_1202 = arith.index_cast %scan3A_112 : i32 to index
        %get3A_1203 = arith.index_cast %get3A_1201 : i32 to index
        %get3A_1204 = arith.constant 64 : index
        %get3A_1205 = tpu.vector_load %arg4[%get3A_1202, %get3A_1203, %get3A_1204] {strides = array<i32>} : memref<8x32x128xf32, #tpu.memory_space<vmem>>, vector<1x1x16xf32>,
        %get3A_1206 = vector.shape_cast %get3A_1205 : vector<1x1x16xf32> to vector<16xf32>
        %max3A_1207 = arith.maximumf %max3A_1200, %get3A_1206 : vector<16xf32>
        %get3A_1208 = arith.constant 25 : i32
        %get3A_1209 = arith.index_cast %scan3A_112 : i32 to index
        %get3A_1210 = arith.index_cast %get3A_1208 : i32 to index
        %get3A_1211 = arith.constant 64 : index
        %get3A_1212 = tpu.vector_load %arg4[%get3A_1209, %get3A_1210, %get3A_1211] {strides = array<i32>} : memref<8x32x128xf32, #tpu.memory_space<vmem>>, vector<1x1x16xf32>,
        %get3A_1213 = vector.shape_cast %get3A_1212 : vector<1x1x16xf32> to vector<16xf32>
        %max3A_1214 = arith.maximumf %max3A_1207, %get3A_1213 : vector<16xf32>
        %get3A_1215 = arith.constant 26 : i32
        %get3A_1216 = arith.index_cast %scan3A_112 : i32 to index
        %get3A_1217 = arith.index_cast %get3A_1215 : i32 to index
        %get3A_1218 = arith.constant 64 : index
        %get3A_1219 = tpu.vector_load %arg4[%get3A_1216, %get3A_1217, %get3A_1218] {strides = array<i32>} : memref<8x32x128xf32, #tpu.memory_space<vmem>>, vector<1x1x16xf32>,
        %get3A_1220 = vector.shape_cast %get3A_1219 : vector<1x1x16xf32> to vector<16xf32>
        %max3A_1221 = arith.maximumf %max3A_1214, %get3A_1220 : vector<16xf32>
        %get3A_1222 = arith.constant 27 : i32
        %get3A_1223 = arith.index_cast %scan3A_112 : i32 to index
        %get3A_1224 = arith.index_cast %get3A_1222 : i32 to index
        %get3A_1225 = arith.constant 64 : index
        %get3A_1226 = tpu.vector_load %arg4[%get3A_1223, %get3A_1224, %get3A_1225] {strides = array<i32>} : memref<8x32x128xf32, #tpu.memory_space<vmem>>, vector<1x1x16xf32>,
        %get3A_1227 = vector.shape_cast %get3A_1226 : vector<1x1x16xf32> to vector<16xf32>
        %max3A_1228 = arith.maximumf %max3A_1221, %get3A_1227 : vector<16xf32>
        %get3A_1229 = arith.constant 28 : i32
        %get3A_1230 = arith.index_cast %scan3A_112 : i32 to index
        %get3A_1231 = arith.index_cast %get3A_1229 : i32 to index
        %get3A_1232 = arith.constant 64 : index
        %get3A_1233 = tpu.vector_load %arg4[%get3A_1230, %get3A_1231, %get3A_1232] {strides = array<i32>} : memref<8x32x128xf32, #tpu.memory_space<vmem>>, vector<1x1x16xf32>,
        %get3A_1234 = vector.shape_cast %get3A_1233 : vector<1x1x16xf32> to vector<16xf32>
        %max3A_1235 = arith.maximumf %max3A_1228, %get3A_1234 : vector<16xf32>
        %get3A_1236 = arith.constant 29 : i32
        %get3A_1237 = arith.index_cast %scan3A_112 : i32 to index
        %get3A_1238 = arith.index_cast %get3A_1236 : i32 to index
        %get3A_1239 = arith.constant 64 : index
        %get3A_1240 = tpu.vector_load %arg4[%get3A_1237, %get3A_1238, %get3A_1239] {strides = array<i32>} : memref<8x32x128xf32, #tpu.memory_space<vmem>>, vector<1x1x16xf32>,
        %get3A_1241 = vector.shape_cast %get3A_1240 : vector<1x1x16xf32> to vector<16xf32>
        %max3A_1242 = arith.maximumf %max3A_1235, %get3A_1241 : vector<16xf32>
        %get3A_1243 = arith.constant 30 : i32
        %get3A_1244 = arith.index_cast %scan3A_112 : i32 to index
        %get3A_1245 = arith.index_cast %get3A_1243 : i32 to index
        %get3A_1246 = arith.constant 64 : index
        %get3A_1247 = tpu.vector_load %arg4[%get3A_1244, %get3A_1245, %get3A_1246] {strides = array<i32>} : memref<8x32x128xf32, #tpu.memory_space<vmem>>, vector<1x1x16xf32>,
        %get3A_1248 = vector.shape_cast %get3A_1247 : vector<1x1x16xf32> to vector<16xf32>
        %max3A_1249 = arith.maximumf %max3A_1242, %get3A_1248 : vector<16xf32>
        %get3A_1250 = arith.constant 31 : i32
        %get3A_1251 = arith.index_cast %scan3A_112 : i32 to index
        %get3A_1252 = arith.index_cast %get3A_1250 : i32 to index
        %get3A_1253 = arith.constant 64 : index
        %get3A_1254 = tpu.vector_load %arg4[%get3A_1251, %get3A_1252, %get3A_1253] {strides = array<i32>} : memref<8x32x128xf32, #tpu.memory_space<vmem>>, vector<1x1x16xf32>,
        %get3A_1255 = vector.shape_cast %get3A_1254 : vector<1x1x16xf32> to vector<16xf32>
        %max3A_1256 = arith.maximumf %max3A_1249, %get3A_1255 : vector<16xf32>
        %mul3A_1257 = arith.constant 8 : i32
        %mul3A_1258 = arith.muli %mul3A_25, %mul3A_1257 : i32
        %add3A_1259 = arith.addi %mul3A_1258, %scan3A_112 : i32
        %swap3A_1260 = arith.index_cast %add3A_1259 : i32 to index
        %swap3A_1261 = arith.constant 64 : index
        %swap3A_1262 = tpu.vector_load %arg6[%swap3A_1260, %swap3A_1261] {strides = array<i32>} : memref<128x128xf32, #tpu.memory_space<vmem>>, vector<1x16xf32>,
        %swap3A_1263 = vector.shape_cast %swap3A_1262 : vector<1x16xf32> to vector<16xf32>
        %swap3A_1264 = vector.shape_cast %max3A_1256 : vector<16xf32> to vector<1x16xf32>
        tpu.vector_store %arg6[%swap3A_1260, %swap3A_1261], %swap3A_1264 {strides = array<i32>} : memref<128x128xf32, #tpu.memory_space<vmem>>, vector<1x16xf32>,
        %get3A_1265 = arith.constant 0 : i32
        %get3A_1266 = arith.index_cast %scan3A_112 : i32 to index
        %get3A_1267 = arith.index_cast %get3A_1265 : i32 to index
        %get3A_1268 = arith.constant 80 : index
        %get3A_1269 = tpu.vector_load %arg4[%get3A_1266, %get3A_1267, %get3A_1268] {strides = array<i32>} : memref<8x32x128xf32, #tpu.memory_space<vmem>>, vector<1x1x16xf32>,
        %get3A_1270 = vector.shape_cast %get3A_1269 : vector<1x1x16xf32> to vector<16xf32>
        %get3A_1271 = arith.constant 1 : i32
        %get3A_1272 = arith.index_cast %scan3A_112 : i32 to index
        %get3A_1273 = arith.index_cast %get3A_1271 : i32 to index
        %get3A_1274 = arith.constant 80 : index
        %get3A_1275 = tpu.vector_load %arg4[%get3A_1272, %get3A_1273, %get3A_1274] {strides = array<i32>} : memref<8x32x128xf32, #tpu.memory_space<vmem>>, vector<1x1x16xf32>,
        %get3A_1276 = vector.shape_cast %get3A_1275 : vector<1x1x16xf32> to vector<16xf32>
        %max3A_1277 = arith.maximumf %get3A_1270, %get3A_1276 : vector<16xf32>
        %get3A_1278 = arith.constant 2 : i32
        %get3A_1279 = arith.index_cast %scan3A_112 : i32 to index
        %get3A_1280 = arith.index_cast %get3A_1278 : i32 to index
        %get3A_1281 = arith.constant 80 : index
        %get3A_1282 = tpu.vector_load %arg4[%get3A_1279, %get3A_1280, %get3A_1281] {strides = array<i32>} : memref<8x32x128xf32, #tpu.memory_space<vmem>>, vector<1x1x16xf32>,
        %get3A_1283 = vector.shape_cast %get3A_1282 : vector<1x1x16xf32> to vector<16xf32>
        %max3A_1284 = arith.maximumf %max3A_1277, %get3A_1283 : vector<16xf32>
        %get3A_1285 = arith.constant 3 : i32
        %get3A_1286 = arith.index_cast %scan3A_112 : i32 to index
        %get3A_1287 = arith.index_cast %get3A_1285 : i32 to index
        %get3A_1288 = arith.constant 80 : index
        %get3A_1289 = tpu.vector_load %arg4[%get3A_1286, %get3A_1287, %get3A_1288] {strides = array<i32>} : memref<8x32x128xf32, #tpu.memory_space<vmem>>, vector<1x1x16xf32>,
        %get3A_1290 = vector.shape_cast %get3A_1289 : vector<1x1x16xf32> to vector<16xf32>
        %max3A_1291 = arith.maximumf %max3A_1284, %get3A_1290 : vector<16xf32>
        %get3A_1292 = arith.constant 4 : i32
        %get3A_1293 = arith.index_cast %scan3A_112 : i32 to index
        %get3A_1294 = arith.index_cast %get3A_1292 : i32 to index
        %get3A_1295 = arith.constant 80 : index
        %get3A_1296 = tpu.vector_load %arg4[%get3A_1293, %get3A_1294, %get3A_1295] {strides = array<i32>} : memref<8x32x128xf32, #tpu.memory_space<vmem>>, vector<1x1x16xf32>,
        %get3A_1297 = vector.shape_cast %get3A_1296 : vector<1x1x16xf32> to vector<16xf32>
        %max3A_1298 = arith.maximumf %max3A_1291, %get3A_1297 : vector<16xf32>
        %get3A_1299 = arith.constant 5 : i32
        %get3A_1300 = arith.index_cast %scan3A_112 : i32 to index
        %get3A_1301 = arith.index_cast %get3A_1299 : i32 to index
        %get3A_1302 = arith.constant 80 : index
        %get3A_1303 = tpu.vector_load %arg4[%get3A_1300, %get3A_1301, %get3A_1302] {strides = array<i32>} : memref<8x32x128xf32, #tpu.memory_space<vmem>>, vector<1x1x16xf32>,
        %get3A_1304 = vector.shape_cast %get3A_1303 : vector<1x1x16xf32> to vector<16xf32>
        %max3A_1305 = arith.maximumf %max3A_1298, %get3A_1304 : vector<16xf32>
        %get3A_1306 = arith.constant 6 : i32
        %get3A_1307 = arith.index_cast %scan3A_112 : i32 to index
        %get3A_1308 = arith.index_cast %get3A_1306 : i32 to index
        %get3A_1309 = arith.constant 80 : index
        %get3A_1310 = tpu.vector_load %arg4[%get3A_1307, %get3A_1308, %get3A_1309] {strides = array<i32>} : memref<8x32x128xf32, #tpu.memory_space<vmem>>, vector<1x1x16xf32>,
        %get3A_1311 = vector.shape_cast %get3A_1310 : vector<1x1x16xf32> to vector<16xf32>
        %max3A_1312 = arith.maximumf %max3A_1305, %get3A_1311 : vector<16xf32>
        %get3A_1313 = arith.constant 7 : i32
        %get3A_1314 = arith.index_cast %scan3A_112 : i32 to index
        %get3A_1315 = arith.index_cast %get3A_1313 : i32 to index
        %get3A_1316 = arith.constant 80 : index
        %get3A_1317 = tpu.vector_load %arg4[%get3A_1314, %get3A_1315, %get3A_1316] {strides = array<i32>} : memref<8x32x128xf32, #tpu.memory_space<vmem>>, vector<1x1x16xf32>,
        %get3A_1318 = vector.shape_cast %get3A_1317 : vector<1x1x16xf32> to vector<16xf32>
        %max3A_1319 = arith.maximumf %max3A_1312, %get3A_1318 : vector<16xf32>
        %get3A_1320 = arith.constant 8 : i32
        %get3A_1321 = arith.index_cast %scan3A_112 : i32 to index
        %get3A_1322 = arith.index_cast %get3A_1320 : i32 to index
        %get3A_1323 = arith.constant 80 : index
        %get3A_1324 = tpu.vector_load %arg4[%get3A_1321, %get3A_1322, %get3A_1323] {strides = array<i32>} : memref<8x32x128xf32, #tpu.memory_space<vmem>>, vector<1x1x16xf32>,
        %get3A_1325 = vector.shape_cast %get3A_1324 : vector<1x1x16xf32> to vector<16xf32>
        %max3A_1326 = arith.maximumf %max3A_1319, %get3A_1325 : vector<16xf32>
        %get3A_1327 = arith.constant 9 : i32
        %get3A_1328 = arith.index_cast %scan3A_112 : i32 to index
        %get3A_1329 = arith.index_cast %get3A_1327 : i32 to index
        %get3A_1330 = arith.constant 80 : index
        %get3A_1331 = tpu.vector_load %arg4[%get3A_1328, %get3A_1329, %get3A_1330] {strides = array<i32>} : memref<8x32x128xf32, #tpu.memory_space<vmem>>, vector<1x1x16xf32>,
        %get3A_1332 = vector.shape_cast %get3A_1331 : vector<1x1x16xf32> to vector<16xf32>
        %max3A_1333 = arith.maximumf %max3A_1326, %get3A_1332 : vector<16xf32>
        %get3A_1334 = arith.constant 10 : i32
        %get3A_1335 = arith.index_cast %scan3A_112 : i32 to index
        %get3A_1336 = arith.index_cast %get3A_1334 : i32 to index
        %get3A_1337 = arith.constant 80 : index
        %get3A_1338 = tpu.vector_load %arg4[%get3A_1335, %get3A_1336, %get3A_1337] {strides = array<i32>} : memref<8x32x128xf32, #tpu.memory_space<vmem>>, vector<1x1x16xf32>,
        %get3A_1339 = vector.shape_cast %get3A_1338 : vector<1x1x16xf32> to vector<16xf32>
        %max3A_1340 = arith.maximumf %max3A_1333, %get3A_1339 : vector<16xf32>
        %get3A_1341 = arith.constant 11 : i32
        %get3A_1342 = arith.index_cast %scan3A_112 : i32 to index
        %get3A_1343 = arith.index_cast %get3A_1341 : i32 to index
        %get3A_1344 = arith.constant 80 : index
        %get3A_1345 = tpu.vector_load %arg4[%get3A_1342, %get3A_1343, %get3A_1344] {strides = array<i32>} : memref<8x32x128xf32, #tpu.memory_space<vmem>>, vector<1x1x16xf32>,
        %get3A_1346 = vector.shape_cast %get3A_1345 : vector<1x1x16xf32> to vector<16xf32>
        %max3A_1347 = arith.maximumf %max3A_1340, %get3A_1346 : vector<16xf32>
        %get3A_1348 = arith.constant 12 : i32
        %get3A_1349 = arith.index_cast %scan3A_112 : i32 to index
        %get3A_1350 = arith.index_cast %get3A_1348 : i32 to index
        %get3A_1351 = arith.constant 80 : index
        %get3A_1352 = tpu.vector_load %arg4[%get3A_1349, %get3A_1350, %get3A_1351] {strides = array<i32>} : memref<8x32x128xf32, #tpu.memory_space<vmem>>, vector<1x1x16xf32>,
        %get3A_1353 = vector.shape_cast %get3A_1352 : vector<1x1x16xf32> to vector<16xf32>
        %max3A_1354 = arith.maximumf %max3A_1347, %get3A_1353 : vector<16xf32>
        %get3A_1355 = arith.constant 13 : i32
        %get3A_1356 = arith.index_cast %scan3A_112 : i32 to index
        %get3A_1357 = arith.index_cast %get3A_1355 : i32 to index
        %get3A_1358 = arith.constant 80 : index
        %get3A_1359 = tpu.vector_load %arg4[%get3A_1356, %get3A_1357, %get3A_1358] {strides = array<i32>} : memref<8x32x128xf32, #tpu.memory_space<vmem>>, vector<1x1x16xf32>,
        %get3A_1360 = vector.shape_cast %get3A_1359 : vector<1x1x16xf32> to vector<16xf32>
        %max3A_1361 = arith.maximumf %max3A_1354, %get3A_1360 : vector<16xf32>
        %get3A_1362 = arith.constant 14 : i32
        %get3A_1363 = arith.index_cast %scan3A_112 : i32 to index
        %get3A_1364 = arith.index_cast %get3A_1362 : i32 to index
        %get3A_1365 = arith.constant 80 : index
        %get3A_1366 = tpu.vector_load %arg4[%get3A_1363, %get3A_1364, %get3A_1365] {strides = array<i32>} : memref<8x32x128xf32, #tpu.memory_space<vmem>>, vector<1x1x16xf32>,
        %get3A_1367 = vector.shape_cast %get3A_1366 : vector<1x1x16xf32> to vector<16xf32>
        %max3A_1368 = arith.maximumf %max3A_1361, %get3A_1367 : vector<16xf32>
        %get3A_1369 = arith.constant 15 : i32
        %get3A_1370 = arith.index_cast %scan3A_112 : i32 to index
        %get3A_1371 = arith.index_cast %get3A_1369 : i32 to index
        %get3A_1372 = arith.constant 80 : index
        %get3A_1373 = tpu.vector_load %arg4[%get3A_1370, %get3A_1371, %get3A_1372] {strides = array<i32>} : memref<8x32x128xf32, #tpu.memory_space<vmem>>, vector<1x1x16xf32>,
        %get3A_1374 = vector.shape_cast %get3A_1373 : vector<1x1x16xf32> to vector<16xf32>
        %max3A_1375 = arith.maximumf %max3A_1368, %get3A_1374 : vector<16xf32>
        %get3A_1376 = arith.constant 16 : i32
        %get3A_1377 = arith.index_cast %scan3A_112 : i32 to index
        %get3A_1378 = arith.index_cast %get3A_1376 : i32 to index
        %get3A_1379 = arith.constant 80 : index
        %get3A_1380 = tpu.vector_load %arg4[%get3A_1377, %get3A_1378, %get3A_1379] {strides = array<i32>} : memref<8x32x128xf32, #tpu.memory_space<vmem>>, vector<1x1x16xf32>,
        %get3A_1381 = vector.shape_cast %get3A_1380 : vector<1x1x16xf32> to vector<16xf32>
        %max3A_1382 = arith.maximumf %max3A_1375, %get3A_1381 : vector<16xf32>
        %get3A_1383 = arith.constant 17 : i32
        %get3A_1384 = arith.index_cast %scan3A_112 : i32 to index
        %get3A_1385 = arith.index_cast %get3A_1383 : i32 to index
        %get3A_1386 = arith.constant 80 : index
        %get3A_1387 = tpu.vector_load %arg4[%get3A_1384, %get3A_1385, %get3A_1386] {strides = array<i32>} : memref<8x32x128xf32, #tpu.memory_space<vmem>>, vector<1x1x16xf32>,
        %get3A_1388 = vector.shape_cast %get3A_1387 : vector<1x1x16xf32> to vector<16xf32>
        %max3A_1389 = arith.maximumf %max3A_1382, %get3A_1388 : vector<16xf32>
        %get3A_1390 = arith.constant 18 : i32
        %get3A_1391 = arith.index_cast %scan3A_112 : i32 to index
        %get3A_1392 = arith.index_cast %get3A_1390 : i32 to index
        %get3A_1393 = arith.constant 80 : index
        %get3A_1394 = tpu.vector_load %arg4[%get3A_1391, %get3A_1392, %get3A_1393] {strides = array<i32>} : memref<8x32x128xf32, #tpu.memory_space<vmem>>, vector<1x1x16xf32>,
        %get3A_1395 = vector.shape_cast %get3A_1394 : vector<1x1x16xf32> to vector<16xf32>
        %max3A_1396 = arith.maximumf %max3A_1389, %get3A_1395 : vector<16xf32>
        %get3A_1397 = arith.constant 19 : i32
        %get3A_1398 = arith.index_cast %scan3A_112 : i32 to index
        %get3A_1399 = arith.index_cast %get3A_1397 : i32 to index
        %get3A_1400 = arith.constant 80 : index
        %get3A_1401 = tpu.vector_load %arg4[%get3A_1398, %get3A_1399, %get3A_1400] {strides = array<i32>} : memref<8x32x128xf32, #tpu.memory_space<vmem>>, vector<1x1x16xf32>,
        %get3A_1402 = vector.shape_cast %get3A_1401 : vector<1x1x16xf32> to vector<16xf32>
        %max3A_1403 = arith.maximumf %max3A_1396, %get3A_1402 : vector<16xf32>
        %get3A_1404 = arith.constant 20 : i32
        %get3A_1405 = arith.index_cast %scan3A_112 : i32 to index
        %get3A_1406 = arith.index_cast %get3A_1404 : i32 to index
        %get3A_1407 = arith.constant 80 : index
        %get3A_1408 = tpu.vector_load %arg4[%get3A_1405, %get3A_1406, %get3A_1407] {strides = array<i32>} : memref<8x32x128xf32, #tpu.memory_space<vmem>>, vector<1x1x16xf32>,
        %get3A_1409 = vector.shape_cast %get3A_1408 : vector<1x1x16xf32> to vector<16xf32>
        %max3A_1410 = arith.maximumf %max3A_1403, %get3A_1409 : vector<16xf32>
        %get3A_1411 = arith.constant 21 : i32
        %get3A_1412 = arith.index_cast %scan3A_112 : i32 to index
        %get3A_1413 = arith.index_cast %get3A_1411 : i32 to index
        %get3A_1414 = arith.constant 80 : index
        %get3A_1415 = tpu.vector_load %arg4[%get3A_1412, %get3A_1413, %get3A_1414] {strides = array<i32>} : memref<8x32x128xf32, #tpu.memory_space<vmem>>, vector<1x1x16xf32>,
        %get3A_1416 = vector.shape_cast %get3A_1415 : vector<1x1x16xf32> to vector<16xf32>
        %max3A_1417 = arith.maximumf %max3A_1410, %get3A_1416 : vector<16xf32>
        %get3A_1418 = arith.constant 22 : i32
        %get3A_1419 = arith.index_cast %scan3A_112 : i32 to index
        %get3A_1420 = arith.index_cast %get3A_1418 : i32 to index
        %get3A_1421 = arith.constant 80 : index
        %get3A_1422 = tpu.vector_load %arg4[%get3A_1419, %get3A_1420, %get3A_1421] {strides = array<i32>} : memref<8x32x128xf32, #tpu.memory_space<vmem>>, vector<1x1x16xf32>,
        %get3A_1423 = vector.shape_cast %get3A_1422 : vector<1x1x16xf32> to vector<16xf32>
        %max3A_1424 = arith.maximumf %max3A_1417, %get3A_1423 : vector<16xf32>
        %get3A_1425 = arith.constant 23 : i32
        %get3A_1426 = arith.index_cast %scan3A_112 : i32 to index
        %get3A_1427 = arith.index_cast %get3A_1425 : i32 to index
        %get3A_1428 = arith.constant 80 : index
        %get3A_1429 = tpu.vector_load %arg4[%get3A_1426, %get3A_1427, %get3A_1428] {strides = array<i32>} : memref<8x32x128xf32, #tpu.memory_space<vmem>>, vector<1x1x16xf32>,
        %get3A_1430 = vector.shape_cast %get3A_1429 : vector<1x1x16xf32> to vector<16xf32>
        %max3A_1431 = arith.maximumf %max3A_1424, %get3A_1430 : vector<16xf32>
        %get3A_1432 = arith.constant 24 : i32
        %get3A_1433 = arith.index_cast %scan3A_112 : i32 to index
        %get3A_1434 = arith.index_cast %get3A_1432 : i32 to index
        %get3A_1435 = arith.constant 80 : index
        %get3A_1436 = tpu.vector_load %arg4[%get3A_1433, %get3A_1434, %get3A_1435] {strides = array<i32>} : memref<8x32x128xf32, #tpu.memory_space<vmem>>, vector<1x1x16xf32>,
        %get3A_1437 = vector.shape_cast %get3A_1436 : vector<1x1x16xf32> to vector<16xf32>
        %max3A_1438 = arith.maximumf %max3A_1431, %get3A_1437 : vector<16xf32>
        %get3A_1439 = arith.constant 25 : i32
        %get3A_1440 = arith.index_cast %scan3A_112 : i32 to index
        %get3A_1441 = arith.index_cast %get3A_1439 : i32 to index
        %get3A_1442 = arith.constant 80 : index
        %get3A_1443 = tpu.vector_load %arg4[%get3A_1440, %get3A_1441, %get3A_1442] {strides = array<i32>} : memref<8x32x128xf32, #tpu.memory_space<vmem>>, vector<1x1x16xf32>,
        %get3A_1444 = vector.shape_cast %get3A_1443 : vector<1x1x16xf32> to vector<16xf32>
        %max3A_1445 = arith.maximumf %max3A_1438, %get3A_1444 : vector<16xf32>
        %get3A_1446 = arith.constant 26 : i32
        %get3A_1447 = arith.index_cast %scan3A_112 : i32 to index
        %get3A_1448 = arith.index_cast %get3A_1446 : i32 to index
        %get3A_1449 = arith.constant 80 : index
        %get3A_1450 = tpu.vector_load %arg4[%get3A_1447, %get3A_1448, %get3A_1449] {strides = array<i32>} : memref<8x32x128xf32, #tpu.memory_space<vmem>>, vector<1x1x16xf32>,
        %get3A_1451 = vector.shape_cast %get3A_1450 : vector<1x1x16xf32> to vector<16xf32>
        %max3A_1452 = arith.maximumf %max3A_1445, %get3A_1451 : vector<16xf32>
        %get3A_1453 = arith.constant 27 : i32
        %get3A_1454 = arith.index_cast %scan3A_112 : i32 to index
        %get3A_1455 = arith.index_cast %get3A_1453 : i32 to index
        %get3A_1456 = arith.constant 80 : index
        %get3A_1457 = tpu.vector_load %arg4[%get3A_1454, %get3A_1455, %get3A_1456] {strides = array<i32>} : memref<8x32x128xf32, #tpu.memory_space<vmem>>, vector<1x1x16xf32>,
        %get3A_1458 = vector.shape_cast %get3A_1457 : vector<1x1x16xf32> to vector<16xf32>
        %max3A_1459 = arith.maximumf %max3A_1452, %get3A_1458 : vector<16xf32>
        %get3A_1460 = arith.constant 28 : i32
        %get3A_1461 = arith.index_cast %scan3A_112 : i32 to index
        %get3A_1462 = arith.index_cast %get3A_1460 : i32 to index
        %get3A_1463 = arith.constant 80 : index
        %get3A_1464 = tpu.vector_load %arg4[%get3A_1461, %get3A_1462, %get3A_1463] {strides = array<i32>} : memref<8x32x128xf32, #tpu.memory_space<vmem>>, vector<1x1x16xf32>,
        %get3A_1465 = vector.shape_cast %get3A_1464 : vector<1x1x16xf32> to vector<16xf32>
        %max3A_1466 = arith.maximumf %max3A_1459, %get3A_1465 : vector<16xf32>
        %get3A_1467 = arith.constant 29 : i32
        %get3A_1468 = arith.index_cast %scan3A_112 : i32 to index
        %get3A_1469 = arith.index_cast %get3A_1467 : i32 to index
        %get3A_1470 = arith.constant 80 : index
        %get3A_1471 = tpu.vector_load %arg4[%get3A_1468, %get3A_1469, %get3A_1470] {strides = array<i32>} : memref<8x32x128xf32, #tpu.memory_space<vmem>>, vector<1x1x16xf32>,
        %get3A_1472 = vector.shape_cast %get3A_1471 : vector<1x1x16xf32> to vector<16xf32>
        %max3A_1473 = arith.maximumf %max3A_1466, %get3A_1472 : vector<16xf32>
        %get3A_1474 = arith.constant 30 : i32
        %get3A_1475 = arith.index_cast %scan3A_112 : i32 to index
        %get3A_1476 = arith.index_cast %get3A_1474 : i32 to index
        %get3A_1477 = arith.constant 80 : index
        %get3A_1478 = tpu.vector_load %arg4[%get3A_1475, %get3A_1476, %get3A_1477] {strides = array<i32>} : memref<8x32x128xf32, #tpu.memory_space<vmem>>, vector<1x1x16xf32>,
        %get3A_1479 = vector.shape_cast %get3A_1478 : vector<1x1x16xf32> to vector<16xf32>
        %max3A_1480 = arith.maximumf %max3A_1473, %get3A_1479 : vector<16xf32>
        %get3A_1481 = arith.constant 31 : i32
        %get3A_1482 = arith.index_cast %scan3A_112 : i32 to index
        %get3A_1483 = arith.index_cast %get3A_1481 : i32 to index
        %get3A_1484 = arith.constant 80 : index
        %get3A_1485 = tpu.vector_load %arg4[%get3A_1482, %get3A_1483, %get3A_1484] {strides = array<i32>} : memref<8x32x128xf32, #tpu.memory_space<vmem>>, vector<1x1x16xf32>,
        %get3A_1486 = vector.shape_cast %get3A_1485 : vector<1x1x16xf32> to vector<16xf32>
        %max3A_1487 = arith.maximumf %max3A_1480, %get3A_1486 : vector<16xf32>
        %mul3A_1488 = arith.constant 8 : i32
        %mul3A_1489 = arith.muli %mul3A_25, %mul3A_1488 : i32
        %add3A_1490 = arith.addi %mul3A_1489, %scan3A_112 : i32
        %swap3A_1491 = arith.index_cast %add3A_1490 : i32 to index
        %swap3A_1492 = arith.constant 80 : index
        %swap3A_1493 = tpu.vector_load %arg6[%swap3A_1491, %swap3A_1492] {strides = array<i32>} : memref<128x128xf32, #tpu.memory_space<vmem>>, vector<1x16xf32>,
        %swap3A_1494 = vector.shape_cast %swap3A_1493 : vector<1x16xf32> to vector<16xf32>
        %swap3A_1495 = vector.shape_cast %max3A_1487 : vector<16xf32> to vector<1x16xf32>
        tpu.vector_store %arg6[%swap3A_1491, %swap3A_1492], %swap3A_1495 {strides = array<i32>} : memref<128x128xf32, #tpu.memory_space<vmem>>, vector<1x16xf32>,
        %get3A_1496 = arith.constant 0 : i32
        %get3A_1497 = arith.index_cast %scan3A_112 : i32 to index
        %get3A_1498 = arith.index_cast %get3A_1496 : i32 to index
        %get3A_1499 = arith.constant 96 : index
        %get3A_1500 = tpu.vector_load %arg4[%get3A_1497, %get3A_1498, %get3A_1499] {strides = array<i32>} : memref<8x32x128xf32, #tpu.memory_space<vmem>>, vector<1x1x16xf32>,
        %get3A_1501 = vector.shape_cast %get3A_1500 : vector<1x1x16xf32> to vector<16xf32>
        %get3A_1502 = arith.constant 1 : i32
        %get3A_1503 = arith.index_cast %scan3A_112 : i32 to index
        %get3A_1504 = arith.index_cast %get3A_1502 : i32 to index
        %get3A_1505 = arith.constant 96 : index
        %get3A_1506 = tpu.vector_load %arg4[%get3A_1503, %get3A_1504, %get3A_1505] {strides = array<i32>} : memref<8x32x128xf32, #tpu.memory_space<vmem>>, vector<1x1x16xf32>,
        %get3A_1507 = vector.shape_cast %get3A_1506 : vector<1x1x16xf32> to vector<16xf32>
        %max3A_1508 = arith.maximumf %get3A_1501, %get3A_1507 : vector<16xf32>
        %get3A_1509 = arith.constant 2 : i32
        %get3A_1510 = arith.index_cast %scan3A_112 : i32 to index
        %get3A_1511 = arith.index_cast %get3A_1509 : i32 to index
        %get3A_1512 = arith.constant 96 : index
        %get3A_1513 = tpu.vector_load %arg4[%get3A_1510, %get3A_1511, %get3A_1512] {strides = array<i32>} : memref<8x32x128xf32, #tpu.memory_space<vmem>>, vector<1x1x16xf32>,
        %get3A_1514 = vector.shape_cast %get3A_1513 : vector<1x1x16xf32> to vector<16xf32>
        %max3A_1515 = arith.maximumf %max3A_1508, %get3A_1514 : vector<16xf32>
        %get3A_1516 = arith.constant 3 : i32
        %get3A_1517 = arith.index_cast %scan3A_112 : i32 to index
        %get3A_1518 = arith.index_cast %get3A_1516 : i32 to index
        %get3A_1519 = arith.constant 96 : index
        %get3A_1520 = tpu.vector_load %arg4[%get3A_1517, %get3A_1518, %get3A_1519] {strides = array<i32>} : memref<8x32x128xf32, #tpu.memory_space<vmem>>, vector<1x1x16xf32>,
        %get3A_1521 = vector.shape_cast %get3A_1520 : vector<1x1x16xf32> to vector<16xf32>
        %max3A_1522 = arith.maximumf %max3A_1515, %get3A_1521 : vector<16xf32>
        %get3A_1523 = arith.constant 4 : i32
        %get3A_1524 = arith.index_cast %scan3A_112 : i32 to index
        %get3A_1525 = arith.index_cast %get3A_1523 : i32 to index
        %get3A_1526 = arith.constant 96 : index
        %get3A_1527 = tpu.vector_load %arg4[%get3A_1524, %get3A_1525, %get3A_1526] {strides = array<i32>} : memref<8x32x128xf32, #tpu.memory_space<vmem>>, vector<1x1x16xf32>,
        %get3A_1528 = vector.shape_cast %get3A_1527 : vector<1x1x16xf32> to vector<16xf32>
        %max3A_1529 = arith.maximumf %max3A_1522, %get3A_1528 : vector<16xf32>
        %get3A_1530 = arith.constant 5 : i32
        %get3A_1531 = arith.index_cast %scan3A_112 : i32 to index
        %get3A_1532 = arith.index_cast %get3A_1530 : i32 to index
        %get3A_1533 = arith.constant 96 : index
        %get3A_1534 = tpu.vector_load %arg4[%get3A_1531, %get3A_1532, %get3A_1533] {strides = array<i32>} : memref<8x32x128xf32, #tpu.memory_space<vmem>>, vector<1x1x16xf32>,
        %get3A_1535 = vector.shape_cast %get3A_1534 : vector<1x1x16xf32> to vector<16xf32>
        %max3A_1536 = arith.maximumf %max3A_1529, %get3A_1535 : vector<16xf32>
        %get3A_1537 = arith.constant 6 : i32
        %get3A_1538 = arith.index_cast %scan3A_112 : i32 to index
        %get3A_1539 = arith.index_cast %get3A_1537 : i32 to index
        %get3A_1540 = arith.constant 96 : index
        %get3A_1541 = tpu.vector_load %arg4[%get3A_1538, %get3A_1539, %get3A_1540] {strides = array<i32>} : memref<8x32x128xf32, #tpu.memory_space<vmem>>, vector<1x1x16xf32>,
        %get3A_1542 = vector.shape_cast %get3A_1541 : vector<1x1x16xf32> to vector<16xf32>
        %max3A_1543 = arith.maximumf %max3A_1536, %get3A_1542 : vector<16xf32>
        %get3A_1544 = arith.constant 7 : i32
        %get3A_1545 = arith.index_cast %scan3A_112 : i32 to index
        %get3A_1546 = arith.index_cast %get3A_1544 : i32 to index
        %get3A_1547 = arith.constant 96 : index
        %get3A_1548 = tpu.vector_load %arg4[%get3A_1545, %get3A_1546, %get3A_1547] {strides = array<i32>} : memref<8x32x128xf32, #tpu.memory_space<vmem>>, vector<1x1x16xf32>,
        %get3A_1549 = vector.shape_cast %get3A_1548 : vector<1x1x16xf32> to vector<16xf32>
        %max3A_1550 = arith.maximumf %max3A_1543, %get3A_1549 : vector<16xf32>
        %get3A_1551 = arith.constant 8 : i32
        %get3A_1552 = arith.index_cast %scan3A_112 : i32 to index
        %get3A_1553 = arith.index_cast %get3A_1551 : i32 to index
        %get3A_1554 = arith.constant 96 : index
        %get3A_1555 = tpu.vector_load %arg4[%get3A_1552, %get3A_1553, %get3A_1554] {strides = array<i32>} : memref<8x32x128xf32, #tpu.memory_space<vmem>>, vector<1x1x16xf32>,
        %get3A_1556 = vector.shape_cast %get3A_1555 : vector<1x1x16xf32> to vector<16xf32>
        %max3A_1557 = arith.maximumf %max3A_1550, %get3A_1556 : vector<16xf32>
        %get3A_1558 = arith.constant 9 : i32
        %get3A_1559 = arith.index_cast %scan3A_112 : i32 to index
        %get3A_1560 = arith.index_cast %get3A_1558 : i32 to index
        %get3A_1561 = arith.constant 96 : index
        %get3A_1562 = tpu.vector_load %arg4[%get3A_1559, %get3A_1560, %get3A_1561] {strides = array<i32>} : memref<8x32x128xf32, #tpu.memory_space<vmem>>, vector<1x1x16xf32>,
        %get3A_1563 = vector.shape_cast %get3A_1562 : vector<1x1x16xf32> to vector<16xf32>
        %max3A_1564 = arith.maximumf %max3A_1557, %get3A_1563 : vector<16xf32>
        %get3A_1565 = arith.constant 10 : i32
        %get3A_1566 = arith.index_cast %scan3A_112 : i32 to index
        %get3A_1567 = arith.index_cast %get3A_1565 : i32 to index
        %get3A_1568 = arith.constant 96 : index
        %get3A_1569 = tpu.vector_load %arg4[%get3A_1566, %get3A_1567, %get3A_1568] {strides = array<i32>} : memref<8x32x128xf32, #tpu.memory_space<vmem>>, vector<1x1x16xf32>,
        %get3A_1570 = vector.shape_cast %get3A_1569 : vector<1x1x16xf32> to vector<16xf32>
        %max3A_1571 = arith.maximumf %max3A_1564, %get3A_1570 : vector<16xf32>
        %get3A_1572 = arith.constant 11 : i32
        %get3A_1573 = arith.index_cast %scan3A_112 : i32 to index
        %get3A_1574 = arith.index_cast %get3A_1572 : i32 to index
        %get3A_1575 = arith.constant 96 : index
        %get3A_1576 = tpu.vector_load %arg4[%get3A_1573, %get3A_1574, %get3A_1575] {strides = array<i32>} : memref<8x32x128xf32, #tpu.memory_space<vmem>>, vector<1x1x16xf32>,
        %get3A_1577 = vector.shape_cast %get3A_1576 : vector<1x1x16xf32> to vector<16xf32>
        %max3A_1578 = arith.maximumf %max3A_1571, %get3A_1577 : vector<16xf32>
        %get3A_1579 = arith.constant 12 : i32
        %get3A_1580 = arith.index_cast %scan3A_112 : i32 to index
        %get3A_1581 = arith.index_cast %get3A_1579 : i32 to index
        %get3A_1582 = arith.constant 96 : index
        %get3A_1583 = tpu.vector_load %arg4[%get3A_1580, %get3A_1581, %get3A_1582] {strides = array<i32>} : memref<8x32x128xf32, #tpu.memory_space<vmem>>, vector<1x1x16xf32>,
        %get3A_1584 = vector.shape_cast %get3A_1583 : vector<1x1x16xf32> to vector<16xf32>
        %max3A_1585 = arith.maximumf %max3A_1578, %get3A_1584 : vector<16xf32>
        %get3A_1586 = arith.constant 13 : i32
        %get3A_1587 = arith.index_cast %scan3A_112 : i32 to index
        %get3A_1588 = arith.index_cast %get3A_1586 : i32 to index
        %get3A_1589 = arith.constant 96 : index
        %get3A_1590 = tpu.vector_load %arg4[%get3A_1587, %get3A_1588, %get3A_1589] {strides = array<i32>} : memref<8x32x128xf32, #tpu.memory_space<vmem>>, vector<1x1x16xf32>,
        %get3A_1591 = vector.shape_cast %get3A_1590 : vector<1x1x16xf32> to vector<16xf32>
        %max3A_1592 = arith.maximumf %max3A_1585, %get3A_1591 : vector<16xf32>
        %get3A_1593 = arith.constant 14 : i32
        %get3A_1594 = arith.index_cast %scan3A_112 : i32 to index
        %get3A_1595 = arith.index_cast %get3A_1593 : i32 to index
        %get3A_1596 = arith.constant 96 : index
        %get3A_1597 = tpu.vector_load %arg4[%get3A_1594, %get3A_1595, %get3A_1596] {strides = array<i32>} : memref<8x32x128xf32, #tpu.memory_space<vmem>>, vector<1x1x16xf32>,
        %get3A_1598 = vector.shape_cast %get3A_1597 : vector<1x1x16xf32> to vector<16xf32>
        %max3A_1599 = arith.maximumf %max3A_1592, %get3A_1598 : vector<16xf32>
        %get3A_1600 = arith.constant 15 : i32
        %get3A_1601 = arith.index_cast %scan3A_112 : i32 to index
        %get3A_1602 = arith.index_cast %get3A_1600 : i32 to index
        %get3A_1603 = arith.constant 96 : index
        %get3A_1604 = tpu.vector_load %arg4[%get3A_1601, %get3A_1602, %get3A_1603] {strides = array<i32>} : memref<8x32x128xf32, #tpu.memory_space<vmem>>, vector<1x1x16xf32>,
        %get3A_1605 = vector.shape_cast %get3A_1604 : vector<1x1x16xf32> to vector<16xf32>
        %max3A_1606 = arith.maximumf %max3A_1599, %get3A_1605 : vector<16xf32>
        %get3A_1607 = arith.constant 16 : i32
        %get3A_1608 = arith.index_cast %scan3A_112 : i32 to index
        %get3A_1609 = arith.index_cast %get3A_1607 : i32 to index
        %get3A_1610 = arith.constant 96 : index
        %get3A_1611 = tpu.vector_load %arg4[%get3A_1608, %get3A_1609, %get3A_1610] {strides = array<i32>} : memref<8x32x128xf32, #tpu.memory_space<vmem>>, vector<1x1x16xf32>,
        %get3A_1612 = vector.shape_cast %get3A_1611 : vector<1x1x16xf32> to vector<16xf32>
        %max3A_1613 = arith.maximumf %max3A_1606, %get3A_1612 : vector<16xf32>
        %get3A_1614 = arith.constant 17 : i32
        %get3A_1615 = arith.index_cast %scan3A_112 : i32 to index
        %get3A_1616 = arith.index_cast %get3A_1614 : i32 to index
        %get3A_1617 = arith.constant 96 : index
        %get3A_1618 = tpu.vector_load %arg4[%get3A_1615, %get3A_1616, %get3A_1617] {strides = array<i32>} : memref<8x32x128xf32, #tpu.memory_space<vmem>>, vector<1x1x16xf32>,
        %get3A_1619 = vector.shape_cast %get3A_1618 : vector<1x1x16xf32> to vector<16xf32>
        %max3A_1620 = arith.maximumf %max3A_1613, %get3A_1619 : vector<16xf32>
        %get3A_1621 = arith.constant 18 : i32
        %get3A_1622 = arith.index_cast %scan3A_112 : i32 to index
        %get3A_1623 = arith.index_cast %get3A_1621 : i32 to index
        %get3A_1624 = arith.constant 96 : index
        %get3A_1625 = tpu.vector_load %arg4[%get3A_1622, %get3A_1623, %get3A_1624] {strides = array<i32>} : memref<8x32x128xf32, #tpu.memory_space<vmem>>, vector<1x1x16xf32>,
        %get3A_1626 = vector.shape_cast %get3A_1625 : vector<1x1x16xf32> to vector<16xf32>
        %max3A_1627 = arith.maximumf %max3A_1620, %get3A_1626 : vector<16xf32>
        %get3A_1628 = arith.constant 19 : i32
        %get3A_1629 = arith.index_cast %scan3A_112 : i32 to index
        %get3A_1630 = arith.index_cast %get3A_1628 : i32 to index
        %get3A_1631 = arith.constant 96 : index
        %get3A_1632 = tpu.vector_load %arg4[%get3A_1629, %get3A_1630, %get3A_1631] {strides = array<i32>} : memref<8x32x128xf32, #tpu.memory_space<vmem>>, vector<1x1x16xf32>,
        %get3A_1633 = vector.shape_cast %get3A_1632 : vector<1x1x16xf32> to vector<16xf32>
        %max3A_1634 = arith.maximumf %max3A_1627, %get3A_1633 : vector<16xf32>
        %get3A_1635 = arith.constant 20 : i32
        %get3A_1636 = arith.index_cast %scan3A_112 : i32 to index
        %get3A_1637 = arith.index_cast %get3A_1635 : i32 to index
        %get3A_1638 = arith.constant 96 : index
        %get3A_1639 = tpu.vector_load %arg4[%get3A_1636, %get3A_1637, %get3A_1638] {strides = array<i32>} : memref<8x32x128xf32, #tpu.memory_space<vmem>>, vector<1x1x16xf32>,
        %get3A_1640 = vector.shape_cast %get3A_1639 : vector<1x1x16xf32> to vector<16xf32>
        %max3A_1641 = arith.maximumf %max3A_1634, %get3A_1640 : vector<16xf32>
        %get3A_1642 = arith.constant 21 : i32
        %get3A_1643 = arith.index_cast %scan3A_112 : i32 to index
        %get3A_1644 = arith.index_cast %get3A_1642 : i32 to index
        %get3A_1645 = arith.constant 96 : index
        %get3A_1646 = tpu.vector_load %arg4[%get3A_1643, %get3A_1644, %get3A_1645] {strides = array<i32>} : memref<8x32x128xf32, #tpu.memory_space<vmem>>, vector<1x1x16xf32>,
        %get3A_1647 = vector.shape_cast %get3A_1646 : vector<1x1x16xf32> to vector<16xf32>
        %max3A_1648 = arith.maximumf %max3A_1641, %get3A_1647 : vector<16xf32>
        %get3A_1649 = arith.constant 22 : i32
        %get3A_1650 = arith.index_cast %scan3A_112 : i32 to index
        %get3A_1651 = arith.index_cast %get3A_1649 : i32 to index
        %get3A_1652 = arith.constant 96 : index
        %get3A_1653 = tpu.vector_load %arg4[%get3A_1650, %get3A_1651, %get3A_1652] {strides = array<i32>} : memref<8x32x128xf32, #tpu.memory_space<vmem>>, vector<1x1x16xf32>,
        %get3A_1654 = vector.shape_cast %get3A_1653 : vector<1x1x16xf32> to vector<16xf32>
        %max3A_1655 = arith.maximumf %max3A_1648, %get3A_1654 : vector<16xf32>
        %get3A_1656 = arith.constant 23 : i32
        %get3A_1657 = arith.index_cast %scan3A_112 : i32 to index
        %get3A_1658 = arith.index_cast %get3A_1656 : i32 to index
        %get3A_1659 = arith.constant 96 : index
        %get3A_1660 = tpu.vector_load %arg4[%get3A_1657, %get3A_1658, %get3A_1659] {strides = array<i32>} : memref<8x32x128xf32, #tpu.memory_space<vmem>>, vector<1x1x16xf32>,
        %get3A_1661 = vector.shape_cast %get3A_1660 : vector<1x1x16xf32> to vector<16xf32>
        %max3A_1662 = arith.maximumf %max3A_1655, %get3A_1661 : vector<16xf32>
        %get3A_1663 = arith.constant 24 : i32
        %get3A_1664 = arith.index_cast %scan3A_112 : i32 to index
        %get3A_1665 = arith.index_cast %get3A_1663 : i32 to index
        %get3A_1666 = arith.constant 96 : index
        %get3A_1667 = tpu.vector_load %arg4[%get3A_1664, %get3A_1665, %get3A_1666] {strides = array<i32>} : memref<8x32x128xf32, #tpu.memory_space<vmem>>, vector<1x1x16xf32>,
        %get3A_1668 = vector.shape_cast %get3A_1667 : vector<1x1x16xf32> to vector<16xf32>
        %max3A_1669 = arith.maximumf %max3A_1662, %get3A_1668 : vector<16xf32>
        %get3A_1670 = arith.constant 25 : i32
        %get3A_1671 = arith.index_cast %scan3A_112 : i32 to index
        %get3A_1672 = arith.index_cast %get3A_1670 : i32 to index
        %get3A_1673 = arith.constant 96 : index
        %get3A_1674 = tpu.vector_load %arg4[%get3A_1671, %get3A_1672, %get3A_1673] {strides = array<i32>} : memref<8x32x128xf32, #tpu.memory_space<vmem>>, vector<1x1x16xf32>,
        %get3A_1675 = vector.shape_cast %get3A_1674 : vector<1x1x16xf32> to vector<16xf32>
        %max3A_1676 = arith.maximumf %max3A_1669, %get3A_1675 : vector<16xf32>
        %get3A_1677 = arith.constant 26 : i32
        %get3A_1678 = arith.index_cast %scan3A_112 : i32 to index
        %get3A_1679 = arith.index_cast %get3A_1677 : i32 to index
        %get3A_1680 = arith.constant 96 : index
        %get3A_1681 = tpu.vector_load %arg4[%get3A_1678, %get3A_1679, %get3A_1680] {strides = array<i32>} : memref<8x32x128xf32, #tpu.memory_space<vmem>>, vector<1x1x16xf32>,
        %get3A_1682 = vector.shape_cast %get3A_1681 : vector<1x1x16xf32> to vector<16xf32>
        %max3A_1683 = arith.maximumf %max3A_1676, %get3A_1682 : vector<16xf32>
        %get3A_1684 = arith.constant 27 : i32
        %get3A_1685 = arith.index_cast %scan3A_112 : i32 to index
        %get3A_1686 = arith.index_cast %get3A_1684 : i32 to index
        %get3A_1687 = arith.constant 96 : index
        %get3A_1688 = tpu.vector_load %arg4[%get3A_1685, %get3A_1686, %get3A_1687] {strides = array<i32>} : memref<8x32x128xf32, #tpu.memory_space<vmem>>, vector<1x1x16xf32>,
        %get3A_1689 = vector.shape_cast %get3A_1688 : vector<1x1x16xf32> to vector<16xf32>
        %max3A_1690 = arith.maximumf %max3A_1683, %get3A_1689 : vector<16xf32>
        %get3A_1691 = arith.constant 28 : i32
        %get3A_1692 = arith.index_cast %scan3A_112 : i32 to index
        %get3A_1693 = arith.index_cast %get3A_1691 : i32 to index
        %get3A_1694 = arith.constant 96 : index
        %get3A_1695 = tpu.vector_load %arg4[%get3A_1692, %get3A_1693, %get3A_1694] {strides = array<i32>} : memref<8x32x128xf32, #tpu.memory_space<vmem>>, vector<1x1x16xf32>,
        %get3A_1696 = vector.shape_cast %get3A_1695 : vector<1x1x16xf32> to vector<16xf32>
        %max3A_1697 = arith.maximumf %max3A_1690, %get3A_1696 : vector<16xf32>
        %get3A_1698 = arith.constant 29 : i32
        %get3A_1699 = arith.index_cast %scan3A_112 : i32 to index
        %get3A_1700 = arith.index_cast %get3A_1698 : i32 to index
        %get3A_1701 = arith.constant 96 : index
        %get3A_1702 = tpu.vector_load %arg4[%get3A_1699, %get3A_1700, %get3A_1701] {strides = array<i32>} : memref<8x32x128xf32, #tpu.memory_space<vmem>>, vector<1x1x16xf32>,
        %get3A_1703 = vector.shape_cast %get3A_1702 : vector<1x1x16xf32> to vector<16xf32>
        %max3A_1704 = arith.maximumf %max3A_1697, %get3A_1703 : vector<16xf32>
        %get3A_1705 = arith.constant 30 : i32
        %get3A_1706 = arith.index_cast %scan3A_112 : i32 to index
        %get3A_1707 = arith.index_cast %get3A_1705 : i32 to index
        %get3A_1708 = arith.constant 96 : index
        %get3A_1709 = tpu.vector_load %arg4[%get3A_1706, %get3A_1707, %get3A_1708] {strides = array<i32>} : memref<8x32x128xf32, #tpu.memory_space<vmem>>, vector<1x1x16xf32>,
        %get3A_1710 = vector.shape_cast %get3A_1709 : vector<1x1x16xf32> to vector<16xf32>
        %max3A_1711 = arith.maximumf %max3A_1704, %get3A_1710 : vector<16xf32>
        %get3A_1712 = arith.constant 31 : i32
        %get3A_1713 = arith.index_cast %scan3A_112 : i32 to index
        %get3A_1714 = arith.index_cast %get3A_1712 : i32 to index
        %get3A_1715 = arith.constant 96 : index
        %get3A_1716 = tpu.vector_load %arg4[%get3A_1713, %get3A_1714, %get3A_1715] {strides = array<i32>} : memref<8x32x128xf32, #tpu.memory_space<vmem>>, vector<1x1x16xf32>,
        %get3A_1717 = vector.shape_cast %get3A_1716 : vector<1x1x16xf32> to vector<16xf32>
        %max3A_1718 = arith.maximumf %max3A_1711, %get3A_1717 : vector<16xf32>
        %mul3A_1719 = arith.constant 8 : i32
        %mul3A_1720 = arith.muli %mul3A_25, %mul3A_1719 : i32
        %add3A_1721 = arith.addi %mul3A_1720, %scan3A_112 : i32
        %swap3A_1722 = arith.index_cast %add3A_1721 : i32 to index
        %swap3A_1723 = arith.constant 96 : index
        %swap3A_1724 = tpu.vector_load %arg6[%swap3A_1722, %swap3A_1723] {strides = array<i32>} : memref<128x128xf32, #tpu.memory_space<vmem>>, vector<1x16xf32>,
        %swap3A_1725 = vector.shape_cast %swap3A_1724 : vector<1x16xf32> to vector<16xf32>
        %swap3A_1726 = vector.shape_cast %max3A_1718 : vector<16xf32> to vector<1x16xf32>
        tpu.vector_store %arg6[%swap3A_1722, %swap3A_1723], %swap3A_1726 {strides = array<i32>} : memref<128x128xf32, #tpu.memory_space<vmem>>, vector<1x16xf32>,
        %get3A_1727 = arith.constant 0 : i32
        %get3A_1728 = arith.index_cast %scan3A_112 : i32 to index
        %get3A_1729 = arith.index_cast %get3A_1727 : i32 to index
        %get3A_1730 = arith.constant 112 : index
        %get3A_1731 = tpu.vector_load %arg4[%get3A_1728, %get3A_1729, %get3A_1730] {strides = array<i32>} : memref<8x32x128xf32, #tpu.memory_space<vmem>>, vector<1x1x16xf32>,
        %get3A_1732 = vector.shape_cast %get3A_1731 : vector<1x1x16xf32> to vector<16xf32>
        %get3A_1733 = arith.constant 1 : i32
        %get3A_1734 = arith.index_cast %scan3A_112 : i32 to index
        %get3A_1735 = arith.index_cast %get3A_1733 : i32 to index
        %get3A_1736 = arith.constant 112 : index
        %get3A_1737 = tpu.vector_load %arg4[%get3A_1734, %get3A_1735, %get3A_1736] {strides = array<i32>} : memref<8x32x128xf32, #tpu.memory_space<vmem>>, vector<1x1x16xf32>,
        %get3A_1738 = vector.shape_cast %get3A_1737 : vector<1x1x16xf32> to vector<16xf32>
        %max3A_1739 = arith.maximumf %get3A_1732, %get3A_1738 : vector<16xf32>
        %get3A_1740 = arith.constant 2 : i32
        %get3A_1741 = arith.index_cast %scan3A_112 : i32 to index
        %get3A_1742 = arith.index_cast %get3A_1740 : i32 to index
        %get3A_1743 = arith.constant 112 : index
        %get3A_1744 = tpu.vector_load %arg4[%get3A_1741, %get3A_1742, %get3A_1743] {strides = array<i32>} : memref<8x32x128xf32, #tpu.memory_space<vmem>>, vector<1x1x16xf32>,
        %get3A_1745 = vector.shape_cast %get3A_1744 : vector<1x1x16xf32> to vector<16xf32>
        %max3A_1746 = arith.maximumf %max3A_1739, %get3A_1745 : vector<16xf32>
        %get3A_1747 = arith.constant 3 : i32
        %get3A_1748 = arith.index_cast %scan3A_112 : i32 to index
        %get3A_1749 = arith.index_cast %get3A_1747 : i32 to index
        %get3A_1750 = arith.constant 112 : index
        %get3A_1751 = tpu.vector_load %arg4[%get3A_1748, %get3A_1749, %get3A_1750] {strides = array<i32>} : memref<8x32x128xf32, #tpu.memory_space<vmem>>, vector<1x1x16xf32>,
        %get3A_1752 = vector.shape_cast %get3A_1751 : vector<1x1x16xf32> to vector<16xf32>
        %max3A_1753 = arith.maximumf %max3A_1746, %get3A_1752 : vector<16xf32>
        %get3A_1754 = arith.constant 4 : i32
        %get3A_1755 = arith.index_cast %scan3A_112 : i32 to index
        %get3A_1756 = arith.index_cast %get3A_1754 : i32 to index
        %get3A_1757 = arith.constant 112 : index
        %get3A_1758 = tpu.vector_load %arg4[%get3A_1755, %get3A_1756, %get3A_1757] {strides = array<i32>} : memref<8x32x128xf32, #tpu.memory_space<vmem>>, vector<1x1x16xf32>,
        %get3A_1759 = vector.shape_cast %get3A_1758 : vector<1x1x16xf32> to vector<16xf32>
        %max3A_1760 = arith.maximumf %max3A_1753, %get3A_1759 : vector<16xf32>
        %get3A_1761 = arith.constant 5 : i32
        %get3A_1762 = arith.index_cast %scan3A_112 : i32 to index
        %get3A_1763 = arith.index_cast %get3A_1761 : i32 to index
        %get3A_1764 = arith.constant 112 : index
        %get3A_1765 = tpu.vector_load %arg4[%get3A_1762, %get3A_1763, %get3A_1764] {strides = array<i32>} : memref<8x32x128xf32, #tpu.memory_space<vmem>>, vector<1x1x16xf32>,
        %get3A_1766 = vector.shape_cast %get3A_1765 : vector<1x1x16xf32> to vector<16xf32>
        %max3A_1767 = arith.maximumf %max3A_1760, %get3A_1766 : vector<16xf32>
        %get3A_1768 = arith.constant 6 : i32
        %get3A_1769 = arith.index_cast %scan3A_112 : i32 to index
        %get3A_1770 = arith.index_cast %get3A_1768 : i32 to index
        %get3A_1771 = arith.constant 112 : index
        %get3A_1772 = tpu.vector_load %arg4[%get3A_1769, %get3A_1770, %get3A_1771] {strides = array<i32>} : memref<8x32x128xf32, #tpu.memory_space<vmem>>, vector<1x1x16xf32>,
        %get3A_1773 = vector.shape_cast %get3A_1772 : vector<1x1x16xf32> to vector<16xf32>
        %max3A_1774 = arith.maximumf %max3A_1767, %get3A_1773 : vector<16xf32>
        %get3A_1775 = arith.constant 7 : i32
        %get3A_1776 = arith.index_cast %scan3A_112 : i32 to index
        %get3A_1777 = arith.index_cast %get3A_1775 : i32 to index
        %get3A_1778 = arith.constant 112 : index
        %get3A_1779 = tpu.vector_load %arg4[%get3A_1776, %get3A_1777, %get3A_1778] {strides = array<i32>} : memref<8x32x128xf32, #tpu.memory_space<vmem>>, vector<1x1x16xf32>,
        %get3A_1780 = vector.shape_cast %get3A_1779 : vector<1x1x16xf32> to vector<16xf32>
        %max3A_1781 = arith.maximumf %max3A_1774, %get3A_1780 : vector<16xf32>
        %get3A_1782 = arith.constant 8 : i32
        %get3A_1783 = arith.index_cast %scan3A_112 : i32 to index
        %get3A_1784 = arith.index_cast %get3A_1782 : i32 to index
        %get3A_1785 = arith.constant 112 : index
        %get3A_1786 = tpu.vector_load %arg4[%get3A_1783, %get3A_1784, %get3A_1785] {strides = array<i32>} : memref<8x32x128xf32, #tpu.memory_space<vmem>>, vector<1x1x16xf32>,
        %get3A_1787 = vector.shape_cast %get3A_1786 : vector<1x1x16xf32> to vector<16xf32>
        %max3A_1788 = arith.maximumf %max3A_1781, %get3A_1787 : vector<16xf32>
        %get3A_1789 = arith.constant 9 : i32
        %get3A_1790 = arith.index_cast %scan3A_112 : i32 to index
        %get3A_1791 = arith.index_cast %get3A_1789 : i32 to index
        %get3A_1792 = arith.constant 112 : index
        %get3A_1793 = tpu.vector_load %arg4[%get3A_1790, %get3A_1791, %get3A_1792] {strides = array<i32>} : memref<8x32x128xf32, #tpu.memory_space<vmem>>, vector<1x1x16xf32>,
        %get3A_1794 = vector.shape_cast %get3A_1793 : vector<1x1x16xf32> to vector<16xf32>
        %max3A_1795 = arith.maximumf %max3A_1788, %get3A_1794 : vector<16xf32>
        %get3A_1796 = arith.constant 10 : i32
        %get3A_1797 = arith.index_cast %scan3A_112 : i32 to index
        %get3A_1798 = arith.index_cast %get3A_1796 : i32 to index
        %get3A_1799 = arith.constant 112 : index
        %get3A_1800 = tpu.vector_load %arg4[%get3A_1797, %get3A_1798, %get3A_1799] {strides = array<i32>} : memref<8x32x128xf32, #tpu.memory_space<vmem>>, vector<1x1x16xf32>,
        %get3A_1801 = vector.shape_cast %get3A_1800 : vector<1x1x16xf32> to vector<16xf32>
        %max3A_1802 = arith.maximumf %max3A_1795, %get3A_1801 : vector<16xf32>
        %get3A_1803 = arith.constant 11 : i32
        %get3A_1804 = arith.index_cast %scan3A_112 : i32 to index
        %get3A_1805 = arith.index_cast %get3A_1803 : i32 to index
        %get3A_1806 = arith.constant 112 : index
        %get3A_1807 = tpu.vector_load %arg4[%get3A_1804, %get3A_1805, %get3A_1806] {strides = array<i32>} : memref<8x32x128xf32, #tpu.memory_space<vmem>>, vector<1x1x16xf32>,
        %get3A_1808 = vector.shape_cast %get3A_1807 : vector<1x1x16xf32> to vector<16xf32>
        %max3A_1809 = arith.maximumf %max3A_1802, %get3A_1808 : vector<16xf32>
        %get3A_1810 = arith.constant 12 : i32
        %get3A_1811 = arith.index_cast %scan3A_112 : i32 to index
        %get3A_1812 = arith.index_cast %get3A_1810 : i32 to index
        %get3A_1813 = arith.constant 112 : index
        %get3A_1814 = tpu.vector_load %arg4[%get3A_1811, %get3A_1812, %get3A_1813] {strides = array<i32>} : memref<8x32x128xf32, #tpu.memory_space<vmem>>, vector<1x1x16xf32>,
        %get3A_1815 = vector.shape_cast %get3A_1814 : vector<1x1x16xf32> to vector<16xf32>
        %max3A_1816 = arith.maximumf %max3A_1809, %get3A_1815 : vector<16xf32>
        %get3A_1817 = arith.constant 13 : i32
        %get3A_1818 = arith.index_cast %scan3A_112 : i32 to index
        %get3A_1819 = arith.index_cast %get3A_1817 : i32 to index
        %get3A_1820 = arith.constant 112 : index
        %get3A_1821 = tpu.vector_load %arg4[%get3A_1818, %get3A_1819, %get3A_1820] {strides = array<i32>} : memref<8x32x128xf32, #tpu.memory_space<vmem>>, vector<1x1x16xf32>,
        %get3A_1822 = vector.shape_cast %get3A_1821 : vector<1x1x16xf32> to vector<16xf32>
        %max3A_1823 = arith.maximumf %max3A_1816, %get3A_1822 : vector<16xf32>
        %get3A_1824 = arith.constant 14 : i32
        %get3A_1825 = arith.index_cast %scan3A_112 : i32 to index
        %get3A_1826 = arith.index_cast %get3A_1824 : i32 to index
        %get3A_1827 = arith.constant 112 : index
        %get3A_1828 = tpu.vector_load %arg4[%get3A_1825, %get3A_1826, %get3A_1827] {strides = array<i32>} : memref<8x32x128xf32, #tpu.memory_space<vmem>>, vector<1x1x16xf32>,
        %get3A_1829 = vector.shape_cast %get3A_1828 : vector<1x1x16xf32> to vector<16xf32>
        %max3A_1830 = arith.maximumf %max3A_1823, %get3A_1829 : vector<16xf32>
        %get3A_1831 = arith.constant 15 : i32
        %get3A_1832 = arith.index_cast %scan3A_112 : i32 to index
        %get3A_1833 = arith.index_cast %get3A_1831 : i32 to index
        %get3A_1834 = arith.constant 112 : index
        %get3A_1835 = tpu.vector_load %arg4[%get3A_1832, %get3A_1833, %get3A_1834] {strides = array<i32>} : memref<8x32x128xf32, #tpu.memory_space<vmem>>, vector<1x1x16xf32>,
        %get3A_1836 = vector.shape_cast %get3A_1835 : vector<1x1x16xf32> to vector<16xf32>
        %max3A_1837 = arith.maximumf %max3A_1830, %get3A_1836 : vector<16xf32>
        %get3A_1838 = arith.constant 16 : i32
        %get3A_1839 = arith.index_cast %scan3A_112 : i32 to index
        %get3A_1840 = arith.index_cast %get3A_1838 : i32 to index
        %get3A_1841 = arith.constant 112 : index
        %get3A_1842 = tpu.vector_load %arg4[%get3A_1839, %get3A_1840, %get3A_1841] {strides = array<i32>} : memref<8x32x128xf32, #tpu.memory_space<vmem>>, vector<1x1x16xf32>,
        %get3A_1843 = vector.shape_cast %get3A_1842 : vector<1x1x16xf32> to vector<16xf32>
        %max3A_1844 = arith.maximumf %max3A_1837, %get3A_1843 : vector<16xf32>
        %get3A_1845 = arith.constant 17 : i32
        %get3A_1846 = arith.index_cast %scan3A_112 : i32 to index
        %get3A_1847 = arith.index_cast %get3A_1845 : i32 to index
        %get3A_1848 = arith.constant 112 : index
        %get3A_1849 = tpu.vector_load %arg4[%get3A_1846, %get3A_1847, %get3A_1848] {strides = array<i32>} : memref<8x32x128xf32, #tpu.memory_space<vmem>>, vector<1x1x16xf32>,
        %get3A_1850 = vector.shape_cast %get3A_1849 : vector<1x1x16xf32> to vector<16xf32>
        %max3A_1851 = arith.maximumf %max3A_1844, %get3A_1850 : vector<16xf32>
        %get3A_1852 = arith.constant 18 : i32
        %get3A_1853 = arith.index_cast %scan3A_112 : i32 to index
        %get3A_1854 = arith.index_cast %get3A_1852 : i32 to index
        %get3A_1855 = arith.constant 112 : index
        %get3A_1856 = tpu.vector_load %arg4[%get3A_1853, %get3A_1854, %get3A_1855] {strides = array<i32>} : memref<8x32x128xf32, #tpu.memory_space<vmem>>, vector<1x1x16xf32>,
        %get3A_1857 = vector.shape_cast %get3A_1856 : vector<1x1x16xf32> to vector<16xf32>
        %max3A_1858 = arith.maximumf %max3A_1851, %get3A_1857 : vector<16xf32>
        %get3A_1859 = arith.constant 19 : i32
        %get3A_1860 = arith.index_cast %scan3A_112 : i32 to index
        %get3A_1861 = arith.index_cast %get3A_1859 : i32 to index
        %get3A_1862 = arith.constant 112 : index
        %get3A_1863 = tpu.vector_load %arg4[%get3A_1860, %get3A_1861, %get3A_1862] {strides = array<i32>} : memref<8x32x128xf32, #tpu.memory_space<vmem>>, vector<1x1x16xf32>,
        %get3A_1864 = vector.shape_cast %get3A_1863 : vector<1x1x16xf32> to vector<16xf32>
        %max3A_1865 = arith.maximumf %max3A_1858, %get3A_1864 : vector<16xf32>
        %get3A_1866 = arith.constant 20 : i32
        %get3A_1867 = arith.index_cast %scan3A_112 : i32 to index
        %get3A_1868 = arith.index_cast %get3A_1866 : i32 to index
        %get3A_1869 = arith.constant 112 : index
        %get3A_1870 = tpu.vector_load %arg4[%get3A_1867, %get3A_1868, %get3A_1869] {strides = array<i32>} : memref<8x32x128xf32, #tpu.memory_space<vmem>>, vector<1x1x16xf32>,
        %get3A_1871 = vector.shape_cast %get3A_1870 : vector<1x1x16xf32> to vector<16xf32>
        %max3A_1872 = arith.maximumf %max3A_1865, %get3A_1871 : vector<16xf32>
        %get3A_1873 = arith.constant 21 : i32
        %get3A_1874 = arith.index_cast %scan3A_112 : i32 to index
        %get3A_1875 = arith.index_cast %get3A_1873 : i32 to index
        %get3A_1876 = arith.constant 112 : index
        %get3A_1877 = tpu.vector_load %arg4[%get3A_1874, %get3A_1875, %get3A_1876] {strides = array<i32>} : memref<8x32x128xf32, #tpu.memory_space<vmem>>, vector<1x1x16xf32>,
        %get3A_1878 = vector.shape_cast %get3A_1877 : vector<1x1x16xf32> to vector<16xf32>
        %max3A_1879 = arith.maximumf %max3A_1872, %get3A_1878 : vector<16xf32>
        %get3A_1880 = arith.constant 22 : i32
        %get3A_1881 = arith.index_cast %scan3A_112 : i32 to index
        %get3A_1882 = arith.index_cast %get3A_1880 : i32 to index
        %get3A_1883 = arith.constant 112 : index
        %get3A_1884 = tpu.vector_load %arg4[%get3A_1881, %get3A_1882, %get3A_1883] {strides = array<i32>} : memref<8x32x128xf32, #tpu.memory_space<vmem>>, vector<1x1x16xf32>,
        %get3A_1885 = vector.shape_cast %get3A_1884 : vector<1x1x16xf32> to vector<16xf32>
        %max3A_1886 = arith.maximumf %max3A_1879, %get3A_1885 : vector<16xf32>
        %get3A_1887 = arith.constant 23 : i32
        %get3A_1888 = arith.index_cast %scan3A_112 : i32 to index
        %get3A_1889 = arith.index_cast %get3A_1887 : i32 to index
        %get3A_1890 = arith.constant 112 : index
        %get3A_1891 = tpu.vector_load %arg4[%get3A_1888, %get3A_1889, %get3A_1890] {strides = array<i32>} : memref<8x32x128xf32, #tpu.memory_space<vmem>>, vector<1x1x16xf32>,
        %get3A_1892 = vector.shape_cast %get3A_1891 : vector<1x1x16xf32> to vector<16xf32>
        %max3A_1893 = arith.maximumf %max3A_1886, %get3A_1892 : vector<16xf32>
        %get3A_1894 = arith.constant 24 : i32
        %get3A_1895 = arith.index_cast %scan3A_112 : i32 to index
        %get3A_1896 = arith.index_cast %get3A_1894 : i32 to index
        %get3A_1897 = arith.constant 112 : index
        %get3A_1898 = tpu.vector_load %arg4[%get3A_1895, %get3A_1896, %get3A_1897] {strides = array<i32>} : memref<8x32x128xf32, #tpu.memory_space<vmem>>, vector<1x1x16xf32>,
        %get3A_1899 = vector.shape_cast %get3A_1898 : vector<1x1x16xf32> to vector<16xf32>
        %max3A_1900 = arith.maximumf %max3A_1893, %get3A_1899 : vector<16xf32>
        %get3A_1901 = arith.constant 25 : i32
        %get3A_1902 = arith.index_cast %scan3A_112 : i32 to index
        %get3A_1903 = arith.index_cast %get3A_1901 : i32 to index
        %get3A_1904 = arith.constant 112 : index
        %get3A_1905 = tpu.vector_load %arg4[%get3A_1902, %get3A_1903, %get3A_1904] {strides = array<i32>} : memref<8x32x128xf32, #tpu.memory_space<vmem>>, vector<1x1x16xf32>,
        %get3A_1906 = vector.shape_cast %get3A_1905 : vector<1x1x16xf32> to vector<16xf32>
        %max3A_1907 = arith.maximumf %max3A_1900, %get3A_1906 : vector<16xf32>
        %get3A_1908 = arith.constant 26 : i32
        %get3A_1909 = arith.index_cast %scan3A_112 : i32 to index
        %get3A_1910 = arith.index_cast %get3A_1908 : i32 to index
        %get3A_1911 = arith.constant 112 : index
        %get3A_1912 = tpu.vector_load %arg4[%get3A_1909, %get3A_1910, %get3A_1911] {strides = array<i32>} : memref<8x32x128xf32, #tpu.memory_space<vmem>>, vector<1x1x16xf32>,
        %get3A_1913 = vector.shape_cast %get3A_1912 : vector<1x1x16xf32> to vector<16xf32>
        %max3A_1914 = arith.maximumf %max3A_1907, %get3A_1913 : vector<16xf32>
        %get3A_1915 = arith.constant 27 : i32
        %get3A_1916 = arith.index_cast %scan3A_112 : i32 to index
        %get3A_1917 = arith.index_cast %get3A_1915 : i32 to index
        %get3A_1918 = arith.constant 112 : index
        %get3A_1919 = tpu.vector_load %arg4[%get3A_1916, %get3A_1917, %get3A_1918] {strides = array<i32>} : memref<8x32x128xf32, #tpu.memory_space<vmem>>, vector<1x1x16xf32>,
        %get3A_1920 = vector.shape_cast %get3A_1919 : vector<1x1x16xf32> to vector<16xf32>
        %max3A_1921 = arith.maximumf %max3A_1914, %get3A_1920 : vector<16xf32>
        %get3A_1922 = arith.constant 28 : i32
        %get3A_1923 = arith.index_cast %scan3A_112 : i32 to index
        %get3A_1924 = arith.index_cast %get3A_1922 : i32 to index
        %get3A_1925 = arith.constant 112 : index
        %get3A_1926 = tpu.vector_load %arg4[%get3A_1923, %get3A_1924, %get3A_1925] {strides = array<i32>} : memref<8x32x128xf32, #tpu.memory_space<vmem>>, vector<1x1x16xf32>,
        %get3A_1927 = vector.shape_cast %get3A_1926 : vector<1x1x16xf32> to vector<16xf32>
        %max3A_1928 = arith.maximumf %max3A_1921, %get3A_1927 : vector<16xf32>
        %get3A_1929 = arith.constant 29 : i32
        %get3A_1930 = arith.index_cast %scan3A_112 : i32 to index
        %get3A_1931 = arith.index_cast %get3A_1929 : i32 to index
        %get3A_1932 = arith.constant 112 : index
        %get3A_1933 = tpu.vector_load %arg4[%get3A_1930, %get3A_1931, %get3A_1932] {strides = array<i32>} : memref<8x32x128xf32, #tpu.memory_space<vmem>>, vector<1x1x16xf32>,
        %get3A_1934 = vector.shape_cast %get3A_1933 : vector<1x1x16xf32> to vector<16xf32>
        %max3A_1935 = arith.maximumf %max3A_1928, %get3A_1934 : vector<16xf32>
        %get3A_1936 = arith.constant 30 : i32
        %get3A_1937 = arith.index_cast %scan3A_112 : i32 to index
        %get3A_1938 = arith.index_cast %get3A_1936 : i32 to index
        %get3A_1939 = arith.constant 112 : index
        %get3A_1940 = tpu.vector_load %arg4[%get3A_1937, %get3A_1938, %get3A_1939] {strides = array<i32>} : memref<8x32x128xf32, #tpu.memory_space<vmem>>, vector<1x1x16xf32>,
        %get3A_1941 = vector.shape_cast %get3A_1940 : vector<1x1x16xf32> to vector<16xf32>
        %max3A_1942 = arith.maximumf %max3A_1935, %get3A_1941 : vector<16xf32>
        %get3A_1943 = arith.constant 31 : i32
        %get3A_1944 = arith.index_cast %scan3A_112 : i32 to index
        %get3A_1945 = arith.index_cast %get3A_1943 : i32 to index
        %get3A_1946 = arith.constant 112 : index
        %get3A_1947 = tpu.vector_load %arg4[%get3A_1944, %get3A_1945, %get3A_1946] {strides = array<i32>} : memref<8x32x128xf32, #tpu.memory_space<vmem>>, vector<1x1x16xf32>,
        %get3A_1948 = vector.shape_cast %get3A_1947 : vector<1x1x16xf32> to vector<16xf32>
        %max3A_1949 = arith.maximumf %max3A_1942, %get3A_1948 : vector<16xf32>
        %mul3A_1950 = arith.constant 8 : i32
        %mul3A_1951 = arith.muli %mul3A_25, %mul3A_1950 : i32
        %add3A_1952 = arith.addi %mul3A_1951, %scan3A_112 : i32
        %swap3A_1953 = arith.index_cast %add3A_1952 : i32 to index
        %swap3A_1954 = arith.constant 112 : index
        %swap3A_1955 = tpu.vector_load %arg6[%swap3A_1953, %swap3A_1954] {strides = array<i32>} : memref<128x128xf32, #tpu.memory_space<vmem>>, vector<1x16xf32>,
        %swap3A_1956 = vector.shape_cast %swap3A_1955 : vector<1x16xf32> to vector<16xf32>
        %swap3A_1957 = vector.shape_cast %max3A_1949 : vector<16xf32> to vector<1x16xf32>
        tpu.vector_store %arg6[%swap3A_1953, %swap3A_1954], %swap3A_1957 {strides = array<i32>} : memref<128x128xf32, #tpu.memory_space<vmem>>, vector<1x16xf32>,
      }
      %scan3A_63 = arith.constant 8 : i32
      %mul3A_64 = arith.constant 8 : i32
      %mul3A_65 = arith.muli %mul3A_25, %mul3A_64 : i32
      %mul3A_66 = arith.constant 8 : i32
      %mul3A_67 = arith.muli %min3A_30, %mul3A_66 : i32
      %dma_start3A_68 = arith.constant 0 : i32
      %dma_start3A_69 = tpu.memref_slice %arg6[%mul3A_65, %dma_start3A_68] : memref<128x128xf32, #tpu.memory_space<vmem>> -> memref<8x128xf32, #tpu.memory_space<vmem>>
      %dma_start3A_70 = arith.constant 0 : i32
      %dma_start3A_71 = tpu.memref_slice %arg3[%mul3A_67, %dma_start3A_70] : memref<2000x128xf32, #tpu.memory_space<hbm>> -> memref<8x128xf32, #tpu.memory_space<hbm>>
      %dma_start3A_72 = arith.constant 0 : i32
      %dma_start3A_73 = tpu.memref_slice %arg3[%mul3A_67, %dma_start3A_72] : memref<2000x128xf32, #tpu.memory_space<hbm>> -> memref<8x128xf32, #tpu.memory_space<hbm>>
      %dma_start3A_74 = arith.constant 0 : i32
      %dma_start3A_75 = tpu.memref_slice %arg6[%mul3A_65, %dma_start3A_74] : memref<128x128xf32, #tpu.memory_space<vmem>> -> memref<8x128xf32, #tpu.memory_space<vmem>>
      tpu.enqueue_dma source(%dma_start3A_75 : memref<8x128xf32, #tpu.memory_space<vmem>>) target(%dma_start3A_73 : memref<8x128xf32, #tpu.memory_space<hbm>>) target_semaphore(%arg9 : memref<!tpu.dma_semaphore, #tpu.memory_space<semaphore_mem>>)
      %mul3A_76 = arith.constant 8 : i32
      %mul3A_77 = arith.muli %min3A_37, %mul3A_76 : i32
      %add3A_78 = arith.constant 8000 : i32
      %add3A_79 = arith.addi %add3A_78, %mul3A_77 : i32
      %dma_wait3A_80 = arith.constant 0 : i32
      %dma_wait3A_81 = arith.constant 0 : i32
      %dma_wait3A_82 = tpu.memref_slice %arg2[%add3A_79, %dma_wait3A_80, %dma_wait3A_81] : memref<10000x32x128xf32, #tpu.memory_space<hbm>> -> memref<8x32x128xf32, #tpu.memory_space<hbm>>
      %dma_wait3A_83 = arith.constant 0 : i32
      %dma_wait3A_84 = arith.constant 0 : i32
      %dma_wait3A_85 = tpu.memref_slice %arg2[%add3A_79, %dma_wait3A_83, %dma_wait3A_84] : memref<10000x32x128xf32, #tpu.memory_space<hbm>> -> memref<8x32x128xf32, #tpu.memory_space<hbm>>
      tpu.wait_dma2 semaphore(%arg8 : memref<!tpu.dma_semaphore, #tpu.memory_space<semaphore_mem>>) src(%dma_wait3A_85 : memref<8x32x128xf32, #tpu.memory_space<hbm>>) dst(%arg5 : memref<8x32x128xf32, #tpu.memory_space<vmem>>)
      %add3A_86 = arith.constant 2 : i32
      %add3A_87 = arith.addi %mul3A_25, %add3A_86 : i32
      %lt3A = arith.constant 16 : i32
      %lt3A_88 = arith.cmpi slt, %add3A_87, %lt3A : i32
      %convert_element_type3A = arith.extui %lt3A_88 : i1 to i32
      %cond3A = arith.constant 0 : i32
      %cond3A_89 = arith.cmpi ne, %convert_element_type3A, %cond3A : i32
      scf.if %cond3A_89 {
        %add3A_112 = arith.constant 2 : i32
        %add3A_113 = arith.addi %mul3A_25, %add3A_112 : i32
        %mul3A_114 = arith.constant 16 : i32
        %mul3A_115 = arith.muli %mul3A_114, %add3A_113 : i32
        %add3A_116 = arith.addi %add3A, %mul3A_115 : i32
        %min3A_117 = arith.constant 249 : i32
        %min3A_118 = arith.minsi %add3A_116, %min3A_117 : i32
        %mul3A_119 = arith.constant 8 : i32
        %mul3A_120 = arith.muli %min3A_118, %mul3A_119 : i32
        %add3A_121 = arith.constant 8000 : i32
        %add3A_122 = arith.addi %add3A_121, %mul3A_120 : i32
        %dma_start3A_123 = arith.constant 0 : i32
        %dma_start3A_124 = arith.constant 0 : i32
        %dma_start3A_125 = tpu.memref_slice %arg2[%add3A_122, %dma_start3A_123, %dma_start3A_124] : memref<10000x32x128xf32, #tpu.memory_space<hbm>> -> memref<8x32x128xf32, #tpu.memory_space<hbm>>
        %dma_start3A_126 = arith.constant 0 : i32
        %dma_start3A_127 = arith.constant 0 : i32
        %dma_start3A_128 = tpu.memref_slice %arg2[%add3A_122, %dma_start3A_126, %dma_start3A_127] : memref<10000x32x128xf32, #tpu.memory_space<hbm>> -> memref<8x32x128xf32, #tpu.memory_space<hbm>>
        tpu.enqueue_dma source(%dma_start3A_128 : memref<8x32x128xf32, #tpu.memory_space<hbm>>) target(%arg4 : memref<8x32x128xf32, #tpu.memory_space<vmem>>) target_semaphore(%arg7 : memref<!tpu.dma_semaphore, #tpu.memory_space<semaphore_mem>>)
      } else {
      }
      %add3A_90 = arith.constant 1 : i32
      %add3A_91 = arith.addi %mul3A_25, %add3A_90 : i32
      %scan3A_92 = arith.constant 0 : i32
      %scan3A_93 = arith.constant 0 : i32
      %scan3A_94 = arith.constant 8 : i32
      %scan3A_95 = arith.addi %scan3A_93, %scan3A_94 : i32
      %scan3A_96 = arith.constant 1 : i32
      scf.for %scan3A_112 = %scan3A_93 to %scan3A_95 step %scan3A_96  : i32 {
        %get3A = arith.constant 0 : i32
        %get3A_113 = arith.index_cast %scan3A_112 : i32 to index
        %get3A_114 = arith.index_cast %get3A : i32 to index
        %get3A_115 = arith.constant 0 : index
        %get3A_116 = tpu.vector_load %arg5[%get3A_113, %get3A_114, %get3A_115] {strides = array<i32>} : memref<8x32x128xf32, #tpu.memory_space<vmem>>, vector<1x1x16xf32>,
        %get3A_117 = vector.shape_cast %get3A_116 : vector<1x1x16xf32> to vector<16xf32>
        %get3A_118 = arith.constant 1 : i32
        %get3A_119 = arith.index_cast %scan3A_112 : i32 to index
        %get3A_120 = arith.index_cast %get3A_118 : i32 to index
        %get3A_121 = arith.constant 0 : index
        %get3A_122 = tpu.vector_load %arg5[%get3A_119, %get3A_120, %get3A_121] {strides = array<i32>} : memref<8x32x128xf32, #tpu.memory_space<vmem>>, vector<1x1x16xf32>,
        %get3A_123 = vector.shape_cast %get3A_122 : vector<1x1x16xf32> to vector<16xf32>
        %max3A = arith.maximumf %get3A_117, %get3A_123 : vector<16xf32>
        %get3A_124 = arith.constant 2 : i32
        %get3A_125 = arith.index_cast %scan3A_112 : i32 to index
        %get3A_126 = arith.index_cast %get3A_124 : i32 to index
        %get3A_127 = arith.constant 0 : index
        %get3A_128 = tpu.vector_load %arg5[%get3A_125, %get3A_126, %get3A_127] {strides = array<i32>} : memref<8x32x128xf32, #tpu.memory_space<vmem>>, vector<1x1x16xf32>,
        %get3A_129 = vector.shape_cast %get3A_128 : vector<1x1x16xf32> to vector<16xf32>
        %max3A_130 = arith.maximumf %max3A, %get3A_129 : vector<16xf32>
        %get3A_131 = arith.constant 3 : i32
        %get3A_132 = arith.index_cast %scan3A_112 : i32 to index
        %get3A_133 = arith.index_cast %get3A_131 : i32 to index
        %get3A_134 = arith.constant 0 : index
        %get3A_135 = tpu.vector_load %arg5[%get3A_132, %get3A_133, %get3A_134] {strides = array<i32>} : memref<8x32x128xf32, #tpu.memory_space<vmem>>, vector<1x1x16xf32>,
        %get3A_136 = vector.shape_cast %get3A_135 : vector<1x1x16xf32> to vector<16xf32>
        %max3A_137 = arith.maximumf %max3A_130, %get3A_136 : vector<16xf32>
        %get3A_138 = arith.constant 4 : i32
        %get3A_139 = arith.index_cast %scan3A_112 : i32 to index
        %get3A_140 = arith.index_cast %get3A_138 : i32 to index
        %get3A_141 = arith.constant 0 : index
        %get3A_142 = tpu.vector_load %arg5[%get3A_139, %get3A_140, %get3A_141] {strides = array<i32>} : memref<8x32x128xf32, #tpu.memory_space<vmem>>, vector<1x1x16xf32>,
        %get3A_143 = vector.shape_cast %get3A_142 : vector<1x1x16xf32> to vector<16xf32>
        %max3A_144 = arith.maximumf %max3A_137, %get3A_143 : vector<16xf32>
        %get3A_145 = arith.constant 5 : i32
        %get3A_146 = arith.index_cast %scan3A_112 : i32 to index
        %get3A_147 = arith.index_cast %get3A_145 : i32 to index
        %get3A_148 = arith.constant 0 : index
        %get3A_149 = tpu.vector_load %arg5[%get3A_146, %get3A_147, %get3A_148] {strides = array<i32>} : memref<8x32x128xf32, #tpu.memory_space<vmem>>, vector<1x1x16xf32>,
        %get3A_150 = vector.shape_cast %get3A_149 : vector<1x1x16xf32> to vector<16xf32>
        %max3A_151 = arith.maximumf %max3A_144, %get3A_150 : vector<16xf32>
        %get3A_152 = arith.constant 6 : i32
        %get3A_153 = arith.index_cast %scan3A_112 : i32 to index
        %get3A_154 = arith.index_cast %get3A_152 : i32 to index
        %get3A_155 = arith.constant 0 : index
        %get3A_156 = tpu.vector_load %arg5[%get3A_153, %get3A_154, %get3A_155] {strides = array<i32>} : memref<8x32x128xf32, #tpu.memory_space<vmem>>, vector<1x1x16xf32>,
        %get3A_157 = vector.shape_cast %get3A_156 : vector<1x1x16xf32> to vector<16xf32>
        %max3A_158 = arith.maximumf %max3A_151, %get3A_157 : vector<16xf32>
        %get3A_159 = arith.constant 7 : i32
        %get3A_160 = arith.index_cast %scan3A_112 : i32 to index
        %get3A_161 = arith.index_cast %get3A_159 : i32 to index
        %get3A_162 = arith.constant 0 : index
        %get3A_163 = tpu.vector_load %arg5[%get3A_160, %get3A_161, %get3A_162] {strides = array<i32>} : memref<8x32x128xf32, #tpu.memory_space<vmem>>, vector<1x1x16xf32>,
        %get3A_164 = vector.shape_cast %get3A_163 : vector<1x1x16xf32> to vector<16xf32>
        %max3A_165 = arith.maximumf %max3A_158, %get3A_164 : vector<16xf32>
        %get3A_166 = arith.constant 8 : i32
        %get3A_167 = arith.index_cast %scan3A_112 : i32 to index
        %get3A_168 = arith.index_cast %get3A_166 : i32 to index
        %get3A_169 = arith.constant 0 : index
        %get3A_170 = tpu.vector_load %arg5[%get3A_167, %get3A_168, %get3A_169] {strides = array<i32>} : memref<8x32x128xf32, #tpu.memory_space<vmem>>, vector<1x1x16xf32>,
        %get3A_171 = vector.shape_cast %get3A_170 : vector<1x1x16xf32> to vector<16xf32>
        %max3A_172 = arith.maximumf %max3A_165, %get3A_171 : vector<16xf32>
        %get3A_173 = arith.constant 9 : i32
        %get3A_174 = arith.index_cast %scan3A_112 : i32 to index
        %get3A_175 = arith.index_cast %get3A_173 : i32 to index
        %get3A_176 = arith.constant 0 : index
        %get3A_177 = tpu.vector_load %arg5[%get3A_174, %get3A_175, %get3A_176] {strides = array<i32>} : memref<8x32x128xf32, #tpu.memory_space<vmem>>, vector<1x1x16xf32>,
        %get3A_178 = vector.shape_cast %get3A_177 : vector<1x1x16xf32> to vector<16xf32>
        %max3A_179 = arith.maximumf %max3A_172, %get3A_178 : vector<16xf32>
        %get3A_180 = arith.constant 10 : i32
        %get3A_181 = arith.index_cast %scan3A_112 : i32 to index
        %get3A_182 = arith.index_cast %get3A_180 : i32 to index
        %get3A_183 = arith.constant 0 : index
        %get3A_184 = tpu.vector_load %arg5[%get3A_181, %get3A_182, %get3A_183] {strides = array<i32>} : memref<8x32x128xf32, #tpu.memory_space<vmem>>, vector<1x1x16xf32>,
        %get3A_185 = vector.shape_cast %get3A_184 : vector<1x1x16xf32> to vector<16xf32>
        %max3A_186 = arith.maximumf %max3A_179, %get3A_185 : vector<16xf32>
        %get3A_187 = arith.constant 11 : i32
        %get3A_188 = arith.index_cast %scan3A_112 : i32 to index
        %get3A_189 = arith.index_cast %get3A_187 : i32 to index
        %get3A_190 = arith.constant 0 : index
        %get3A_191 = tpu.vector_load %arg5[%get3A_188, %get3A_189, %get3A_190] {strides = array<i32>} : memref<8x32x128xf32, #tpu.memory_space<vmem>>, vector<1x1x16xf32>,
        %get3A_192 = vector.shape_cast %get3A_191 : vector<1x1x16xf32> to vector<16xf32>
        %max3A_193 = arith.maximumf %max3A_186, %get3A_192 : vector<16xf32>
        %get3A_194 = arith.constant 12 : i32
        %get3A_195 = arith.index_cast %scan3A_112 : i32 to index
        %get3A_196 = arith.index_cast %get3A_194 : i32 to index
        %get3A_197 = arith.constant 0 : index
        %get3A_198 = tpu.vector_load %arg5[%get3A_195, %get3A_196, %get3A_197] {strides = array<i32>} : memref<8x32x128xf32, #tpu.memory_space<vmem>>, vector<1x1x16xf32>,
        %get3A_199 = vector.shape_cast %get3A_198 : vector<1x1x16xf32> to vector<16xf32>
        %max3A_200 = arith.maximumf %max3A_193, %get3A_199 : vector<16xf32>
        %get3A_201 = arith.constant 13 : i32
        %get3A_202 = arith.index_cast %scan3A_112 : i32 to index
        %get3A_203 = arith.index_cast %get3A_201 : i32 to index
        %get3A_204 = arith.constant 0 : index
        %get3A_205 = tpu.vector_load %arg5[%get3A_202, %get3A_203, %get3A_204] {strides = array<i32>} : memref<8x32x128xf32, #tpu.memory_space<vmem>>, vector<1x1x16xf32>,
        %get3A_206 = vector.shape_cast %get3A_205 : vector<1x1x16xf32> to vector<16xf32>
        %max3A_207 = arith.maximumf %max3A_200, %get3A_206 : vector<16xf32>
        %get3A_208 = arith.constant 14 : i32
        %get3A_209 = arith.index_cast %scan3A_112 : i32 to index
        %get3A_210 = arith.index_cast %get3A_208 : i32 to index
        %get3A_211 = arith.constant 0 : index
        %get3A_212 = tpu.vector_load %arg5[%get3A_209, %get3A_210, %get3A_211] {strides = array<i32>} : memref<8x32x128xf32, #tpu.memory_space<vmem>>, vector<1x1x16xf32>,
        %get3A_213 = vector.shape_cast %get3A_212 : vector<1x1x16xf32> to vector<16xf32>
        %max3A_214 = arith.maximumf %max3A_207, %get3A_213 : vector<16xf32>
        %get3A_215 = arith.constant 15 : i32
        %get3A_216 = arith.index_cast %scan3A_112 : i32 to index
        %get3A_217 = arith.index_cast %get3A_215 : i32 to index
        %get3A_218 = arith.constant 0 : index
        %get3A_219 = tpu.vector_load %arg5[%get3A_216, %get3A_217, %get3A_218] {strides = array<i32>} : memref<8x32x128xf32, #tpu.memory_space<vmem>>, vector<1x1x16xf32>,
        %get3A_220 = vector.shape_cast %get3A_219 : vector<1x1x16xf32> to vector<16xf32>
        %max3A_221 = arith.maximumf %max3A_214, %get3A_220 : vector<16xf32>
        %get3A_222 = arith.constant 16 : i32
        %get3A_223 = arith.index_cast %scan3A_112 : i32 to index
        %get3A_224 = arith.index_cast %get3A_222 : i32 to index
        %get3A_225 = arith.constant 0 : index
        %get3A_226 = tpu.vector_load %arg5[%get3A_223, %get3A_224, %get3A_225] {strides = array<i32>} : memref<8x32x128xf32, #tpu.memory_space<vmem>>, vector<1x1x16xf32>,
        %get3A_227 = vector.shape_cast %get3A_226 : vector<1x1x16xf32> to vector<16xf32>
        %max3A_228 = arith.maximumf %max3A_221, %get3A_227 : vector<16xf32>
        %get3A_229 = arith.constant 17 : i32
        %get3A_230 = arith.index_cast %scan3A_112 : i32 to index
        %get3A_231 = arith.index_cast %get3A_229 : i32 to index
        %get3A_232 = arith.constant 0 : index
        %get3A_233 = tpu.vector_load %arg5[%get3A_230, %get3A_231, %get3A_232] {strides = array<i32>} : memref<8x32x128xf32, #tpu.memory_space<vmem>>, vector<1x1x16xf32>,
        %get3A_234 = vector.shape_cast %get3A_233 : vector<1x1x16xf32> to vector<16xf32>
        %max3A_235 = arith.maximumf %max3A_228, %get3A_234 : vector<16xf32>
        %get3A_236 = arith.constant 18 : i32
        %get3A_237 = arith.index_cast %scan3A_112 : i32 to index
        %get3A_238 = arith.index_cast %get3A_236 : i32 to index
        %get3A_239 = arith.constant 0 : index
        %get3A_240 = tpu.vector_load %arg5[%get3A_237, %get3A_238, %get3A_239] {strides = array<i32>} : memref<8x32x128xf32, #tpu.memory_space<vmem>>, vector<1x1x16xf32>,
        %get3A_241 = vector.shape_cast %get3A_240 : vector<1x1x16xf32> to vector<16xf32>
        %max3A_242 = arith.maximumf %max3A_235, %get3A_241 : vector<16xf32>
        %get3A_243 = arith.constant 19 : i32
        %get3A_244 = arith.index_cast %scan3A_112 : i32 to index
        %get3A_245 = arith.index_cast %get3A_243 : i32 to index
        %get3A_246 = arith.constant 0 : index
        %get3A_247 = tpu.vector_load %arg5[%get3A_244, %get3A_245, %get3A_246] {strides = array<i32>} : memref<8x32x128xf32, #tpu.memory_space<vmem>>, vector<1x1x16xf32>,
        %get3A_248 = vector.shape_cast %get3A_247 : vector<1x1x16xf32> to vector<16xf32>
        %max3A_249 = arith.maximumf %max3A_242, %get3A_248 : vector<16xf32>
        %get3A_250 = arith.constant 20 : i32
        %get3A_251 = arith.index_cast %scan3A_112 : i32 to index
        %get3A_252 = arith.index_cast %get3A_250 : i32 to index
        %get3A_253 = arith.constant 0 : index
        %get3A_254 = tpu.vector_load %arg5[%get3A_251, %get3A_252, %get3A_253] {strides = array<i32>} : memref<8x32x128xf32, #tpu.memory_space<vmem>>, vector<1x1x16xf32>,
        %get3A_255 = vector.shape_cast %get3A_254 : vector<1x1x16xf32> to vector<16xf32>
        %max3A_256 = arith.maximumf %max3A_249, %get3A_255 : vector<16xf32>
        %get3A_257 = arith.constant 21 : i32
        %get3A_258 = arith.index_cast %scan3A_112 : i32 to index
        %get3A_259 = arith.index_cast %get3A_257 : i32 to index
        %get3A_260 = arith.constant 0 : index
        %get3A_261 = tpu.vector_load %arg5[%get3A_258, %get3A_259, %get3A_260] {strides = array<i32>} : memref<8x32x128xf32, #tpu.memory_space<vmem>>, vector<1x1x16xf32>,
        %get3A_262 = vector.shape_cast %get3A_261 : vector<1x1x16xf32> to vector<16xf32>
        %max3A_263 = arith.maximumf %max3A_256, %get3A_262 : vector<16xf32>
        %get3A_264 = arith.constant 22 : i32
        %get3A_265 = arith.index_cast %scan3A_112 : i32 to index
        %get3A_266 = arith.index_cast %get3A_264 : i32 to index
        %get3A_267 = arith.constant 0 : index
        %get3A_268 = tpu.vector_load %arg5[%get3A_265, %get3A_266, %get3A_267] {strides = array<i32>} : memref<8x32x128xf32, #tpu.memory_space<vmem>>, vector<1x1x16xf32>,
        %get3A_269 = vector.shape_cast %get3A_268 : vector<1x1x16xf32> to vector<16xf32>
        %max3A_270 = arith.maximumf %max3A_263, %get3A_269 : vector<16xf32>
        %get3A_271 = arith.constant 23 : i32
        %get3A_272 = arith.index_cast %scan3A_112 : i32 to index
        %get3A_273 = arith.index_cast %get3A_271 : i32 to index
        %get3A_274 = arith.constant 0 : index
        %get3A_275 = tpu.vector_load %arg5[%get3A_272, %get3A_273, %get3A_274] {strides = array<i32>} : memref<8x32x128xf32, #tpu.memory_space<vmem>>, vector<1x1x16xf32>,
        %get3A_276 = vector.shape_cast %get3A_275 : vector<1x1x16xf32> to vector<16xf32>
        %max3A_277 = arith.maximumf %max3A_270, %get3A_276 : vector<16xf32>
        %get3A_278 = arith.constant 24 : i32
        %get3A_279 = arith.index_cast %scan3A_112 : i32 to index
        %get3A_280 = arith.index_cast %get3A_278 : i32 to index
        %get3A_281 = arith.constant 0 : index
        %get3A_282 = tpu.vector_load %arg5[%get3A_279, %get3A_280, %get3A_281] {strides = array<i32>} : memref<8x32x128xf32, #tpu.memory_space<vmem>>, vector<1x1x16xf32>,
        %get3A_283 = vector.shape_cast %get3A_282 : vector<1x1x16xf32> to vector<16xf32>
        %max3A_284 = arith.maximumf %max3A_277, %get3A_283 : vector<16xf32>
        %get3A_285 = arith.constant 25 : i32
        %get3A_286 = arith.index_cast %scan3A_112 : i32 to index
        %get3A_287 = arith.index_cast %get3A_285 : i32 to index
        %get3A_288 = arith.constant 0 : index
        %get3A_289 = tpu.vector_load %arg5[%get3A_286, %get3A_287, %get3A_288] {strides = array<i32>} : memref<8x32x128xf32, #tpu.memory_space<vmem>>, vector<1x1x16xf32>,
        %get3A_290 = vector.shape_cast %get3A_289 : vector<1x1x16xf32> to vector<16xf32>
        %max3A_291 = arith.maximumf %max3A_284, %get3A_290 : vector<16xf32>
        %get3A_292 = arith.constant 26 : i32
        %get3A_293 = arith.index_cast %scan3A_112 : i32 to index
        %get3A_294 = arith.index_cast %get3A_292 : i32 to index
        %get3A_295 = arith.constant 0 : index
        %get3A_296 = tpu.vector_load %arg5[%get3A_293, %get3A_294, %get3A_295] {strides = array<i32>} : memref<8x32x128xf32, #tpu.memory_space<vmem>>, vector<1x1x16xf32>,
        %get3A_297 = vector.shape_cast %get3A_296 : vector<1x1x16xf32> to vector<16xf32>
        %max3A_298 = arith.maximumf %max3A_291, %get3A_297 : vector<16xf32>
        %get3A_299 = arith.constant 27 : i32
        %get3A_300 = arith.index_cast %scan3A_112 : i32 to index
        %get3A_301 = arith.index_cast %get3A_299 : i32 to index
        %get3A_302 = arith.constant 0 : index
        %get3A_303 = tpu.vector_load %arg5[%get3A_300, %get3A_301, %get3A_302] {strides = array<i32>} : memref<8x32x128xf32, #tpu.memory_space<vmem>>, vector<1x1x16xf32>,
        %get3A_304 = vector.shape_cast %get3A_303 : vector<1x1x16xf32> to vector<16xf32>
        %max3A_305 = arith.maximumf %max3A_298, %get3A_304 : vector<16xf32>
        %get3A_306 = arith.constant 28 : i32
        %get3A_307 = arith.index_cast %scan3A_112 : i32 to index
        %get3A_308 = arith.index_cast %get3A_306 : i32 to index
        %get3A_309 = arith.constant 0 : index
        %get3A_310 = tpu.vector_load %arg5[%get3A_307, %get3A_308, %get3A_309] {strides = array<i32>} : memref<8x32x128xf32, #tpu.memory_space<vmem>>, vector<1x1x16xf32>,
        %get3A_311 = vector.shape_cast %get3A_310 : vector<1x1x16xf32> to vector<16xf32>
        %max3A_312 = arith.maximumf %max3A_305, %get3A_311 : vector<16xf32>
        %get3A_313 = arith.constant 29 : i32
        %get3A_314 = arith.index_cast %scan3A_112 : i32 to index
        %get3A_315 = arith.index_cast %get3A_313 : i32 to index
        %get3A_316 = arith.constant 0 : index
        %get3A_317 = tpu.vector_load %arg5[%get3A_314, %get3A_315, %get3A_316] {strides = array<i32>} : memref<8x32x128xf32, #tpu.memory_space<vmem>>, vector<1x1x16xf32>,
        %get3A_318 = vector.shape_cast %get3A_317 : vector<1x1x16xf32> to vector<16xf32>
        %max3A_319 = arith.maximumf %max3A_312, %get3A_318 : vector<16xf32>
        %get3A_320 = arith.constant 30 : i32
        %get3A_321 = arith.index_cast %scan3A_112 : i32 to index
        %get3A_322 = arith.index_cast %get3A_320 : i32 to index
        %get3A_323 = arith.constant 0 : index
        %get3A_324 = tpu.vector_load %arg5[%get3A_321, %get3A_322, %get3A_323] {strides = array<i32>} : memref<8x32x128xf32, #tpu.memory_space<vmem>>, vector<1x1x16xf32>,
        %get3A_325 = vector.shape_cast %get3A_324 : vector<1x1x16xf32> to vector<16xf32>
        %max3A_326 = arith.maximumf %max3A_319, %get3A_325 : vector<16xf32>
        %get3A_327 = arith.constant 31 : i32
        %get3A_328 = arith.index_cast %scan3A_112 : i32 to index
        %get3A_329 = arith.index_cast %get3A_327 : i32 to index
        %get3A_330 = arith.constant 0 : index
        %get3A_331 = tpu.vector_load %arg5[%get3A_328, %get3A_329, %get3A_330] {strides = array<i32>} : memref<8x32x128xf32, #tpu.memory_space<vmem>>, vector<1x1x16xf32>,
        %get3A_332 = vector.shape_cast %get3A_331 : vector<1x1x16xf32> to vector<16xf32>
        %max3A_333 = arith.maximumf %max3A_326, %get3A_332 : vector<16xf32>
        %mul3A_334 = arith.constant 8 : i32
        %mul3A_335 = arith.muli %add3A_91, %mul3A_334 : i32
        %add3A_336 = arith.addi %mul3A_335, %scan3A_112 : i32
        %swap3A = arith.index_cast %add3A_336 : i32 to index
        %swap3A_337 = arith.constant 0 : index
        %swap3A_338 = tpu.vector_load %arg6[%swap3A, %swap3A_337] {strides = array<i32>} : memref<128x128xf32, #tpu.memory_space<vmem>>, vector<1x16xf32>,
        %swap3A_339 = vector.shape_cast %swap3A_338 : vector<1x16xf32> to vector<16xf32>
        %swap3A_340 = vector.shape_cast %max3A_333 : vector<16xf32> to vector<1x16xf32>
        tpu.vector_store %arg6[%swap3A, %swap3A_337], %swap3A_340 {strides = array<i32>} : memref<128x128xf32, #tpu.memory_space<vmem>>, vector<1x16xf32>,
        %get3A_341 = arith.constant 0 : i32
        %get3A_342 = arith.index_cast %scan3A_112 : i32 to index
        %get3A_343 = arith.index_cast %get3A_341 : i32 to index
        %get3A_344 = arith.constant 16 : index
        %get3A_345 = tpu.vector_load %arg5[%get3A_342, %get3A_343, %get3A_344] {strides = array<i32>} : memref<8x32x128xf32, #tpu.memory_space<vmem>>, vector<1x1x16xf32>,
        %get3A_346 = vector.shape_cast %get3A_345 : vector<1x1x16xf32> to vector<16xf32>
        %get3A_347 = arith.constant 1 : i32
        %get3A_348 = arith.index_cast %scan3A_112 : i32 to index
        %get3A_349 = arith.index_cast %get3A_347 : i32 to index
        %get3A_350 = arith.constant 16 : index
        %get3A_351 = tpu.vector_load %arg5[%get3A_348, %get3A_349, %get3A_350] {strides = array<i32>} : memref<8x32x128xf32, #tpu.memory_space<vmem>>, vector<1x1x16xf32>,
        %get3A_352 = vector.shape_cast %get3A_351 : vector<1x1x16xf32> to vector<16xf32>
        %max3A_353 = arith.maximumf %get3A_346, %get3A_352 : vector<16xf32>
        %get3A_354 = arith.constant 2 : i32
        %get3A_355 = arith.index_cast %scan3A_112 : i32 to index
        %get3A_356 = arith.index_cast %get3A_354 : i32 to index
        %get3A_357 = arith.constant 16 : index
        %get3A_358 = tpu.vector_load %arg5[%get3A_355, %get3A_356, %get3A_357] {strides = array<i32>} : memref<8x32x128xf32, #tpu.memory_space<vmem>>, vector<1x1x16xf32>,
        %get3A_359 = vector.shape_cast %get3A_358 : vector<1x1x16xf32> to vector<16xf32>
        %max3A_360 = arith.maximumf %max3A_353, %get3A_359 : vector<16xf32>
        %get3A_361 = arith.constant 3 : i32
        %get3A_362 = arith.index_cast %scan3A_112 : i32 to index
        %get3A_363 = arith.index_cast %get3A_361 : i32 to index
        %get3A_364 = arith.constant 16 : index
        %get3A_365 = tpu.vector_load %arg5[%get3A_362, %get3A_363, %get3A_364] {strides = array<i32>} : memref<8x32x128xf32, #tpu.memory_space<vmem>>, vector<1x1x16xf32>,
        %get3A_366 = vector.shape_cast %get3A_365 : vector<1x1x16xf32> to vector<16xf32>
        %max3A_367 = arith.maximumf %max3A_360, %get3A_366 : vector<16xf32>
        %get3A_368 = arith.constant 4 : i32
        %get3A_369 = arith.index_cast %scan3A_112 : i32 to index
        %get3A_370 = arith.index_cast %get3A_368 : i32 to index
        %get3A_371 = arith.constant 16 : index
        %get3A_372 = tpu.vector_load %arg5[%get3A_369, %get3A_370, %get3A_371] {strides = array<i32>} : memref<8x32x128xf32, #tpu.memory_space<vmem>>, vector<1x1x16xf32>,
        %get3A_373 = vector.shape_cast %get3A_372 : vector<1x1x16xf32> to vector<16xf32>
        %max3A_374 = arith.maximumf %max3A_367, %get3A_373 : vector<16xf32>
        %get3A_375 = arith.constant 5 : i32
        %get3A_376 = arith.index_cast %scan3A_112 : i32 to index
        %get3A_377 = arith.index_cast %get3A_375 : i32 to index
        %get3A_378 = arith.constant 16 : index
        %get3A_379 = tpu.vector_load %arg5[%get3A_376, %get3A_377, %get3A_378] {strides = array<i32>} : memref<8x32x128xf32, #tpu.memory_space<vmem>>, vector<1x1x16xf32>,
        %get3A_380 = vector.shape_cast %get3A_379 : vector<1x1x16xf32> to vector<16xf32>
        %max3A_381 = arith.maximumf %max3A_374, %get3A_380 : vector<16xf32>
        %get3A_382 = arith.constant 6 : i32
        %get3A_383 = arith.index_cast %scan3A_112 : i32 to index
        %get3A_384 = arith.index_cast %get3A_382 : i32 to index
        %get3A_385 = arith.constant 16 : index
        %get3A_386 = tpu.vector_load %arg5[%get3A_383, %get3A_384, %get3A_385] {strides = array<i32>} : memref<8x32x128xf32, #tpu.memory_space<vmem>>, vector<1x1x16xf32>,
        %get3A_387 = vector.shape_cast %get3A_386 : vector<1x1x16xf32> to vector<16xf32>
        %max3A_388 = arith.maximumf %max3A_381, %get3A_387 : vector<16xf32>
        %get3A_389 = arith.constant 7 : i32
        %get3A_390 = arith.index_cast %scan3A_112 : i32 to index
        %get3A_391 = arith.index_cast %get3A_389 : i32 to index
        %get3A_392 = arith.constant 16 : index
        %get3A_393 = tpu.vector_load %arg5[%get3A_390, %get3A_391, %get3A_392] {strides = array<i32>} : memref<8x32x128xf32, #tpu.memory_space<vmem>>, vector<1x1x16xf32>,
        %get3A_394 = vector.shape_cast %get3A_393 : vector<1x1x16xf32> to vector<16xf32>
        %max3A_395 = arith.maximumf %max3A_388, %get3A_394 : vector<16xf32>
        %get3A_396 = arith.constant 8 : i32
        %get3A_397 = arith.index_cast %scan3A_112 : i32 to index
        %get3A_398 = arith.index_cast %get3A_396 : i32 to index
        %get3A_399 = arith.constant 16 : index
        %get3A_400 = tpu.vector_load %arg5[%get3A_397, %get3A_398, %get3A_399] {strides = array<i32>} : memref<8x32x128xf32, #tpu.memory_space<vmem>>, vector<1x1x16xf32>,
        %get3A_401 = vector.shape_cast %get3A_400 : vector<1x1x16xf32> to vector<16xf32>
        %max3A_402 = arith.maximumf %max3A_395, %get3A_401 : vector<16xf32>
        %get3A_403 = arith.constant 9 : i32
        %get3A_404 = arith.index_cast %scan3A_112 : i32 to index
        %get3A_405 = arith.index_cast %get3A_403 : i32 to index
        %get3A_406 = arith.constant 16 : index
        %get3A_407 = tpu.vector_load %arg5[%get3A_404, %get3A_405, %get3A_406] {strides = array<i32>} : memref<8x32x128xf32, #tpu.memory_space<vmem>>, vector<1x1x16xf32>,
        %get3A_408 = vector.shape_cast %get3A_407 : vector<1x1x16xf32> to vector<16xf32>
        %max3A_409 = arith.maximumf %max3A_402, %get3A_408 : vector<16xf32>
        %get3A_410 = arith.constant 10 : i32
        %get3A_411 = arith.index_cast %scan3A_112 : i32 to index
        %get3A_412 = arith.index_cast %get3A_410 : i32 to index
        %get3A_413 = arith.constant 16 : index
        %get3A_414 = tpu.vector_load %arg5[%get3A_411, %get3A_412, %get3A_413] {strides = array<i32>} : memref<8x32x128xf32, #tpu.memory_space<vmem>>, vector<1x1x16xf32>,
        %get3A_415 = vector.shape_cast %get3A_414 : vector<1x1x16xf32> to vector<16xf32>
        %max3A_416 = arith.maximumf %max3A_409, %get3A_415 : vector<16xf32>
        %get3A_417 = arith.constant 11 : i32
        %get3A_418 = arith.index_cast %scan3A_112 : i32 to index
        %get3A_419 = arith.index_cast %get3A_417 : i32 to index
        %get3A_420 = arith.constant 16 : index
        %get3A_421 = tpu.vector_load %arg5[%get3A_418, %get3A_419, %get3A_420] {strides = array<i32>} : memref<8x32x128xf32, #tpu.memory_space<vmem>>, vector<1x1x16xf32>,
        %get3A_422 = vector.shape_cast %get3A_421 : vector<1x1x16xf32> to vector<16xf32>
        %max3A_423 = arith.maximumf %max3A_416, %get3A_422 : vector<16xf32>
        %get3A_424 = arith.constant 12 : i32
        %get3A_425 = arith.index_cast %scan3A_112 : i32 to index
        %get3A_426 = arith.index_cast %get3A_424 : i32 to index
        %get3A_427 = arith.constant 16 : index
        %get3A_428 = tpu.vector_load %arg5[%get3A_425, %get3A_426, %get3A_427] {strides = array<i32>} : memref<8x32x128xf32, #tpu.memory_space<vmem>>, vector<1x1x16xf32>,
        %get3A_429 = vector.shape_cast %get3A_428 : vector<1x1x16xf32> to vector<16xf32>
        %max3A_430 = arith.maximumf %max3A_423, %get3A_429 : vector<16xf32>
        %get3A_431 = arith.constant 13 : i32
        %get3A_432 = arith.index_cast %scan3A_112 : i32 to index
        %get3A_433 = arith.index_cast %get3A_431 : i32 to index
        %get3A_434 = arith.constant 16 : index
        %get3A_435 = tpu.vector_load %arg5[%get3A_432, %get3A_433, %get3A_434] {strides = array<i32>} : memref<8x32x128xf32, #tpu.memory_space<vmem>>, vector<1x1x16xf32>,
        %get3A_436 = vector.shape_cast %get3A_435 : vector<1x1x16xf32> to vector<16xf32>
        %max3A_437 = arith.maximumf %max3A_430, %get3A_436 : vector<16xf32>
        %get3A_438 = arith.constant 14 : i32
        %get3A_439 = arith.index_cast %scan3A_112 : i32 to index
        %get3A_440 = arith.index_cast %get3A_438 : i32 to index
        %get3A_441 = arith.constant 16 : index
        %get3A_442 = tpu.vector_load %arg5[%get3A_439, %get3A_440, %get3A_441] {strides = array<i32>} : memref<8x32x128xf32, #tpu.memory_space<vmem>>, vector<1x1x16xf32>,
        %get3A_443 = vector.shape_cast %get3A_442 : vector<1x1x16xf32> to vector<16xf32>
        %max3A_444 = arith.maximumf %max3A_437, %get3A_443 : vector<16xf32>
        %get3A_445 = arith.constant 15 : i32
        %get3A_446 = arith.index_cast %scan3A_112 : i32 to index
        %get3A_447 = arith.index_cast %get3A_445 : i32 to index
        %get3A_448 = arith.constant 16 : index
        %get3A_449 = tpu.vector_load %arg5[%get3A_446, %get3A_447, %get3A_448] {strides = array<i32>} : memref<8x32x128xf32, #tpu.memory_space<vmem>>, vector<1x1x16xf32>,
        %get3A_450 = vector.shape_cast %get3A_449 : vector<1x1x16xf32> to vector<16xf32>
        %max3A_451 = arith.maximumf %max3A_444, %get3A_450 : vector<16xf32>
        %get3A_452 = arith.constant 16 : i32
        %get3A_453 = arith.index_cast %scan3A_112 : i32 to index
        %get3A_454 = arith.index_cast %get3A_452 : i32 to index
        %get3A_455 = arith.constant 16 : index
        %get3A_456 = tpu.vector_load %arg5[%get3A_453, %get3A_454, %get3A_455] {strides = array<i32>} : memref<8x32x128xf32, #tpu.memory_space<vmem>>, vector<1x1x16xf32>,
        %get3A_457 = vector.shape_cast %get3A_456 : vector<1x1x16xf32> to vector<16xf32>
        %max3A_458 = arith.maximumf %max3A_451, %get3A_457 : vector<16xf32>
        %get3A_459 = arith.constant 17 : i32
        %get3A_460 = arith.index_cast %scan3A_112 : i32 to index
        %get3A_461 = arith.index_cast %get3A_459 : i32 to index
        %get3A_462 = arith.constant 16 : index
        %get3A_463 = tpu.vector_load %arg5[%get3A_460, %get3A_461, %get3A_462] {strides = array<i32>} : memref<8x32x128xf32, #tpu.memory_space<vmem>>, vector<1x1x16xf32>,
        %get3A_464 = vector.shape_cast %get3A_463 : vector<1x1x16xf32> to vector<16xf32>
        %max3A_465 = arith.maximumf %max3A_458, %get3A_464 : vector<16xf32>
        %get3A_466 = arith.constant 18 : i32
        %get3A_467 = arith.index_cast %scan3A_112 : i32 to index
        %get3A_468 = arith.index_cast %get3A_466 : i32 to index
        %get3A_469 = arith.constant 16 : index
        %get3A_470 = tpu.vector_load %arg5[%get3A_467, %get3A_468, %get3A_469] {strides = array<i32>} : memref<8x32x128xf32, #tpu.memory_space<vmem>>, vector<1x1x16xf32>,
        %get3A_471 = vector.shape_cast %get3A_470 : vector<1x1x16xf32> to vector<16xf32>
        %max3A_472 = arith.maximumf %max3A_465, %get3A_471 : vector<16xf32>
        %get3A_473 = arith.constant 19 : i32
        %get3A_474 = arith.index_cast %scan3A_112 : i32 to index
        %get3A_475 = arith.index_cast %get3A_473 : i32 to index
        %get3A_476 = arith.constant 16 : index
        %get3A_477 = tpu.vector_load %arg5[%get3A_474, %get3A_475, %get3A_476] {strides = array<i32>} : memref<8x32x128xf32, #tpu.memory_space<vmem>>, vector<1x1x16xf32>,
        %get3A_478 = vector.shape_cast %get3A_477 : vector<1x1x16xf32> to vector<16xf32>
        %max3A_479 = arith.maximumf %max3A_472, %get3A_478 : vector<16xf32>
        %get3A_480 = arith.constant 20 : i32
        %get3A_481 = arith.index_cast %scan3A_112 : i32 to index
        %get3A_482 = arith.index_cast %get3A_480 : i32 to index
        %get3A_483 = arith.constant 16 : index
        %get3A_484 = tpu.vector_load %arg5[%get3A_481, %get3A_482, %get3A_483] {strides = array<i32>} : memref<8x32x128xf32, #tpu.memory_space<vmem>>, vector<1x1x16xf32>,
        %get3A_485 = vector.shape_cast %get3A_484 : vector<1x1x16xf32> to vector<16xf32>
        %max3A_486 = arith.maximumf %max3A_479, %get3A_485 : vector<16xf32>
        %get3A_487 = arith.constant 21 : i32
        %get3A_488 = arith.index_cast %scan3A_112 : i32 to index
        %get3A_489 = arith.index_cast %get3A_487 : i32 to index
        %get3A_490 = arith.constant 16 : index
        %get3A_491 = tpu.vector_load %arg5[%get3A_488, %get3A_489, %get3A_490] {strides = array<i32>} : memref<8x32x128xf32, #tpu.memory_space<vmem>>, vector<1x1x16xf32>,
        %get3A_492 = vector.shape_cast %get3A_491 : vector<1x1x16xf32> to vector<16xf32>
        %max3A_493 = arith.maximumf %max3A_486, %get3A_492 : vector<16xf32>
        %get3A_494 = arith.constant 22 : i32
        %get3A_495 = arith.index_cast %scan3A_112 : i32 to index
        %get3A_496 = arith.index_cast %get3A_494 : i32 to index
        %get3A_497 = arith.constant 16 : index
        %get3A_498 = tpu.vector_load %arg5[%get3A_495, %get3A_496, %get3A_497] {strides = array<i32>} : memref<8x32x128xf32, #tpu.memory_space<vmem>>, vector<1x1x16xf32>,
        %get3A_499 = vector.shape_cast %get3A_498 : vector<1x1x16xf32> to vector<16xf32>
        %max3A_500 = arith.maximumf %max3A_493, %get3A_499 : vector<16xf32>
        %get3A_501 = arith.constant 23 : i32
        %get3A_502 = arith.index_cast %scan3A_112 : i32 to index
        %get3A_503 = arith.index_cast %get3A_501 : i32 to index
        %get3A_504 = arith.constant 16 : index
        %get3A_505 = tpu.vector_load %arg5[%get3A_502, %get3A_503, %get3A_504] {strides = array<i32>} : memref<8x32x128xf32, #tpu.memory_space<vmem>>, vector<1x1x16xf32>,
        %get3A_506 = vector.shape_cast %get3A_505 : vector<1x1x16xf32> to vector<16xf32>
        %max3A_507 = arith.maximumf %max3A_500, %get3A_506 : vector<16xf32>
        %get3A_508 = arith.constant 24 : i32
        %get3A_509 = arith.index_cast %scan3A_112 : i32 to index
        %get3A_510 = arith.index_cast %get3A_508 : i32 to index
        %get3A_511 = arith.constant 16 : index
        %get3A_512 = tpu.vector_load %arg5[%get3A_509, %get3A_510, %get3A_511] {strides = array<i32>} : memref<8x32x128xf32, #tpu.memory_space<vmem>>, vector<1x1x16xf32>,
        %get3A_513 = vector.shape_cast %get3A_512 : vector<1x1x16xf32> to vector<16xf32>
        %max3A_514 = arith.maximumf %max3A_507, %get3A_513 : vector<16xf32>
        %get3A_515 = arith.constant 25 : i32
        %get3A_516 = arith.index_cast %scan3A_112 : i32 to index
        %get3A_517 = arith.index_cast %get3A_515 : i32 to index
        %get3A_518 = arith.constant 16 : index
        %get3A_519 = tpu.vector_load %arg5[%get3A_516, %get3A_517, %get3A_518] {strides = array<i32>} : memref<8x32x128xf32, #tpu.memory_space<vmem>>, vector<1x1x16xf32>,
        %get3A_520 = vector.shape_cast %get3A_519 : vector<1x1x16xf32> to vector<16xf32>
        %max3A_521 = arith.maximumf %max3A_514, %get3A_520 : vector<16xf32>
        %get3A_522 = arith.constant 26 : i32
        %get3A_523 = arith.index_cast %scan3A_112 : i32 to index
        %get3A_524 = arith.index_cast %get3A_522 : i32 to index
        %get3A_525 = arith.constant 16 : index
        %get3A_526 = tpu.vector_load %arg5[%get3A_523, %get3A_524, %get3A_525] {strides = array<i32>} : memref<8x32x128xf32, #tpu.memory_space<vmem>>, vector<1x1x16xf32>,
        %get3A_527 = vector.shape_cast %get3A_526 : vector<1x1x16xf32> to vector<16xf32>
        %max3A_528 = arith.maximumf %max3A_521, %get3A_527 : vector<16xf32>
        %get3A_529 = arith.constant 27 : i32
        %get3A_530 = arith.index_cast %scan3A_112 : i32 to index
        %get3A_531 = arith.index_cast %get3A_529 : i32 to index
        %get3A_532 = arith.constant 16 : index
        %get3A_533 = tpu.vector_load %arg5[%get3A_530, %get3A_531, %get3A_532] {strides = array<i32>} : memref<8x32x128xf32, #tpu.memory_space<vmem>>, vector<1x1x16xf32>,
        %get3A_534 = vector.shape_cast %get3A_533 : vector<1x1x16xf32> to vector<16xf32>
        %max3A_535 = arith.maximumf %max3A_528, %get3A_534 : vector<16xf32>
        %get3A_536 = arith.constant 28 : i32
        %get3A_537 = arith.index_cast %scan3A_112 : i32 to index
        %get3A_538 = arith.index_cast %get3A_536 : i32 to index
        %get3A_539 = arith.constant 16 : index
        %get3A_540 = tpu.vector_load %arg5[%get3A_537, %get3A_538, %get3A_539] {strides = array<i32>} : memref<8x32x128xf32, #tpu.memory_space<vmem>>, vector<1x1x16xf32>,
        %get3A_541 = vector.shape_cast %get3A_540 : vector<1x1x16xf32> to vector<16xf32>
        %max3A_542 = arith.maximumf %max3A_535, %get3A_541 : vector<16xf32>
        %get3A_543 = arith.constant 29 : i32
        %get3A_544 = arith.index_cast %scan3A_112 : i32 to index
        %get3A_545 = arith.index_cast %get3A_543 : i32 to index
        %get3A_546 = arith.constant 16 : index
        %get3A_547 = tpu.vector_load %arg5[%get3A_544, %get3A_545, %get3A_546] {strides = array<i32>} : memref<8x32x128xf32, #tpu.memory_space<vmem>>, vector<1x1x16xf32>,
        %get3A_548 = vector.shape_cast %get3A_547 : vector<1x1x16xf32> to vector<16xf32>
        %max3A_549 = arith.maximumf %max3A_542, %get3A_548 : vector<16xf32>
        %get3A_550 = arith.constant 30 : i32
        %get3A_551 = arith.index_cast %scan3A_112 : i32 to index
        %get3A_552 = arith.index_cast %get3A_550 : i32 to index
        %get3A_553 = arith.constant 16 : index
        %get3A_554 = tpu.vector_load %arg5[%get3A_551, %get3A_552, %get3A_553] {strides = array<i32>} : memref<8x32x128xf32, #tpu.memory_space<vmem>>, vector<1x1x16xf32>,
        %get3A_555 = vector.shape_cast %get3A_554 : vector<1x1x16xf32> to vector<16xf32>
        %max3A_556 = arith.maximumf %max3A_549, %get3A_555 : vector<16xf32>
        %get3A_557 = arith.constant 31 : i32
        %get3A_558 = arith.index_cast %scan3A_112 : i32 to index
        %get3A_559 = arith.index_cast %get3A_557 : i32 to index
        %get3A_560 = arith.constant 16 : index
        %get3A_561 = tpu.vector_load %arg5[%get3A_558, %get3A_559, %get3A_560] {strides = array<i32>} : memref<8x32x128xf32, #tpu.memory_space<vmem>>, vector<1x1x16xf32>,
        %get3A_562 = vector.shape_cast %get3A_561 : vector<1x1x16xf32> to vector<16xf32>
        %max3A_563 = arith.maximumf %max3A_556, %get3A_562 : vector<16xf32>
        %mul3A_564 = arith.constant 8 : i32
        %mul3A_565 = arith.muli %add3A_91, %mul3A_564 : i32
        %add3A_566 = arith.addi %mul3A_565, %scan3A_112 : i32
        %swap3A_567 = arith.index_cast %add3A_566 : i32 to index
        %swap3A_568 = arith.constant 16 : index
        %swap3A_569 = tpu.vector_load %arg6[%swap3A_567, %swap3A_568] {strides = array<i32>} : memref<128x128xf32, #tpu.memory_space<vmem>>, vector<1x16xf32>,
        %swap3A_570 = vector.shape_cast %swap3A_569 : vector<1x16xf32> to vector<16xf32>
        %swap3A_571 = vector.shape_cast %max3A_563 : vector<16xf32> to vector<1x16xf32>
        tpu.vector_store %arg6[%swap3A_567, %swap3A_568], %swap3A_571 {strides = array<i32>} : memref<128x128xf32, #tpu.memory_space<vmem>>, vector<1x16xf32>,
        %get3A_572 = arith.constant 0 : i32
        %get3A_573 = arith.index_cast %scan3A_112 : i32 to index
        %get3A_574 = arith.index_cast %get3A_572 : i32 to index
        %get3A_575 = arith.constant 32 : index
        %get3A_576 = tpu.vector_load %arg5[%get3A_573, %get3A_574, %get3A_575] {strides = array<i32>} : memref<8x32x128xf32, #tpu.memory_space<vmem>>, vector<1x1x16xf32>,
        %get3A_577 = vector.shape_cast %get3A_576 : vector<1x1x16xf32> to vector<16xf32>
        %get3A_578 = arith.constant 1 : i32
        %get3A_579 = arith.index_cast %scan3A_112 : i32 to index
        %get3A_580 = arith.index_cast %get3A_578 : i32 to index
        %get3A_581 = arith.constant 32 : index
        %get3A_582 = tpu.vector_load %arg5[%get3A_579, %get3A_580, %get3A_581] {strides = array<i32>} : memref<8x32x128xf32, #tpu.memory_space<vmem>>, vector<1x1x16xf32>,
        %get3A_583 = vector.shape_cast %get3A_582 : vector<1x1x16xf32> to vector<16xf32>
        %max3A_584 = arith.maximumf %get3A_577, %get3A_583 : vector<16xf32>
        %get3A_585 = arith.constant 2 : i32
        %get3A_586 = arith.index_cast %scan3A_112 : i32 to index
        %get3A_587 = arith.index_cast %get3A_585 : i32 to index
        %get3A_588 = arith.constant 32 : index
        %get3A_589 = tpu.vector_load %arg5[%get3A_586, %get3A_587, %get3A_588] {strides = array<i32>} : memref<8x32x128xf32, #tpu.memory_space<vmem>>, vector<1x1x16xf32>,
        %get3A_590 = vector.shape_cast %get3A_589 : vector<1x1x16xf32> to vector<16xf32>
        %max3A_591 = arith.maximumf %max3A_584, %get3A_590 : vector<16xf32>
        %get3A_592 = arith.constant 3 : i32
        %get3A_593 = arith.index_cast %scan3A_112 : i32 to index
        %get3A_594 = arith.index_cast %get3A_592 : i32 to index
        %get3A_595 = arith.constant 32 : index
        %get3A_596 = tpu.vector_load %arg5[%get3A_593, %get3A_594, %get3A_595] {strides = array<i32>} : memref<8x32x128xf32, #tpu.memory_space<vmem>>, vector<1x1x16xf32>,
        %get3A_597 = vector.shape_cast %get3A_596 : vector<1x1x16xf32> to vector<16xf32>
        %max3A_598 = arith.maximumf %max3A_591, %get3A_597 : vector<16xf32>
        %get3A_599 = arith.constant 4 : i32
        %get3A_600 = arith.index_cast %scan3A_112 : i32 to index
        %get3A_601 = arith.index_cast %get3A_599 : i32 to index
        %get3A_602 = arith.constant 32 : index
        %get3A_603 = tpu.vector_load %arg5[%get3A_600, %get3A_601, %get3A_602] {strides = array<i32>} : memref<8x32x128xf32, #tpu.memory_space<vmem>>, vector<1x1x16xf32>,
        %get3A_604 = vector.shape_cast %get3A_603 : vector<1x1x16xf32> to vector<16xf32>
        %max3A_605 = arith.maximumf %max3A_598, %get3A_604 : vector<16xf32>
        %get3A_606 = arith.constant 5 : i32
        %get3A_607 = arith.index_cast %scan3A_112 : i32 to index
        %get3A_608 = arith.index_cast %get3A_606 : i32 to index
        %get3A_609 = arith.constant 32 : index
        %get3A_610 = tpu.vector_load %arg5[%get3A_607, %get3A_608, %get3A_609] {strides = array<i32>} : memref<8x32x128xf32, #tpu.memory_space<vmem>>, vector<1x1x16xf32>,
        %get3A_611 = vector.shape_cast %get3A_610 : vector<1x1x16xf32> to vector<16xf32>
        %max3A_612 = arith.maximumf %max3A_605, %get3A_611 : vector<16xf32>
        %get3A_613 = arith.constant 6 : i32
        %get3A_614 = arith.index_cast %scan3A_112 : i32 to index
        %get3A_615 = arith.index_cast %get3A_613 : i32 to index
        %get3A_616 = arith.constant 32 : index
        %get3A_617 = tpu.vector_load %arg5[%get3A_614, %get3A_615, %get3A_616] {strides = array<i32>} : memref<8x32x128xf32, #tpu.memory_space<vmem>>, vector<1x1x16xf32>,
        %get3A_618 = vector.shape_cast %get3A_617 : vector<1x1x16xf32> to vector<16xf32>
        %max3A_619 = arith.maximumf %max3A_612, %get3A_618 : vector<16xf32>
        %get3A_620 = arith.constant 7 : i32
        %get3A_621 = arith.index_cast %scan3A_112 : i32 to index
        %get3A_622 = arith.index_cast %get3A_620 : i32 to index
        %get3A_623 = arith.constant 32 : index
        %get3A_624 = tpu.vector_load %arg5[%get3A_621, %get3A_622, %get3A_623] {strides = array<i32>} : memref<8x32x128xf32, #tpu.memory_space<vmem>>, vector<1x1x16xf32>,
        %get3A_625 = vector.shape_cast %get3A_624 : vector<1x1x16xf32> to vector<16xf32>
        %max3A_626 = arith.maximumf %max3A_619, %get3A_625 : vector<16xf32>
        %get3A_627 = arith.constant 8 : i32
        %get3A_628 = arith.index_cast %scan3A_112 : i32 to index
        %get3A_629 = arith.index_cast %get3A_627 : i32 to index
        %get3A_630 = arith.constant 32 : index
        %get3A_631 = tpu.vector_load %arg5[%get3A_628, %get3A_629, %get3A_630] {strides = array<i32>} : memref<8x32x128xf32, #tpu.memory_space<vmem>>, vector<1x1x16xf32>,
        %get3A_632 = vector.shape_cast %get3A_631 : vector<1x1x16xf32> to vector<16xf32>
        %max3A_633 = arith.maximumf %max3A_626, %get3A_632 : vector<16xf32>
        %get3A_634 = arith.constant 9 : i32
        %get3A_635 = arith.index_cast %scan3A_112 : i32 to index
        %get3A_636 = arith.index_cast %get3A_634 : i32 to index
        %get3A_637 = arith.constant 32 : index
        %get3A_638 = tpu.vector_load %arg5[%get3A_635, %get3A_636, %get3A_637] {strides = array<i32>} : memref<8x32x128xf32, #tpu.memory_space<vmem>>, vector<1x1x16xf32>,
        %get3A_639 = vector.shape_cast %get3A_638 : vector<1x1x16xf32> to vector<16xf32>
        %max3A_640 = arith.maximumf %max3A_633, %get3A_639 : vector<16xf32>
        %get3A_641 = arith.constant 10 : i32
        %get3A_642 = arith.index_cast %scan3A_112 : i32 to index
        %get3A_643 = arith.index_cast %get3A_641 : i32 to index
        %get3A_644 = arith.constant 32 : index
        %get3A_645 = tpu.vector_load %arg5[%get3A_642, %get3A_643, %get3A_644] {strides = array<i32>} : memref<8x32x128xf32, #tpu.memory_space<vmem>>, vector<1x1x16xf32>,
        %get3A_646 = vector.shape_cast %get3A_645 : vector<1x1x16xf32> to vector<16xf32>
        %max3A_647 = arith.maximumf %max3A_640, %get3A_646 : vector<16xf32>
        %get3A_648 = arith.constant 11 : i32
        %get3A_649 = arith.index_cast %scan3A_112 : i32 to index
        %get3A_650 = arith.index_cast %get3A_648 : i32 to index
        %get3A_651 = arith.constant 32 : index
        %get3A_652 = tpu.vector_load %arg5[%get3A_649, %get3A_650, %get3A_651] {strides = array<i32>} : memref<8x32x128xf32, #tpu.memory_space<vmem>>, vector<1x1x16xf32>,
        %get3A_653 = vector.shape_cast %get3A_652 : vector<1x1x16xf32> to vector<16xf32>
        %max3A_654 = arith.maximumf %max3A_647, %get3A_653 : vector<16xf32>
        %get3A_655 = arith.constant 12 : i32
        %get3A_656 = arith.index_cast %scan3A_112 : i32 to index
        %get3A_657 = arith.index_cast %get3A_655 : i32 to index
        %get3A_658 = arith.constant 32 : index
        %get3A_659 = tpu.vector_load %arg5[%get3A_656, %get3A_657, %get3A_658] {strides = array<i32>} : memref<8x32x128xf32, #tpu.memory_space<vmem>>, vector<1x1x16xf32>,
        %get3A_660 = vector.shape_cast %get3A_659 : vector<1x1x16xf32> to vector<16xf32>
        %max3A_661 = arith.maximumf %max3A_654, %get3A_660 : vector<16xf32>
        %get3A_662 = arith.constant 13 : i32
        %get3A_663 = arith.index_cast %scan3A_112 : i32 to index
        %get3A_664 = arith.index_cast %get3A_662 : i32 to index
        %get3A_665 = arith.constant 32 : index
        %get3A_666 = tpu.vector_load %arg5[%get3A_663, %get3A_664, %get3A_665] {strides = array<i32>} : memref<8x32x128xf32, #tpu.memory_space<vmem>>, vector<1x1x16xf32>,
        %get3A_667 = vector.shape_cast %get3A_666 : vector<1x1x16xf32> to vector<16xf32>
        %max3A_668 = arith.maximumf %max3A_661, %get3A_667 : vector<16xf32>
        %get3A_669 = arith.constant 14 : i32
        %get3A_670 = arith.index_cast %scan3A_112 : i32 to index
        %get3A_671 = arith.index_cast %get3A_669 : i32 to index
        %get3A_672 = arith.constant 32 : index
        %get3A_673 = tpu.vector_load %arg5[%get3A_670, %get3A_671, %get3A_672] {strides = array<i32>} : memref<8x32x128xf32, #tpu.memory_space<vmem>>, vector<1x1x16xf32>,
        %get3A_674 = vector.shape_cast %get3A_673 : vector<1x1x16xf32> to vector<16xf32>
        %max3A_675 = arith.maximumf %max3A_668, %get3A_674 : vector<16xf32>
        %get3A_676 = arith.constant 15 : i32
        %get3A_677 = arith.index_cast %scan3A_112 : i32 to index
        %get3A_678 = arith.index_cast %get3A_676 : i32 to index
        %get3A_679 = arith.constant 32 : index
        %get3A_680 = tpu.vector_load %arg5[%get3A_677, %get3A_678, %get3A_679] {strides = array<i32>} : memref<8x32x128xf32, #tpu.memory_space<vmem>>, vector<1x1x16xf32>,
        %get3A_681 = vector.shape_cast %get3A_680 : vector<1x1x16xf32> to vector<16xf32>
        %max3A_682 = arith.maximumf %max3A_675, %get3A_681 : vector<16xf32>
        %get3A_683 = arith.constant 16 : i32
        %get3A_684 = arith.index_cast %scan3A_112 : i32 to index
        %get3A_685 = arith.index_cast %get3A_683 : i32 to index
        %get3A_686 = arith.constant 32 : index
        %get3A_687 = tpu.vector_load %arg5[%get3A_684, %get3A_685, %get3A_686] {strides = array<i32>} : memref<8x32x128xf32, #tpu.memory_space<vmem>>, vector<1x1x16xf32>,
        %get3A_688 = vector.shape_cast %get3A_687 : vector<1x1x16xf32> to vector<16xf32>
        %max3A_689 = arith.maximumf %max3A_682, %get3A_688 : vector<16xf32>
        %get3A_690 = arith.constant 17 : i32
        %get3A_691 = arith.index_cast %scan3A_112 : i32 to index
        %get3A_692 = arith.index_cast %get3A_690 : i32 to index
        %get3A_693 = arith.constant 32 : index
        %get3A_694 = tpu.vector_load %arg5[%get3A_691, %get3A_692, %get3A_693] {strides = array<i32>} : memref<8x32x128xf32, #tpu.memory_space<vmem>>, vector<1x1x16xf32>,
        %get3A_695 = vector.shape_cast %get3A_694 : vector<1x1x16xf32> to vector<16xf32>
        %max3A_696 = arith.maximumf %max3A_689, %get3A_695 : vector<16xf32>
        %get3A_697 = arith.constant 18 : i32
        %get3A_698 = arith.index_cast %scan3A_112 : i32 to index
        %get3A_699 = arith.index_cast %get3A_697 : i32 to index
        %get3A_700 = arith.constant 32 : index
        %get3A_701 = tpu.vector_load %arg5[%get3A_698, %get3A_699, %get3A_700] {strides = array<i32>} : memref<8x32x128xf32, #tpu.memory_space<vmem>>, vector<1x1x16xf32>,
        %get3A_702 = vector.shape_cast %get3A_701 : vector<1x1x16xf32> to vector<16xf32>
        %max3A_703 = arith.maximumf %max3A_696, %get3A_702 : vector<16xf32>
        %get3A_704 = arith.constant 19 : i32
        %get3A_705 = arith.index_cast %scan3A_112 : i32 to index
        %get3A_706 = arith.index_cast %get3A_704 : i32 to index
        %get3A_707 = arith.constant 32 : index
        %get3A_708 = tpu.vector_load %arg5[%get3A_705, %get3A_706, %get3A_707] {strides = array<i32>} : memref<8x32x128xf32, #tpu.memory_space<vmem>>, vector<1x1x16xf32>,
        %get3A_709 = vector.shape_cast %get3A_708 : vector<1x1x16xf32> to vector<16xf32>
        %max3A_710 = arith.maximumf %max3A_703, %get3A_709 : vector<16xf32>
        %get3A_711 = arith.constant 20 : i32
        %get3A_712 = arith.index_cast %scan3A_112 : i32 to index
        %get3A_713 = arith.index_cast %get3A_711 : i32 to index
        %get3A_714 = arith.constant 32 : index
        %get3A_715 = tpu.vector_load %arg5[%get3A_712, %get3A_713, %get3A_714] {strides = array<i32>} : memref<8x32x128xf32, #tpu.memory_space<vmem>>, vector<1x1x16xf32>,
        %get3A_716 = vector.shape_cast %get3A_715 : vector<1x1x16xf32> to vector<16xf32>
        %max3A_717 = arith.maximumf %max3A_710, %get3A_716 : vector<16xf32>
        %get3A_718 = arith.constant 21 : i32
        %get3A_719 = arith.index_cast %scan3A_112 : i32 to index
        %get3A_720 = arith.index_cast %get3A_718 : i32 to index
        %get3A_721 = arith.constant 32 : index
        %get3A_722 = tpu.vector_load %arg5[%get3A_719, %get3A_720, %get3A_721] {strides = array<i32>} : memref<8x32x128xf32, #tpu.memory_space<vmem>>, vector<1x1x16xf32>,
        %get3A_723 = vector.shape_cast %get3A_722 : vector<1x1x16xf32> to vector<16xf32>
        %max3A_724 = arith.maximumf %max3A_717, %get3A_723 : vector<16xf32>
        %get3A_725 = arith.constant 22 : i32
        %get3A_726 = arith.index_cast %scan3A_112 : i32 to index
        %get3A_727 = arith.index_cast %get3A_725 : i32 to index
        %get3A_728 = arith.constant 32 : index
        %get3A_729 = tpu.vector_load %arg5[%get3A_726, %get3A_727, %get3A_728] {strides = array<i32>} : memref<8x32x128xf32, #tpu.memory_space<vmem>>, vector<1x1x16xf32>,
        %get3A_730 = vector.shape_cast %get3A_729 : vector<1x1x16xf32> to vector<16xf32>
        %max3A_731 = arith.maximumf %max3A_724, %get3A_730 : vector<16xf32>
        %get3A_732 = arith.constant 23 : i32
        %get3A_733 = arith.index_cast %scan3A_112 : i32 to index
        %get3A_734 = arith.index_cast %get3A_732 : i32 to index
        %get3A_735 = arith.constant 32 : index
        %get3A_736 = tpu.vector_load %arg5[%get3A_733, %get3A_734, %get3A_735] {strides = array<i32>} : memref<8x32x128xf32, #tpu.memory_space<vmem>>, vector<1x1x16xf32>,
        %get3A_737 = vector.shape_cast %get3A_736 : vector<1x1x16xf32> to vector<16xf32>
        %max3A_738 = arith.maximumf %max3A_731, %get3A_737 : vector<16xf32>
        %get3A_739 = arith.constant 24 : i32
        %get3A_740 = arith.index_cast %scan3A_112 : i32 to index
        %get3A_741 = arith.index_cast %get3A_739 : i32 to index
        %get3A_742 = arith.constant 32 : index
        %get3A_743 = tpu.vector_load %arg5[%get3A_740, %get3A_741, %get3A_742] {strides = array<i32>} : memref<8x32x128xf32, #tpu.memory_space<vmem>>, vector<1x1x16xf32>,
        %get3A_744 = vector.shape_cast %get3A_743 : vector<1x1x16xf32> to vector<16xf32>
        %max3A_745 = arith.maximumf %max3A_738, %get3A_744 : vector<16xf32>
        %get3A_746 = arith.constant 25 : i32
        %get3A_747 = arith.index_cast %scan3A_112 : i32 to index
        %get3A_748 = arith.index_cast %get3A_746 : i32 to index
        %get3A_749 = arith.constant 32 : index
        %get3A_750 = tpu.vector_load %arg5[%get3A_747, %get3A_748, %get3A_749] {strides = array<i32>} : memref<8x32x128xf32, #tpu.memory_space<vmem>>, vector<1x1x16xf32>,
        %get3A_751 = vector.shape_cast %get3A_750 : vector<1x1x16xf32> to vector<16xf32>
        %max3A_752 = arith.maximumf %max3A_745, %get3A_751 : vector<16xf32>
        %get3A_753 = arith.constant 26 : i32
        %get3A_754 = arith.index_cast %scan3A_112 : i32 to index
        %get3A_755 = arith.index_cast %get3A_753 : i32 to index
        %get3A_756 = arith.constant 32 : index
        %get3A_757 = tpu.vector_load %arg5[%get3A_754, %get3A_755, %get3A_756] {strides = array<i32>} : memref<8x32x128xf32, #tpu.memory_space<vmem>>, vector<1x1x16xf32>,
        %get3A_758 = vector.shape_cast %get3A_757 : vector<1x1x16xf32> to vector<16xf32>
        %max3A_759 = arith.maximumf %max3A_752, %get3A_758 : vector<16xf32>
        %get3A_760 = arith.constant 27 : i32
        %get3A_761 = arith.index_cast %scan3A_112 : i32 to index
        %get3A_762 = arith.index_cast %get3A_760 : i32 to index
        %get3A_763 = arith.constant 32 : index
        %get3A_764 = tpu.vector_load %arg5[%get3A_761, %get3A_762, %get3A_763] {strides = array<i32>} : memref<8x32x128xf32, #tpu.memory_space<vmem>>, vector<1x1x16xf32>,
        %get3A_765 = vector.shape_cast %get3A_764 : vector<1x1x16xf32> to vector<16xf32>
        %max3A_766 = arith.maximumf %max3A_759, %get3A_765 : vector<16xf32>
        %get3A_767 = arith.constant 28 : i32
        %get3A_768 = arith.index_cast %scan3A_112 : i32 to index
        %get3A_769 = arith.index_cast %get3A_767 : i32 to index
        %get3A_770 = arith.constant 32 : index
        %get3A_771 = tpu.vector_load %arg5[%get3A_768, %get3A_769, %get3A_770] {strides = array<i32>} : memref<8x32x128xf32, #tpu.memory_space<vmem>>, vector<1x1x16xf32>,
        %get3A_772 = vector.shape_cast %get3A_771 : vector<1x1x16xf32> to vector<16xf32>
        %max3A_773 = arith.maximumf %max3A_766, %get3A_772 : vector<16xf32>
        %get3A_774 = arith.constant 29 : i32
        %get3A_775 = arith.index_cast %scan3A_112 : i32 to index
        %get3A_776 = arith.index_cast %get3A_774 : i32 to index
        %get3A_777 = arith.constant 32 : index
        %get3A_778 = tpu.vector_load %arg5[%get3A_775, %get3A_776, %get3A_777] {strides = array<i32>} : memref<8x32x128xf32, #tpu.memory_space<vmem>>, vector<1x1x16xf32>,
        %get3A_779 = vector.shape_cast %get3A_778 : vector<1x1x16xf32> to vector<16xf32>
        %max3A_780 = arith.maximumf %max3A_773, %get3A_779 : vector<16xf32>
        %get3A_781 = arith.constant 30 : i32
        %get3A_782 = arith.index_cast %scan3A_112 : i32 to index
        %get3A_783 = arith.index_cast %get3A_781 : i32 to index
        %get3A_784 = arith.constant 32 : index
        %get3A_785 = tpu.vector_load %arg5[%get3A_782, %get3A_783, %get3A_784] {strides = array<i32>} : memref<8x32x128xf32, #tpu.memory_space<vmem>>, vector<1x1x16xf32>,
        %get3A_786 = vector.shape_cast %get3A_785 : vector<1x1x16xf32> to vector<16xf32>
        %max3A_787 = arith.maximumf %max3A_780, %get3A_786 : vector<16xf32>
        %get3A_788 = arith.constant 31 : i32
        %get3A_789 = arith.index_cast %scan3A_112 : i32 to index
        %get3A_790 = arith.index_cast %get3A_788 : i32 to index
        %get3A_791 = arith.constant 32 : index
        %get3A_792 = tpu.vector_load %arg5[%get3A_789, %get3A_790, %get3A_791] {strides = array<i32>} : memref<8x32x128xf32, #tpu.memory_space<vmem>>, vector<1x1x16xf32>,
        %get3A_793 = vector.shape_cast %get3A_792 : vector<1x1x16xf32> to vector<16xf32>
        %max3A_794 = arith.maximumf %max3A_787, %get3A_793 : vector<16xf32>
        %mul3A_795 = arith.constant 8 : i32
        %mul3A_796 = arith.muli %add3A_91, %mul3A_795 : i32
        %add3A_797 = arith.addi %mul3A_796, %scan3A_112 : i32
        %swap3A_798 = arith.index_cast %add3A_797 : i32 to index
        %swap3A_799 = arith.constant 32 : index
        %swap3A_800 = tpu.vector_load %arg6[%swap3A_798, %swap3A_799] {strides = array<i32>} : memref<128x128xf32, #tpu.memory_space<vmem>>, vector<1x16xf32>,
        %swap3A_801 = vector.shape_cast %swap3A_800 : vector<1x16xf32> to vector<16xf32>
        %swap3A_802 = vector.shape_cast %max3A_794 : vector<16xf32> to vector<1x16xf32>
        tpu.vector_store %arg6[%swap3A_798, %swap3A_799], %swap3A_802 {strides = array<i32>} : memref<128x128xf32, #tpu.memory_space<vmem>>, vector<1x16xf32>,
        %get3A_803 = arith.constant 0 : i32
        %get3A_804 = arith.index_cast %scan3A_112 : i32 to index
        %get3A_805 = arith.index_cast %get3A_803 : i32 to index
        %get3A_806 = arith.constant 48 : index
        %get3A_807 = tpu.vector_load %arg5[%get3A_804, %get3A_805, %get3A_806] {strides = array<i32>} : memref<8x32x128xf32, #tpu.memory_space<vmem>>, vector<1x1x16xf32>,
        %get3A_808 = vector.shape_cast %get3A_807 : vector<1x1x16xf32> to vector<16xf32>
        %get3A_809 = arith.constant 1 : i32
        %get3A_810 = arith.index_cast %scan3A_112 : i32 to index
        %get3A_811 = arith.index_cast %get3A_809 : i32 to index
        %get3A_812 = arith.constant 48 : index
        %get3A_813 = tpu.vector_load %arg5[%get3A_810, %get3A_811, %get3A_812] {strides = array<i32>} : memref<8x32x128xf32, #tpu.memory_space<vmem>>, vector<1x1x16xf32>,
        %get3A_814 = vector.shape_cast %get3A_813 : vector<1x1x16xf32> to vector<16xf32>
        %max3A_815 = arith.maximumf %get3A_808, %get3A_814 : vector<16xf32>
        %get3A_816 = arith.constant 2 : i32
        %get3A_817 = arith.index_cast %scan3A_112 : i32 to index
        %get3A_818 = arith.index_cast %get3A_816 : i32 to index
        %get3A_819 = arith.constant 48 : index
        %get3A_820 = tpu.vector_load %arg5[%get3A_817, %get3A_818, %get3A_819] {strides = array<i32>} : memref<8x32x128xf32, #tpu.memory_space<vmem>>, vector<1x1x16xf32>,
        %get3A_821 = vector.shape_cast %get3A_820 : vector<1x1x16xf32> to vector<16xf32>
        %max3A_822 = arith.maximumf %max3A_815, %get3A_821 : vector<16xf32>
        %get3A_823 = arith.constant 3 : i32
        %get3A_824 = arith.index_cast %scan3A_112 : i32 to index
        %get3A_825 = arith.index_cast %get3A_823 : i32 to index
        %get3A_826 = arith.constant 48 : index
        %get3A_827 = tpu.vector_load %arg5[%get3A_824, %get3A_825, %get3A_826] {strides = array<i32>} : memref<8x32x128xf32, #tpu.memory_space<vmem>>, vector<1x1x16xf32>,
        %get3A_828 = vector.shape_cast %get3A_827 : vector<1x1x16xf32> to vector<16xf32>
        %max3A_829 = arith.maximumf %max3A_822, %get3A_828 : vector<16xf32>
        %get3A_830 = arith.constant 4 : i32
        %get3A_831 = arith.index_cast %scan3A_112 : i32 to index
        %get3A_832 = arith.index_cast %get3A_830 : i32 to index
        %get3A_833 = arith.constant 48 : index
        %get3A_834 = tpu.vector_load %arg5[%get3A_831, %get3A_832, %get3A_833] {strides = array<i32>} : memref<8x32x128xf32, #tpu.memory_space<vmem>>, vector<1x1x16xf32>,
        %get3A_835 = vector.shape_cast %get3A_834 : vector<1x1x16xf32> to vector<16xf32>
        %max3A_836 = arith.maximumf %max3A_829, %get3A_835 : vector<16xf32>
        %get3A_837 = arith.constant 5 : i32
        %get3A_838 = arith.index_cast %scan3A_112 : i32 to index
        %get3A_839 = arith.index_cast %get3A_837 : i32 to index
        %get3A_840 = arith.constant 48 : index
        %get3A_841 = tpu.vector_load %arg5[%get3A_838, %get3A_839, %get3A_840] {strides = array<i32>} : memref<8x32x128xf32, #tpu.memory_space<vmem>>, vector<1x1x16xf32>,
        %get3A_842 = vector.shape_cast %get3A_841 : vector<1x1x16xf32> to vector<16xf32>
        %max3A_843 = arith.maximumf %max3A_836, %get3A_842 : vector<16xf32>
        %get3A_844 = arith.constant 6 : i32
        %get3A_845 = arith.index_cast %scan3A_112 : i32 to index
        %get3A_846 = arith.index_cast %get3A_844 : i32 to index
        %get3A_847 = arith.constant 48 : index
        %get3A_848 = tpu.vector_load %arg5[%get3A_845, %get3A_846, %get3A_847] {strides = array<i32>} : memref<8x32x128xf32, #tpu.memory_space<vmem>>, vector<1x1x16xf32>,
        %get3A_849 = vector.shape_cast %get3A_848 : vector<1x1x16xf32> to vector<16xf32>
        %max3A_850 = arith.maximumf %max3A_843, %get3A_849 : vector<16xf32>
        %get3A_851 = arith.constant 7 : i32
        %get3A_852 = arith.index_cast %scan3A_112 : i32 to index
        %get3A_853 = arith.index_cast %get3A_851 : i32 to index
        %get3A_854 = arith.constant 48 : index
        %get3A_855 = tpu.vector_load %arg5[%get3A_852, %get3A_853, %get3A_854] {strides = array<i32>} : memref<8x32x128xf32, #tpu.memory_space<vmem>>, vector<1x1x16xf32>,
        %get3A_856 = vector.shape_cast %get3A_855 : vector<1x1x16xf32> to vector<16xf32>
        %max3A_857 = arith.maximumf %max3A_850, %get3A_856 : vector<16xf32>
        %get3A_858 = arith.constant 8 : i32
        %get3A_859 = arith.index_cast %scan3A_112 : i32 to index
        %get3A_860 = arith.index_cast %get3A_858 : i32 to index
        %get3A_861 = arith.constant 48 : index
        %get3A_862 = tpu.vector_load %arg5[%get3A_859, %get3A_860, %get3A_861] {strides = array<i32>} : memref<8x32x128xf32, #tpu.memory_space<vmem>>, vector<1x1x16xf32>,
        %get3A_863 = vector.shape_cast %get3A_862 : vector<1x1x16xf32> to vector<16xf32>
        %max3A_864 = arith.maximumf %max3A_857, %get3A_863 : vector<16xf32>
        %get3A_865 = arith.constant 9 : i32
        %get3A_866 = arith.index_cast %scan3A_112 : i32 to index
        %get3A_867 = arith.index_cast %get3A_865 : i32 to index
        %get3A_868 = arith.constant 48 : index
        %get3A_869 = tpu.vector_load %arg5[%get3A_866, %get3A_867, %get3A_868] {strides = array<i32>} : memref<8x32x128xf32, #tpu.memory_space<vmem>>, vector<1x1x16xf32>,
        %get3A_870 = vector.shape_cast %get3A_869 : vector<1x1x16xf32> to vector<16xf32>
        %max3A_871 = arith.maximumf %max3A_864, %get3A_870 : vector<16xf32>
        %get3A_872 = arith.constant 10 : i32
        %get3A_873 = arith.index_cast %scan3A_112 : i32 to index
        %get3A_874 = arith.index_cast %get3A_872 : i32 to index
        %get3A_875 = arith.constant 48 : index
        %get3A_876 = tpu.vector_load %arg5[%get3A_873, %get3A_874, %get3A_875] {strides = array<i32>} : memref<8x32x128xf32, #tpu.memory_space<vmem>>, vector<1x1x16xf32>,
        %get3A_877 = vector.shape_cast %get3A_876 : vector<1x1x16xf32> to vector<16xf32>
        %max3A_878 = arith.maximumf %max3A_871, %get3A_877 : vector<16xf32>
        %get3A_879 = arith.constant 11 : i32
        %get3A_880 = arith.index_cast %scan3A_112 : i32 to index
        %get3A_881 = arith.index_cast %get3A_879 : i32 to index
        %get3A_882 = arith.constant 48 : index
        %get3A_883 = tpu.vector_load %arg5[%get3A_880, %get3A_881, %get3A_882] {strides = array<i32>} : memref<8x32x128xf32, #tpu.memory_space<vmem>>, vector<1x1x16xf32>,
        %get3A_884 = vector.shape_cast %get3A_883 : vector<1x1x16xf32> to vector<16xf32>
        %max3A_885 = arith.maximumf %max3A_878, %get3A_884 : vector<16xf32>
        %get3A_886 = arith.constant 12 : i32
        %get3A_887 = arith.index_cast %scan3A_112 : i32 to index
        %get3A_888 = arith.index_cast %get3A_886 : i32 to index
        %get3A_889 = arith.constant 48 : index
        %get3A_890 = tpu.vector_load %arg5[%get3A_887, %get3A_888, %get3A_889] {strides = array<i32>} : memref<8x32x128xf32, #tpu.memory_space<vmem>>, vector<1x1x16xf32>,
        %get3A_891 = vector.shape_cast %get3A_890 : vector<1x1x16xf32> to vector<16xf32>
        %max3A_892 = arith.maximumf %max3A_885, %get3A_891 : vector<16xf32>
        %get3A_893 = arith.constant 13 : i32
        %get3A_894 = arith.index_cast %scan3A_112 : i32 to index
        %get3A_895 = arith.index_cast %get3A_893 : i32 to index
        %get3A_896 = arith.constant 48 : index
        %get3A_897 = tpu.vector_load %arg5[%get3A_894, %get3A_895, %get3A_896] {strides = array<i32>} : memref<8x32x128xf32, #tpu.memory_space<vmem>>, vector<1x1x16xf32>,
        %get3A_898 = vector.shape_cast %get3A_897 : vector<1x1x16xf32> to vector<16xf32>
        %max3A_899 = arith.maximumf %max3A_892, %get3A_898 : vector<16xf32>
        %get3A_900 = arith.constant 14 : i32
        %get3A_901 = arith.index_cast %scan3A_112 : i32 to index
        %get3A_902 = arith.index_cast %get3A_900 : i32 to index
        %get3A_903 = arith.constant 48 : index
        %get3A_904 = tpu.vector_load %arg5[%get3A_901, %get3A_902, %get3A_903] {strides = array<i32>} : memref<8x32x128xf32, #tpu.memory_space<vmem>>, vector<1x1x16xf32>,
        %get3A_905 = vector.shape_cast %get3A_904 : vector<1x1x16xf32> to vector<16xf32>
        %max3A_906 = arith.maximumf %max3A_899, %get3A_905 : vector<16xf32>
        %get3A_907 = arith.constant 15 : i32
        %get3A_908 = arith.index_cast %scan3A_112 : i32 to index
        %get3A_909 = arith.index_cast %get3A_907 : i32 to index
        %get3A_910 = arith.constant 48 : index
        %get3A_911 = tpu.vector_load %arg5[%get3A_908, %get3A_909, %get3A_910] {strides = array<i32>} : memref<8x32x128xf32, #tpu.memory_space<vmem>>, vector<1x1x16xf32>,
        %get3A_912 = vector.shape_cast %get3A_911 : vector<1x1x16xf32> to vector<16xf32>
        %max3A_913 = arith.maximumf %max3A_906, %get3A_912 : vector<16xf32>
        %get3A_914 = arith.constant 16 : i32
        %get3A_915 = arith.index_cast %scan3A_112 : i32 to index
        %get3A_916 = arith.index_cast %get3A_914 : i32 to index
        %get3A_917 = arith.constant 48 : index
        %get3A_918 = tpu.vector_load %arg5[%get3A_915, %get3A_916, %get3A_917] {strides = array<i32>} : memref<8x32x128xf32, #tpu.memory_space<vmem>>, vector<1x1x16xf32>,
        %get3A_919 = vector.shape_cast %get3A_918 : vector<1x1x16xf32> to vector<16xf32>
        %max3A_920 = arith.maximumf %max3A_913, %get3A_919 : vector<16xf32>
        %get3A_921 = arith.constant 17 : i32
        %get3A_922 = arith.index_cast %scan3A_112 : i32 to index
        %get3A_923 = arith.index_cast %get3A_921 : i32 to index
        %get3A_924 = arith.constant 48 : index
        %get3A_925 = tpu.vector_load %arg5[%get3A_922, %get3A_923, %get3A_924] {strides = array<i32>} : memref<8x32x128xf32, #tpu.memory_space<vmem>>, vector<1x1x16xf32>,
        %get3A_926 = vector.shape_cast %get3A_925 : vector<1x1x16xf32> to vector<16xf32>
        %max3A_927 = arith.maximumf %max3A_920, %get3A_926 : vector<16xf32>
        %get3A_928 = arith.constant 18 : i32
        %get3A_929 = arith.index_cast %scan3A_112 : i32 to index
        %get3A_930 = arith.index_cast %get3A_928 : i32 to index
        %get3A_931 = arith.constant 48 : index
        %get3A_932 = tpu.vector_load %arg5[%get3A_929, %get3A_930, %get3A_931] {strides = array<i32>} : memref<8x32x128xf32, #tpu.memory_space<vmem>>, vector<1x1x16xf32>,
        %get3A_933 = vector.shape_cast %get3A_932 : vector<1x1x16xf32> to vector<16xf32>
        %max3A_934 = arith.maximumf %max3A_927, %get3A_933 : vector<16xf32>
        %get3A_935 = arith.constant 19 : i32
        %get3A_936 = arith.index_cast %scan3A_112 : i32 to index
        %get3A_937 = arith.index_cast %get3A_935 : i32 to index
        %get3A_938 = arith.constant 48 : index
        %get3A_939 = tpu.vector_load %arg5[%get3A_936, %get3A_937, %get3A_938] {strides = array<i32>} : memref<8x32x128xf32, #tpu.memory_space<vmem>>, vector<1x1x16xf32>,
        %get3A_940 = vector.shape_cast %get3A_939 : vector<1x1x16xf32> to vector<16xf32>
        %max3A_941 = arith.maximumf %max3A_934, %get3A_940 : vector<16xf32>
        %get3A_942 = arith.constant 20 : i32
        %get3A_943 = arith.index_cast %scan3A_112 : i32 to index
        %get3A_944 = arith.index_cast %get3A_942 : i32 to index
        %get3A_945 = arith.constant 48 : index
        %get3A_946 = tpu.vector_load %arg5[%get3A_943, %get3A_944, %get3A_945] {strides = array<i32>} : memref<8x32x128xf32, #tpu.memory_space<vmem>>, vector<1x1x16xf32>,
        %get3A_947 = vector.shape_cast %get3A_946 : vector<1x1x16xf32> to vector<16xf32>
        %max3A_948 = arith.maximumf %max3A_941, %get3A_947 : vector<16xf32>
        %get3A_949 = arith.constant 21 : i32
        %get3A_950 = arith.index_cast %scan3A_112 : i32 to index
        %get3A_951 = arith.index_cast %get3A_949 : i32 to index
        %get3A_952 = arith.constant 48 : index
        %get3A_953 = tpu.vector_load %arg5[%get3A_950, %get3A_951, %get3A_952] {strides = array<i32>} : memref<8x32x128xf32, #tpu.memory_space<vmem>>, vector<1x1x16xf32>,
        %get3A_954 = vector.shape_cast %get3A_953 : vector<1x1x16xf32> to vector<16xf32>
        %max3A_955 = arith.maximumf %max3A_948, %get3A_954 : vector<16xf32>
        %get3A_956 = arith.constant 22 : i32
        %get3A_957 = arith.index_cast %scan3A_112 : i32 to index
        %get3A_958 = arith.index_cast %get3A_956 : i32 to index
        %get3A_959 = arith.constant 48 : index
        %get3A_960 = tpu.vector_load %arg5[%get3A_957, %get3A_958, %get3A_959] {strides = array<i32>} : memref<8x32x128xf32, #tpu.memory_space<vmem>>, vector<1x1x16xf32>,
        %get3A_961 = vector.shape_cast %get3A_960 : vector<1x1x16xf32> to vector<16xf32>
        %max3A_962 = arith.maximumf %max3A_955, %get3A_961 : vector<16xf32>
        %get3A_963 = arith.constant 23 : i32
        %get3A_964 = arith.index_cast %scan3A_112 : i32 to index
        %get3A_965 = arith.index_cast %get3A_963 : i32 to index
        %get3A_966 = arith.constant 48 : index
        %get3A_967 = tpu.vector_load %arg5[%get3A_964, %get3A_965, %get3A_966] {strides = array<i32>} : memref<8x32x128xf32, #tpu.memory_space<vmem>>, vector<1x1x16xf32>,
        %get3A_968 = vector.shape_cast %get3A_967 : vector<1x1x16xf32> to vector<16xf32>
        %max3A_969 = arith.maximumf %max3A_962, %get3A_968 : vector<16xf32>
        %get3A_970 = arith.constant 24 : i32
        %get3A_971 = arith.index_cast %scan3A_112 : i32 to index
        %get3A_972 = arith.index_cast %get3A_970 : i32 to index
        %get3A_973 = arith.constant 48 : index
        %get3A_974 = tpu.vector_load %arg5[%get3A_971, %get3A_972, %get3A_973] {strides = array<i32>} : memref<8x32x128xf32, #tpu.memory_space<vmem>>, vector<1x1x16xf32>,
        %get3A_975 = vector.shape_cast %get3A_974 : vector<1x1x16xf32> to vector<16xf32>
        %max3A_976 = arith.maximumf %max3A_969, %get3A_975 : vector<16xf32>
        %get3A_977 = arith.constant 25 : i32
        %get3A_978 = arith.index_cast %scan3A_112 : i32 to index
        %get3A_979 = arith.index_cast %get3A_977 : i32 to index
        %get3A_980 = arith.constant 48 : index
        %get3A_981 = tpu.vector_load %arg5[%get3A_978, %get3A_979, %get3A_980] {strides = array<i32>} : memref<8x32x128xf32, #tpu.memory_space<vmem>>, vector<1x1x16xf32>,
        %get3A_982 = vector.shape_cast %get3A_981 : vector<1x1x16xf32> to vector<16xf32>
        %max3A_983 = arith.maximumf %max3A_976, %get3A_982 : vector<16xf32>
        %get3A_984 = arith.constant 26 : i32
        %get3A_985 = arith.index_cast %scan3A_112 : i32 to index
        %get3A_986 = arith.index_cast %get3A_984 : i32 to index
        %get3A_987 = arith.constant 48 : index
        %get3A_988 = tpu.vector_load %arg5[%get3A_985, %get3A_986, %get3A_987] {strides = array<i32>} : memref<8x32x128xf32, #tpu.memory_space<vmem>>, vector<1x1x16xf32>,
        %get3A_989 = vector.shape_cast %get3A_988 : vector<1x1x16xf32> to vector<16xf32>
        %max3A_990 = arith.maximumf %max3A_983, %get3A_989 : vector<16xf32>
        %get3A_991 = arith.constant 27 : i32
        %get3A_992 = arith.index_cast %scan3A_112 : i32 to index
        %get3A_993 = arith.index_cast %get3A_991 : i32 to index
        %get3A_994 = arith.constant 48 : index
        %get3A_995 = tpu.vector_load %arg5[%get3A_992, %get3A_993, %get3A_994] {strides = array<i32>} : memref<8x32x128xf32, #tpu.memory_space<vmem>>, vector<1x1x16xf32>,
        %get3A_996 = vector.shape_cast %get3A_995 : vector<1x1x16xf32> to vector<16xf32>
        %max3A_997 = arith.maximumf %max3A_990, %get3A_996 : vector<16xf32>
        %get3A_998 = arith.constant 28 : i32
        %get3A_999 = arith.index_cast %scan3A_112 : i32 to index
        %get3A_1000 = arith.index_cast %get3A_998 : i32 to index
        %get3A_1001 = arith.constant 48 : index
        %get3A_1002 = tpu.vector_load %arg5[%get3A_999, %get3A_1000, %get3A_1001] {strides = array<i32>} : memref<8x32x128xf32, #tpu.memory_space<vmem>>, vector<1x1x16xf32>,
        %get3A_1003 = vector.shape_cast %get3A_1002 : vector<1x1x16xf32> to vector<16xf32>
        %max3A_1004 = arith.maximumf %max3A_997, %get3A_1003 : vector<16xf32>
        %get3A_1005 = arith.constant 29 : i32
        %get3A_1006 = arith.index_cast %scan3A_112 : i32 to index
        %get3A_1007 = arith.index_cast %get3A_1005 : i32 to index
        %get3A_1008 = arith.constant 48 : index
        %get3A_1009 = tpu.vector_load %arg5[%get3A_1006, %get3A_1007, %get3A_1008] {strides = array<i32>} : memref<8x32x128xf32, #tpu.memory_space<vmem>>, vector<1x1x16xf32>,
        %get3A_1010 = vector.shape_cast %get3A_1009 : vector<1x1x16xf32> to vector<16xf32>
        %max3A_1011 = arith.maximumf %max3A_1004, %get3A_1010 : vector<16xf32>
        %get3A_1012 = arith.constant 30 : i32
        %get3A_1013 = arith.index_cast %scan3A_112 : i32 to index
        %get3A_1014 = arith.index_cast %get3A_1012 : i32 to index
        %get3A_1015 = arith.constant 48 : index
        %get3A_1016 = tpu.vector_load %arg5[%get3A_1013, %get3A_1014, %get3A_1015] {strides = array<i32>} : memref<8x32x128xf32, #tpu.memory_space<vmem>>, vector<1x1x16xf32>,
        %get3A_1017 = vector.shape_cast %get3A_1016 : vector<1x1x16xf32> to vector<16xf32>
        %max3A_1018 = arith.maximumf %max3A_1011, %get3A_1017 : vector<16xf32>
        %get3A_1019 = arith.constant 31 : i32
        %get3A_1020 = arith.index_cast %scan3A_112 : i32 to index
        %get3A_1021 = arith.index_cast %get3A_1019 : i32 to index
        %get3A_1022 = arith.constant 48 : index
        %get3A_1023 = tpu.vector_load %arg5[%get3A_1020, %get3A_1021, %get3A_1022] {strides = array<i32>} : memref<8x32x128xf32, #tpu.memory_space<vmem>>, vector<1x1x16xf32>,
        %get3A_1024 = vector.shape_cast %get3A_1023 : vector<1x1x16xf32> to vector<16xf32>
        %max3A_1025 = arith.maximumf %max3A_1018, %get3A_1024 : vector<16xf32>
        %mul3A_1026 = arith.constant 8 : i32
        %mul3A_1027 = arith.muli %add3A_91, %mul3A_1026 : i32
        %add3A_1028 = arith.addi %mul3A_1027, %scan3A_112 : i32
        %swap3A_1029 = arith.index_cast %add3A_1028 : i32 to index
        %swap3A_1030 = arith.constant 48 : index
        %swap3A_1031 = tpu.vector_load %arg6[%swap3A_1029, %swap3A_1030] {strides = array<i32>} : memref<128x128xf32, #tpu.memory_space<vmem>>, vector<1x16xf32>,
        %swap3A_1032 = vector.shape_cast %swap3A_1031 : vector<1x16xf32> to vector<16xf32>
        %swap3A_1033 = vector.shape_cast %max3A_1025 : vector<16xf32> to vector<1x16xf32>
        tpu.vector_store %arg6[%swap3A_1029, %swap3A_1030], %swap3A_1033 {strides = array<i32>} : memref<128x128xf32, #tpu.memory_space<vmem>>, vector<1x16xf32>,
        %get3A_1034 = arith.constant 0 : i32
        %get3A_1035 = arith.index_cast %scan3A_112 : i32 to index
        %get3A_1036 = arith.index_cast %get3A_1034 : i32 to index
        %get3A_1037 = arith.constant 64 : index
        %get3A_1038 = tpu.vector_load %arg5[%get3A_1035, %get3A_1036, %get3A_1037] {strides = array<i32>} : memref<8x32x128xf32, #tpu.memory_space<vmem>>, vector<1x1x16xf32>,
        %get3A_1039 = vector.shape_cast %get3A_1038 : vector<1x1x16xf32> to vector<16xf32>
        %get3A_1040 = arith.constant 1 : i32
        %get3A_1041 = arith.index_cast %scan3A_112 : i32 to index
        %get3A_1042 = arith.index_cast %get3A_1040 : i32 to index
        %get3A_1043 = arith.constant 64 : index
        %get3A_1044 = tpu.vector_load %arg5[%get3A_1041, %get3A_1042, %get3A_1043] {strides = array<i32>} : memref<8x32x128xf32, #tpu.memory_space<vmem>>, vector<1x1x16xf32>,
        %get3A_1045 = vector.shape_cast %get3A_1044 : vector<1x1x16xf32> to vector<16xf32>
        %max3A_1046 = arith.maximumf %get3A_1039, %get3A_1045 : vector<16xf32>
        %get3A_1047 = arith.constant 2 : i32
        %get3A_1048 = arith.index_cast %scan3A_112 : i32 to index
        %get3A_1049 = arith.index_cast %get3A_1047 : i32 to index
        %get3A_1050 = arith.constant 64 : index
        %get3A_1051 = tpu.vector_load %arg5[%get3A_1048, %get3A_1049, %get3A_1050] {strides = array<i32>} : memref<8x32x128xf32, #tpu.memory_space<vmem>>, vector<1x1x16xf32>,
        %get3A_1052 = vector.shape_cast %get3A_1051 : vector<1x1x16xf32> to vector<16xf32>
        %max3A_1053 = arith.maximumf %max3A_1046, %get3A_1052 : vector<16xf32>
        %get3A_1054 = arith.constant 3 : i32
        %get3A_1055 = arith.index_cast %scan3A_112 : i32 to index
        %get3A_1056 = arith.index_cast %get3A_1054 : i32 to index
        %get3A_1057 = arith.constant 64 : index
        %get3A_1058 = tpu.vector_load %arg5[%get3A_1055, %get3A_1056, %get3A_1057] {strides = array<i32>} : memref<8x32x128xf32, #tpu.memory_space<vmem>>, vector<1x1x16xf32>,
        %get3A_1059 = vector.shape_cast %get3A_1058 : vector<1x1x16xf32> to vector<16xf32>
        %max3A_1060 = arith.maximumf %max3A_1053, %get3A_1059 : vector<16xf32>
        %get3A_1061 = arith.constant 4 : i32
        %get3A_1062 = arith.index_cast %scan3A_112 : i32 to index
        %get3A_1063 = arith.index_cast %get3A_1061 : i32 to index
        %get3A_1064 = arith.constant 64 : index
        %get3A_1065 = tpu.vector_load %arg5[%get3A_1062, %get3A_1063, %get3A_1064] {strides = array<i32>} : memref<8x32x128xf32, #tpu.memory_space<vmem>>, vector<1x1x16xf32>,
        %get3A_1066 = vector.shape_cast %get3A_1065 : vector<1x1x16xf32> to vector<16xf32>
        %max3A_1067 = arith.maximumf %max3A_1060, %get3A_1066 : vector<16xf32>
        %get3A_1068 = arith.constant 5 : i32
        %get3A_1069 = arith.index_cast %scan3A_112 : i32 to index
        %get3A_1070 = arith.index_cast %get3A_1068 : i32 to index
        %get3A_1071 = arith.constant 64 : index
        %get3A_1072 = tpu.vector_load %arg5[%get3A_1069, %get3A_1070, %get3A_1071] {strides = array<i32>} : memref<8x32x128xf32, #tpu.memory_space<vmem>>, vector<1x1x16xf32>,
        %get3A_1073 = vector.shape_cast %get3A_1072 : vector<1x1x16xf32> to vector<16xf32>
        %max3A_1074 = arith.maximumf %max3A_1067, %get3A_1073 : vector<16xf32>
        %get3A_1075 = arith.constant 6 : i32
        %get3A_1076 = arith.index_cast %scan3A_112 : i32 to index
        %get3A_1077 = arith.index_cast %get3A_1075 : i32 to index
        %get3A_1078 = arith.constant 64 : index
        %get3A_1079 = tpu.vector_load %arg5[%get3A_1076, %get3A_1077, %get3A_1078] {strides = array<i32>} : memref<8x32x128xf32, #tpu.memory_space<vmem>>, vector<1x1x16xf32>,
        %get3A_1080 = vector.shape_cast %get3A_1079 : vector<1x1x16xf32> to vector<16xf32>
        %max3A_1081 = arith.maximumf %max3A_1074, %get3A_1080 : vector<16xf32>
        %get3A_1082 = arith.constant 7 : i32
        %get3A_1083 = arith.index_cast %scan3A_112 : i32 to index
        %get3A_1084 = arith.index_cast %get3A_1082 : i32 to index
        %get3A_1085 = arith.constant 64 : index
        %get3A_1086 = tpu.vector_load %arg5[%get3A_1083, %get3A_1084, %get3A_1085] {strides = array<i32>} : memref<8x32x128xf32, #tpu.memory_space<vmem>>, vector<1x1x16xf32>,
        %get3A_1087 = vector.shape_cast %get3A_1086 : vector<1x1x16xf32> to vector<16xf32>
        %max3A_1088 = arith.maximumf %max3A_1081, %get3A_1087 : vector<16xf32>
        %get3A_1089 = arith.constant 8 : i32
        %get3A_1090 = arith.index_cast %scan3A_112 : i32 to index
        %get3A_1091 = arith.index_cast %get3A_1089 : i32 to index
        %get3A_1092 = arith.constant 64 : index
        %get3A_1093 = tpu.vector_load %arg5[%get3A_1090, %get3A_1091, %get3A_1092] {strides = array<i32>} : memref<8x32x128xf32, #tpu.memory_space<vmem>>, vector<1x1x16xf32>,
        %get3A_1094 = vector.shape_cast %get3A_1093 : vector<1x1x16xf32> to vector<16xf32>
        %max3A_1095 = arith.maximumf %max3A_1088, %get3A_1094 : vector<16xf32>
        %get3A_1096 = arith.constant 9 : i32
        %get3A_1097 = arith.index_cast %scan3A_112 : i32 to index
        %get3A_1098 = arith.index_cast %get3A_1096 : i32 to index
        %get3A_1099 = arith.constant 64 : index
        %get3A_1100 = tpu.vector_load %arg5[%get3A_1097, %get3A_1098, %get3A_1099] {strides = array<i32>} : memref<8x32x128xf32, #tpu.memory_space<vmem>>, vector<1x1x16xf32>,
        %get3A_1101 = vector.shape_cast %get3A_1100 : vector<1x1x16xf32> to vector<16xf32>
        %max3A_1102 = arith.maximumf %max3A_1095, %get3A_1101 : vector<16xf32>
        %get3A_1103 = arith.constant 10 : i32
        %get3A_1104 = arith.index_cast %scan3A_112 : i32 to index
        %get3A_1105 = arith.index_cast %get3A_1103 : i32 to index
        %get3A_1106 = arith.constant 64 : index
        %get3A_1107 = tpu.vector_load %arg5[%get3A_1104, %get3A_1105, %get3A_1106] {strides = array<i32>} : memref<8x32x128xf32, #tpu.memory_space<vmem>>, vector<1x1x16xf32>,
        %get3A_1108 = vector.shape_cast %get3A_1107 : vector<1x1x16xf32> to vector<16xf32>
        %max3A_1109 = arith.maximumf %max3A_1102, %get3A_1108 : vector<16xf32>
        %get3A_1110 = arith.constant 11 : i32
        %get3A_1111 = arith.index_cast %scan3A_112 : i32 to index
        %get3A_1112 = arith.index_cast %get3A_1110 : i32 to index
        %get3A_1113 = arith.constant 64 : index
        %get3A_1114 = tpu.vector_load %arg5[%get3A_1111, %get3A_1112, %get3A_1113] {strides = array<i32>} : memref<8x32x128xf32, #tpu.memory_space<vmem>>, vector<1x1x16xf32>,
        %get3A_1115 = vector.shape_cast %get3A_1114 : vector<1x1x16xf32> to vector<16xf32>
        %max3A_1116 = arith.maximumf %max3A_1109, %get3A_1115 : vector<16xf32>
        %get3A_1117 = arith.constant 12 : i32
        %get3A_1118 = arith.index_cast %scan3A_112 : i32 to index
        %get3A_1119 = arith.index_cast %get3A_1117 : i32 to index
        %get3A_1120 = arith.constant 64 : index
        %get3A_1121 = tpu.vector_load %arg5[%get3A_1118, %get3A_1119, %get3A_1120] {strides = array<i32>} : memref<8x32x128xf32, #tpu.memory_space<vmem>>, vector<1x1x16xf32>,
        %get3A_1122 = vector.shape_cast %get3A_1121 : vector<1x1x16xf32> to vector<16xf32>
        %max3A_1123 = arith.maximumf %max3A_1116, %get3A_1122 : vector<16xf32>
        %get3A_1124 = arith.constant 13 : i32
        %get3A_1125 = arith.index_cast %scan3A_112 : i32 to index
        %get3A_1126 = arith.index_cast %get3A_1124 : i32 to index
        %get3A_1127 = arith.constant 64 : index
        %get3A_1128 = tpu.vector_load %arg5[%get3A_1125, %get3A_1126, %get3A_1127] {strides = array<i32>} : memref<8x32x128xf32, #tpu.memory_space<vmem>>, vector<1x1x16xf32>,
        %get3A_1129 = vector.shape_cast %get3A_1128 : vector<1x1x16xf32> to vector<16xf32>
        %max3A_1130 = arith.maximumf %max3A_1123, %get3A_1129 : vector<16xf32>
        %get3A_1131 = arith.constant 14 : i32
        %get3A_1132 = arith.index_cast %scan3A_112 : i32 to index
        %get3A_1133 = arith.index_cast %get3A_1131 : i32 to index
        %get3A_1134 = arith.constant 64 : index
        %get3A_1135 = tpu.vector_load %arg5[%get3A_1132, %get3A_1133, %get3A_1134] {strides = array<i32>} : memref<8x32x128xf32, #tpu.memory_space<vmem>>, vector<1x1x16xf32>,
        %get3A_1136 = vector.shape_cast %get3A_1135 : vector<1x1x16xf32> to vector<16xf32>
        %max3A_1137 = arith.maximumf %max3A_1130, %get3A_1136 : vector<16xf32>
        %get3A_1138 = arith.constant 15 : i32
        %get3A_1139 = arith.index_cast %scan3A_112 : i32 to index
        %get3A_1140 = arith.index_cast %get3A_1138 : i32 to index
        %get3A_1141 = arith.constant 64 : index
        %get3A_1142 = tpu.vector_load %arg5[%get3A_1139, %get3A_1140, %get3A_1141] {strides = array<i32>} : memref<8x32x128xf32, #tpu.memory_space<vmem>>, vector<1x1x16xf32>,
        %get3A_1143 = vector.shape_cast %get3A_1142 : vector<1x1x16xf32> to vector<16xf32>
        %max3A_1144 = arith.maximumf %max3A_1137, %get3A_1143 : vector<16xf32>
        %get3A_1145 = arith.constant 16 : i32
        %get3A_1146 = arith.index_cast %scan3A_112 : i32 to index
        %get3A_1147 = arith.index_cast %get3A_1145 : i32 to index
        %get3A_1148 = arith.constant 64 : index
        %get3A_1149 = tpu.vector_load %arg5[%get3A_1146, %get3A_1147, %get3A_1148] {strides = array<i32>} : memref<8x32x128xf32, #tpu.memory_space<vmem>>, vector<1x1x16xf32>,
        %get3A_1150 = vector.shape_cast %get3A_1149 : vector<1x1x16xf32> to vector<16xf32>
        %max3A_1151 = arith.maximumf %max3A_1144, %get3A_1150 : vector<16xf32>
        %get3A_1152 = arith.constant 17 : i32
        %get3A_1153 = arith.index_cast %scan3A_112 : i32 to index
        %get3A_1154 = arith.index_cast %get3A_1152 : i32 to index
        %get3A_1155 = arith.constant 64 : index
        %get3A_1156 = tpu.vector_load %arg5[%get3A_1153, %get3A_1154, %get3A_1155] {strides = array<i32>} : memref<8x32x128xf32, #tpu.memory_space<vmem>>, vector<1x1x16xf32>,
        %get3A_1157 = vector.shape_cast %get3A_1156 : vector<1x1x16xf32> to vector<16xf32>
        %max3A_1158 = arith.maximumf %max3A_1151, %get3A_1157 : vector<16xf32>
        %get3A_1159 = arith.constant 18 : i32
        %get3A_1160 = arith.index_cast %scan3A_112 : i32 to index
        %get3A_1161 = arith.index_cast %get3A_1159 : i32 to index
        %get3A_1162 = arith.constant 64 : index
        %get3A_1163 = tpu.vector_load %arg5[%get3A_1160, %get3A_1161, %get3A_1162] {strides = array<i32>} : memref<8x32x128xf32, #tpu.memory_space<vmem>>, vector<1x1x16xf32>,
        %get3A_1164 = vector.shape_cast %get3A_1163 : vector<1x1x16xf32> to vector<16xf32>
        %max3A_1165 = arith.maximumf %max3A_1158, %get3A_1164 : vector<16xf32>
        %get3A_1166 = arith.constant 19 : i32
        %get3A_1167 = arith.index_cast %scan3A_112 : i32 to index
        %get3A_1168 = arith.index_cast %get3A_1166 : i32 to index
        %get3A_1169 = arith.constant 64 : index
        %get3A_1170 = tpu.vector_load %arg5[%get3A_1167, %get3A_1168, %get3A_1169] {strides = array<i32>} : memref<8x32x128xf32, #tpu.memory_space<vmem>>, vector<1x1x16xf32>,
        %get3A_1171 = vector.shape_cast %get3A_1170 : vector<1x1x16xf32> to vector<16xf32>
        %max3A_1172 = arith.maximumf %max3A_1165, %get3A_1171 : vector<16xf32>
        %get3A_1173 = arith.constant 20 : i32
        %get3A_1174 = arith.index_cast %scan3A_112 : i32 to index
        %get3A_1175 = arith.index_cast %get3A_1173 : i32 to index
        %get3A_1176 = arith.constant 64 : index
        %get3A_1177 = tpu.vector_load %arg5[%get3A_1174, %get3A_1175, %get3A_1176] {strides = array<i32>} : memref<8x32x128xf32, #tpu.memory_space<vmem>>, vector<1x1x16xf32>,
        %get3A_1178 = vector.shape_cast %get3A_1177 : vector<1x1x16xf32> to vector<16xf32>
        %max3A_1179 = arith.maximumf %max3A_1172, %get3A_1178 : vector<16xf32>
        %get3A_1180 = arith.constant 21 : i32
        %get3A_1181 = arith.index_cast %scan3A_112 : i32 to index
        %get3A_1182 = arith.index_cast %get3A_1180 : i32 to index
        %get3A_1183 = arith.constant 64 : index
        %get3A_1184 = tpu.vector_load %arg5[%get3A_1181, %get3A_1182, %get3A_1183] {strides = array<i32>} : memref<8x32x128xf32, #tpu.memory_space<vmem>>, vector<1x1x16xf32>,
        %get3A_1185 = vector.shape_cast %get3A_1184 : vector<1x1x16xf32> to vector<16xf32>
        %max3A_1186 = arith.maximumf %max3A_1179, %get3A_1185 : vector<16xf32>
        %get3A_1187 = arith.constant 22 : i32
        %get3A_1188 = arith.index_cast %scan3A_112 : i32 to index
        %get3A_1189 = arith.index_cast %get3A_1187 : i32 to index
        %get3A_1190 = arith.constant 64 : index
        %get3A_1191 = tpu.vector_load %arg5[%get3A_1188, %get3A_1189, %get3A_1190] {strides = array<i32>} : memref<8x32x128xf32, #tpu.memory_space<vmem>>, vector<1x1x16xf32>,
        %get3A_1192 = vector.shape_cast %get3A_1191 : vector<1x1x16xf32> to vector<16xf32>
        %max3A_1193 = arith.maximumf %max3A_1186, %get3A_1192 : vector<16xf32>
        %get3A_1194 = arith.constant 23 : i32
        %get3A_1195 = arith.index_cast %scan3A_112 : i32 to index
        %get3A_1196 = arith.index_cast %get3A_1194 : i32 to index
        %get3A_1197 = arith.constant 64 : index
        %get3A_1198 = tpu.vector_load %arg5[%get3A_1195, %get3A_1196, %get3A_1197] {strides = array<i32>} : memref<8x32x128xf32, #tpu.memory_space<vmem>>, vector<1x1x16xf32>,
        %get3A_1199 = vector.shape_cast %get3A_1198 : vector<1x1x16xf32> to vector<16xf32>
        %max3A_1200 = arith.maximumf %max3A_1193, %get3A_1199 : vector<16xf32>
        %get3A_1201 = arith.constant 24 : i32
        %get3A_1202 = arith.index_cast %scan3A_112 : i32 to index
        %get3A_1203 = arith.index_cast %get3A_1201 : i32 to index
        %get3A_1204 = arith.constant 64 : index
        %get3A_1205 = tpu.vector_load %arg5[%get3A_1202, %get3A_1203, %get3A_1204] {strides = array<i32>} : memref<8x32x128xf32, #tpu.memory_space<vmem>>, vector<1x1x16xf32>,
        %get3A_1206 = vector.shape_cast %get3A_1205 : vector<1x1x16xf32> to vector<16xf32>
        %max3A_1207 = arith.maximumf %max3A_1200, %get3A_1206 : vector<16xf32>
        %get3A_1208 = arith.constant 25 : i32
        %get3A_1209 = arith.index_cast %scan3A_112 : i32 to index
        %get3A_1210 = arith.index_cast %get3A_1208 : i32 to index
        %get3A_1211 = arith.constant 64 : index
        %get3A_1212 = tpu.vector_load %arg5[%get3A_1209, %get3A_1210, %get3A_1211] {strides = array<i32>} : memref<8x32x128xf32, #tpu.memory_space<vmem>>, vector<1x1x16xf32>,
        %get3A_1213 = vector.shape_cast %get3A_1212 : vector<1x1x16xf32> to vector<16xf32>
        %max3A_1214 = arith.maximumf %max3A_1207, %get3A_1213 : vector<16xf32>
        %get3A_1215 = arith.constant 26 : i32
        %get3A_1216 = arith.index_cast %scan3A_112 : i32 to index
        %get3A_1217 = arith.index_cast %get3A_1215 : i32 to index
        %get3A_1218 = arith.constant 64 : index
        %get3A_1219 = tpu.vector_load %arg5[%get3A_1216, %get3A_1217, %get3A_1218] {strides = array<i32>} : memref<8x32x128xf32, #tpu.memory_space<vmem>>, vector<1x1x16xf32>,
        %get3A_1220 = vector.shape_cast %get3A_1219 : vector<1x1x16xf32> to vector<16xf32>
        %max3A_1221 = arith.maximumf %max3A_1214, %get3A_1220 : vector<16xf32>
        %get3A_1222 = arith.constant 27 : i32
        %get3A_1223 = arith.index_cast %scan3A_112 : i32 to index
        %get3A_1224 = arith.index_cast %get3A_1222 : i32 to index
        %get3A_1225 = arith.constant 64 : index
        %get3A_1226 = tpu.vector_load %arg5[%get3A_1223, %get3A_1224, %get3A_1225] {strides = array<i32>} : memref<8x32x128xf32, #tpu.memory_space<vmem>>, vector<1x1x16xf32>,
        %get3A_1227 = vector.shape_cast %get3A_1226 : vector<1x1x16xf32> to vector<16xf32>
        %max3A_1228 = arith.maximumf %max3A_1221, %get3A_1227 : vector<16xf32>
        %get3A_1229 = arith.constant 28 : i32
        %get3A_1230 = arith.index_cast %scan3A_112 : i32 to index
        %get3A_1231 = arith.index_cast %get3A_1229 : i32 to index
        %get3A_1232 = arith.constant 64 : index
        %get3A_1233 = tpu.vector_load %arg5[%get3A_1230, %get3A_1231, %get3A_1232] {strides = array<i32>} : memref<8x32x128xf32, #tpu.memory_space<vmem>>, vector<1x1x16xf32>,
        %get3A_1234 = vector.shape_cast %get3A_1233 : vector<1x1x16xf32> to vector<16xf32>
        %max3A_1235 = arith.maximumf %max3A_1228, %get3A_1234 : vector<16xf32>
        %get3A_1236 = arith.constant 29 : i32
        %get3A_1237 = arith.index_cast %scan3A_112 : i32 to index
        %get3A_1238 = arith.index_cast %get3A_1236 : i32 to index
        %get3A_1239 = arith.constant 64 : index
        %get3A_1240 = tpu.vector_load %arg5[%get3A_1237, %get3A_1238, %get3A_1239] {strides = array<i32>} : memref<8x32x128xf32, #tpu.memory_space<vmem>>, vector<1x1x16xf32>,
        %get3A_1241 = vector.shape_cast %get3A_1240 : vector<1x1x16xf32> to vector<16xf32>
        %max3A_1242 = arith.maximumf %max3A_1235, %get3A_1241 : vector<16xf32>
        %get3A_1243 = arith.constant 30 : i32
        %get3A_1244 = arith.index_cast %scan3A_112 : i32 to index
        %get3A_1245 = arith.index_cast %get3A_1243 : i32 to index
        %get3A_1246 = arith.constant 64 : index
        %get3A_1247 = tpu.vector_load %arg5[%get3A_1244, %get3A_1245, %get3A_1246] {strides = array<i32>} : memref<8x32x128xf32, #tpu.memory_space<vmem>>, vector<1x1x16xf32>,
        %get3A_1248 = vector.shape_cast %get3A_1247 : vector<1x1x16xf32> to vector<16xf32>
        %max3A_1249 = arith.maximumf %max3A_1242, %get3A_1248 : vector<16xf32>
        %get3A_1250 = arith.constant 31 : i32
        %get3A_1251 = arith.index_cast %scan3A_112 : i32 to index
        %get3A_1252 = arith.index_cast %get3A_1250 : i32 to index
        %get3A_1253 = arith.constant 64 : index
        %get3A_1254 = tpu.vector_load %arg5[%get3A_1251, %get3A_1252, %get3A_1253] {strides = array<i32>} : memref<8x32x128xf32, #tpu.memory_space<vmem>>, vector<1x1x16xf32>,
        %get3A_1255 = vector.shape_cast %get3A_1254 : vector<1x1x16xf32> to vector<16xf32>
        %max3A_1256 = arith.maximumf %max3A_1249, %get3A_1255 : vector<16xf32>
        %mul3A_1257 = arith.constant 8 : i32
        %mul3A_1258 = arith.muli %add3A_91, %mul3A_1257 : i32
        %add3A_1259 = arith.addi %mul3A_1258, %scan3A_112 : i32
        %swap3A_1260 = arith.index_cast %add3A_1259 : i32 to index
        %swap3A_1261 = arith.constant 64 : index
        %swap3A_1262 = tpu.vector_load %arg6[%swap3A_1260, %swap3A_1261] {strides = array<i32>} : memref<128x128xf32, #tpu.memory_space<vmem>>, vector<1x16xf32>,
        %swap3A_1263 = vector.shape_cast %swap3A_1262 : vector<1x16xf32> to vector<16xf32>
        %swap3A_1264 = vector.shape_cast %max3A_1256 : vector<16xf32> to vector<1x16xf32>
        tpu.vector_store %arg6[%swap3A_1260, %swap3A_1261], %swap3A_1264 {strides = array<i32>} : memref<128x128xf32, #tpu.memory_space<vmem>>, vector<1x16xf32>,
        %get3A_1265 = arith.constant 0 : i32
        %get3A_1266 = arith.index_cast %scan3A_112 : i32 to index
        %get3A_1267 = arith.index_cast %get3A_1265 : i32 to index
        %get3A_1268 = arith.constant 80 : index
        %get3A_1269 = tpu.vector_load %arg5[%get3A_1266, %get3A_1267, %get3A_1268] {strides = array<i32>} : memref<8x32x128xf32, #tpu.memory_space<vmem>>, vector<1x1x16xf32>,
        %get3A_1270 = vector.shape_cast %get3A_1269 : vector<1x1x16xf32> to vector<16xf32>
        %get3A_1271 = arith.constant 1 : i32
        %get3A_1272 = arith.index_cast %scan3A_112 : i32 to index
        %get3A_1273 = arith.index_cast %get3A_1271 : i32 to index
        %get3A_1274 = arith.constant 80 : index
        %get3A_1275 = tpu.vector_load %arg5[%get3A_1272, %get3A_1273, %get3A_1274] {strides = array<i32>} : memref<8x32x128xf32, #tpu.memory_space<vmem>>, vector<1x1x16xf32>,
        %get3A_1276 = vector.shape_cast %get3A_1275 : vector<1x1x16xf32> to vector<16xf32>
        %max3A_1277 = arith.maximumf %get3A_1270, %get3A_1276 : vector<16xf32>
        %get3A_1278 = arith.constant 2 : i32
        %get3A_1279 = arith.index_cast %scan3A_112 : i32 to index
        %get3A_1280 = arith.index_cast %get3A_1278 : i32 to index
        %get3A_1281 = arith.constant 80 : index
        %get3A_1282 = tpu.vector_load %arg5[%get3A_1279, %get3A_1280, %get3A_1281] {strides = array<i32>} : memref<8x32x128xf32, #tpu.memory_space<vmem>>, vector<1x1x16xf32>,
        %get3A_1283 = vector.shape_cast %get3A_1282 : vector<1x1x16xf32> to vector<16xf32>
        %max3A_1284 = arith.maximumf %max3A_1277, %get3A_1283 : vector<16xf32>
        %get3A_1285 = arith.constant 3 : i32
        %get3A_1286 = arith.index_cast %scan3A_112 : i32 to index
        %get3A_1287 = arith.index_cast %get3A_1285 : i32 to index
        %get3A_1288 = arith.constant 80 : index
        %get3A_1289 = tpu.vector_load %arg5[%get3A_1286, %get3A_1287, %get3A_1288] {strides = array<i32>} : memref<8x32x128xf32, #tpu.memory_space<vmem>>, vector<1x1x16xf32>,
        %get3A_1290 = vector.shape_cast %get3A_1289 : vector<1x1x16xf32> to vector<16xf32>
        %max3A_1291 = arith.maximumf %max3A_1284, %get3A_1290 : vector<16xf32>
        %get3A_1292 = arith.constant 4 : i32
        %get3A_1293 = arith.index_cast %scan3A_112 : i32 to index
        %get3A_1294 = arith.index_cast %get3A_1292 : i32 to index
        %get3A_1295 = arith.constant 80 : index
        %get3A_1296 = tpu.vector_load %arg5[%get3A_1293, %get3A_1294, %get3A_1295] {strides = array<i32>} : memref<8x32x128xf32, #tpu.memory_space<vmem>>, vector<1x1x16xf32>,
        %get3A_1297 = vector.shape_cast %get3A_1296 : vector<1x1x16xf32> to vector<16xf32>
        %max3A_1298 = arith.maximumf %max3A_1291, %get3A_1297 : vector<16xf32>
        %get3A_1299 = arith.constant 5 : i32
        %get3A_1300 = arith.index_cast %scan3A_112 : i32 to index
        %get3A_1301 = arith.index_cast %get3A_1299 : i32 to index
        %get3A_1302 = arith.constant 80 : index
        %get3A_1303 = tpu.vector_load %arg5[%get3A_1300, %get3A_1301, %get3A_1302] {strides = array<i32>} : memref<8x32x128xf32, #tpu.memory_space<vmem>>, vector<1x1x16xf32>,
        %get3A_1304 = vector.shape_cast %get3A_1303 : vector<1x1x16xf32> to vector<16xf32>
        %max3A_1305 = arith.maximumf %max3A_1298, %get3A_1304 : vector<16xf32>
        %get3A_1306 = arith.constant 6 : i32
        %get3A_1307 = arith.index_cast %scan3A_112 : i32 to index
        %get3A_1308 = arith.index_cast %get3A_1306 : i32 to index
        %get3A_1309 = arith.constant 80 : index
        %get3A_1310 = tpu.vector_load %arg5[%get3A_1307, %get3A_1308, %get3A_1309] {strides = array<i32>} : memref<8x32x128xf32, #tpu.memory_space<vmem>>, vector<1x1x16xf32>,
        %get3A_1311 = vector.shape_cast %get3A_1310 : vector<1x1x16xf32> to vector<16xf32>
        %max3A_1312 = arith.maximumf %max3A_1305, %get3A_1311 : vector<16xf32>
        %get3A_1313 = arith.constant 7 : i32
        %get3A_1314 = arith.index_cast %scan3A_112 : i32 to index
        %get3A_1315 = arith.index_cast %get3A_1313 : i32 to index
        %get3A_1316 = arith.constant 80 : index
        %get3A_1317 = tpu.vector_load %arg5[%get3A_1314, %get3A_1315, %get3A_1316] {strides = array<i32>} : memref<8x32x128xf32, #tpu.memory_space<vmem>>, vector<1x1x16xf32>,
        %get3A_1318 = vector.shape_cast %get3A_1317 : vector<1x1x16xf32> to vector<16xf32>
        %max3A_1319 = arith.maximumf %max3A_1312, %get3A_1318 : vector<16xf32>
        %get3A_1320 = arith.constant 8 : i32
        %get3A_1321 = arith.index_cast %scan3A_112 : i32 to index
        %get3A_1322 = arith.index_cast %get3A_1320 : i32 to index
        %get3A_1323 = arith.constant 80 : index
        %get3A_1324 = tpu.vector_load %arg5[%get3A_1321, %get3A_1322, %get3A_1323] {strides = array<i32>} : memref<8x32x128xf32, #tpu.memory_space<vmem>>, vector<1x1x16xf32>,
        %get3A_1325 = vector.shape_cast %get3A_1324 : vector<1x1x16xf32> to vector<16xf32>
        %max3A_1326 = arith.maximumf %max3A_1319, %get3A_1325 : vector<16xf32>
        %get3A_1327 = arith.constant 9 : i32
        %get3A_1328 = arith.index_cast %scan3A_112 : i32 to index
        %get3A_1329 = arith.index_cast %get3A_1327 : i32 to index
        %get3A_1330 = arith.constant 80 : index
        %get3A_1331 = tpu.vector_load %arg5[%get3A_1328, %get3A_1329, %get3A_1330] {strides = array<i32>} : memref<8x32x128xf32, #tpu.memory_space<vmem>>, vector<1x1x16xf32>,
        %get3A_1332 = vector.shape_cast %get3A_1331 : vector<1x1x16xf32> to vector<16xf32>
        %max3A_1333 = arith.maximumf %max3A_1326, %get3A_1332 : vector<16xf32>
        %get3A_1334 = arith.constant 10 : i32
        %get3A_1335 = arith.index_cast %scan3A_112 : i32 to index
        %get3A_1336 = arith.index_cast %get3A_1334 : i32 to index
        %get3A_1337 = arith.constant 80 : index
        %get3A_1338 = tpu.vector_load %arg5[%get3A_1335, %get3A_1336, %get3A_1337] {strides = array<i32>} : memref<8x32x128xf32, #tpu.memory_space<vmem>>, vector<1x1x16xf32>,
        %get3A_1339 = vector.shape_cast %get3A_1338 : vector<1x1x16xf32> to vector<16xf32>
        %max3A_1340 = arith.maximumf %max3A_1333, %get3A_1339 : vector<16xf32>
        %get3A_1341 = arith.constant 11 : i32
        %get3A_1342 = arith.index_cast %scan3A_112 : i32 to index
        %get3A_1343 = arith.index_cast %get3A_1341 : i32 to index
        %get3A_1344 = arith.constant 80 : index
        %get3A_1345 = tpu.vector_load %arg5[%get3A_1342, %get3A_1343, %get3A_1344] {strides = array<i32>} : memref<8x32x128xf32, #tpu.memory_space<vmem>>, vector<1x1x16xf32>,
        %get3A_1346 = vector.shape_cast %get3A_1345 : vector<1x1x16xf32> to vector<16xf32>
        %max3A_1347 = arith.maximumf %max3A_1340, %get3A_1346 : vector<16xf32>
        %get3A_1348 = arith.constant 12 : i32
        %get3A_1349 = arith.index_cast %scan3A_112 : i32 to index
        %get3A_1350 = arith.index_cast %get3A_1348 : i32 to index
        %get3A_1351 = arith.constant 80 : index
        %get3A_1352 = tpu.vector_load %arg5[%get3A_1349, %get3A_1350, %get3A_1351] {strides = array<i32>} : memref<8x32x128xf32, #tpu.memory_space<vmem>>, vector<1x1x16xf32>,
        %get3A_1353 = vector.shape_cast %get3A_1352 : vector<1x1x16xf32> to vector<16xf32>
        %max3A_1354 = arith.maximumf %max3A_1347, %get3A_1353 : vector<16xf32>
        %get3A_1355 = arith.constant 13 : i32
        %get3A_1356 = arith.index_cast %scan3A_112 : i32 to index
        %get3A_1357 = arith.index_cast %get3A_1355 : i32 to index
        %get3A_1358 = arith.constant 80 : index
        %get3A_1359 = tpu.vector_load %arg5[%get3A_1356, %get3A_1357, %get3A_1358] {strides = array<i32>} : memref<8x32x128xf32, #tpu.memory_space<vmem>>, vector<1x1x16xf32>,
        %get3A_1360 = vector.shape_cast %get3A_1359 : vector<1x1x16xf32> to vector<16xf32>
        %max3A_1361 = arith.maximumf %max3A_1354, %get3A_1360 : vector<16xf32>
        %get3A_1362 = arith.constant 14 : i32
        %get3A_1363 = arith.index_cast %scan3A_112 : i32 to index
        %get3A_1364 = arith.index_cast %get3A_1362 : i32 to index
        %get3A_1365 = arith.constant 80 : index
        %get3A_1366 = tpu.vector_load %arg5[%get3A_1363, %get3A_1364, %get3A_1365] {strides = array<i32>} : memref<8x32x128xf32, #tpu.memory_space<vmem>>, vector<1x1x16xf32>,
        %get3A_1367 = vector.shape_cast %get3A_1366 : vector<1x1x16xf32> to vector<16xf32>
        %max3A_1368 = arith.maximumf %max3A_1361, %get3A_1367 : vector<16xf32>
        %get3A_1369 = arith.constant 15 : i32
        %get3A_1370 = arith.index_cast %scan3A_112 : i32 to index
        %get3A_1371 = arith.index_cast %get3A_1369 : i32 to index
        %get3A_1372 = arith.constant 80 : index
        %get3A_1373 = tpu.vector_load %arg5[%get3A_1370, %get3A_1371, %get3A_1372] {strides = array<i32>} : memref<8x32x128xf32, #tpu.memory_space<vmem>>, vector<1x1x16xf32>,
        %get3A_1374 = vector.shape_cast %get3A_1373 : vector<1x1x16xf32> to vector<16xf32>
        %max3A_1375 = arith.maximumf %max3A_1368, %get3A_1374 : vector<16xf32>
        %get3A_1376 = arith.constant 16 : i32
        %get3A_1377 = arith.index_cast %scan3A_112 : i32 to index
        %get3A_1378 = arith.index_cast %get3A_1376 : i32 to index
        %get3A_1379 = arith.constant 80 : index
        %get3A_1380 = tpu.vector_load %arg5[%get3A_1377, %get3A_1378, %get3A_1379] {strides = array<i32>} : memref<8x32x128xf32, #tpu.memory_space<vmem>>, vector<1x1x16xf32>,
        %get3A_1381 = vector.shape_cast %get3A_1380 : vector<1x1x16xf32> to vector<16xf32>
        %max3A_1382 = arith.maximumf %max3A_1375, %get3A_1381 : vector<16xf32>
        %get3A_1383 = arith.constant 17 : i32
        %get3A_1384 = arith.index_cast %scan3A_112 : i32 to index
        %get3A_1385 = arith.index_cast %get3A_1383 : i32 to index
        %get3A_1386 = arith.constant 80 : index
        %get3A_1387 = tpu.vector_load %arg5[%get3A_1384, %get3A_1385, %get3A_1386] {strides = array<i32>} : memref<8x32x128xf32, #tpu.memory_space<vmem>>, vector<1x1x16xf32>,
        %get3A_1388 = vector.shape_cast %get3A_1387 : vector<1x1x16xf32> to vector<16xf32>
        %max3A_1389 = arith.maximumf %max3A_1382, %get3A_1388 : vector<16xf32>
        %get3A_1390 = arith.constant 18 : i32
        %get3A_1391 = arith.index_cast %scan3A_112 : i32 to index
        %get3A_1392 = arith.index_cast %get3A_1390 : i32 to index
        %get3A_1393 = arith.constant 80 : index
        %get3A_1394 = tpu.vector_load %arg5[%get3A_1391, %get3A_1392, %get3A_1393] {strides = array<i32>} : memref<8x32x128xf32, #tpu.memory_space<vmem>>, vector<1x1x16xf32>,
        %get3A_1395 = vector.shape_cast %get3A_1394 : vector<1x1x16xf32> to vector<16xf32>
        %max3A_1396 = arith.maximumf %max3A_1389, %get3A_1395 : vector<16xf32>
        %get3A_1397 = arith.constant 19 : i32
        %get3A_1398 = arith.index_cast %scan3A_112 : i32 to index
        %get3A_1399 = arith.index_cast %get3A_1397 : i32 to index
        %get3A_1400 = arith.constant 80 : index
        %get3A_1401 = tpu.vector_load %arg5[%get3A_1398, %get3A_1399, %get3A_1400] {strides = array<i32>} : memref<8x32x128xf32, #tpu.memory_space<vmem>>, vector<1x1x16xf32>,
        %get3A_1402 = vector.shape_cast %get3A_1401 : vector<1x1x16xf32> to vector<16xf32>
        %max3A_1403 = arith.maximumf %max3A_1396, %get3A_1402 : vector<16xf32>
        %get3A_1404 = arith.constant 20 : i32
        %get3A_1405 = arith.index_cast %scan3A_112 : i32 to index
        %get3A_1406 = arith.index_cast %get3A_1404 : i32 to index
        %get3A_1407 = arith.constant 80 : index
        %get3A_1408 = tpu.vector_load %arg5[%get3A_1405, %get3A_1406, %get3A_1407] {strides = array<i32>} : memref<8x32x128xf32, #tpu.memory_space<vmem>>, vector<1x1x16xf32>,
        %get3A_1409 = vector.shape_cast %get3A_1408 : vector<1x1x16xf32> to vector<16xf32>
        %max3A_1410 = arith.maximumf %max3A_1403, %get3A_1409 : vector<16xf32>
        %get3A_1411 = arith.constant 21 : i32
        %get3A_1412 = arith.index_cast %scan3A_112 : i32 to index
        %get3A_1413 = arith.index_cast %get3A_1411 : i32 to index
        %get3A_1414 = arith.constant 80 : index
        %get3A_1415 = tpu.vector_load %arg5[%get3A_1412, %get3A_1413, %get3A_1414] {strides = array<i32>} : memref<8x32x128xf32, #tpu.memory_space<vmem>>, vector<1x1x16xf32>,
        %get3A_1416 = vector.shape_cast %get3A_1415 : vector<1x1x16xf32> to vector<16xf32>
        %max3A_1417 = arith.maximumf %max3A_1410, %get3A_1416 : vector<16xf32>
        %get3A_1418 = arith.constant 22 : i32
        %get3A_1419 = arith.index_cast %scan3A_112 : i32 to index
        %get3A_1420 = arith.index_cast %get3A_1418 : i32 to index
        %get3A_1421 = arith.constant 80 : index
        %get3A_1422 = tpu.vector_load %arg5[%get3A_1419, %get3A_1420, %get3A_1421] {strides = array<i32>} : memref<8x32x128xf32, #tpu.memory_space<vmem>>, vector<1x1x16xf32>,
        %get3A_1423 = vector.shape_cast %get3A_1422 : vector<1x1x16xf32> to vector<16xf32>
        %max3A_1424 = arith.maximumf %max3A_1417, %get3A_1423 : vector<16xf32>
        %get3A_1425 = arith.constant 23 : i32
        %get3A_1426 = arith.index_cast %scan3A_112 : i32 to index
        %get3A_1427 = arith.index_cast %get3A_1425 : i32 to index
        %get3A_1428 = arith.constant 80 : index
        %get3A_1429 = tpu.vector_load %arg5[%get3A_1426, %get3A_1427, %get3A_1428] {strides = array<i32>} : memref<8x32x128xf32, #tpu.memory_space<vmem>>, vector<1x1x16xf32>,
        %get3A_1430 = vector.shape_cast %get3A_1429 : vector<1x1x16xf32> to vector<16xf32>
        %max3A_1431 = arith.maximumf %max3A_1424, %get3A_1430 : vector<16xf32>
        %get3A_1432 = arith.constant 24 : i32
        %get3A_1433 = arith.index_cast %scan3A_112 : i32 to index
        %get3A_1434 = arith.index_cast %get3A_1432 : i32 to index
        %get3A_1435 = arith.constant 80 : index
        %get3A_1436 = tpu.vector_load %arg5[%get3A_1433, %get3A_1434, %get3A_1435] {strides = array<i32>} : memref<8x32x128xf32, #tpu.memory_space<vmem>>, vector<1x1x16xf32>,
        %get3A_1437 = vector.shape_cast %get3A_1436 : vector<1x1x16xf32> to vector<16xf32>
        %max3A_1438 = arith.maximumf %max3A_1431, %get3A_1437 : vector<16xf32>
        %get3A_1439 = arith.constant 25 : i32
        %get3A_1440 = arith.index_cast %scan3A_112 : i32 to index
        %get3A_1441 = arith.index_cast %get3A_1439 : i32 to index
        %get3A_1442 = arith.constant 80 : index
        %get3A_1443 = tpu.vector_load %arg5[%get3A_1440, %get3A_1441, %get3A_1442] {strides = array<i32>} : memref<8x32x128xf32, #tpu.memory_space<vmem>>, vector<1x1x16xf32>,
        %get3A_1444 = vector.shape_cast %get3A_1443 : vector<1x1x16xf32> to vector<16xf32>
        %max3A_1445 = arith.maximumf %max3A_1438, %get3A_1444 : vector<16xf32>
        %get3A_1446 = arith.constant 26 : i32
        %get3A_1447 = arith.index_cast %scan3A_112 : i32 to index
        %get3A_1448 = arith.index_cast %get3A_1446 : i32 to index
        %get3A_1449 = arith.constant 80 : index
        %get3A_1450 = tpu.vector_load %arg5[%get3A_1447, %get3A_1448, %get3A_1449] {strides = array<i32>} : memref<8x32x128xf32, #tpu.memory_space<vmem>>, vector<1x1x16xf32>,
        %get3A_1451 = vector.shape_cast %get3A_1450 : vector<1x1x16xf32> to vector<16xf32>
        %max3A_1452 = arith.maximumf %max3A_1445, %get3A_1451 : vector<16xf32>
        %get3A_1453 = arith.constant 27 : i32
        %get3A_1454 = arith.index_cast %scan3A_112 : i32 to index
        %get3A_1455 = arith.index_cast %get3A_1453 : i32 to index
        %get3A_1456 = arith.constant 80 : index
        %get3A_1457 = tpu.vector_load %arg5[%get3A_1454, %get3A_1455, %get3A_1456] {strides = array<i32>} : memref<8x32x128xf32, #tpu.memory_space<vmem>>, vector<1x1x16xf32>,
        %get3A_1458 = vector.shape_cast %get3A_1457 : vector<1x1x16xf32> to vector<16xf32>
        %max3A_1459 = arith.maximumf %max3A_1452, %get3A_1458 : vector<16xf32>
        %get3A_1460 = arith.constant 28 : i32
        %get3A_1461 = arith.index_cast %scan3A_112 : i32 to index
        %get3A_1462 = arith.index_cast %get3A_1460 : i32 to index
        %get3A_1463 = arith.constant 80 : index
        %get3A_1464 = tpu.vector_load %arg5[%get3A_1461, %get3A_1462, %get3A_1463] {strides = array<i32>} : memref<8x32x128xf32, #tpu.memory_space<vmem>>, vector<1x1x16xf32>,
        %get3A_1465 = vector.shape_cast %get3A_1464 : vector<1x1x16xf32> to vector<16xf32>
        %max3A_1466 = arith.maximumf %max3A_1459, %get3A_1465 : vector<16xf32>
        %get3A_1467 = arith.constant 29 : i32
        %get3A_1468 = arith.index_cast %scan3A_112 : i32 to index
        %get3A_1469 = arith.index_cast %get3A_1467 : i32 to index
        %get3A_1470 = arith.constant 80 : index
        %get3A_1471 = tpu.vector_load %arg5[%get3A_1468, %get3A_1469, %get3A_1470] {strides = array<i32>} : memref<8x32x128xf32, #tpu.memory_space<vmem>>, vector<1x1x16xf32>,
        %get3A_1472 = vector.shape_cast %get3A_1471 : vector<1x1x16xf32> to vector<16xf32>
        %max3A_1473 = arith.maximumf %max3A_1466, %get3A_1472 : vector<16xf32>
        %get3A_1474 = arith.constant 30 : i32
        %get3A_1475 = arith.index_cast %scan3A_112 : i32 to index
        %get3A_1476 = arith.index_cast %get3A_1474 : i32 to index
        %get3A_1477 = arith.constant 80 : index
        %get3A_1478 = tpu.vector_load %arg5[%get3A_1475, %get3A_1476, %get3A_1477] {strides = array<i32>} : memref<8x32x128xf32, #tpu.memory_space<vmem>>, vector<1x1x16xf32>,
        %get3A_1479 = vector.shape_cast %get3A_1478 : vector<1x1x16xf32> to vector<16xf32>
        %max3A_1480 = arith.maximumf %max3A_1473, %get3A_1479 : vector<16xf32>
        %get3A_1481 = arith.constant 31 : i32
        %get3A_1482 = arith.index_cast %scan3A_112 : i32 to index
        %get3A_1483 = arith.index_cast %get3A_1481 : i32 to index
        %get3A_1484 = arith.constant 80 : index
        %get3A_1485 = tpu.vector_load %arg5[%get3A_1482, %get3A_1483, %get3A_1484] {strides = array<i32>} : memref<8x32x128xf32, #tpu.memory_space<vmem>>, vector<1x1x16xf32>,
        %get3A_1486 = vector.shape_cast %get3A_1485 : vector<1x1x16xf32> to vector<16xf32>
        %max3A_1487 = arith.maximumf %max3A_1480, %get3A_1486 : vector<16xf32>
        %mul3A_1488 = arith.constant 8 : i32
        %mul3A_1489 = arith.muli %add3A_91, %mul3A_1488 : i32
        %add3A_1490 = arith.addi %mul3A_1489, %scan3A_112 : i32
        %swap3A_1491 = arith.index_cast %add3A_1490 : i32 to index
        %swap3A_1492 = arith.constant 80 : index
        %swap3A_1493 = tpu.vector_load %arg6[%swap3A_1491, %swap3A_1492] {strides = array<i32>} : memref<128x128xf32, #tpu.memory_space<vmem>>, vector<1x16xf32>,
        %swap3A_1494 = vector.shape_cast %swap3A_1493 : vector<1x16xf32> to vector<16xf32>
        %swap3A_1495 = vector.shape_cast %max3A_1487 : vector<16xf32> to vector<1x16xf32>
        tpu.vector_store %arg6[%swap3A_1491, %swap3A_1492], %swap3A_1495 {strides = array<i32>} : memref<128x128xf32, #tpu.memory_space<vmem>>, vector<1x16xf32>,
        %get3A_1496 = arith.constant 0 : i32
        %get3A_1497 = arith.index_cast %scan3A_112 : i32 to index
        %get3A_1498 = arith.index_cast %get3A_1496 : i32 to index
        %get3A_1499 = arith.constant 96 : index
        %get3A_1500 = tpu.vector_load %arg5[%get3A_1497, %get3A_1498, %get3A_1499] {strides = array<i32>} : memref<8x32x128xf32, #tpu.memory_space<vmem>>, vector<1x1x16xf32>,
        %get3A_1501 = vector.shape_cast %get3A_1500 : vector<1x1x16xf32> to vector<16xf32>
        %get3A_1502 = arith.constant 1 : i32
        %get3A_1503 = arith.index_cast %scan3A_112 : i32 to index
        %get3A_1504 = arith.index_cast %get3A_1502 : i32 to index
        %get3A_1505 = arith.constant 96 : index
        %get3A_1506 = tpu.vector_load %arg5[%get3A_1503, %get3A_1504, %get3A_1505] {strides = array<i32>} : memref<8x32x128xf32, #tpu.memory_space<vmem>>, vector<1x1x16xf32>,
        %get3A_1507 = vector.shape_cast %get3A_1506 : vector<1x1x16xf32> to vector<16xf32>
        %max3A_1508 = arith.maximumf %get3A_1501, %get3A_1507 : vector<16xf32>
        %get3A_1509 = arith.constant 2 : i32
        %get3A_1510 = arith.index_cast %scan3A_112 : i32 to index
        %get3A_1511 = arith.index_cast %get3A_1509 : i32 to index
        %get3A_1512 = arith.constant 96 : index
        %get3A_1513 = tpu.vector_load %arg5[%get3A_1510, %get3A_1511, %get3A_1512] {strides = array<i32>} : memref<8x32x128xf32, #tpu.memory_space<vmem>>, vector<1x1x16xf32>,
        %get3A_1514 = vector.shape_cast %get3A_1513 : vector<1x1x16xf32> to vector<16xf32>
        %max3A_1515 = arith.maximumf %max3A_1508, %get3A_1514 : vector<16xf32>
        %get3A_1516 = arith.constant 3 : i32
        %get3A_1517 = arith.index_cast %scan3A_112 : i32 to index
        %get3A_1518 = arith.index_cast %get3A_1516 : i32 to index
        %get3A_1519 = arith.constant 96 : index
        %get3A_1520 = tpu.vector_load %arg5[%get3A_1517, %get3A_1518, %get3A_1519] {strides = array<i32>} : memref<8x32x128xf32, #tpu.memory_space<vmem>>, vector<1x1x16xf32>,
        %get3A_1521 = vector.shape_cast %get3A_1520 : vector<1x1x16xf32> to vector<16xf32>
        %max3A_1522 = arith.maximumf %max3A_1515, %get3A_1521 : vector<16xf32>
        %get3A_1523 = arith.constant 4 : i32
        %get3A_1524 = arith.index_cast %scan3A_112 : i32 to index
        %get3A_1525 = arith.index_cast %get3A_1523 : i32 to index
        %get3A_1526 = arith.constant 96 : index
        %get3A_1527 = tpu.vector_load %arg5[%get3A_1524, %get3A_1525, %get3A_1526] {strides = array<i32>} : memref<8x32x128xf32, #tpu.memory_space<vmem>>, vector<1x1x16xf32>,
        %get3A_1528 = vector.shape_cast %get3A_1527 : vector<1x1x16xf32> to vector<16xf32>
        %max3A_1529 = arith.maximumf %max3A_1522, %get3A_1528 : vector<16xf32>
        %get3A_1530 = arith.constant 5 : i32
        %get3A_1531 = arith.index_cast %scan3A_112 : i32 to index
        %get3A_1532 = arith.index_cast %get3A_1530 : i32 to index
        %get3A_1533 = arith.constant 96 : index
        %get3A_1534 = tpu.vector_load %arg5[%get3A_1531, %get3A_1532, %get3A_1533] {strides = array<i32>} : memref<8x32x128xf32, #tpu.memory_space<vmem>>, vector<1x1x16xf32>,
        %get3A_1535 = vector.shape_cast %get3A_1534 : vector<1x1x16xf32> to vector<16xf32>
        %max3A_1536 = arith.maximumf %max3A_1529, %get3A_1535 : vector<16xf32>
        %get3A_1537 = arith.constant 6 : i32
        %get3A_1538 = arith.index_cast %scan3A_112 : i32 to index
        %get3A_1539 = arith.index_cast %get3A_1537 : i32 to index
        %get3A_1540 = arith.constant 96 : index
        %get3A_1541 = tpu.vector_load %arg5[%get3A_1538, %get3A_1539, %get3A_1540] {strides = array<i32>} : memref<8x32x128xf32, #tpu.memory_space<vmem>>, vector<1x1x16xf32>,
        %get3A_1542 = vector.shape_cast %get3A_1541 : vector<1x1x16xf32> to vector<16xf32>
        %max3A_1543 = arith.maximumf %max3A_1536, %get3A_1542 : vector<16xf32>
        %get3A_1544 = arith.constant 7 : i32
        %get3A_1545 = arith.index_cast %scan3A_112 : i32 to index
        %get3A_1546 = arith.index_cast %get3A_1544 : i32 to index
        %get3A_1547 = arith.constant 96 : index
        %get3A_1548 = tpu.vector_load %arg5[%get3A_1545, %get3A_1546, %get3A_1547] {strides = array<i32>} : memref<8x32x128xf32, #tpu.memory_space<vmem>>, vector<1x1x16xf32>,
        %get3A_1549 = vector.shape_cast %get3A_1548 : vector<1x1x16xf32> to vector<16xf32>
        %max3A_1550 = arith.maximumf %max3A_1543, %get3A_1549 : vector<16xf32>
        %get3A_1551 = arith.constant 8 : i32
        %get3A_1552 = arith.index_cast %scan3A_112 : i32 to index
        %get3A_1553 = arith.index_cast %get3A_1551 : i32 to index
        %get3A_1554 = arith.constant 96 : index
        %get3A_1555 = tpu.vector_load %arg5[%get3A_1552, %get3A_1553, %get3A_1554] {strides = array<i32>} : memref<8x32x128xf32, #tpu.memory_space<vmem>>, vector<1x1x16xf32>,
        %get3A_1556 = vector.shape_cast %get3A_1555 : vector<1x1x16xf32> to vector<16xf32>
        %max3A_1557 = arith.maximumf %max3A_1550, %get3A_1556 : vector<16xf32>
        %get3A_1558 = arith.constant 9 : i32
        %get3A_1559 = arith.index_cast %scan3A_112 : i32 to index
        %get3A_1560 = arith.index_cast %get3A_1558 : i32 to index
        %get3A_1561 = arith.constant 96 : index
        %get3A_1562 = tpu.vector_load %arg5[%get3A_1559, %get3A_1560, %get3A_1561] {strides = array<i32>} : memref<8x32x128xf32, #tpu.memory_space<vmem>>, vector<1x1x16xf32>,
        %get3A_1563 = vector.shape_cast %get3A_1562 : vector<1x1x16xf32> to vector<16xf32>
        %max3A_1564 = arith.maximumf %max3A_1557, %get3A_1563 : vector<16xf32>
        %get3A_1565 = arith.constant 10 : i32
        %get3A_1566 = arith.index_cast %scan3A_112 : i32 to index
        %get3A_1567 = arith.index_cast %get3A_1565 : i32 to index
        %get3A_1568 = arith.constant 96 : index
        %get3A_1569 = tpu.vector_load %arg5[%get3A_1566, %get3A_1567, %get3A_1568] {strides = array<i32>} : memref<8x32x128xf32, #tpu.memory_space<vmem>>, vector<1x1x16xf32>,
        %get3A_1570 = vector.shape_cast %get3A_1569 : vector<1x1x16xf32> to vector<16xf32>
        %max3A_1571 = arith.maximumf %max3A_1564, %get3A_1570 : vector<16xf32>
        %get3A_1572 = arith.constant 11 : i32
        %get3A_1573 = arith.index_cast %scan3A_112 : i32 to index
        %get3A_1574 = arith.index_cast %get3A_1572 : i32 to index
        %get3A_1575 = arith.constant 96 : index
        %get3A_1576 = tpu.vector_load %arg5[%get3A_1573, %get3A_1574, %get3A_1575] {strides = array<i32>} : memref<8x32x128xf32, #tpu.memory_space<vmem>>, vector<1x1x16xf32>,
        %get3A_1577 = vector.shape_cast %get3A_1576 : vector<1x1x16xf32> to vector<16xf32>
        %max3A_1578 = arith.maximumf %max3A_1571, %get3A_1577 : vector<16xf32>
        %get3A_1579 = arith.constant 12 : i32
        %get3A_1580 = arith.index_cast %scan3A_112 : i32 to index
        %get3A_1581 = arith.index_cast %get3A_1579 : i32 to index
        %get3A_1582 = arith.constant 96 : index
        %get3A_1583 = tpu.vector_load %arg5[%get3A_1580, %get3A_1581, %get3A_1582] {strides = array<i32>} : memref<8x32x128xf32, #tpu.memory_space<vmem>>, vector<1x1x16xf32>,
        %get3A_1584 = vector.shape_cast %get3A_1583 : vector<1x1x16xf32> to vector<16xf32>
        %max3A_1585 = arith.maximumf %max3A_1578, %get3A_1584 : vector<16xf32>
        %get3A_1586 = arith.constant 13 : i32
        %get3A_1587 = arith.index_cast %scan3A_112 : i32 to index
        %get3A_1588 = arith.index_cast %get3A_1586 : i32 to index
        %get3A_1589 = arith.constant 96 : index
        %get3A_1590 = tpu.vector_load %arg5[%get3A_1587, %get3A_1588, %get3A_1589] {strides = array<i32>} : memref<8x32x128xf32, #tpu.memory_space<vmem>>, vector<1x1x16xf32>,
        %get3A_1591 = vector.shape_cast %get3A_1590 : vector<1x1x16xf32> to vector<16xf32>
        %max3A_1592 = arith.maximumf %max3A_1585, %get3A_1591 : vector<16xf32>
        %get3A_1593 = arith.constant 14 : i32
        %get3A_1594 = arith.index_cast %scan3A_112 : i32 to index
        %get3A_1595 = arith.index_cast %get3A_1593 : i32 to index
        %get3A_1596 = arith.constant 96 : index
        %get3A_1597 = tpu.vector_load %arg5[%get3A_1594, %get3A_1595, %get3A_1596] {strides = array<i32>} : memref<8x32x128xf32, #tpu.memory_space<vmem>>, vector<1x1x16xf32>,
        %get3A_1598 = vector.shape_cast %get3A_1597 : vector<1x1x16xf32> to vector<16xf32>
        %max3A_1599 = arith.maximumf %max3A_1592, %get3A_1598 : vector<16xf32>
        %get3A_1600 = arith.constant 15 : i32
        %get3A_1601 = arith.index_cast %scan3A_112 : i32 to index
        %get3A_1602 = arith.index_cast %get3A_1600 : i32 to index
        %get3A_1603 = arith.constant 96 : index
        %get3A_1604 = tpu.vector_load %arg5[%get3A_1601, %get3A_1602, %get3A_1603] {strides = array<i32>} : memref<8x32x128xf32, #tpu.memory_space<vmem>>, vector<1x1x16xf32>,
        %get3A_1605 = vector.shape_cast %get3A_1604 : vector<1x1x16xf32> to vector<16xf32>
        %max3A_1606 = arith.maximumf %max3A_1599, %get3A_1605 : vector<16xf32>
        %get3A_1607 = arith.constant 16 : i32
        %get3A_1608 = arith.index_cast %scan3A_112 : i32 to index
        %get3A_1609 = arith.index_cast %get3A_1607 : i32 to index
        %get3A_1610 = arith.constant 96 : index
        %get3A_1611 = tpu.vector_load %arg5[%get3A_1608, %get3A_1609, %get3A_1610] {strides = array<i32>} : memref<8x32x128xf32, #tpu.memory_space<vmem>>, vector<1x1x16xf32>,
        %get3A_1612 = vector.shape_cast %get3A_1611 : vector<1x1x16xf32> to vector<16xf32>
        %max3A_1613 = arith.maximumf %max3A_1606, %get3A_1612 : vector<16xf32>
        %get3A_1614 = arith.constant 17 : i32
        %get3A_1615 = arith.index_cast %scan3A_112 : i32 to index
        %get3A_1616 = arith.index_cast %get3A_1614 : i32 to index
        %get3A_1617 = arith.constant 96 : index
        %get3A_1618 = tpu.vector_load %arg5[%get3A_1615, %get3A_1616, %get3A_1617] {strides = array<i32>} : memref<8x32x128xf32, #tpu.memory_space<vmem>>, vector<1x1x16xf32>,
        %get3A_1619 = vector.shape_cast %get3A_1618 : vector<1x1x16xf32> to vector<16xf32>
        %max3A_1620 = arith.maximumf %max3A_1613, %get3A_1619 : vector<16xf32>
        %get3A_1621 = arith.constant 18 : i32
        %get3A_1622 = arith.index_cast %scan3A_112 : i32 to index
        %get3A_1623 = arith.index_cast %get3A_1621 : i32 to index
        %get3A_1624 = arith.constant 96 : index
        %get3A_1625 = tpu.vector_load %arg5[%get3A_1622, %get3A_1623, %get3A_1624] {strides = array<i32>} : memref<8x32x128xf32, #tpu.memory_space<vmem>>, vector<1x1x16xf32>,
        %get3A_1626 = vector.shape_cast %get3A_1625 : vector<1x1x16xf32> to vector<16xf32>
        %max3A_1627 = arith.maximumf %max3A_1620, %get3A_1626 : vector<16xf32>
        %get3A_1628 = arith.constant 19 : i32
        %get3A_1629 = arith.index_cast %scan3A_112 : i32 to index
        %get3A_1630 = arith.index_cast %get3A_1628 : i32 to index
        %get3A_1631 = arith.constant 96 : index
        %get3A_1632 = tpu.vector_load %arg5[%get3A_1629, %get3A_1630, %get3A_1631] {strides = array<i32>} : memref<8x32x128xf32, #tpu.memory_space<vmem>>, vector<1x1x16xf32>,
        %get3A_1633 = vector.shape_cast %get3A_1632 : vector<1x1x16xf32> to vector<16xf32>
        %max3A_1634 = arith.maximumf %max3A_1627, %get3A_1633 : vector<16xf32>
        %get3A_1635 = arith.constant 20 : i32
        %get3A_1636 = arith.index_cast %scan3A_112 : i32 to index
        %get3A_1637 = arith.index_cast %get3A_1635 : i32 to index
        %get3A_1638 = arith.constant 96 : index
        %get3A_1639 = tpu.vector_load %arg5[%get3A_1636, %get3A_1637, %get3A_1638] {strides = array<i32>} : memref<8x32x128xf32, #tpu.memory_space<vmem>>, vector<1x1x16xf32>,
        %get3A_1640 = vector.shape_cast %get3A_1639 : vector<1x1x16xf32> to vector<16xf32>
        %max3A_1641 = arith.maximumf %max3A_1634, %get3A_1640 : vector<16xf32>
        %get3A_1642 = arith.constant 21 : i32
        %get3A_1643 = arith.index_cast %scan3A_112 : i32 to index
        %get3A_1644 = arith.index_cast %get3A_1642 : i32 to index
        %get3A_1645 = arith.constant 96 : index
        %get3A_1646 = tpu.vector_load %arg5[%get3A_1643, %get3A_1644, %get3A_1645] {strides = array<i32>} : memref<8x32x128xf32, #tpu.memory_space<vmem>>, vector<1x1x16xf32>,
        %get3A_1647 = vector.shape_cast %get3A_1646 : vector<1x1x16xf32> to vector<16xf32>
        %max3A_1648 = arith.maximumf %max3A_1641, %get3A_1647 : vector<16xf32>
        %get3A_1649 = arith.constant 22 : i32
        %get3A_1650 = arith.index_cast %scan3A_112 : i32 to index
        %get3A_1651 = arith.index_cast %get3A_1649 : i32 to index
        %get3A_1652 = arith.constant 96 : index
        %get3A_1653 = tpu.vector_load %arg5[%get3A_1650, %get3A_1651, %get3A_1652] {strides = array<i32>} : memref<8x32x128xf32, #tpu.memory_space<vmem>>, vector<1x1x16xf32>,
        %get3A_1654 = vector.shape_cast %get3A_1653 : vector<1x1x16xf32> to vector<16xf32>
        %max3A_1655 = arith.maximumf %max3A_1648, %get3A_1654 : vector<16xf32>
        %get3A_1656 = arith.constant 23 : i32
        %get3A_1657 = arith.index_cast %scan3A_112 : i32 to index
        %get3A_1658 = arith.index_cast %get3A_1656 : i32 to index
        %get3A_1659 = arith.constant 96 : index
        %get3A_1660 = tpu.vector_load %arg5[%get3A_1657, %get3A_1658, %get3A_1659] {strides = array<i32>} : memref<8x32x128xf32, #tpu.memory_space<vmem>>, vector<1x1x16xf32>,
        %get3A_1661 = vector.shape_cast %get3A_1660 : vector<1x1x16xf32> to vector<16xf32>
        %max3A_1662 = arith.maximumf %max3A_1655, %get3A_1661 : vector<16xf32>
        %get3A_1663 = arith.constant 24 : i32
        %get3A_1664 = arith.index_cast %scan3A_112 : i32 to index
        %get3A_1665 = arith.index_cast %get3A_1663 : i32 to index
        %get3A_1666 = arith.constant 96 : index
        %get3A_1667 = tpu.vector_load %arg5[%get3A_1664, %get3A_1665, %get3A_1666] {strides = array<i32>} : memref<8x32x128xf32, #tpu.memory_space<vmem>>, vector<1x1x16xf32>,
        %get3A_1668 = vector.shape_cast %get3A_1667 : vector<1x1x16xf32> to vector<16xf32>
        %max3A_1669 = arith.maximumf %max3A_1662, %get3A_1668 : vector<16xf32>
        %get3A_1670 = arith.constant 25 : i32
        %get3A_1671 = arith.index_cast %scan3A_112 : i32 to index
        %get3A_1672 = arith.index_cast %get3A_1670 : i32 to index
        %get3A_1673 = arith.constant 96 : index
        %get3A_1674 = tpu.vector_load %arg5[%get3A_1671, %get3A_1672, %get3A_1673] {strides = array<i32>} : memref<8x32x128xf32, #tpu.memory_space<vmem>>, vector<1x1x16xf32>,
        %get3A_1675 = vector.shape_cast %get3A_1674 : vector<1x1x16xf32> to vector<16xf32>
        %max3A_1676 = arith.maximumf %max3A_1669, %get3A_1675 : vector<16xf32>
        %get3A_1677 = arith.constant 26 : i32
        %get3A_1678 = arith.index_cast %scan3A_112 : i32 to index
        %get3A_1679 = arith.index_cast %get3A_1677 : i32 to index
        %get3A_1680 = arith.constant 96 : index
        %get3A_1681 = tpu.vector_load %arg5[%get3A_1678, %get3A_1679, %get3A_1680] {strides = array<i32>} : memref<8x32x128xf32, #tpu.memory_space<vmem>>, vector<1x1x16xf32>,
        %get3A_1682 = vector.shape_cast %get3A_1681 : vector<1x1x16xf32> to vector<16xf32>
        %max3A_1683 = arith.maximumf %max3A_1676, %get3A_1682 : vector<16xf32>
        %get3A_1684 = arith.constant 27 : i32
        %get3A_1685 = arith.index_cast %scan3A_112 : i32 to index
        %get3A_1686 = arith.index_cast %get3A_1684 : i32 to index
        %get3A_1687 = arith.constant 96 : index
        %get3A_1688 = tpu.vector_load %arg5[%get3A_1685, %get3A_1686, %get3A_1687] {strides = array<i32>} : memref<8x32x128xf32, #tpu.memory_space<vmem>>, vector<1x1x16xf32>,
        %get3A_1689 = vector.shape_cast %get3A_1688 : vector<1x1x16xf32> to vector<16xf32>
        %max3A_1690 = arith.maximumf %max3A_1683, %get3A_1689 : vector<16xf32>
        %get3A_1691 = arith.constant 28 : i32
        %get3A_1692 = arith.index_cast %scan3A_112 : i32 to index
        %get3A_1693 = arith.index_cast %get3A_1691 : i32 to index
        %get3A_1694 = arith.constant 96 : index
        %get3A_1695 = tpu.vector_load %arg5[%get3A_1692, %get3A_1693, %get3A_1694] {strides = array<i32>} : memref<8x32x128xf32, #tpu.memory_space<vmem>>, vector<1x1x16xf32>,
        %get3A_1696 = vector.shape_cast %get3A_1695 : vector<1x1x16xf32> to vector<16xf32>
        %max3A_1697 = arith.maximumf %max3A_1690, %get3A_1696 : vector<16xf32>
        %get3A_1698 = arith.constant 29 : i32
        %get3A_1699 = arith.index_cast %scan3A_112 : i32 to index
        %get3A_1700 = arith.index_cast %get3A_1698 : i32 to index
        %get3A_1701 = arith.constant 96 : index
        %get3A_1702 = tpu.vector_load %arg5[%get3A_1699, %get3A_1700, %get3A_1701] {strides = array<i32>} : memref<8x32x128xf32, #tpu.memory_space<vmem>>, vector<1x1x16xf32>,
        %get3A_1703 = vector.shape_cast %get3A_1702 : vector<1x1x16xf32> to vector<16xf32>
        %max3A_1704 = arith.maximumf %max3A_1697, %get3A_1703 : vector<16xf32>
        %get3A_1705 = arith.constant 30 : i32
        %get3A_1706 = arith.index_cast %scan3A_112 : i32 to index
        %get3A_1707 = arith.index_cast %get3A_1705 : i32 to index
        %get3A_1708 = arith.constant 96 : index
        %get3A_1709 = tpu.vector_load %arg5[%get3A_1706, %get3A_1707, %get3A_1708] {strides = array<i32>} : memref<8x32x128xf32, #tpu.memory_space<vmem>>, vector<1x1x16xf32>,
        %get3A_1710 = vector.shape_cast %get3A_1709 : vector<1x1x16xf32> to vector<16xf32>
        %max3A_1711 = arith.maximumf %max3A_1704, %get3A_1710 : vector<16xf32>
        %get3A_1712 = arith.constant 31 : i32
        %get3A_1713 = arith.index_cast %scan3A_112 : i32 to index
        %get3A_1714 = arith.index_cast %get3A_1712 : i32 to index
        %get3A_1715 = arith.constant 96 : index
        %get3A_1716 = tpu.vector_load %arg5[%get3A_1713, %get3A_1714, %get3A_1715] {strides = array<i32>} : memref<8x32x128xf32, #tpu.memory_space<vmem>>, vector<1x1x16xf32>,
        %get3A_1717 = vector.shape_cast %get3A_1716 : vector<1x1x16xf32> to vector<16xf32>
        %max3A_1718 = arith.maximumf %max3A_1711, %get3A_1717 : vector<16xf32>
        %mul3A_1719 = arith.constant 8 : i32
        %mul3A_1720 = arith.muli %add3A_91, %mul3A_1719 : i32
        %add3A_1721 = arith.addi %mul3A_1720, %scan3A_112 : i32
        %swap3A_1722 = arith.index_cast %add3A_1721 : i32 to index
        %swap3A_1723 = arith.constant 96 : index
        %swap3A_1724 = tpu.vector_load %arg6[%swap3A_1722, %swap3A_1723] {strides = array<i32>} : memref<128x128xf32, #tpu.memory_space<vmem>>, vector<1x16xf32>,
        %swap3A_1725 = vector.shape_cast %swap3A_1724 : vector<1x16xf32> to vector<16xf32>
        %swap3A_1726 = vector.shape_cast %max3A_1718 : vector<16xf32> to vector<1x16xf32>
        tpu.vector_store %arg6[%swap3A_1722, %swap3A_1723], %swap3A_1726 {strides = array<i32>} : memref<128x128xf32, #tpu.memory_space<vmem>>, vector<1x16xf32>,
        %get3A_1727 = arith.constant 0 : i32
        %get3A_1728 = arith.index_cast %scan3A_112 : i32 to index
        %get3A_1729 = arith.index_cast %get3A_1727 : i32 to index
        %get3A_1730 = arith.constant 112 : index
        %get3A_1731 = tpu.vector_load %arg5[%get3A_1728, %get3A_1729, %get3A_1730] {strides = array<i32>} : memref<8x32x128xf32, #tpu.memory_space<vmem>>, vector<1x1x16xf32>,
        %get3A_1732 = vector.shape_cast %get3A_1731 : vector<1x1x16xf32> to vector<16xf32>
        %get3A_1733 = arith.constant 1 : i32
        %get3A_1734 = arith.index_cast %scan3A_112 : i32 to index
        %get3A_1735 = arith.index_cast %get3A_1733 : i32 to index
        %get3A_1736 = arith.constant 112 : index
        %get3A_1737 = tpu.vector_load %arg5[%get3A_1734, %get3A_1735, %get3A_1736] {strides = array<i32>} : memref<8x32x128xf32, #tpu.memory_space<vmem>>, vector<1x1x16xf32>,
        %get3A_1738 = vector.shape_cast %get3A_1737 : vector<1x1x16xf32> to vector<16xf32>
        %max3A_1739 = arith.maximumf %get3A_1732, %get3A_1738 : vector<16xf32>
        %get3A_1740 = arith.constant 2 : i32
        %get3A_1741 = arith.index_cast %scan3A_112 : i32 to index
        %get3A_1742 = arith.index_cast %get3A_1740 : i32 to index
        %get3A_1743 = arith.constant 112 : index
        %get3A_1744 = tpu.vector_load %arg5[%get3A_1741, %get3A_1742, %get3A_1743] {strides = array<i32>} : memref<8x32x128xf32, #tpu.memory_space<vmem>>, vector<1x1x16xf32>,
        %get3A_1745 = vector.shape_cast %get3A_1744 : vector<1x1x16xf32> to vector<16xf32>
        %max3A_1746 = arith.maximumf %max3A_1739, %get3A_1745 : vector<16xf32>
        %get3A_1747 = arith.constant 3 : i32
        %get3A_1748 = arith.index_cast %scan3A_112 : i32 to index
        %get3A_1749 = arith.index_cast %get3A_1747 : i32 to index
        %get3A_1750 = arith.constant 112 : index
        %get3A_1751 = tpu.vector_load %arg5[%get3A_1748, %get3A_1749, %get3A_1750] {strides = array<i32>} : memref<8x32x128xf32, #tpu.memory_space<vmem>>, vector<1x1x16xf32>,
        %get3A_1752 = vector.shape_cast %get3A_1751 : vector<1x1x16xf32> to vector<16xf32>
        %max3A_1753 = arith.maximumf %max3A_1746, %get3A_1752 : vector<16xf32>
        %get3A_1754 = arith.constant 4 : i32
        %get3A_1755 = arith.index_cast %scan3A_112 : i32 to index
        %get3A_1756 = arith.index_cast %get3A_1754 : i32 to index
        %get3A_1757 = arith.constant 112 : index
        %get3A_1758 = tpu.vector_load %arg5[%get3A_1755, %get3A_1756, %get3A_1757] {strides = array<i32>} : memref<8x32x128xf32, #tpu.memory_space<vmem>>, vector<1x1x16xf32>,
        %get3A_1759 = vector.shape_cast %get3A_1758 : vector<1x1x16xf32> to vector<16xf32>
        %max3A_1760 = arith.maximumf %max3A_1753, %get3A_1759 : vector<16xf32>
        %get3A_1761 = arith.constant 5 : i32
        %get3A_1762 = arith.index_cast %scan3A_112 : i32 to index
        %get3A_1763 = arith.index_cast %get3A_1761 : i32 to index
        %get3A_1764 = arith.constant 112 : index
        %get3A_1765 = tpu.vector_load %arg5[%get3A_1762, %get3A_1763, %get3A_1764] {strides = array<i32>} : memref<8x32x128xf32, #tpu.memory_space<vmem>>, vector<1x1x16xf32>,
        %get3A_1766 = vector.shape_cast %get3A_1765 : vector<1x1x16xf32> to vector<16xf32>
        %max3A_1767 = arith.maximumf %max3A_1760, %get3A_1766 : vector<16xf32>
        %get3A_1768 = arith.constant 6 : i32
        %get3A_1769 = arith.index_cast %scan3A_112 : i32 to index
        %get3A_1770 = arith.index_cast %get3A_1768 : i32 to index
        %get3A_1771 = arith.constant 112 : index
        %get3A_1772 = tpu.vector_load %arg5[%get3A_1769, %get3A_1770, %get3A_1771] {strides = array<i32>} : memref<8x32x128xf32, #tpu.memory_space<vmem>>, vector<1x1x16xf32>,
        %get3A_1773 = vector.shape_cast %get3A_1772 : vector<1x1x16xf32> to vector<16xf32>
        %max3A_1774 = arith.maximumf %max3A_1767, %get3A_1773 : vector<16xf32>
        %get3A_1775 = arith.constant 7 : i32
        %get3A_1776 = arith.index_cast %scan3A_112 : i32 to index
        %get3A_1777 = arith.index_cast %get3A_1775 : i32 to index
        %get3A_1778 = arith.constant 112 : index
        %get3A_1779 = tpu.vector_load %arg5[%get3A_1776, %get3A_1777, %get3A_1778] {strides = array<i32>} : memref<8x32x128xf32, #tpu.memory_space<vmem>>, vector<1x1x16xf32>,
        %get3A_1780 = vector.shape_cast %get3A_1779 : vector<1x1x16xf32> to vector<16xf32>
        %max3A_1781 = arith.maximumf %max3A_1774, %get3A_1780 : vector<16xf32>
        %get3A_1782 = arith.constant 8 : i32
        %get3A_1783 = arith.index_cast %scan3A_112 : i32 to index
        %get3A_1784 = arith.index_cast %get3A_1782 : i32 to index
        %get3A_1785 = arith.constant 112 : index
        %get3A_1786 = tpu.vector_load %arg5[%get3A_1783, %get3A_1784, %get3A_1785] {strides = array<i32>} : memref<8x32x128xf32, #tpu.memory_space<vmem>>, vector<1x1x16xf32>,
        %get3A_1787 = vector.shape_cast %get3A_1786 : vector<1x1x16xf32> to vector<16xf32>
        %max3A_1788 = arith.maximumf %max3A_1781, %get3A_1787 : vector<16xf32>
        %get3A_1789 = arith.constant 9 : i32
        %get3A_1790 = arith.index_cast %scan3A_112 : i32 to index
        %get3A_1791 = arith.index_cast %get3A_1789 : i32 to index
        %get3A_1792 = arith.constant 112 : index
        %get3A_1793 = tpu.vector_load %arg5[%get3A_1790, %get3A_1791, %get3A_1792] {strides = array<i32>} : memref<8x32x128xf32, #tpu.memory_space<vmem>>, vector<1x1x16xf32>,
        %get3A_1794 = vector.shape_cast %get3A_1793 : vector<1x1x16xf32> to vector<16xf32>
        %max3A_1795 = arith.maximumf %max3A_1788, %get3A_1794 : vector<16xf32>
        %get3A_1796 = arith.constant 10 : i32
        %get3A_1797 = arith.index_cast %scan3A_112 : i32 to index
        %get3A_1798 = arith.index_cast %get3A_1796 : i32 to index
        %get3A_1799 = arith.constant 112 : index
        %get3A_1800 = tpu.vector_load %arg5[%get3A_1797, %get3A_1798, %get3A_1799] {strides = array<i32>} : memref<8x32x128xf32, #tpu.memory_space<vmem>>, vector<1x1x16xf32>,
        %get3A_1801 = vector.shape_cast %get3A_1800 : vector<1x1x16xf32> to vector<16xf32>
        %max3A_1802 = arith.maximumf %max3A_1795, %get3A_1801 : vector<16xf32>
        %get3A_1803 = arith.constant 11 : i32
        %get3A_1804 = arith.index_cast %scan3A_112 : i32 to index
        %get3A_1805 = arith.index_cast %get3A_1803 : i32 to index
        %get3A_1806 = arith.constant 112 : index
        %get3A_1807 = tpu.vector_load %arg5[%get3A_1804, %get3A_1805, %get3A_1806] {strides = array<i32>} : memref<8x32x128xf32, #tpu.memory_space<vmem>>, vector<1x1x16xf32>,
        %get3A_1808 = vector.shape_cast %get3A_1807 : vector<1x1x16xf32> to vector<16xf32>
        %max3A_1809 = arith.maximumf %max3A_1802, %get3A_1808 : vector<16xf32>
        %get3A_1810 = arith.constant 12 : i32
        %get3A_1811 = arith.index_cast %scan3A_112 : i32 to index
        %get3A_1812 = arith.index_cast %get3A_1810 : i32 to index
        %get3A_1813 = arith.constant 112 : index
        %get3A_1814 = tpu.vector_load %arg5[%get3A_1811, %get3A_1812, %get3A_1813] {strides = array<i32>} : memref<8x32x128xf32, #tpu.memory_space<vmem>>, vector<1x1x16xf32>,
        %get3A_1815 = vector.shape_cast %get3A_1814 : vector<1x1x16xf32> to vector<16xf32>
        %max3A_1816 = arith.maximumf %max3A_1809, %get3A_1815 : vector<16xf32>
        %get3A_1817 = arith.constant 13 : i32
        %get3A_1818 = arith.index_cast %scan3A_112 : i32 to index
        %get3A_1819 = arith.index_cast %get3A_1817 : i32 to index
        %get3A_1820 = arith.constant 112 : index
        %get3A_1821 = tpu.vector_load %arg5[%get3A_1818, %get3A_1819, %get3A_1820] {strides = array<i32>} : memref<8x32x128xf32, #tpu.memory_space<vmem>>, vector<1x1x16xf32>,
        %get3A_1822 = vector.shape_cast %get3A_1821 : vector<1x1x16xf32> to vector<16xf32>
        %max3A_1823 = arith.maximumf %max3A_1816, %get3A_1822 : vector<16xf32>
        %get3A_1824 = arith.constant 14 : i32
        %get3A_1825 = arith.index_cast %scan3A_112 : i32 to index
        %get3A_1826 = arith.index_cast %get3A_1824 : i32 to index
        %get3A_1827 = arith.constant 112 : index
        %get3A_1828 = tpu.vector_load %arg5[%get3A_1825, %get3A_1826, %get3A_1827] {strides = array<i32>} : memref<8x32x128xf32, #tpu.memory_space<vmem>>, vector<1x1x16xf32>,
        %get3A_1829 = vector.shape_cast %get3A_1828 : vector<1x1x16xf32> to vector<16xf32>
        %max3A_1830 = arith.maximumf %max3A_1823, %get3A_1829 : vector<16xf32>
        %get3A_1831 = arith.constant 15 : i32
        %get3A_1832 = arith.index_cast %scan3A_112 : i32 to index
        %get3A_1833 = arith.index_cast %get3A_1831 : i32 to index
        %get3A_1834 = arith.constant 112 : index
        %get3A_1835 = tpu.vector_load %arg5[%get3A_1832, %get3A_1833, %get3A_1834] {strides = array<i32>} : memref<8x32x128xf32, #tpu.memory_space<vmem>>, vector<1x1x16xf32>,
        %get3A_1836 = vector.shape_cast %get3A_1835 : vector<1x1x16xf32> to vector<16xf32>
        %max3A_1837 = arith.maximumf %max3A_1830, %get3A_1836 : vector<16xf32>
        %get3A_1838 = arith.constant 16 : i32
        %get3A_1839 = arith.index_cast %scan3A_112 : i32 to index
        %get3A_1840 = arith.index_cast %get3A_1838 : i32 to index
        %get3A_1841 = arith.constant 112 : index
        %get3A_1842 = tpu.vector_load %arg5[%get3A_1839, %get3A_1840, %get3A_1841] {strides = array<i32>} : memref<8x32x128xf32, #tpu.memory_space<vmem>>, vector<1x1x16xf32>,
        %get3A_1843 = vector.shape_cast %get3A_1842 : vector<1x1x16xf32> to vector<16xf32>
        %max3A_1844 = arith.maximumf %max3A_1837, %get3A_1843 : vector<16xf32>
        %get3A_1845 = arith.constant 17 : i32
        %get3A_1846 = arith.index_cast %scan3A_112 : i32 to index
        %get3A_1847 = arith.index_cast %get3A_1845 : i32 to index
        %get3A_1848 = arith.constant 112 : index
        %get3A_1849 = tpu.vector_load %arg5[%get3A_1846, %get3A_1847, %get3A_1848] {strides = array<i32>} : memref<8x32x128xf32, #tpu.memory_space<vmem>>, vector<1x1x16xf32>,
        %get3A_1850 = vector.shape_cast %get3A_1849 : vector<1x1x16xf32> to vector<16xf32>
        %max3A_1851 = arith.maximumf %max3A_1844, %get3A_1850 : vector<16xf32>
        %get3A_1852 = arith.constant 18 : i32
        %get3A_1853 = arith.index_cast %scan3A_112 : i32 to index
        %get3A_1854 = arith.index_cast %get3A_1852 : i32 to index
        %get3A_1855 = arith.constant 112 : index
        %get3A_1856 = tpu.vector_load %arg5[%get3A_1853, %get3A_1854, %get3A_1855] {strides = array<i32>} : memref<8x32x128xf32, #tpu.memory_space<vmem>>, vector<1x1x16xf32>,
        %get3A_1857 = vector.shape_cast %get3A_1856 : vector<1x1x16xf32> to vector<16xf32>
        %max3A_1858 = arith.maximumf %max3A_1851, %get3A_1857 : vector<16xf32>
        %get3A_1859 = arith.constant 19 : i32
        %get3A_1860 = arith.index_cast %scan3A_112 : i32 to index
        %get3A_1861 = arith.index_cast %get3A_1859 : i32 to index
        %get3A_1862 = arith.constant 112 : index
        %get3A_1863 = tpu.vector_load %arg5[%get3A_1860, %get3A_1861, %get3A_1862] {strides = array<i32>} : memref<8x32x128xf32, #tpu.memory_space<vmem>>, vector<1x1x16xf32>,
        %get3A_1864 = vector.shape_cast %get3A_1863 : vector<1x1x16xf32> to vector<16xf32>
        %max3A_1865 = arith.maximumf %max3A_1858, %get3A_1864 : vector<16xf32>
        %get3A_1866 = arith.constant 20 : i32
        %get3A_1867 = arith.index_cast %scan3A_112 : i32 to index
        %get3A_1868 = arith.index_cast %get3A_1866 : i32 to index
        %get3A_1869 = arith.constant 112 : index
        %get3A_1870 = tpu.vector_load %arg5[%get3A_1867, %get3A_1868, %get3A_1869] {strides = array<i32>} : memref<8x32x128xf32, #tpu.memory_space<vmem>>, vector<1x1x16xf32>,
        %get3A_1871 = vector.shape_cast %get3A_1870 : vector<1x1x16xf32> to vector<16xf32>
        %max3A_1872 = arith.maximumf %max3A_1865, %get3A_1871 : vector<16xf32>
        %get3A_1873 = arith.constant 21 : i32
        %get3A_1874 = arith.index_cast %scan3A_112 : i32 to index
        %get3A_1875 = arith.index_cast %get3A_1873 : i32 to index
        %get3A_1876 = arith.constant 112 : index
        %get3A_1877 = tpu.vector_load %arg5[%get3A_1874, %get3A_1875, %get3A_1876] {strides = array<i32>} : memref<8x32x128xf32, #tpu.memory_space<vmem>>, vector<1x1x16xf32>,
        %get3A_1878 = vector.shape_cast %get3A_1877 : vector<1x1x16xf32> to vector<16xf32>
        %max3A_1879 = arith.maximumf %max3A_1872, %get3A_1878 : vector<16xf32>
        %get3A_1880 = arith.constant 22 : i32
        %get3A_1881 = arith.index_cast %scan3A_112 : i32 to index
        %get3A_1882 = arith.index_cast %get3A_1880 : i32 to index
        %get3A_1883 = arith.constant 112 : index
        %get3A_1884 = tpu.vector_load %arg5[%get3A_1881, %get3A_1882, %get3A_1883] {strides = array<i32>} : memref<8x32x128xf32, #tpu.memory_space<vmem>>, vector<1x1x16xf32>,
        %get3A_1885 = vector.shape_cast %get3A_1884 : vector<1x1x16xf32> to vector<16xf32>
        %max3A_1886 = arith.maximumf %max3A_1879, %get3A_1885 : vector<16xf32>
        %get3A_1887 = arith.constant 23 : i32
        %get3A_1888 = arith.index_cast %scan3A_112 : i32 to index
        %get3A_1889 = arith.index_cast %get3A_1887 : i32 to index
        %get3A_1890 = arith.constant 112 : index
        %get3A_1891 = tpu.vector_load %arg5[%get3A_1888, %get3A_1889, %get3A_1890] {strides = array<i32>} : memref<8x32x128xf32, #tpu.memory_space<vmem>>, vector<1x1x16xf32>,
        %get3A_1892 = vector.shape_cast %get3A_1891 : vector<1x1x16xf32> to vector<16xf32>
        %max3A_1893 = arith.maximumf %max3A_1886, %get3A_1892 : vector<16xf32>
        %get3A_1894 = arith.constant 24 : i32
        %get3A_1895 = arith.index_cast %scan3A_112 : i32 to index
        %get3A_1896 = arith.index_cast %get3A_1894 : i32 to index
        %get3A_1897 = arith.constant 112 : index
        %get3A_1898 = tpu.vector_load %arg5[%get3A_1895, %get3A_1896, %get3A_1897] {strides = array<i32>} : memref<8x32x128xf32, #tpu.memory_space<vmem>>, vector<1x1x16xf32>,
        %get3A_1899 = vector.shape_cast %get3A_1898 : vector<1x1x16xf32> to vector<16xf32>
        %max3A_1900 = arith.maximumf %max3A_1893, %get3A_1899 : vector<16xf32>
        %get3A_1901 = arith.constant 25 : i32
        %get3A_1902 = arith.index_cast %scan3A_112 : i32 to index
        %get3A_1903 = arith.index_cast %get3A_1901 : i32 to index
        %get3A_1904 = arith.constant 112 : index
        %get3A_1905 = tpu.vector_load %arg5[%get3A_1902, %get3A_1903, %get3A_1904] {strides = array<i32>} : memref<8x32x128xf32, #tpu.memory_space<vmem>>, vector<1x1x16xf32>,
        %get3A_1906 = vector.shape_cast %get3A_1905 : vector<1x1x16xf32> to vector<16xf32>
        %max3A_1907 = arith.maximumf %max3A_1900, %get3A_1906 : vector<16xf32>
        %get3A_1908 = arith.constant 26 : i32
        %get3A_1909 = arith.index_cast %scan3A_112 : i32 to index
        %get3A_1910 = arith.index_cast %get3A_1908 : i32 to index
        %get3A_1911 = arith.constant 112 : index
        %get3A_1912 = tpu.vector_load %arg5[%get3A_1909, %get3A_1910, %get3A_1911] {strides = array<i32>} : memref<8x32x128xf32, #tpu.memory_space<vmem>>, vector<1x1x16xf32>,
        %get3A_1913 = vector.shape_cast %get3A_1912 : vector<1x1x16xf32> to vector<16xf32>
        %max3A_1914 = arith.maximumf %max3A_1907, %get3A_1913 : vector<16xf32>
        %get3A_1915 = arith.constant 27 : i32
        %get3A_1916 = arith.index_cast %scan3A_112 : i32 to index
        %get3A_1917 = arith.index_cast %get3A_1915 : i32 to index
        %get3A_1918 = arith.constant 112 : index
        %get3A_1919 = tpu.vector_load %arg5[%get3A_1916, %get3A_1917, %get3A_1918] {strides = array<i32>} : memref<8x32x128xf32, #tpu.memory_space<vmem>>, vector<1x1x16xf32>,
        %get3A_1920 = vector.shape_cast %get3A_1919 : vector<1x1x16xf32> to vector<16xf32>
        %max3A_1921 = arith.maximumf %max3A_1914, %get3A_1920 : vector<16xf32>
        %get3A_1922 = arith.constant 28 : i32
        %get3A_1923 = arith.index_cast %scan3A_112 : i32 to index
        %get3A_1924 = arith.index_cast %get3A_1922 : i32 to index
        %get3A_1925 = arith.constant 112 : index
        %get3A_1926 = tpu.vector_load %arg5[%get3A_1923, %get3A_1924, %get3A_1925] {strides = array<i32>} : memref<8x32x128xf32, #tpu.memory_space<vmem>>, vector<1x1x16xf32>,
        %get3A_1927 = vector.shape_cast %get3A_1926 : vector<1x1x16xf32> to vector<16xf32>
        %max3A_1928 = arith.maximumf %max3A_1921, %get3A_1927 : vector<16xf32>
        %get3A_1929 = arith.constant 29 : i32
        %get3A_1930 = arith.index_cast %scan3A_112 : i32 to index
        %get3A_1931 = arith.index_cast %get3A_1929 : i32 to index
        %get3A_1932 = arith.constant 112 : index
        %get3A_1933 = tpu.vector_load %arg5[%get3A_1930, %get3A_1931, %get3A_1932] {strides = array<i32>} : memref<8x32x128xf32, #tpu.memory_space<vmem>>, vector<1x1x16xf32>,
        %get3A_1934 = vector.shape_cast %get3A_1933 : vector<1x1x16xf32> to vector<16xf32>
        %max3A_1935 = arith.maximumf %max3A_1928, %get3A_1934 : vector<16xf32>
        %get3A_1936 = arith.constant 30 : i32
        %get3A_1937 = arith.index_cast %scan3A_112 : i32 to index
        %get3A_1938 = arith.index_cast %get3A_1936 : i32 to index
        %get3A_1939 = arith.constant 112 : index
        %get3A_1940 = tpu.vector_load %arg5[%get3A_1937, %get3A_1938, %get3A_1939] {strides = array<i32>} : memref<8x32x128xf32, #tpu.memory_space<vmem>>, vector<1x1x16xf32>,
        %get3A_1941 = vector.shape_cast %get3A_1940 : vector<1x1x16xf32> to vector<16xf32>
        %max3A_1942 = arith.maximumf %max3A_1935, %get3A_1941 : vector<16xf32>
        %get3A_1943 = arith.constant 31 : i32
        %get3A_1944 = arith.index_cast %scan3A_112 : i32 to index
        %get3A_1945 = arith.index_cast %get3A_1943 : i32 to index
        %get3A_1946 = arith.constant 112 : index
        %get3A_1947 = tpu.vector_load %arg5[%get3A_1944, %get3A_1945, %get3A_1946] {strides = array<i32>} : memref<8x32x128xf32, #tpu.memory_space<vmem>>, vector<1x1x16xf32>,
        %get3A_1948 = vector.shape_cast %get3A_1947 : vector<1x1x16xf32> to vector<16xf32>
        %max3A_1949 = arith.maximumf %max3A_1942, %get3A_1948 : vector<16xf32>
        %mul3A_1950 = arith.constant 8 : i32
        %mul3A_1951 = arith.muli %add3A_91, %mul3A_1950 : i32
        %add3A_1952 = arith.addi %mul3A_1951, %scan3A_112 : i32
        %swap3A_1953 = arith.index_cast %add3A_1952 : i32 to index
        %swap3A_1954 = arith.constant 112 : index
        %swap3A_1955 = tpu.vector_load %arg6[%swap3A_1953, %swap3A_1954] {strides = array<i32>} : memref<128x128xf32, #tpu.memory_space<vmem>>, vector<1x16xf32>,
        %swap3A_1956 = vector.shape_cast %swap3A_1955 : vector<1x16xf32> to vector<16xf32>
        %swap3A_1957 = vector.shape_cast %max3A_1949 : vector<16xf32> to vector<1x16xf32>
        tpu.vector_store %arg6[%swap3A_1953, %swap3A_1954], %swap3A_1957 {strides = array<i32>} : memref<128x128xf32, #tpu.memory_space<vmem>>, vector<1x16xf32>,
      }
      %scan3A_97 = arith.constant 8 : i32
      %add3A_98 = arith.constant 1 : i32
      %add3A_99 = arith.addi %mul3A_25, %add3A_98 : i32
      %mul3A_100 = arith.constant 8 : i32
      %mul3A_101 = arith.muli %add3A_99, %mul3A_100 : i32
      %mul3A_102 = arith.constant 8 : i32
      %mul3A_103 = arith.muli %min3A_37, %mul3A_102 : i32
      %dma_start3A_104 = arith.constant 0 : i32
      %dma_start3A_105 = tpu.memref_slice %arg6[%mul3A_101, %dma_start3A_104] : memref<128x128xf32, #tpu.memory_space<vmem>> -> memref<8x128xf32, #tpu.memory_space<vmem>>
      %dma_start3A_106 = arith.constant 0 : i32
      %dma_start3A_107 = tpu.memref_slice %arg3[%mul3A_103, %dma_start3A_106] : memref<2000x128xf32, #tpu.memory_space<hbm>> -> memref<8x128xf32, #tpu.memory_space<hbm>>
      %dma_start3A_108 = arith.constant 0 : i32
      %dma_start3A_109 = tpu.memref_slice %arg3[%mul3A_103, %dma_start3A_108] : memref<2000x128xf32, #tpu.memory_space<hbm>> -> memref<8x128xf32, #tpu.memory_space<hbm>>
      %dma_start3A_110 = arith.constant 0 : i32
      %dma_start3A_111 = tpu.memref_slice %arg6[%mul3A_101, %dma_start3A_110] : memref<128x128xf32, #tpu.memory_space<vmem>> -> memref<8x128xf32, #tpu.memory_space<vmem>>
      tpu.enqueue_dma source(%dma_start3A_111 : memref<8x128xf32, #tpu.memory_space<vmem>>) target(%dma_start3A_109 : memref<8x128xf32, #tpu.memory_space<hbm>>) target_semaphore(%arg9 : memref<!tpu.dma_semaphore, #tpu.memory_space<semaphore_mem>>)
    }
    %scan3A_17 = arith.constant 8 : i32
    %dma_wait3A = arith.constant 0 : i32
    %dma_wait3A_18 = arith.constant 0 : i32
    %dma_wait3A_19 = tpu.memref_slice %arg3[%dma_wait3A, %dma_wait3A_18] : memref<2000x128xf32, #tpu.memory_space<hbm>> -> memref<128x128xf32, #tpu.memory_space<hbm>>
    %dma_wait3A_20 = arith.constant 0 : i32
    %dma_wait3A_21 = arith.constant 0 : i32
    %dma_wait3A_22 = tpu.memref_slice %arg3[%dma_wait3A_20, %dma_wait3A_21] : memref<2000x128xf32, #tpu.memory_space<hbm>> -> memref<128x128xf32, #tpu.memory_space<hbm>>
    tpu.wait_dma2 semaphore(%arg9 : memref<!tpu.dma_semaphore, #tpu.memory_space<semaphore_mem>>) src(%arg6 : memref<128x128xf32, #tpu.memory_space<vmem>>) dst(%dma_wait3A_22 : memref<128x128xf32, #tpu.memory_space<hbm>>)
    return
  }
}

module attributes {stable_mosaic.version = 14 : i64} {
  func.func @_linear_body(%arg0: i32, %arg1: memref<10000x128xf32, #tpu.memory_space<any>>, %arg2: memref<1000x128xf32, #tpu.memory_space<vmem>>, %arg3: memref<1000x128xf32, #tpu.memory_space<vmem>>, %arg4: memref<128x256xf32, #tpu.memory_space<vmem>>, %arg5: memref<1x128xf32, #tpu.memory_space<vmem>>, %arg6: memref<1000x128xf32, #tpu.memory_space<vmem>>) attributes {dimension_semantics = [#tpu.dimension_semantics<arbitrary>], iteration_bounds = array<i64: 2>, scalar_prefetch = 0 : i64, scratch_operands = 0 : i64, tpu.core_type = #tpu.core_type<tc>, window_params = [{}, {transform_indices = @transform_1, window_bounds = array<i64: 1000, 128>}, {transform_indices = @transform_2, window_bounds = array<i64: 1000, 128>}, {pipeline_mode = #tpu.pipeline_mode<synchronous>, transform_indices = @transform_3, window_bounds = array<i64: 128, 256>}, {pipeline_mode = #tpu.pipeline_mode<synchronous>, transform_indices = @transform_4, window_bounds = array<i64: 1, 128>}, {transform_indices = @transform_5, window_bounds = array<i64: 1000, 128>}]} {
    %get3A = arith.constant 0 : index
    %get3A_0 = arith.constant 0 : index
    %get3A_1 = vector.load %arg2[%get3A, %get3A_0] : memref<1000x128xf32, #tpu.memory_space<vmem>>, vector<1000x128xf32>
    %get3A_2 = arith.constant 0 : index
    %get3A_3 = arith.constant 0 : index
    %get3A_4 = vector.load %arg4[%get3A_2, %get3A_3] : memref<128x256xf32, #tpu.memory_space<vmem>>, vector<128x128xf32>
    %dot_general3A = arith.constant dense<0.000000e+00> : vector<1000x128xf32>
    %dot_general3A_5 = tpu.matmul %get3A_1, %get3A_4, %dot_general3A {dimension_numbers = #tpu.dot_dimension_numbers<[1], [1], [0], [0], [0, 0, 1, 0], [], []>, transpose_lhs_hint = false} : vector<1000x128xf32>, vector<128x128xf32>, vector<1000x128xf32> -> vector<1000x128xf32>
    %get3A_6 = arith.constant 0 : index
    %get3A_7 = arith.constant 0 : index
    %get3A_8 = vector.load %arg3[%get3A_6, %get3A_7] : memref<1000x128xf32, #tpu.memory_space<vmem>>, vector<1000x128xf32>
    %get3A_9 = arith.constant 0 : index
    %get3A_10 = arith.constant 128 : index
    %get3A_11 = vector.load %arg4[%get3A_9, %get3A_10] : memref<128x256xf32, #tpu.memory_space<vmem>>, vector<128x128xf32>
    %dot_general3A_12 = arith.constant dense<0.000000e+00> : vector<1000x128xf32>
    %dot_general3A_13 = tpu.matmul %get3A_8, %get3A_11, %dot_general3A_12 {dimension_numbers = #tpu.dot_dimension_numbers<[1], [1], [0], [0], [0, 0, 1, 0], [], []>, transpose_lhs_hint = false} : vector<1000x128xf32>, vector<128x128xf32>, vector<1000x128xf32> -> vector<1000x128xf32>
    %add3A = arith.addf %dot_general3A_5, %dot_general3A_13 : vector<1000x128xf32>
    %get3A_14 = arith.constant 0 : index
    %get3A_15 = arith.constant 0 : index
    %get3A_16 = vector.load %arg5[%get3A_14, %get3A_15] : memref<1x128xf32, #tpu.memory_space<vmem>>, vector<1x128xf32>
    %add3A_17 = vector.broadcast %get3A_16 : vector<1x128xf32> to vector<1000x128xf32>
    %add3A_18 = arith.addf %add3A, %add3A_17 : vector<1000x128xf32>
    %swap3A = arith.constant 0 : index
    %swap3A_19 = arith.constant 0 : index
    %swap3A_20 = vector.load %arg6[%swap3A, %swap3A_19] : memref<1000x128xf32, #tpu.memory_space<vmem>>, vector<1000x128xf32>
    tpu.vector_store %arg6[%swap3A, %swap3A_19], %add3A_18 {strides = array<i32>} : memref<1000x128xf32, #tpu.memory_space<vmem>>, vector<1000x128xf32>,
    return
  }
  func.func @transform_1(%arg0: i32) -> (i32, i32) {
    %c0_i32 = arith.constant 0 : i32
    %c0_i32_0 = arith.constant 0 : i32
    return %arg0, %c0_i32 : i32, i32
  }
  func.func @transform_2(%arg0: i32) -> (i32, i32) {
    %add3A = arith.constant 8 : i32
    %add3A_0 = arith.addi %arg0, %add3A : i32
    %c0_i32 = arith.constant 0 : i32
    %c0_i32_1 = arith.constant 0 : i32
    return %add3A_0, %c0_i32 : i32, i32
  }
  func.func @transform_3(%arg0: i32) -> (i32, i32) {
    %c0_i32 = arith.constant 0 : i32
    %c0_i32_0 = arith.constant 0 : i32
    %c0_i32_1 = arith.constant 0 : i32
    return %c0_i32, %c0_i32_0 : i32, i32
  }
  func.func @transform_4(%arg0: i32) -> (i32, i32) {
    %c0_i32 = arith.constant 0 : i32
    %c0_i32_0 = arith.constant 0 : i32
    %c0_i32_1 = arith.constant 0 : i32
    return %c0_i32, %c0_i32_0 : i32, i32
  }
  func.func @transform_5(%arg0: i32) -> (i32, i32) {
    %add3A = arith.constant 8 : i32
    %add3A_0 = arith.addi %arg0, %add3A : i32
    %c0_i32 = arith.constant 0 : i32
    %c0_i32_1 = arith.constant 0 : i32
    return %add3A_0, %c0_i32 : i32, i32
  }
}

module attributes {stable_mosaic.version = 14 : i64} {
  func.func @_fused_body(%arg0: i32, %arg1: memref<400x32x128xf32, #tpu.memory_space<vmem>>, %arg2: memref<400x128xf32, #tpu.memory_space<vmem>>, %arg3: memref<128x256xf32, #tpu.memory_space<vmem>>, %arg4: memref<1x128xf32, #tpu.memory_space<vmem>>, %arg5: memref<400x128xf32, #tpu.memory_space<vmem>>) attributes {dimension_semantics = [#tpu.dimension_semantics<arbitrary>], iteration_bounds = array<i64: 20>, scalar_prefetch = 0 : i64, scratch_operands = 0 : i64, tpu.core_type = #tpu.core_type<tc>, window_params = [{transform_indices = @transform_0, window_bounds = array<i64: 400, 32, 128>}, {transform_indices = @transform_1, window_bounds = array<i64: 400, 128>}, {pipeline_mode = #tpu.pipeline_mode<synchronous>, transform_indices = @transform_2, window_bounds = array<i64: 128, 256>}, {pipeline_mode = #tpu.pipeline_mode<synchronous>, transform_indices = @transform_3, window_bounds = array<i64: 1, 128>}, {transform_indices = @transform_4, window_bounds = array<i64: 400, 128>}]} {
    %get3A = arith.constant 0 : index
    %get3A_0 = arith.constant 0 : index
    %get3A_1 = arith.constant 0 : index
    %get3A_2 = vector.load %arg1[%get3A, %get3A_0, %get3A_1] : memref<400x32x128xf32, #tpu.memory_space<vmem>>, vector<400x32x128xf32>
    %slice3A = vector.extract_strided_slice %get3A_2 {offsets = [0, 0, 0], sizes = [400, 8, 128], strides = [1, 1, 1]} : vector<400x32x128xf32> to vector<400x8x128xf32>
    %slice3A_3 = vector.extract_strided_slice %get3A_2 {offsets = [0, 8, 0], sizes = [400, 8, 128], strides = [1, 1, 1]} : vector<400x32x128xf32> to vector<400x8x128xf32>
    %max3A = arith.maximumf %slice3A, %slice3A_3 : vector<400x8x128xf32>
    %slice3A_4 = vector.extract_strided_slice %get3A_2 {offsets = [0, 16, 0], sizes = [400, 8, 128], strides = [1, 1, 1]} : vector<400x32x128xf32> to vector<400x8x128xf32>
    %slice3A_5 = vector.extract_strided_slice %get3A_2 {offsets = [0, 24, 0], sizes = [400, 8, 128], strides = [1, 1, 1]} : vector<400x32x128xf32> to vector<400x8x128xf32>
    %max3A_6 = arith.maximumf %slice3A_4, %slice3A_5 : vector<400x8x128xf32>
    %max3A_7 = arith.maximumf %max3A, %max3A_6 : vector<400x8x128xf32>
    %reduce_max3A = arith.constant dense<0xFF800000> : vector<400x128xf32>
    %reduce_max3A_8 = vector.multi_reduction <maximumf>, %max3A_7, %reduce_max3A [1] : vector<400x8x128xf32> to vector<400x128xf32>
    %get3A_9 = arith.constant 0 : index
    %get3A_10 = arith.constant 0 : index
    %get3A_11 = vector.load %arg3[%get3A_9, %get3A_10] : memref<128x256xf32, #tpu.memory_space<vmem>>, vector<128x128xf32>
    %dot_general3A = arith.constant dense<0.000000e+00> : vector<400x128xf32>
    %dot_general3A_12 = tpu.matmul %reduce_max3A_8, %get3A_11, %dot_general3A {dimension_numbers = #tpu.dot_dimension_numbers<[1], [1], [0], [0], [0, 0, 1, 0], [], []>, transpose_lhs_hint = false} : vector<400x128xf32>, vector<128x128xf32>, vector<400x128xf32> -> vector<400x128xf32>
    %get3A_13 = arith.constant 0 : index
    %get3A_14 = arith.constant 0 : index
    %get3A_15 = vector.load %arg2[%get3A_13, %get3A_14] : memref<400x128xf32, #tpu.memory_space<vmem>>, vector<400x128xf32>
    %get3A_16 = arith.constant 0 : index
    %get3A_17 = arith.constant 128 : index
    %get3A_18 = vector.load %arg3[%get3A_16, %get3A_17] : memref<128x256xf32, #tpu.memory_space<vmem>>, vector<128x128xf32>
    %dot_general3A_19 = arith.constant dense<0.000000e+00> : vector<400x128xf32>
    %dot_general3A_20 = tpu.matmul %get3A_15, %get3A_18, %dot_general3A_19 {dimension_numbers = #tpu.dot_dimension_numbers<[1], [1], [0], [0], [0, 0, 1, 0], [], []>, transpose_lhs_hint = false} : vector<400x128xf32>, vector<128x128xf32>, vector<400x128xf32> -> vector<400x128xf32>
    %add3A = arith.addf %dot_general3A_12, %dot_general3A_20 : vector<400x128xf32>
    %get3A_21 = arith.constant 0 : index
    %get3A_22 = arith.constant 0 : index
    %get3A_23 = vector.load %arg4[%get3A_21, %get3A_22] : memref<1x128xf32, #tpu.memory_space<vmem>>, vector<1x128xf32>
    %add3A_24 = vector.broadcast %get3A_23 : vector<1x128xf32> to vector<400x128xf32>
    %add3A_25 = arith.addf %add3A, %add3A_24 : vector<400x128xf32>
    %swap3A = arith.constant 0 : index
    %swap3A_26 = arith.constant 0 : index
    %swap3A_27 = vector.load %arg5[%swap3A, %swap3A_26] : memref<400x128xf32, #tpu.memory_space<vmem>>, vector<400x128xf32>
    tpu.vector_store %arg5[%swap3A, %swap3A_26], %add3A_25 {strides = array<i32>} : memref<400x128xf32, #tpu.memory_space<vmem>>, vector<400x128xf32>,
    return
  }
  func.func @transform_0(%arg0: i32) -> (i32, i32, i32) {
    %c0_i32 = arith.constant 0 : i32
    %c0_i32_0 = arith.constant 0 : i32
    %c0_i32_1 = arith.constant 0 : i32
    return %arg0, %c0_i32, %c0_i32_0 : i32, i32, i32
  }
  func.func @transform_1(%arg0: i32) -> (i32, i32) {
    %c0_i32 = arith.constant 0 : i32
    %c0_i32_0 = arith.constant 0 : i32
    return %arg0, %c0_i32 : i32, i32
  }
  func.func @transform_2(%arg0: i32) -> (i32, i32) {
    %c0_i32 = arith.constant 0 : i32
    %c0_i32_0 = arith.constant 0 : i32
    %c0_i32_1 = arith.constant 0 : i32
    return %c0_i32, %c0_i32_0 : i32, i32
  }
  func.func @transform_3(%arg0: i32) -> (i32, i32) {
    %c0_i32 = arith.constant 0 : i32
    %c0_i32_0 = arith.constant 0 : i32
    %c0_i32_1 = arith.constant 0 : i32
    return %c0_i32, %c0_i32_0 : i32, i32
  }
  func.func @transform_4(%arg0: i32) -> (i32, i32) {
    %c0_i32 = arith.constant 0 : i32
    %c0_i32_0 = arith.constant 0 : i32
    return %arg0, %c0_i32 : i32, i32
  }
}

</mosaic_0001>

<sc_bundles>
// kernel: kernel.5.cloned.1.call-start
scs
__scs_entry_jumppad:
0x0: {  	(pc) =	sbr.rel $0x88, $3  }
0x1: {  	(tag) =	ssettag $0x0;
	lr =	simm.s32 $0x1  }
0x2: {  	[smem:$0x3F9D] =	sst lr;
	_ =	strace $0xD0000000  }
0x3: {  	_ = 	snop  }
0x4: {  	_ = 	snop  }
0x5: {  	_ = 	snop  }
0x6: {  	_ = 	snop  }
0x7: {  	_ = 	snop  }
__scs_overlays_trampoline_lowered:
0x8: {  	[smem:$0x3FAC] =	sst s0  }
0x9: {  	[smem:$0x3FAD] =	sst s1  }
0xa: {  	[smem:$0x3FAE] =	sst s2  }
0xb: {  	[smem:$0x3FAF] =	sst s3  }
0xc: {  	[smem:$0x3FB0] =	sst s4  }
0xd: {  	[smem:$0x3FB1] =	sst s5  }
0xe: {  	[smem:$0x3FB2] =	sst s6  }
0xf: {  	[smem:$0x3FB3] =	sst s7  }
0x10: {  	[smem:$0x3FB4] =	sst s8  }
0x11: {  	[smem:$0x3FB5] =	sst s9;
	s0 =	simm.s32 @!p0 $0x0  }
0x12: {  	s1 =	sld [smem:$0x3F9B];
	s0 =	simm.s32 @p0 $0x1  }
0x13: {  	[smem:$0x3FB6] =	sst s0;
	s0 =	simm.s32 @!p1 $0x0  }
0x14: {  	s2 =	sld [smem:$0x3F9A];
	s0 =	simm.s32 @p1 $0x1  }
0x15: {  	[smem:$0x3FB7] =	sst s0;
	s0 =	simm.s32 @!p2 $0x0  }
0x16: {  	s3 =	sld [smem:$0x3FDB];
	s0 =	simm.s32 @p2 $0x1  }
0x17: {  	s4 =	simm.s32 $0x1BF5;
	[smem:$0x3FB9] =	sst s0  }
0x18: {  	s0 =	sld [smem:$0x3F9C];
	_ =	swait.ge [sflag:s4], $0x0  }
0x19: {  	s7 =	sld [smem:$0x3F9D]  }
0x1a: {  	s8 =	sadd.s32 $0xFFFFE003, lr  }
0x1b: {  	s9 =	sadd.s32 $0xFFFFFEF7, lr;
	s5 =	simm.s32 $0xFFFFFFFF;
	p2 =	slt.u32 s8, $0xFFFFF086  }
0x1c: {  	p1 =	slt.u32 s9, $0xF7A;
	s5 =	simm.s32 @!p2 $0x0  }
0x1d: {  	s5 =	simm.s32 @p1 $0x1;
	p0 =	seq.s32 s7, s2  }
0x1e: {  	s7 =	smul.u32 @!p0 $0xF7A, s2;
	p2 =	seq.s32 @!p0 s5, $0x0  }
0x1f: {  	s9 =	smul.u32 $0xF7A, s1;
	s8 =	simm.s32 @!p0 $0x1BF5;
	p2 =	por !p2, p0  }
0x20: {  	[sflag:s8] =	ssyncset.s32 @!p0 $0xFFFFF086;
	s6 =	sadd.s32 @!p0 s3, s7;
	s7 =	simm.s32 @!p0 $0x108  }
0x21: {  	s3 =	sadd.s32 s3, s9;
	s6 =	sadd.s32 @!p0 $0x88, s6;
	s7 =	simm.s32 @p2 $0x1082  }
0x22: {  	[simem:s7], [sflag:s8] =	dma.local @!p0 [hbm:s6], $0xF7A  }
0x23: {  	s9 =	sor.u32 $0xD0000000, s2;
	s6 =	simm.s32 $0x108;
	_ =	swait.ge @!p0 [sflag:s8], $0x0  }
0x24: {  	s3 =	sadd.s32 $0x88, s3;
	s6 =	simm.s32 @!p1 $0x1082;
	[sflag:s4] =	ssyncset.s32 $0xFFFFF086  }
0x25: {  	[simem:s6], [sflag:s4] =	dma.local [hbm:s3], $0xF7A  }
0x26: {  	[smem:$0x3F9D] =	sst s1;
	(tag) =	ssettag s2;
	_ =	strace s9  }
0x27: {  	s1 =	sld [smem:$0x3FAD]  }
0x28: {  	s2 =	sld [smem:$0x3FAE]  }
0x29: {  	s4 =	sld [smem:$0x3FB0]  }
0x2a: {  	p0 =	seq.s32 s5, $0x0;
	s5 =	sld [smem:$0x3FB1]  }
0x2b: {  	s6 =	sld [smem:$0x3FB2]  }
0x2c: {  	s7 =	sld [smem:$0x3FB3]  }
0x2d: {  	s3 =	simm.s32 $0x108;
	s8 =	sld [smem:$0x3FB4]  }
0x2e: {  	s3 =	simm.s32 @!p0 $0x1082;
	s9 =	sld [smem:$0x3FB5]  }
0x2f: {  	lr =	sadd.s32 s0, s3;
	s0 =	sld [smem:$0x3FAC]  }
0x30: {  	s3 =	sld [smem:$0x3FAF]  }
0x31: {  	[smem:$0x3FB8] =	sst s10  }
0x32: {  	s10 =	sld [smem:$0x3FB6];
	_ =	sdelay $0x3  }
0x33: {  	p0 =	seq.s32 s10, $0x1;
	s10 =	sld [smem:$0x3FB8];
	_ =	sdelay $0x3  }
0x34: {  	[smem:$0x3FB8] =	sst s10  }
0x35: {  	s10 =	sld [smem:$0x3FB7];
	_ =	sdelay $0x3  }
0x36: {  	p1 =	seq.s32 s10, $0x1;
	s10 =	sld [smem:$0x3FB8];
	_ =	sdelay $0x3  }
0x37: {  	[smem:$0x3FB8] =	sst s10  }
0x38: {  	s10 =	sld [smem:$0x3FB9]  }
0x39: {  	_ = 	snop;
	(pc) =	sbr.ind lr, $3  }
0x3a: {  	_ = 	snop  }
0x3b: {  	_ = 	snop  }
0x3c: {  	p2 =	seq.s32 s10, $0x1;
	s10 =	sld [smem:$0x3FB8]  }
0x3d: {  	_ =	shalt  }
0x3e: {  	_ =	shalt  }
0x3f: {  	_ =	shalt  }
0x40: {  	_ =	shalt  }
0x41: {  	_ =	shalt  }
0x42: {  	_ =	shalt  }
0x43: {  	_ =	shalt  }
0x44: {  	_ =	shalt  }
0x45: {  	_ =	shalt  }
0x46: {  	_ =	shalt  }
0x47: {  	_ =	shalt  }
0x48: {  	_ =	shalt  }
0x49: {  	_ =	shalt  }
0x4a: {  	_ =	shalt  }
0x4b: {  	_ =	shalt  }
0x4c: {  	_ =	shalt  }
0x4d: {  	_ =	shalt  }
0x4e: {  	_ =	shalt  }
0x4f: {  	_ =	shalt  }
0x50: {  	_ =	shalt  }
0x51: {  	_ =	shalt  }
0x52: {  	_ =	shalt  }
0x53: {  	_ =	shalt  }
0x54: {  	_ =	shalt  }
0x55: {  	_ =	shalt  }
0x56: {  	_ =	shalt  }
0x57: {  	_ =	shalt  }
0x58: {  	_ =	shalt  }
0x59: {  	_ =	shalt  }
0x5a: {  	_ =	shalt  }
0x5b: {  	_ =	shalt  }
0x5c: {  	_ =	shalt  }
0x5d: {  	_ =	shalt  }
0x5e: {  	_ =	shalt  }
0x5f: {  	_ =	shalt  }
0x60: {  	_ =	shalt  }
0x61: {  	_ =	shalt  }
0x62: {  	_ =	shalt  }
0x63: {  	_ =	shalt  }
0x64: {  	_ =	shalt  }
0x65: {  	_ =	shalt  }
0x66: {  	_ =	shalt  }
0x67: {  	_ =	shalt  }
0x68: {  	_ =	shalt  }
0x69: {  	_ =	shalt  }
0x6a: {  	_ =	shalt  }
0x6b: {  	_ =	shalt  }
0x6c: {  	_ =	shalt  }
0x6d: {  	_ =	shalt  }
0x6e: {  	_ =	shalt  }
0x6f: {  	_ =	shalt  }
0x70: {  	_ =	shalt  }
0x71: {  	_ =	shalt  }
0x72: {  	_ =	shalt  }
0x73: {  	_ =	shalt  }
0x74: {  	_ =	shalt  }
0x75: {  	_ =	shalt  }
0x76: {  	_ =	shalt  }
0x77: {  	_ =	shalt  }
0x78: {  	_ =	shalt  }
0x79: {  	_ =	shalt  }
0x7a: {  	_ =	shalt  }
0x7b: {  	_ =	shalt  }
0x7c: {  	_ =	shalt  }
0x7d: {  	_ =	shalt  }
0x7e: {  	_ =	shalt  }
0x7f: {  	_ =	shalt  }
0x80: {  	_ =	shalt  }
0x81: {  	_ =	shalt  }
0x82: {  	_ =	shalt  }
0x83: {  	_ =	shalt  }
0x84: {  	_ =	shalt  }
0x85: {  	_ =	shalt  }
0x86: {  	_ =	shalt  }
0x87: {  	_ =	shalt  }
.Lfunc_end0:
.L_simem_size_0:
called_computation_lowered:
.L_overlay_start_0:
0x88: {  	s0 =	sld [smem:$0x3FD9]  }
0x89: {  	s1 =	sld [smem:$0x3FFE];
	_ =	sdelay $0x3  }
0x8a: {  	s0 =	sadd.s32 s1, s0  }
0x8b: {  	[smem:$0x3FC4] =	sst s0  }
0x8c: {  	_ = 	snop  }
0x8d: {  	s0 =	sld [smem:$0x3FC9];
	(tm) =	ssettm $0x1  }
0x8e: {  	s16 =	sld [smem:$0x3FFB];
	_ =	sdelay $0x3  }
0x8f: {  	_ =	strace s16  }
0x90: {  	s1 =	sld [smem:$0x3FFC];
	_ =	sdelay $0x3  }
0x91: {  	_ =	strace s1  }
0x92: {  	s1 =	sld [smem:$0x3FFD];
	_ =	sdelay $0x3  }
0x93: {  	_ =	strace s1  }
0x94: {  	_ =	strace $0x8FFFFFFF  }
0x95: {  	s17 =	sld [smem:$0x3FDB];
	_ =	sdelay $0x1  }
0x96: {  	s2 =	simm.s32 $_scs_section_size  }
0x97: {  	s3 =	simm.s32 $_size__tile_overlayer_lowered;
	s4 =	simm.s32 $_tile_overlayer_lowered  }
0x98: {  	s20 =	simm.s32 $0x1BFF;
	s19 =	sshll.u32 s4, $0x1;
	s1 =	sadd.s32 s2, s17  }
0x99: {  	s5 =	simm.s32 $0x0;
	s18 =	sshll.u32 s3, $0x1;
	s3 =	sadd.s32 s19, s1  }
0x9a: {  	[timem:s5], [sflag:s20] =	dma.local [hbm:s3], s18  }
0x9b: {  	_ =	swait.ge [sflag:s20], s18  }
0x9c: {  	s2 =	ssub.s32 $0x0, s18;
	[sflag:s20] =	ssyncset.done $0x0  }
0x9d: {  	[sflag:s20] =	ssyncadd.s32 s2;
	_ =	sdelay $0x1  }
0x9e: {  	s21 =	simm.s32 $0x1B8B  }
0x9f: {  	_ =	swait.ge [sflag:s21], $0x1  }
0xa0: {  	[sflag:s21] =	ssyncset.done $0x0  }
0xa1: {  	s23 =	simm.s32 $0x1B8E;
	s22 =	sld [smem:$0x3FFE];
	[sflag:s21] =	ssyncadd.s32 $0xFFFFFFFF  }
0xa2: {  	s24 =	simm.s32 $execute0_lowered;
	[smem:$0x3FD2] =	sst s23  }
0xa3: {  	s3 =	sshll.u32 s24, $0x1;
	_ =	strace $0x80000046;
	[dreg:$0x1] =	wrdreg $0xFFFFFFFF  }
0xa4: {  	s25 =	simm.s32 $_size_execute0_lowered;
	s1 =	sadd.s32 s1, s3;
	[dreg:$0x0] =	wrdreg $0x0  }
0xa5: {  	s3 =	sshll.u32 s25, $0x1;
	[dreg:$0x2] =	wrdreg s1  }
0xa6: {  	[dreg:$0x3] =	wrdreg s3  }
0xa7: {  	[dreg:$0x4] =	wrdreg $0xC0  }
0xa8: {  	_ =	task [dreg:s5], $0x5FFFF  }
0xa9: {  	[dreg:$0x1] =	wrdreg $0xFFFFFFFF  }
0xaa: {  	[dreg:$0x0] =	wrdreg $0x60  }
0xab: {  	[dreg:$0x2] =	wrdreg s0  }
0xac: {  	[dreg:$0x3] =	wrdreg s22  }
0xad: {  	[dreg:$0x4] =	wrdreg $0x9  }
0xae: {  	_ =	task.clear_ibuf [dreg:s5], $0x5FFFF;
	_ =	strace $0x90000046  }
0xaf: {  	s26 =	simm.s32 $0x9;
	_ =	strace $0x80000048  }
0xb0: {  	_ =	swait.ge [sflag:s26], $0x1  }
0xb1: {  	[sflag:s26] =	ssyncadd.s32 $0xFFFFFFFF  }
0xb2: {  	_ =	strace $0x90000048  }
0xb3: {  	_ =	sfence  }
0xb4: {  	s28 =	sld [smem:$0x0];
	_ =	sdelay $0x1  }
0xb5: {  	s29 =	srdreg.scid  }
0xb6: {  	s30 =	sshll.u32 s29, $0xD;
	s31 =	sshrl.u32 s29, $0x2  }
0xb7: {  	s2 =	sand.u32 $0x4000, s30;
	s1 =	sand.u32 $0x1, s29;
	s0 =	sadd.s32 s31, s28  }
0xb8: {  	s1 =	sor.u32 s2, s1;
	s0 =	sshll.u32 s0, $0x11  }
0xb9: {  	s0 =	sor.u32 s0, s1  }
0xba: {  	s0 =	sadd.s32 $0x8F2B, s0  }
0xbb: {  	[sflag:s0] =	ssyncadd.remote.s32 $0x1  }
0xbc: {  	_ =	sfence.sel $0xFFFF  }
0xbd: {  	[dreg:$0x0] =	wrdreg $0xFFFFFFFF;
	(pc) =	sbr.abs _section_cstart, $3  }
0xbe: {  	[dreg:$0x1] =	wrdreg $0xFFFFFFFF  }
0xbf: {  	_ =	task.clear_ibuf [dreg:s5], $0x2FFFF;
	_ =	strace $0x9FFFFFFF  }
0xc0: {  	(tm) =	ssettm $0x7FFFFFFF  }
0xc1: {  	_ =	shalt  }
tec
execute0_lowered:
.L_overlay_start_1:
0x0: {  	(tag) =	ssettag $0x1  }
0x1: {  	s3 =	rddreg [dreg:$0x0]  }
0x2: {  	s4 =	rddreg [dreg:$0x1]  }
0x3: {  	s0 =	rddreg [dreg:$0x2]  }
0x4: {  	s2 =	simm.s32 $0x0;
	s1 =	stileid.u32;
	s7 =	simm.s32 $0x1  }
0x5: {  	s8 =	simm.s32 $0x8000;
	s9 =	simm.s32 $0x2;
	[smem:$0x7FF] =	sst s2  }
0x6: {  	s5 =	sshll.u32 s1, $0xC;
	s3 =	sadd.s32 $0x3E8000, s3;
	s4 =	sadd.s32 $0xC00, s4  }
0x7: {  	s6 =	sshll.u32 s1, $0x7;
	_ =	strace $0x80000047;
	s5 =	sadd.s32 s5, s3  }
0x8: {  	[tilespmem:s2], [sflag:$0x1] =	stream.linear.gather [hbm4b:s5+s2], $0x8000, $0x38;
	[tilespmem:$0x14000] =	vst v63  }
0x9: {  	s10 =	simm.s32 $0x0;
	s6 =	sadd.s32 s4, s6;
	s5 =	sor.u32 $0x20, s1  }
.LBB2_1:
0xa: {  	s12 =	sshllo.u32 s10, $0x1  }
0xb: {  	s11 =	sshll.u32 s12, $0x4  }
0xc: {  	s11 =	sor.u32 s1, s11  }
0xd: {  	_ =	swait.ge [sflag:s7], $0x8000;
	s11 =	smin.u32 s11, $0xF9  }
0xe: {  	[sflag:s7] =	ssyncset.done $0x0;
	s13 =	sshll.u32 s11, $0xC  }
0xf: {  	s31 =	simm.s32 $0x0;
	[sflag:s7] =	ssyncadd.s32 $0xFFFF8000;
	s13 =	sadd.s32 s13, s3  }
0x10: {  	[tilespmem:s8], [sflag:$0x2] =	stream.linear.gather [hbm4b:s13+s2], $0x8000, $0x38;
	[tilespmem:$0x14000] =	vst v63  }
0x11: {  	s13 =	sand.u32 $0x3FFFF000, s31  }
0x12: {  	v0 =	vld [tilespmem:s13+$0x0]  }
0x13: {  	v1 =	vld [tilespmem:s13+$0x80]  }
0x14: {  	v2 =	vld [tilespmem:s13+$0x100]  }
0x15: {  	v3 =	vld [tilespmem:s13+$0x180]  }
0x16: {  	v4 =	vld [tilespmem:s13+$0x200]  }
0x17: {  	v5 =	vld [tilespmem:s13+$0x280]  }
0x18: {  	v0 =	vmax.f32 v0, v1;
	v1 =	vld [tilespmem:s13+$0x300]  }
0x19: {  	v0 =	vmax.f32 v0, v2;
	v2 =	vld [tilespmem:s13+$0x380]  }
0x1a: {  	v0 =	vmax.f32 v0, v3;
	v3 =	vld [tilespmem:s13+$0x400]  }
0x1b: {  	v0 =	vmax.f32 v0, v4;
	v4 =	vld [tilespmem:s13+$0x480]  }
0x1c: {  	v0 =	vmax.f32 v0, v5;
	v5 =	vld [tilespmem:s13+$0x500]  }
0x1d: {  	v0 =	vmax.f32 v0, v1;
	v1 =	vld [tilespmem:s13+$0x580]  }
0x1e: {  	v0 =	vmax.f32 v0, v2;
	v2 =	vld [tilespmem:s13+$0x600]  }
0x1f: {  	v0 =	vmax.f32 v0, v3;
	v3 =	vld [tilespmem:s13+$0x680]  }
0x20: {  	v0 =	vmax.f32 v0, v4;
	v4 =	vld [tilespmem:s13+$0x700]  }
0x21: {  	v0 =	vmax.f32 v0, v5;
	v5 =	vld [tilespmem:s13+$0x780]  }
0x22: {  	v0 =	vmax.f32 v0, v1;
	v1 =	vld [tilespmem:s13+$0x800]  }
0x23: {  	v0 =	vmax.f32 v0, v2;
	v2 =	vld [tilespmem:s13+$0x880]  }
0x24: {  	v0 =	vmax.f32 v0, v3;
	v3 =	vld [tilespmem:s13+$0x900]  }
0x25: {  	v0 =	vmax.f32 v0, v4;
	v4 =	vld [tilespmem:s13+$0x980]  }
0x26: {  	v0 =	vmax.f32 v0, v5;
	v5 =	vld [tilespmem:s13+$0xA00]  }
0x27: {  	v0 =	vmax.f32 v0, v1;
	v1 =	vld [tilespmem:s13+$0xA80]  }
0x28: {  	v0 =	vmax.f32 v0, v2;
	v2 =	vld [tilespmem:s13+$0xB00]  }
0x29: {  	v0 =	vmax.f32 v0, v3;
	v3 =	vld [tilespmem:s13+$0xB80]  }
0x2a: {  	v0 =	vmax.f32 v0, v4;
	v4 =	vld [tilespmem:s13+$0xC00]  }
0x2b: {  	v0 =	vmax.f32 v0, v5;
	v5 =	vld [tilespmem:s13+$0xC80]  }
0x2c: {  	v0 =	vmax.f32 v0, v1;
	v1 =	vld [tilespmem:s13+$0xD00]  }
0x2d: {  	v0 =	vmax.f32 v0, v2;
	v2 =	vld [tilespmem:s13+$0xD80]  }
0x2e: {  	v0 =	vmax.f32 v0, v3;
	v3 =	vld [tilespmem:s13+$0xE00]  }
0x2f: {  	s14 =	sshll.u32 s10, $0xB;
	v0 =	vmax.f32 v0, v4;
	v4 =	vld [tilespmem:s13+$0xE80]  }
0x30: {  	s14 =	sand.u32 $0x3FFFF800, s14;
	v0 =	vmax.f32 v0, v5;
	v5 =	vld [tilespmem:s13+$0xF00]  }
0x31: {  	s14 =	sadd.s32 $0x10000, s14;
	v6 =	vld [tilespmem:s13+$0xF80];
	v1 =	vmax.f32 v0, v1  }
0x32: {  	v0 =	vmov s14;
	v1 =	vmax.f32 v1, v2  }
0x33: {  	v1 =	vmax.f32 v1, v3  }
0x34: {  	v1 =	vmax.f32 v1, v4  }
0x35: {  	s15 =	simm.s32 $0x0;
	v1 =	vmax.f32 v1, v5  }
0x36: {  	s15 =	sand.u32 $0x3FFFFF80, s15;
	v1 =	vmax.f32 v1, v6  }
0x37: {  	[tilespmem:v0+s15+$0x0 ss:$0x1] =	vst.idx.msk $0xffff, v1  }
0x38: {  	v1 =	vld [tilespmem:s13+$0x10]  }
0x39: {  	v2 =	vld [tilespmem:s13+$0x90]  }
0x3a: {  	v3 =	vld [tilespmem:s13+$0x110]  }
0x3b: {  	v4 =	vld [tilespmem:s13+$0x190]  }
0x3c: {  	v5 =	vld [tilespmem:s13+$0x210]  }
0x3d: {  	v6 =	vld [tilespmem:s13+$0x290]  }
0x3e: {  	v1 =	vmax.f32 v1, v2;
	v2 =	vld [tilespmem:s13+$0x310]  }
0x3f: {  	v1 =	vmax.f32 v1, v3;
	v3 =	vld [tilespmem:s13+$0x390]  }
0x40: {  	v1 =	vmax.f32 v1, v4;
	v4 =	vld [tilespmem:s13+$0x410]  }
0x41: {  	v1 =	vmax.f32 v1, v5;
	v5 =	vld [tilespmem:s13+$0x490]  }
0x42: {  	v1 =	vmax.f32 v1, v6;
	v6 =	vld [tilespmem:s13+$0x510]  }
0x43: {  	v1 =	vmax.f32 v1, v2;
	v2 =	vld [tilespmem:s13+$0x590]  }
0x44: {  	v1 =	vmax.f32 v1, v3;
	v3 =	vld [tilespmem:s13+$0x610]  }
0x45: {  	v1 =	vmax.f32 v1, v4;
	v4 =	vld [tilespmem:s13+$0x690]  }
0x46: {  	v1 =	vmax.f32 v1, v5;
	v5 =	vld [tilespmem:s13+$0x710]  }
0x47: {  	v1 =	vmax.f32 v1, v6;
	v6 =	vld [tilespmem:s13+$0x790]  }
0x48: {  	v1 =	vmax.f32 v1, v2;
	v2 =	vld [tilespmem:s13+$0x810]  }
0x49: {  	v1 =	vmax.f32 v1, v3;
	v3 =	vld [tilespmem:s13+$0x890]  }
0x4a: {  	v1 =	vmax.f32 v1, v4;
	v4 =	vld [tilespmem:s13+$0x910]  }
0x4b: {  	v1 =	vmax.f32 v1, v5;
	v5 =	vld [tilespmem:s13+$0x990]  }
0x4c: {  	v1 =	vmax.f32 v1, v6;
	v6 =	vld [tilespmem:s13+$0xA10]  }
0x4d: {  	v1 =	vmax.f32 v1, v2;
	v2 =	vld [tilespmem:s13+$0xA90]  }
0x4e: {  	v1 =	vmax.f32 v1, v3;
	v3 =	vld [tilespmem:s13+$0xB10]  }
0x4f: {  	v1 =	vmax.f32 v1, v4;
	v4 =	vld [tilespmem:s13+$0xB90]  }
0x50: {  	v1 =	vmax.f32 v1, v5;
	v5 =	vld [tilespmem:s13+$0xC10]  }
0x51: {  	v1 =	vmax.f32 v1, v6;
	v6 =	vld [tilespmem:s13+$0xC90]  }
0x52: {  	v1 =	vmax.f32 v1, v2;
	v2 =	vld [tilespmem:s13+$0xD10]  }
0x53: {  	v1 =	vmax.f32 v1, v3;
	v3 =	vld [tilespmem:s13+$0xD90]  }
0x54: {  	v1 =	vmax.f32 v1, v4;
	v4 =	vld [tilespmem:s13+$0xE10]  }
0x55: {  	v1 =	vmax.f32 v1, v5;
	v5 =	vld [tilespmem:s13+$0xE90]  }
0x56: {  	v1 =	vmax.f32 v1, v6;
	v6 =	vld [tilespmem:s13+$0xF10]  }
0x57: {  	v1 =	vmax.f32 v1, v2;
	v2 =	vld [tilespmem:s13+$0xF90]  }
0x58: {  	v1 =	vmax.f32 v1, v3  }
0x59: {  	v1 =	vmax.f32 v1, v4  }
0x5a: {  	v1 =	vmax.f32 v1, v5  }
0x5b: {  	v1 =	vmax.f32 v1, v6  }
0x5c: {  	v1 =	vmax.f32 v1, v2  }
0x5d: {  	[tilespmem:v0+s15+$0x10 ss:$0x1] =	vst.idx.msk $0xffff, v1  }
0x5e: {  	v1 =	vld [tilespmem:s13+$0x20]  }
0x5f: {  	v2 =	vld [tilespmem:s13+$0xA0]  }
0x60: {  	v3 =	vld [tilespmem:s13+$0x120]  }
0x61: {  	v4 =	vld [tilespmem:s13+$0x1A0]  }
0x62: {  	v5 =	vld [tilespmem:s13+$0x220]  }
0x63: {  	v6 =	vld [tilespmem:s13+$0x2A0]  }
0x64: {  	v1 =	vmax.f32 v1, v2;
	v2 =	vld [tilespmem:s13+$0x320]  }
0x65: {  	v1 =	vmax.f32 v1, v3;
	v3 =	vld [tilespmem:s13+$0x3A0]  }
0x66: {  	v1 =	vmax.f32 v1, v4;
	v4 =	vld [tilespmem:s13+$0x420]  }
0x67: {  	v1 =	vmax.f32 v1, v5;
	v5 =	vld [tilespmem:s13+$0x4A0]  }
0x68: {  	v1 =	vmax.f32 v1, v6;
	v6 =	vld [tilespmem:s13+$0x520]  }
0x69: {  	v1 =	vmax.f32 v1, v2;
	v2 =	vld [tilespmem:s13+$0x5A0]  }
0x6a: {  	v1 =	vmax.f32 v1, v3;
	v3 =	vld [tilespmem:s13+$0x620]  }
0x6b: {  	v1 =	vmax.f32 v1, v4;
	v4 =	vld [tilespmem:s13+$0x6A0]  }
0x6c: {  	v1 =	vmax.f32 v1, v5;
	v5 =	vld [tilespmem:s13+$0x720]  }
0x6d: {  	v1 =	vmax.f32 v1, v6;
	v6 =	vld [tilespmem:s13+$0x7A0]  }
0x6e: {  	v1 =	vmax.f32 v1, v2;
	v2 =	vld [tilespmem:s13+$0x820]  }
0x6f: {  	v1 =	vmax.f32 v1, v3;
	v3 =	vld [tilespmem:s13+$0x8A0]  }
0x70: {  	v1 =	vmax.f32 v1, v4;
	v4 =	vld [tilespmem:s13+$0x920]  }
0x71: {  	v1 =	vmax.f32 v1, v5;
	v5 =	vld [tilespmem:s13+$0x9A0]  }
0x72: {  	v1 =	vmax.f32 v1, v6;
	v6 =	vld [tilespmem:s13+$0xA20]  }
0x73: {  	v1 =	vmax.f32 v1, v2;
	v2 =	vld [tilespmem:s13+$0xAA0]  }
0x74: {  	v1 =	vmax.f32 v1, v3;
	v3 =	vld [tilespmem:s13+$0xB20]  }
0x75: {  	v1 =	vmax.f32 v1, v4;
	v4 =	vld [tilespmem:s13+$0xBA0]  }
0x76: {  	v1 =	vmax.f32 v1, v5;
	v5 =	vld [tilespmem:s13+$0xC20]  }
0x77: {  	v1 =	vmax.f32 v1, v6;
	v6 =	vld [tilespmem:s13+$0xCA0]  }
0x78: {  	v1 =	vmax.f32 v1, v2;
	v2 =	vld [tilespmem:s13+$0xD20]  }
0x79: {  	v1 =	vmax.f32 v1, v3;
	v3 =	vld [tilespmem:s13+$0xDA0]  }
0x7a: {  	v1 =	vmax.f32 v1, v4;
	v4 =	vld [tilespmem:s13+$0xE20]  }
0x7b: {  	v1 =	vmax.f32 v1, v5;
	v5 =	vld [tilespmem:s13+$0xEA0]  }
0x7c: {  	v1 =	vmax.f32 v1, v6;
	v6 =	vld [tilespmem:s13+$0xF20]  }
0x7d: {  	v1 =	vmax.f32 v1, v2;
	v2 =	vld [tilespmem:s13+$0xFA0]  }
0x7e: {  	v1 =	vmax.f32 v1, v3  }
0x7f: {  	v1 =	vmax.f32 v1, v4  }
0x80: {  	v1 =	vmax.f32 v1, v5  }
0x81: {  	v1 =	vmax.f32 v1, v6  }
0x82: {  	v1 =	vmax.f32 v1, v2  }
0x83: {  	[tilespmem:v0+s15+$0x20 ss:$0x1] =	vst.idx.msk $0xffff, v1  }
0x84: {  	v1 =	vld [tilespmem:s13+$0x30]  }
0x85: {  	v2 =	vld [tilespmem:s13+$0xB0]  }
0x86: {  	v3 =	vld [tilespmem:s13+$0x130]  }
0x87: {  	v4 =	vld [tilespmem:s13+$0x1B0]  }
0x88: {  	v5 =	vld [tilespmem:s13+$0x230]  }
0x89: {  	v6 =	vld [tilespmem:s13+$0x2B0]  }
0x8a: {  	v1 =	vmax.f32 v1, v2;
	v2 =	vld [tilespmem:s13+$0x330]  }
0x8b: {  	v1 =	vmax.f32 v1, v3;
	v3 =	vld [tilespmem:s13+$0x3B0]  }
0x8c: {  	v1 =	vmax.f32 v1, v4;
	v4 =	vld [tilespmem:s13+$0x430]  }
0x8d: {  	v1 =	vmax.f32 v1, v5;
	v5 =	vld [tilespmem:s13+$0x4B0]  }
0x8e: {  	v1 =	vmax.f32 v1, v6;
	v6 =	vld [tilespmem:s13+$0x530]  }
0x8f: {  	v1 =	vmax.f32 v1, v2;
	v2 =	vld [tilespmem:s13+$0x5B0]  }
0x90: {  	v1 =	vmax.f32 v1, v3;
	v3 =	vld [tilespmem:s13+$0x630]  }
0x91: {  	v1 =	vmax.f32 v1, v4;
	v4 =	vld [tilespmem:s13+$0x6B0]  }
0x92: {  	v1 =	vmax.f32 v1, v5;
	v5 =	vld [tilespmem:s13+$0x730]  }
0x93: {  	v1 =	vmax.f32 v1, v6;
	v6 =	vld [tilespmem:s13+$0x7B0]  }
0x94: {  	v1 =	vmax.f32 v1, v2;
	v2 =	vld [tilespmem:s13+$0x830]  }
0x95: {  	v1 =	vmax.f32 v1, v3;
	v3 =	vld [tilespmem:s13+$0x8B0]  }
0x96: {  	v1 =	vmax.f32 v1, v4;
	v4 =	vld [tilespmem:s13+$0x930]  }
0x97: {  	v1 =	vmax.f32 v1, v5;
	v5 =	vld [tilespmem:s13+$0x9B0]  }
0x98: {  	v1 =	vmax.f32 v1, v6;
	v6 =	vld [tilespmem:s13+$0xA30]  }
0x99: {  	v1 =	vmax.f32 v1, v2;
	v2 =	vld [tilespmem:s13+$0xAB0]  }
0x9a: {  	v1 =	vmax.f32 v1, v3;
	v3 =	vld [tilespmem:s13+$0xB30]  }
0x9b: {  	v1 =	vmax.f32 v1, v4;
	v4 =	vld [tilespmem:s13+$0xBB0]  }
0x9c: {  	v1 =	vmax.f32 v1, v5;
	v5 =	vld [tilespmem:s13+$0xC30]  }
0x9d: {  	v1 =	vmax.f32 v1, v6;
	v6 =	vld [tilespmem:s13+$0xCB0]  }
0x9e: {  	v1 =	vmax.f32 v1, v2;
	v2 =	vld [tilespmem:s13+$0xD30]  }
0x9f: {  	v1 =	vmax.f32 v1, v3;
	v3 =	vld [tilespmem:s13+$0xDB0]  }
0xa0: {  	v1 =	vmax.f32 v1, v4;
	v4 =	vld [tilespmem:s13+$0xE30]  }
0xa1: {  	v1 =	vmax.f32 v1, v5;
	v5 =	vld [tilespmem:s13+$0xEB0]  }
0xa2: {  	v1 =	vmax.f32 v1, v6;
	v6 =	vld [tilespmem:s13+$0xF30]  }
0xa3: {  	v1 =	vmax.f32 v1, v2;
	v2 =	vld [tilespmem:s13+$0xFB0]  }
0xa4: {  	v1 =	vmax.f32 v1, v3  }
0xa5: {  	v1 =	vmax.f32 v1, v4  }
0xa6: {  	v1 =	vmax.f32 v1, v5  }
0xa7: {  	v1 =	vmax.f32 v1, v6  }
0xa8: {  	v1 =	vmax.f32 v1, v2  }
0xa9: {  	[tilespmem:v0+s15+$0x30 ss:$0x1] =	vst.idx.msk $0xffff, v1  }
0xaa: {  	v1 =	vld [tilespmem:s13+$0x40]  }
0xab: {  	v2 =	vld [tilespmem:s13+$0xC0]  }
0xac: {  	v3 =	vld [tilespmem:s13+$0x140]  }
0xad: {  	v4 =	vld [tilespmem:s13+$0x1C0]  }
0xae: {  	v5 =	vld [tilespmem:s13+$0x240]  }
0xaf: {  	v6 =	vld [tilespmem:s13+$0x2C0]  }
0xb0: {  	v1 =	vmax.f32 v1, v2;
	v2 =	vld [tilespmem:s13+$0x340]  }
0xb1: {  	v1 =	vmax.f32 v1, v3;
	v3 =	vld [tilespmem:s13+$0x3C0]  }
0xb2: {  	v1 =	vmax.f32 v1, v4;
	v4 =	vld [tilespmem:s13+$0x440]  }
0xb3: {  	v1 =	vmax.f32 v1, v5;
	v5 =	vld [tilespmem:s13+$0x4C0]  }
0xb4: {  	v1 =	vmax.f32 v1, v6;
	v6 =	vld [tilespmem:s13+$0x540]  }
0xb5: {  	v1 =	vmax.f32 v1, v2;
	v2 =	vld [tilespmem:s13+$0x5C0]  }
0xb6: {  	v1 =	vmax.f32 v1, v3;
	v3 =	vld [tilespmem:s13+$0x640]  }
0xb7: {  	v1 =	vmax.f32 v1, v4;
	v4 =	vld [tilespmem:s13+$0x6C0]  }
0xb8: {  	v1 =	vmax.f32 v1, v5;
	v5 =	vld [tilespmem:s13+$0x740]  }
0xb9: {  	v1 =	vmax.f32 v1, v6;
	v6 =	vld [tilespmem:s13+$0x7C0]  }
0xba: {  	v1 =	vmax.f32 v1, v2;
	v2 =	vld [tilespmem:s13+$0x840]  }
0xbb: {  	v1 =	vmax.f32 v1, v3;
	v3 =	vld [tilespmem:s13+$0x8C0]  }
0xbc: {  	v1 =	vmax.f32 v1, v4;
	v4 =	vld [tilespmem:s13+$0x940]  }
0xbd: {  	v1 =	vmax.f32 v1, v5;
	v5 =	vld [tilespmem:s13+$0x9C0]  }
0xbe: {  	v1 =	vmax.f32 v1, v6;
	v6 =	vld [tilespmem:s13+$0xA40]  }
0xbf: {  	v1 =	vmax.f32 v1, v2;
	v2 =	vld [tilespmem:s13+$0xAC0]  }
0xc0: {  	v1 =	vmax.f32 v1, v3;
	v3 =	vld [tilespmem:s13+$0xB40]  }
0xc1: {  	v1 =	vmax.f32 v1, v4;
	v4 =	vld [tilespmem:s13+$0xBC0]  }
0xc2: {  	v1 =	vmax.f32 v1, v5;
	v5 =	vld [tilespmem:s13+$0xC40]  }
0xc3: {  	v1 =	vmax.f32 v1, v6;
	v6 =	vld [tilespmem:s13+$0xCC0]  }
0xc4: {  	v1 =	vmax.f32 v1, v2;
	v2 =	vld [tilespmem:s13+$0xD40]  }
0xc5: {  	v1 =	vmax.f32 v1, v3;
	v3 =	vld [tilespmem:s13+$0xDC0]  }
0xc6: {  	v1 =	vmax.f32 v1, v4;
	v4 =	vld [tilespmem:s13+$0xE40]  }
0xc7: {  	v1 =	vmax.f32 v1, v5;
	v5 =	vld [tilespmem:s13+$0xEC0]  }
0xc8: {  	v1 =	vmax.f32 v1, v6;
	v6 =	vld [tilespmem:s13+$0xF40]  }
0xc9: {  	v1 =	vmax.f32 v1, v2;
	v2 =	vld [tilespmem:s13+$0xFC0]  }
0xca: {  	v1 =	vmax.f32 v1, v3  }
0xcb: {  	v1 =	vmax.f32 v1, v4  }
0xcc: {  	v1 =	vmax.f32 v1, v5  }
0xcd: {  	v1 =	vmax.f32 v1, v6  }
0xce: {  	v1 =	vmax.f32 v1, v2  }
0xcf: {  	[tilespmem:v0+s15+$0x40 ss:$0x1] =	vst.idx.msk $0xffff, v1  }
0xd0: {  	v1 =	vld [tilespmem:s13+$0x50]  }
0xd1: {  	v2 =	vld [tilespmem:s13+$0xD0]  }
0xd2: {  	v3 =	vld [tilespmem:s13+$0x150]  }
0xd3: {  	v4 =	vld [tilespmem:s13+$0x1D0]  }
0xd4: {  	v5 =	vld [tilespmem:s13+$0x250]  }
0xd5: {  	v6 =	vld [tilespmem:s13+$0x2D0]  }
0xd6: {  	v1 =	vmax.f32 v1, v2;
	v2 =	vld [tilespmem:s13+$0x350]  }
0xd7: {  	v1 =	vmax.f32 v1, v3;
	v3 =	vld [tilespmem:s13+$0x3D0]  }
0xd8: {  	v1 =	vmax.f32 v1, v4;
	v4 =	vld [tilespmem:s13+$0x450]  }
0xd9: {  	v1 =	vmax.f32 v1, v5;
	v5 =	vld [tilespmem:s13+$0x4D0]  }
0xda: {  	v1 =	vmax.f32 v1, v6;
	v6 =	vld [tilespmem:s13+$0x550]  }
0xdb: {  	v1 =	vmax.f32 v1, v2;
	v2 =	vld [tilespmem:s13+$0x5D0]  }
0xdc: {  	v1 =	vmax.f32 v1, v3;
	v3 =	vld [tilespmem:s13+$0x650]  }
0xdd: {  	v1 =	vmax.f32 v1, v4;
	v4 =	vld [tilespmem:s13+$0x6D0]  }
0xde: {  	v1 =	vmax.f32 v1, v5;
	v5 =	vld [tilespmem:s13+$0x750]  }
0xdf: {  	v1 =	vmax.f32 v1, v6;
	v6 =	vld [tilespmem:s13+$0x7D0]  }
0xe0: {  	v1 =	vmax.f32 v1, v2;
	v2 =	vld [tilespmem:s13+$0x850]  }
0xe1: {  	v1 =	vmax.f32 v1, v3;
	v3 =	vld [tilespmem:s13+$0x8D0]  }
0xe2: {  	v1 =	vmax.f32 v1, v4;
	v4 =	vld [tilespmem:s13+$0x950]  }
0xe3: {  	v1 =	vmax.f32 v1, v5;
	v5 =	vld [tilespmem:s13+$0x9D0]  }
0xe4: {  	v1 =	vmax.f32 v1, v6;
	v6 =	vld [tilespmem:s13+$0xA50]  }
0xe5: {  	v1 =	vmax.f32 v1, v2;
	v2 =	vld [tilespmem:s13+$0xAD0]  }
0xe6: {  	v1 =	vmax.f32 v1, v3;
	v3 =	vld [tilespmem:s13+$0xB50]  }
0xe7: {  	v1 =	vmax.f32 v1, v4;
	v4 =	vld [tilespmem:s13+$0xBD0]  }
0xe8: {  	v1 =	vmax.f32 v1, v5;
	v5 =	vld [tilespmem:s13+$0xC50]  }
0xe9: {  	v1 =	vmax.f32 v1, v6;
	v6 =	vld [tilespmem:s13+$0xCD0]  }
0xea: {  	v1 =	vmax.f32 v1, v2;
	v2 =	vld [tilespmem:s13+$0xD50]  }
0xeb: {  	v1 =	vmax.f32 v1, v3;
	v3 =	vld [tilespmem:s13+$0xDD0]  }
0xec: {  	v1 =	vmax.f32 v1, v4;
	v4 =	vld [tilespmem:s13+$0xE50]  }
0xed: {  	v1 =	vmax.f32 v1, v5;
	v5 =	vld [tilespmem:s13+$0xED0]  }
0xee: {  	v1 =	vmax.f32 v1, v6;
	v6 =	vld [tilespmem:s13+$0xF50]  }
0xef: {  	v1 =	vmax.f32 v1, v2;
	v2 =	vld [tilespmem:s13+$0xFD0]  }
0xf0: {  	v1 =	vmax.f32 v1, v3  }
0xf1: {  	v1 =	vmax.f32 v1, v4  }
0xf2: {  	v1 =	vmax.f32 v1, v5  }
0xf3: {  	v1 =	vmax.f32 v1, v6  }
0xf4: {  	v1 =	vmax.f32 v1, v2  }
0xf5: {  	[tilespmem:v0+s15+$0x50 ss:$0x1] =	vst.idx.msk $0xffff, v1  }
0xf6: {  	v1 =	vld [tilespmem:s13+$0x60]  }
0xf7: {  	v2 =	vld [tilespmem:s13+$0xE0]  }
0xf8: {  	v3 =	vld [tilespmem:s13+$0x160]  }
0xf9: {  	v4 =	vld [tilespmem:s13+$0x1E0]  }
0xfa: {  	v5 =	vld [tilespmem:s13+$0x260]  }
0xfb: {  	v6 =	vld [tilespmem:s13+$0x2E0]  }
0xfc: {  	v1 =	vmax.f32 v1, v2;
	v2 =	vld [tilespmem:s13+$0x360]  }
0xfd: {  	v1 =	vmax.f32 v1, v3;
	v3 =	vld [tilespmem:s13+$0x3E0]  }
0xfe: {  	v1 =	vmax.f32 v1, v4;
	v4 =	vld [tilespmem:s13+$0x460]  }
0xff: {  	v1 =	vmax.f32 v1, v5;
	v5 =	vld [tilespmem:s13+$0x4E0]  }
0x100: {  	v1 =	vmax.f32 v1, v6;
	v6 =	vld [tilespmem:s13+$0x560]  }
0x101: {  	v1 =	vmax.f32 v1, v2;
	v2 =	vld [tilespmem:s13+$0x5E0]  }
0x102: {  	v1 =	vmax.f32 v1, v3;
	v3 =	vld [tilespmem:s13+$0x660]  }
0x103: {  	v1 =	vmax.f32 v1, v4;
	v4 =	vld [tilespmem:s13+$0x6E0]  }
0x104: {  	v1 =	vmax.f32 v1, v5;
	v5 =	vld [tilespmem:s13+$0x760]  }
0x105: {  	v1 =	vmax.f32 v1, v6;
	v6 =	vld [tilespmem:s13+$0x7E0]  }
0x106: {  	v1 =	vmax.f32 v1, v2;
	v2 =	vld [tilespmem:s13+$0x860]  }
0x107: {  	v1 =	vmax.f32 v1, v3;
	v3 =	vld [tilespmem:s13+$0x8E0]  }
0x108: {  	v1 =	vmax.f32 v1, v4;
	v4 =	vld [tilespmem:s13+$0x960]  }
0x109: {  	v1 =	vmax.f32 v1, v5;
	v5 =	vld [tilespmem:s13+$0x9E0]  }
0x10a: {  	v1 =	vmax.f32 v1, v6;
	v6 =	vld [tilespmem:s13+$0xA60]  }
0x10b: {  	v1 =	vmax.f32 v1, v2;
	v2 =	vld [tilespmem:s13+$0xAE0]  }
0x10c: {  	v1 =	vmax.f32 v1, v3;
	v3 =	vld [tilespmem:s13+$0xB60]  }
0x10d: {  	v1 =	vmax.f32 v1, v4;
	v4 =	vld [tilespmem:s13+$0xBE0]  }
0x10e: {  	v1 =	vmax.f32 v1, v5;
	v5 =	vld [tilespmem:s13+$0xC60]  }
0x10f: {  	v1 =	vmax.f32 v1, v6;
	v6 =	vld [tilespmem:s13+$0xCE0]  }
0x110: {  	v1 =	vmax.f32 v1, v2;
	v2 =	vld [tilespmem:s13+$0xD60]  }
0x111: {  	v1 =	vmax.f32 v1, v3;
	v3 =	vld [tilespmem:s13+$0xDE0]  }
0x112: {  	v1 =	vmax.f32 v1, v4;
	v4 =	vld [tilespmem:s13+$0xE60]  }
0x113: {  	v1 =	vmax.f32 v1, v5;
	v5 =	vld [tilespmem:s13+$0xEE0]  }
0x114: {  	v1 =	vmax.f32 v1, v6;
	v6 =	vld [tilespmem:s13+$0xF60]  }
0x115: {  	v1 =	vmax.f32 v1, v2;
	v2 =	vld [tilespmem:s13+$0xFE0]  }
0x116: {  	v1 =	vmax.f32 v1, v3  }
0x117: {  	v1 =	vmax.f32 v1, v4  }
0x118: {  	v1 =	vmax.f32 v1, v5  }
0x119: {  	v1 =	vmax.f32 v1, v6  }
0x11a: {  	v1 =	vmax.f32 v1, v2  }
0x11b: {  	[tilespmem:v0+s15+$0x60 ss:$0x1] =	vst.idx.msk $0xffff, v1  }
0x11c: {  	v1 =	vld [tilespmem:s13+$0x170]  }
0x11d: {  	v2 =	vld [tilespmem:s13+$0x70]  }
0x11e: {  	v3 =	vld [tilespmem:s13+$0xF0]  }
0x11f: {  	v4 =	vld [tilespmem:s13+$0x1F0]  }
0x120: {  	v5 =	vld [tilespmem:s13+$0x270]  }
0x121: {  	v6 =	vld [tilespmem:s13+$0x2F0]  }
0x122: {  	v7 =	vld [tilespmem:s13+$0x370]  }
0x123: {  	v8 =	vld [tilespmem:s13+$0xA70];
	v2 =	vmax.f32 v2, v3  }
0x124: {  	v3 =	vld [tilespmem:s13+$0x3F0];
	v1 =	vmax.f32 v2, v1  }
0x125: {  	v2 =	vld [tilespmem:s13+$0x470];
	v1 =	vmax.f32 v1, v4  }
0x126: {  	v4 =	vld [tilespmem:s13+$0x4F0];
	v1 =	vmax.f32 v1, v5  }
0x127: {  	v5 =	vld [tilespmem:s13+$0x570];
	v1 =	vmax.f32 v1, v6  }
0x128: {  	v6 =	vld [tilespmem:s13+$0x5F0];
	v1 =	vmax.f32 v1, v7  }
0x129: {  	v7 =	vld [tilespmem:s13+$0x670];
	v1 =	vmax.f32 v1, v3  }
0x12a: {  	v3 =	vld [tilespmem:s13+$0x6F0];
	v1 =	vmax.f32 v1, v2  }
0x12b: {  	v2 =	vld [tilespmem:s13+$0x770];
	v1 =	vmax.f32 v1, v4  }
0x12c: {  	v4 =	vld [tilespmem:s13+$0x7F0];
	v1 =	vmax.f32 v1, v5  }
0x12d: {  	v5 =	vld [tilespmem:s13+$0x870];
	v1 =	vmax.f32 v1, v6  }
0x12e: {  	v6 =	vld [tilespmem:s13+$0x8F0];
	v1 =	vmax.f32 v1, v7  }
0x12f: {  	v7 =	vld [tilespmem:s13+$0x970];
	v1 =	vmax.f32 v1, v3  }
0x130: {  	v3 =	vld [tilespmem:s13+$0x9F0];
	v1 =	vmax.f32 v1, v2  }
0x131: {  	v9 =	vld [tilespmem:s13+$0xAF0];
	v1 =	vmax.f32 v1, v4  }
0x132: {  	v1 =	vmax.f32 v1, v5;
	v5 =	vld [tilespmem:s13+$0xB70]  }
0x133: {  	v2 =	vmax.f32 v1, v6;
	v1 =	vld [tilespmem:s13+$0xBF0]  }
0x134: {  	v4 =	vmax.f32 v2, v7;
	v2 =	vld [tilespmem:s13+$0xC70]  }
0x135: {  	v4 =	vmax.f32 v4, v3;
	v3 =	vld [tilespmem:s13+$0xCF0]  }
0x136: {  	v6 =	vmax.f32 v4, v8;
	v4 =	vld [tilespmem:s13+$0xD70]  }
0x137: {  	s16 =	simm.s32 $0x1;
	v7 =	vmax.f32 v6, v9;
	v6 =	vld [tilespmem:s13+$0xDF0]  }
.LBB2_2:
0x138: {  	p0 =	sne.s32 s16, $0x7;
	v5 =	vmax.f32 v7, v5;
	v7 =	vld [tilespmem:s13+$0xE70];
	s17 =	smov.u32 s16;
	s16 =	sadd.s32 $0x1, s16  }
0x139: {  	v1 =	vmax.f32 v5, v1;
	v5 =	vld [tilespmem:s13+$0xEF0]  }
0x13a: {  	v1 =	vmax.f32 v1, v2;
	v2 =	vld [tilespmem:s13+$0xF70]  }
0x13b: {  	v1 =	vmax.f32 v1, v3;
	v3 =	vld [tilespmem:s13+$0xFF0]  }
0x13c: {  	v1 =	vmax.f32 v1, v4  }
0x13d: {  	v1 =	vmax.f32 v1, v6  }
0x13e: {  	v1 =	vmax.f32 v1, v7  }
0x13f: {  	v1 =	vmax.f32 v1, v5  }
0x140: {  	s13 =	sshll.u32 s17, $0xC;
	v1 =	vmax.f32 v1, v2  }
0x141: {  	s13 =	sand.u32 $0x3FFFF000, s13;
	v1 =	vmax.f32 v1, v3  }
0x142: {  	[tilespmem:v0+s15+$0x70 ss:$0x1] =	vst.idx.msk $0xffff, v1  }
0x143: {  	v1 =	vld [tilespmem:s13+$0x0]  }
0x144: {  	v2 =	vld [tilespmem:s13+$0x80]  }
0x145: {  	v3 =	vld [tilespmem:s13+$0x100]  }
0x146: {  	v4 =	vld [tilespmem:s13+$0x180]  }
0x147: {  	v5 =	vld [tilespmem:s13+$0x200]  }
0x148: {  	v6 =	vld [tilespmem:s13+$0x280]  }
0x149: {  	v1 =	vmax.f32 v1, v2;
	v2 =	vld [tilespmem:s13+$0x300]  }
0x14a: {  	v1 =	vmax.f32 v1, v3;
	v3 =	vld [tilespmem:s13+$0x380]  }
0x14b: {  	v1 =	vmax.f32 v1, v4;
	v4 =	vld [tilespmem:s13+$0x400]  }
0x14c: {  	v1 =	vmax.f32 v1, v5;
	v5 =	vld [tilespmem:s13+$0x480]  }
0x14d: {  	v1 =	vmax.f32 v1, v6;
	v6 =	vld [tilespmem:s13+$0x500]  }
0x14e: {  	v1 =	vmax.f32 v1, v2;
	v2 =	vld [tilespmem:s13+$0x580]  }
0x14f: {  	v1 =	vmax.f32 v1, v3;
	v3 =	vld [tilespmem:s13+$0x600]  }
0x150: {  	v1 =	vmax.f32 v1, v4;
	v4 =	vld [tilespmem:s13+$0x680]  }
0x151: {  	v1 =	vmax.f32 v1, v5;
	v5 =	vld [tilespmem:s13+$0x700]  }
0x152: {  	v1 =	vmax.f32 v1, v6;
	v6 =	vld [tilespmem:s13+$0x780]  }
0x153: {  	v1 =	vmax.f32 v1, v2;
	v2 =	vld [tilespmem:s13+$0x800]  }
0x154: {  	v1 =	vmax.f32 v1, v3;
	v3 =	vld [tilespmem:s13+$0x880]  }
0x155: {  	v1 =	vmax.f32 v1, v4;
	v4 =	vld [tilespmem:s13+$0x900]  }
0x156: {  	v1 =	vmax.f32 v1, v5;
	v5 =	vld [tilespmem:s13+$0x980]  }
0x157: {  	v1 =	vmax.f32 v1, v6;
	v6 =	vld [tilespmem:s13+$0xA00]  }
0x158: {  	v1 =	vmax.f32 v1, v2;
	v2 =	vld [tilespmem:s13+$0xA80]  }
0x159: {  	v1 =	vmax.f32 v1, v3;
	v3 =	vld [tilespmem:s13+$0xB00]  }
0x15a: {  	v1 =	vmax.f32 v1, v4;
	v4 =	vld [tilespmem:s13+$0xB80]  }
0x15b: {  	v1 =	vmax.f32 v1, v5;
	v5 =	vld [tilespmem:s13+$0xC00]  }
0x15c: {  	v1 =	vmax.f32 v1, v6;
	v6 =	vld [tilespmem:s13+$0xC80]  }
0x15d: {  	v1 =	vmax.f32 v1, v2;
	v2 =	vld [tilespmem:s13+$0xD00]  }
0x15e: {  	v1 =	vmax.f32 v1, v3;
	v3 =	vld [tilespmem:s13+$0xD80]  }
0x15f: {  	v1 =	vmax.f32 v1, v4;
	v4 =	vld [tilespmem:s13+$0xE00]  }
0x160: {  	v1 =	vmax.f32 v1, v5;
	v5 =	vld [tilespmem:s13+$0xE80]  }
0x161: {  	v1 =	vmax.f32 v1, v6;
	v6 =	vld [tilespmem:s13+$0xF00]  }
0x162: {  	v1 =	vmax.f32 v1, v2;
	v2 =	vld [tilespmem:s13+$0xF80]  }
0x163: {  	v1 =	vmax.f32 v1, v3  }
0x164: {  	v1 =	vmax.f32 v1, v4  }
0x165: {  	v1 =	vmax.f32 v1, v5  }
0x166: {  	s15 =	sshll.u32 s17, $0x7;
	v1 =	vmax.f32 v1, v6  }
0x167: {  	s15 =	sand.u32 $0x3FFFFF80, s15;
	v1 =	vmax.f32 v1, v2  }
0x168: {  	[tilespmem:v0+s15+$0x0 ss:$0x1] =	vst.idx.msk $0xffff, v1  }
0x169: {  	v1 =	vld [tilespmem:s13+$0x10]  }
0x16a: {  	v2 =	vld [tilespmem:s13+$0x90]  }
0x16b: {  	v3 =	vld [tilespmem:s13+$0x110]  }
0x16c: {  	v4 =	vld [tilespmem:s13+$0x190]  }
0x16d: {  	v5 =	vld [tilespmem:s13+$0x210]  }
0x16e: {  	v6 =	vld [tilespmem:s13+$0x290]  }
0x16f: {  	v1 =	vmax.f32 v1, v2;
	v2 =	vld [tilespmem:s13+$0x310]  }
0x170: {  	v1 =	vmax.f32 v1, v3;
	v3 =	vld [tilespmem:s13+$0x390]  }
0x171: {  	v1 =	vmax.f32 v1, v4;
	v4 =	vld [tilespmem:s13+$0x410]  }
0x172: {  	v1 =	vmax.f32 v1, v5;
	v5 =	vld [tilespmem:s13+$0x490]  }
0x173: {  	v1 =	vmax.f32 v1, v6;
	v6 =	vld [tilespmem:s13+$0x510]  }
0x174: {  	v1 =	vmax.f32 v1, v2;
	v2 =	vld [tilespmem:s13+$0x590]  }
0x175: {  	v1 =	vmax.f32 v1, v3;
	v3 =	vld [tilespmem:s13+$0x610]  }
0x176: {  	v1 =	vmax.f32 v1, v4;
	v4 =	vld [tilespmem:s13+$0x690]  }
0x177: {  	v1 =	vmax.f32 v1, v5;
	v5 =	vld [tilespmem:s13+$0x710]  }
0x178: {  	v1 =	vmax.f32 v1, v6;
	v6 =	vld [tilespmem:s13+$0x790]  }
0x179: {  	v1 =	vmax.f32 v1, v2;
	v2 =	vld [tilespmem:s13+$0x810]  }
0x17a: {  	v1 =	vmax.f32 v1, v3;
	v3 =	vld [tilespmem:s13+$0x890]  }
0x17b: {  	v1 =	vmax.f32 v1, v4;
	v4 =	vld [tilespmem:s13+$0x910]  }
0x17c: {  	v1 =	vmax.f32 v1, v5;
	v5 =	vld [tilespmem:s13+$0x990]  }
0x17d: {  	v1 =	vmax.f32 v1, v6;
	v6 =	vld [tilespmem:s13+$0xA10]  }
0x17e: {  	v1 =	vmax.f32 v1, v2;
	v2 =	vld [tilespmem:s13+$0xA90]  }
0x17f: {  	v1 =	vmax.f32 v1, v3;
	v3 =	vld [tilespmem:s13+$0xB10]  }
0x180: {  	v1 =	vmax.f32 v1, v4;
	v4 =	vld [tilespmem:s13+$0xB90]  }
0x181: {  	v1 =	vmax.f32 v1, v5;
	v5 =	vld [tilespmem:s13+$0xC10]  }
0x182: {  	v1 =	vmax.f32 v1, v6;
	v6 =	vld [tilespmem:s13+$0xC90]  }
0x183: {  	v1 =	vmax.f32 v1, v2;
	v2 =	vld [tilespmem:s13+$0xD10]  }
0x184: {  	v1 =	vmax.f32 v1, v3;
	v3 =	vld [tilespmem:s13+$0xD90]  }
0x185: {  	v1 =	vmax.f32 v1, v4;
	v4 =	vld [tilespmem:s13+$0xE10]  }
0x186: {  	v1 =	vmax.f32 v1, v5;
	v5 =	vld [tilespmem:s13+$0xE90]  }
0x187: {  	v1 =	vmax.f32 v1, v6;
	v6 =	vld [tilespmem:s13+$0xF10]  }
0x188: {  	v1 =	vmax.f32 v1, v2;
	v2 =	vld [tilespmem:s13+$0xF90]  }
0x189: {  	v1 =	vmax.f32 v1, v3  }
0x18a: {  	v1 =	vmax.f32 v1, v4  }
0x18b: {  	v1 =	vmax.f32 v1, v5  }
0x18c: {  	v1 =	vmax.f32 v1, v6  }
0x18d: {  	v1 =	vmax.f32 v1, v2  }
0x18e: {  	[tilespmem:v0+s15+$0x10 ss:$0x1] =	vst.idx.msk $0xffff, v1  }
0x18f: {  	v1 =	vld [tilespmem:s13+$0x20]  }
0x190: {  	v2 =	vld [tilespmem:s13+$0xA0]  }
0x191: {  	v3 =	vld [tilespmem:s13+$0x120]  }
0x192: {  	v4 =	vld [tilespmem:s13+$0x1A0]  }
0x193: {  	v5 =	vld [tilespmem:s13+$0x220]  }
0x194: {  	v6 =	vld [tilespmem:s13+$0x2A0]  }
0x195: {  	v1 =	vmax.f32 v1, v2;
	v2 =	vld [tilespmem:s13+$0x320]  }
0x196: {  	v1 =	vmax.f32 v1, v3;
	v3 =	vld [tilespmem:s13+$0x3A0]  }
0x197: {  	v1 =	vmax.f32 v1, v4;
	v4 =	vld [tilespmem:s13+$0x420]  }
0x198: {  	v1 =	vmax.f32 v1, v5;
	v5 =	vld [tilespmem:s13+$0x4A0]  }
0x199: {  	v1 =	vmax.f32 v1, v6;
	v6 =	vld [tilespmem:s13+$0x520]  }
0x19a: {  	v1 =	vmax.f32 v1, v2;
	v2 =	vld [tilespmem:s13+$0x5A0]  }
0x19b: {  	v1 =	vmax.f32 v1, v3;
	v3 =	vld [tilespmem:s13+$0x620]  }
0x19c: {  	v1 =	vmax.f32 v1, v4;
	v4 =	vld [tilespmem:s13+$0x6A0]  }
0x19d: {  	v1 =	vmax.f32 v1, v5;
	v5 =	vld [tilespmem:s13+$0x720]  }
0x19e: {  	v1 =	vmax.f32 v1, v6;
	v6 =	vld [tilespmem:s13+$0x7A0]  }
0x19f: {  	v1 =	vmax.f32 v1, v2;
	v2 =	vld [tilespmem:s13+$0x820]  }
0x1a0: {  	v1 =	vmax.f32 v1, v3;
	v3 =	vld [tilespmem:s13+$0x8A0]  }
0x1a1: {  	v1 =	vmax.f32 v1, v4;
	v4 =	vld [tilespmem:s13+$0x920]  }
0x1a2: {  	v1 =	vmax.f32 v1, v5;
	v5 =	vld [tilespmem:s13+$0x9A0]  }
0x1a3: {  	v1 =	vmax.f32 v1, v6;
	v6 =	vld [tilespmem:s13+$0xA20]  }
0x1a4: {  	v1 =	vmax.f32 v1, v2;
	v2 =	vld [tilespmem:s13+$0xAA0]  }
0x1a5: {  	v1 =	vmax.f32 v1, v3;
	v3 =	vld [tilespmem:s13+$0xB20]  }
0x1a6: {  	v1 =	vmax.f32 v1, v4;
	v4 =	vld [tilespmem:s13+$0xBA0]  }
0x1a7: {  	v1 =	vmax.f32 v1, v5;
	v5 =	vld [tilespmem:s13+$0xC20]  }
0x1a8: {  	v1 =	vmax.f32 v1, v6;
	v6 =	vld [tilespmem:s13+$0xCA0]  }
0x1a9: {  	v1 =	vmax.f32 v1, v2;
	v2 =	vld [tilespmem:s13+$0xD20]  }
0x1aa: {  	v1 =	vmax.f32 v1, v3;
	v3 =	vld [tilespmem:s13+$0xDA0]  }
0x1ab: {  	v1 =	vmax.f32 v1, v4;
	v4 =	vld [tilespmem:s13+$0xE20]  }
0x1ac: {  	v1 =	vmax.f32 v1, v5;
	v5 =	vld [tilespmem:s13+$0xEA0]  }
0x1ad: {  	v1 =	vmax.f32 v1, v6;
	v6 =	vld [tilespmem:s13+$0xF20]  }
0x1ae: {  	v1 =	vmax.f32 v1, v2;
	v2 =	vld [tilespmem:s13+$0xFA0]  }
0x1af: {  	v1 =	vmax.f32 v1, v3  }
0x1b0: {  	v1 =	vmax.f32 v1, v4  }
0x1b1: {  	v1 =	vmax.f32 v1, v5  }
0x1b2: {  	v1 =	vmax.f32 v1, v6  }
0x1b3: {  	v1 =	vmax.f32 v1, v2  }
0x1b4: {  	[tilespmem:v0+s15+$0x20 ss:$0x1] =	vst.idx.msk $0xffff, v1  }
0x1b5: {  	v1 =	vld [tilespmem:s13+$0x30]  }
0x1b6: {  	v2 =	vld [tilespmem:s13+$0xB0]  }
0x1b7: {  	v3 =	vld [tilespmem:s13+$0x130]  }
0x1b8: {  	v4 =	vld [tilespmem:s13+$0x1B0]  }
0x1b9: {  	v5 =	vld [tilespmem:s13+$0x230]  }
0x1ba: {  	v6 =	vld [tilespmem:s13+$0x2B0]  }
0x1bb: {  	v1 =	vmax.f32 v1, v2;
	v2 =	vld [tilespmem:s13+$0x330]  }
0x1bc: {  	v1 =	vmax.f32 v1, v3;
	v3 =	vld [tilespmem:s13+$0x3B0]  }
0x1bd: {  	v1 =	vmax.f32 v1, v4;
	v4 =	vld [tilespmem:s13+$0x430]  }
0x1be: {  	v1 =	vmax.f32 v1, v5;
	v5 =	vld [tilespmem:s13+$0x4B0]  }
0x1bf: {  	v1 =	vmax.f32 v1, v6;
	v6 =	vld [tilespmem:s13+$0x530]  }
0x1c0: {  	v1 =	vmax.f32 v1, v2;
	v2 =	vld [tilespmem:s13+$0x5B0]  }
0x1c1: {  	v1 =	vmax.f32 v1, v3;
	v3 =	vld [tilespmem:s13+$0x630]  }
0x1c2: {  	v1 =	vmax.f32 v1, v4;
	v4 =	vld [tilespmem:s13+$0x6B0]  }
0x1c3: {  	v1 =	vmax.f32 v1, v5;
	v5 =	vld [tilespmem:s13+$0x730]  }
0x1c4: {  	v1 =	vmax.f32 v1, v6;
	v6 =	vld [tilespmem:s13+$0x7B0]  }
0x1c5: {  	v1 =	vmax.f32 v1, v2;
	v2 =	vld [tilespmem:s13+$0x830]  }
0x1c6: {  	v1 =	vmax.f32 v1, v3;
	v3 =	vld [tilespmem:s13+$0x8B0]  }
0x1c7: {  	v1 =	vmax.f32 v1, v4;
	v4 =	vld [tilespmem:s13+$0x930]  }
0x1c8: {  	v1 =	vmax.f32 v1, v5;
	v5 =	vld [tilespmem:s13+$0x9B0]  }
0x1c9: {  	v1 =	vmax.f32 v1, v6;
	v6 =	vld [tilespmem:s13+$0xA30]  }
0x1ca: {  	v1 =	vmax.f32 v1, v2;
	v2 =	vld [tilespmem:s13+$0xAB0]  }
0x1cb: {  	v1 =	vmax.f32 v1, v3;
	v3 =	vld [tilespmem:s13+$0xB30]  }
0x1cc: {  	v1 =	vmax.f32 v1, v4;
	v4 =	vld [tilespmem:s13+$0xBB0]  }
0x1cd: {  	v1 =	vmax.f32 v1, v5;
	v5 =	vld [tilespmem:s13+$0xC30]  }
0x1ce: {  	v1 =	vmax.f32 v1, v6;
	v6 =	vld [tilespmem:s13+$0xCB0]  }
0x1cf: {  	v1 =	vmax.f32 v1, v2;
	v2 =	vld [tilespmem:s13+$0xD30]  }
0x1d0: {  	v1 =	vmax.f32 v1, v3;
	v3 =	vld [tilespmem:s13+$0xDB0]  }
0x1d1: {  	v1 =	vmax.f32 v1, v4;
	v4 =	vld [tilespmem:s13+$0xE30]  }
0x1d2: {  	v1 =	vmax.f32 v1, v5;
	v5 =	vld [tilespmem:s13+$0xEB0]  }
0x1d3: {  	v1 =	vmax.f32 v1, v6;
	v6 =	vld [tilespmem:s13+$0xF30]  }
0x1d4: {  	v1 =	vmax.f32 v1, v2;
	v2 =	vld [tilespmem:s13+$0xFB0]  }
0x1d5: {  	v1 =	vmax.f32 v1, v3  }
0x1d6: {  	v1 =	vmax.f32 v1, v4  }
0x1d7: {  	v1 =	vmax.f32 v1, v5  }
0x1d8: {  	v1 =	vmax.f32 v1, v6  }
0x1d9: {  	v1 =	vmax.f32 v1, v2  }
0x1da: {  	[tilespmem:v0+s15+$0x30 ss:$0x1] =	vst.idx.msk $0xffff, v1  }
0x1db: {  	v1 =	vld [tilespmem:s13+$0x40]  }
0x1dc: {  	v2 =	vld [tilespmem:s13+$0xC0]  }
0x1dd: {  	v3 =	vld [tilespmem:s13+$0x140]  }
0x1de: {  	v4 =	vld [tilespmem:s13+$0x1C0]  }
0x1df: {  	v5 =	vld [tilespmem:s13+$0x240]  }
0x1e0: {  	v6 =	vld [tilespmem:s13+$0x2C0]  }
0x1e1: {  	v1 =	vmax.f32 v1, v2;
	v2 =	vld [tilespmem:s13+$0x340]  }
0x1e2: {  	v1 =	vmax.f32 v1, v3;
	v3 =	vld [tilespmem:s13+$0x3C0]  }
0x1e3: {  	v1 =	vmax.f32 v1, v4;
	v4 =	vld [tilespmem:s13+$0x440]  }
0x1e4: {  	v1 =	vmax.f32 v1, v5;
	v5 =	vld [tilespmem:s13+$0x4C0]  }
0x1e5: {  	v1 =	vmax.f32 v1, v6;
	v6 =	vld [tilespmem:s13+$0x540]  }
0x1e6: {  	v1 =	vmax.f32 v1, v2;
	v2 =	vld [tilespmem:s13+$0x5C0]  }
0x1e7: {  	v1 =	vmax.f32 v1, v3;
	v3 =	vld [tilespmem:s13+$0x640]  }
0x1e8: {  	v1 =	vmax.f32 v1, v4;
	v4 =	vld [tilespmem:s13+$0x6C0]  }
0x1e9: {  	v1 =	vmax.f32 v1, v5;
	v5 =	vld [tilespmem:s13+$0x740]  }
0x1ea: {  	v1 =	vmax.f32 v1, v6;
	v6 =	vld [tilespmem:s13+$0x7C0]  }
0x1eb: {  	v1 =	vmax.f32 v1, v2;
	v2 =	vld [tilespmem:s13+$0x840]  }
0x1ec: {  	v1 =	vmax.f32 v1, v3;
	v3 =	vld [tilespmem:s13+$0x8C0]  }
0x1ed: {  	v1 =	vmax.f32 v1, v4;
	v4 =	vld [tilespmem:s13+$0x940]  }
0x1ee: {  	v1 =	vmax.f32 v1, v5;
	v5 =	vld [tilespmem:s13+$0x9C0]  }
0x1ef: {  	v1 =	vmax.f32 v1, v6;
	v6 =	vld [tilespmem:s13+$0xA40]  }
0x1f0: {  	v1 =	vmax.f32 v1, v2;
	v2 =	vld [tilespmem:s13+$0xAC0]  }
0x1f1: {  	v1 =	vmax.f32 v1, v3;
	v3 =	vld [tilespmem:s13+$0xB40]  }
0x1f2: {  	v1 =	vmax.f32 v1, v4;
	v4 =	vld [tilespmem:s13+$0xBC0]  }
0x1f3: {  	v1 =	vmax.f32 v1, v5;
	v5 =	vld [tilespmem:s13+$0xC40]  }
0x1f4: {  	v1 =	vmax.f32 v1, v6;
	v6 =	vld [tilespmem:s13+$0xCC0]  }
0x1f5: {  	v1 =	vmax.f32 v1, v2;
	v2 =	vld [tilespmem:s13+$0xD40]  }
0x1f6: {  	v1 =	vmax.f32 v1, v3;
	v3 =	vld [tilespmem:s13+$0xDC0]  }
0x1f7: {  	v1 =	vmax.f32 v1, v4;
	v4 =	vld [tilespmem:s13+$0xE40]  }
0x1f8: {  	v1 =	vmax.f32 v1, v5;
	v5 =	vld [tilespmem:s13+$0xEC0]  }
0x1f9: {  	v1 =	vmax.f32 v1, v6;
	v6 =	vld [tilespmem:s13+$0xF40]  }
0x1fa: {  	v1 =	vmax.f32 v1, v2;
	v2 =	vld [tilespmem:s13+$0xFC0]  }
0x1fb: {  	v1 =	vmax.f32 v1, v3  }
0x1fc: {  	v1 =	vmax.f32 v1, v4  }
0x1fd: {  	v1 =	vmax.f32 v1, v5  }
0x1fe: {  	v1 =	vmax.f32 v1, v6  }
0x1ff: {  	v1 =	vmax.f32 v1, v2  }
0x200: {  	[tilespmem:v0+s15+$0x40 ss:$0x1] =	vst.idx.msk $0xffff, v1  }
0x201: {  	v1 =	vld [tilespmem:s13+$0x50]  }
0x202: {  	v2 =	vld [tilespmem:s13+$0xD0]  }
0x203: {  	v3 =	vld [tilespmem:s13+$0x150]  }
0x204: {  	v4 =	vld [tilespmem:s13+$0x1D0]  }
0x205: {  	v5 =	vld [tilespmem:s13+$0x250]  }
0x206: {  	v6 =	vld [tilespmem:s13+$0x2D0]  }
0x207: {  	v1 =	vmax.f32 v1, v2;
	v2 =	vld [tilespmem:s13+$0x350]  }
0x208: {  	v1 =	vmax.f32 v1, v3;
	v3 =	vld [tilespmem:s13+$0x3D0]  }
0x209: {  	v1 =	vmax.f32 v1, v4;
	v4 =	vld [tilespmem:s13+$0x450]  }
0x20a: {  	v1 =	vmax.f32 v1, v5;
	v5 =	vld [tilespmem:s13+$0x4D0]  }
0x20b: {  	v1 =	vmax.f32 v1, v6;
	v6 =	vld [tilespmem:s13+$0x550]  }
0x20c: {  	v1 =	vmax.f32 v1, v2;
	v2 =	vld [tilespmem:s13+$0x5D0]  }
0x20d: {  	v1 =	vmax.f32 v1, v3;
	v3 =	vld [tilespmem:s13+$0x650]  }
0x20e: {  	v1 =	vmax.f32 v1, v4;
	v4 =	vld [tilespmem:s13+$0x6D0]  }
0x20f: {  	v1 =	vmax.f32 v1, v5;
	v5 =	vld [tilespmem:s13+$0x750]  }
0x210: {  	v1 =	vmax.f32 v1, v6;
	v6 =	vld [tilespmem:s13+$0x7D0]  }
0x211: {  	v1 =	vmax.f32 v1, v2;
	v2 =	vld [tilespmem:s13+$0x850]  }
0x212: {  	v1 =	vmax.f32 v1, v3;
	v3 =	vld [tilespmem:s13+$0x8D0]  }
0x213: {  	v1 =	vmax.f32 v1, v4;
	v4 =	vld [tilespmem:s13+$0x950]  }
0x214: {  	v1 =	vmax.f32 v1, v5;
	v5 =	vld [tilespmem:s13+$0x9D0]  }
0x215: {  	v1 =	vmax.f32 v1, v6;
	v6 =	vld [tilespmem:s13+$0xA50]  }
0x216: {  	v1 =	vmax.f32 v1, v2;
	v2 =	vld [tilespmem:s13+$0xAD0]  }
0x217: {  	v1 =	vmax.f32 v1, v3;
	v3 =	vld [tilespmem:s13+$0xB50]  }
0x218: {  	v1 =	vmax.f32 v1, v4;
	v4 =	vld [tilespmem:s13+$0xBD0]  }
0x219: {  	v1 =	vmax.f32 v1, v5;
	v5 =	vld [tilespmem:s13+$0xC50]  }
0x21a: {  	v1 =	vmax.f32 v1, v6;
	v6 =	vld [tilespmem:s13+$0xCD0]  }
0x21b: {  	v1 =	vmax.f32 v1, v2;
	v2 =	vld [tilespmem:s13+$0xD50]  }
0x21c: {  	v1 =	vmax.f32 v1, v3;
	v3 =	vld [tilespmem:s13+$0xDD0]  }
0x21d: {  	v1 =	vmax.f32 v1, v4;
	v4 =	vld [tilespmem:s13+$0xE50]  }
0x21e: {  	v1 =	vmax.f32 v1, v5;
	v5 =	vld [tilespmem:s13+$0xED0]  }
0x21f: {  	v1 =	vmax.f32 v1, v6;
	v6 =	vld [tilespmem:s13+$0xF50]  }
0x220: {  	v1 =	vmax.f32 v1, v2;
	v2 =	vld [tilespmem:s13+$0xFD0]  }
0x221: {  	v1 =	vmax.f32 v1, v3  }
0x222: {  	v1 =	vmax.f32 v1, v4  }
0x223: {  	v1 =	vmax.f32 v1, v5  }
0x224: {  	v1 =	vmax.f32 v1, v6  }
0x225: {  	v1 =	vmax.f32 v1, v2  }
0x226: {  	[tilespmem:v0+s15+$0x50 ss:$0x1] =	vst.idx.msk $0xffff, v1  }
0x227: {  	v1 =	vld [tilespmem:s13+$0x60]  }
0x228: {  	v2 =	vld [tilespmem:s13+$0xE0]  }
0x229: {  	v3 =	vld [tilespmem:s13+$0x160]  }
0x22a: {  	v4 =	vld [tilespmem:s13+$0x1E0]  }
0x22b: {  	v5 =	vld [tilespmem:s13+$0x260]  }
0x22c: {  	v6 =	vld [tilespmem:s13+$0x2E0]  }
0x22d: {  	v1 =	vmax.f32 v1, v2;
	v2 =	vld [tilespmem:s13+$0x360]  }
0x22e: {  	v1 =	vmax.f32 v1, v3;
	v3 =	vld [tilespmem:s13+$0x3E0]  }
0x22f: {  	v1 =	vmax.f32 v1, v4;
	v4 =	vld [tilespmem:s13+$0x460]  }
0x230: {  	v1 =	vmax.f32 v1, v5;
	v5 =	vld [tilespmem:s13+$0x4E0]  }
0x231: {  	v1 =	vmax.f32 v1, v6;
	v6 =	vld [tilespmem:s13+$0x560]  }
0x232: {  	v1 =	vmax.f32 v1, v2;
	v2 =	vld [tilespmem:s13+$0x5E0]  }
0x233: {  	v1 =	vmax.f32 v1, v3;
	v3 =	vld [tilespmem:s13+$0x660]  }
0x234: {  	v1 =	vmax.f32 v1, v4;
	v4 =	vld [tilespmem:s13+$0x6E0]  }
0x235: {  	v1 =	vmax.f32 v1, v5;
	v5 =	vld [tilespmem:s13+$0x760]  }
0x236: {  	v1 =	vmax.f32 v1, v6;
	v6 =	vld [tilespmem:s13+$0x7E0]  }
0x237: {  	v1 =	vmax.f32 v1, v2;
	v2 =	vld [tilespmem:s13+$0x860]  }
0x238: {  	v1 =	vmax.f32 v1, v3;
	v3 =	vld [tilespmem:s13+$0x8E0]  }
0x239: {  	v1 =	vmax.f32 v1, v4;
	v4 =	vld [tilespmem:s13+$0x960]  }
0x23a: {  	v1 =	vmax.f32 v1, v5;
	v5 =	vld [tilespmem:s13+$0x9E0]  }
0x23b: {  	v1 =	vmax.f32 v1, v6;
	v6 =	vld [tilespmem:s13+$0xA60]  }
0x23c: {  	v1 =	vmax.f32 v1, v2;
	v2 =	vld [tilespmem:s13+$0xAE0]  }
0x23d: {  	v1 =	vmax.f32 v1, v3;
	v3 =	vld [tilespmem:s13+$0xB60]  }
0x23e: {  	v1 =	vmax.f32 v1, v4;
	v4 =	vld [tilespmem:s13+$0xBE0]  }
0x23f: {  	v1 =	vmax.f32 v1, v5;
	v5 =	vld [tilespmem:s13+$0xC60]  }
0x240: {  	v1 =	vmax.f32 v1, v6;
	v6 =	vld [tilespmem:s13+$0xCE0]  }
0x241: {  	v1 =	vmax.f32 v1, v2;
	v2 =	vld [tilespmem:s13+$0xD60]  }
0x242: {  	v1 =	vmax.f32 v1, v3;
	v3 =	vld [tilespmem:s13+$0xDE0]  }
0x243: {  	v1 =	vmax.f32 v1, v4;
	v4 =	vld [tilespmem:s13+$0xE60]  }
0x244: {  	v1 =	vmax.f32 v1, v5;
	v5 =	vld [tilespmem:s13+$0xEE0]  }
0x245: {  	v1 =	vmax.f32 v1, v6;
	v6 =	vld [tilespmem:s13+$0xF60]  }
0x246: {  	v1 =	vmax.f32 v1, v2;
	v2 =	vld [tilespmem:s13+$0xFE0]  }
0x247: {  	v1 =	vmax.f32 v1, v3  }
0x248: {  	v1 =	vmax.f32 v1, v4  }
0x249: {  	v1 =	vmax.f32 v1, v5  }
0x24a: {  	v1 =	vmax.f32 v1, v6  }
0x24b: {  	v1 =	vmax.f32 v1, v2  }
0x24c: {  	[tilespmem:v0+s15+$0x60 ss:$0x1] =	vst.idx.msk $0xffff, v1  }
0x24d: {  	v1 =	vld [tilespmem:s13+$0x170]  }
0x24e: {  	v2 =	vld [tilespmem:s13+$0x70]  }
0x24f: {  	v3 =	vld [tilespmem:s13+$0xF0]  }
0x250: {  	v4 =	vld [tilespmem:s13+$0x1F0]  }
0x251: {  	v5 =	vld [tilespmem:s13+$0x270]  }
0x252: {  	v6 =	vld [tilespmem:s13+$0x2F0]  }
0x253: {  	v7 =	vld [tilespmem:s13+$0x370]  }
0x254: {  	v2 =	vmax.f32 v2, v3;
	v3 =	vld [tilespmem:s13+$0x3F0]  }
0x255: {  	v1 =	vmax.f32 v2, v1;
	v2 =	vld [tilespmem:s13+$0x470]  }
0x256: {  	v1 =	vmax.f32 v1, v4;
	v4 =	vld [tilespmem:s13+$0x4F0]  }
0x257: {  	v1 =	vmax.f32 v1, v5;
	v5 =	vld [tilespmem:s13+$0x570]  }
0x258: {  	v1 =	vmax.f32 v1, v6;
	v6 =	vld [tilespmem:s13+$0x5F0]  }
0x259: {  	v1 =	vmax.f32 v1, v7;
	v7 =	vld [tilespmem:s13+$0x670]  }
0x25a: {  	v1 =	vmax.f32 v1, v3;
	v3 =	vld [tilespmem:s13+$0x6F0]  }
0x25b: {  	v1 =	vmax.f32 v1, v2;
	v2 =	vld [tilespmem:s13+$0x770]  }
0x25c: {  	v1 =	vmax.f32 v1, v4;
	v4 =	vld [tilespmem:s13+$0x7F0]  }
0x25d: {  	v1 =	vmax.f32 v1, v5;
	v5 =	vld [tilespmem:s13+$0x870]  }
0x25e: {  	v1 =	vmax.f32 v1, v6;
	v6 =	vld [tilespmem:s13+$0x8F0]  }
0x25f: {  	v1 =	vmax.f32 v1, v7;
	v7 =	vld [tilespmem:s13+$0x970]  }
0x260: {  	v1 =	vmax.f32 v1, v3;
	v3 =	vld [tilespmem:s13+$0x9F0]  }
0x261: {  	v1 =	vmax.f32 v1, v2;
	v8 =	vld [tilespmem:s13+$0xA70]  }
0x262: {  	v1 =	vmax.f32 v1, v4;
	v9 =	vld [tilespmem:s13+$0xAF0]  }
0x263: {  	v1 =	vmax.f32 v1, v5;
	v5 =	vld [tilespmem:s13+$0xB70]  }
.Ltmp0:
0x264: {  	v2 =	vmax.f32 v1, v6;
	v1 =	vld [tilespmem:s13+$0xBF0];
	(pc) =	sbr.rel @p0 .LBB2_2-.Ltmp0, $4  }
0x265: {  	v4 =	vmax.f32 v2, v7;
	v2 =	vld [tilespmem:s13+$0xC70]  }
0x266: {  	v4 =	vmax.f32 v4, v3;
	v3 =	vld [tilespmem:s13+$0xCF0]  }
0x267: {  	v6 =	vmax.f32 v4, v8;
	v4 =	vld [tilespmem:s13+$0xD70]  }
0x268: {  	v7 =	vmax.f32 v6, v9;
	v6 =	vld [tilespmem:s13+$0xDF0]  }
0x269: {  	v5 =	vmax.f32 v7, v5  }
0x26a: {  	v7 =	vld [tilespmem:s13+$0xE70];
	v1 =	vmax.f32 v5, v1  }
0x26b: {  	v5 =	vld [tilespmem:s13+$0xEF0];
	v1 =	vmax.f32 v1, v2  }
0x26c: {  	v2 =	vld [tilespmem:s13+$0xF70];
	v1 =	vmax.f32 v1, v3  }
0x26d: {  	v3 =	vld [tilespmem:s13+$0xFF0];
	v1 =	vmax.f32 v1, v4  }
0x26e: {  	v1 =	vmax.f32 v1, v6  }
0x26f: {  	v1 =	vmax.f32 v1, v7  }
0x270: {  	v1 =	vmax.f32 v1, v5  }
0x271: {  	v1 =	vmax.f32 v1, v2  }
0x272: {  	s29 =	sshll.u32 s10, $0xC;
	v1 =	vmax.f32 v1, v3  }
0x273: {  	p0 =	seq.s32 s10, $0x7;
	s13 =	sadd.s32 s29, s6;
	[tilespmem:v0+s15+$0x70 ss:$0x1] =	vst.idx.msk $0xffff, v1  }
0x274: {  	[hbm4b:s13+s2] =	stream.linear.scatter [tilespmem:s14], [sflag:$0x3], $0x400, $0x38;
	[tilespmem:$0x14000] =	vst v63  }
0x275: {  	s13 =	sshll.u32 @!p0 s10, $0x5  }
0x276: {  	s13 =	sadd.s32 @!p0 s5, s13  }
0x277: {  	_ =	swait.ge [sflag:s9], $0x8000;
	s13 =	smin.u32 @!p0 s13, $0xF9  }
0x278: {  	s30 =	simm.s32 $0x0;
	[sflag:s9] =	ssyncset.done $0x0;
	s13 =	sshll.u32 @!p0 s13, $0xC  }
0x279: {  	s14 =	simm.s32 @!p0 $0x0;
	[sflag:s9] =	ssyncadd.s32 $0xFFFF8000;
	s13 =	sadd.s32 @!p0 s13, s3  }
0x27a: {  	[tilespmem:s14], [sflag:$0x1] =	stream.linear.gather @!p0 [hbm4b:s13+s14], $0x8000, $0x38;
	[tilespmem:$0x14000] =	vst v63  }
0x27b: {  	s13 =	sand.u32 $0x3FFFF000, s30  }
0x27c: {  	v0 =	vld [tilespmem:s13+$0x8000]  }
0x27d: {  	v1 =	vld [tilespmem:s13+$0x8080]  }
0x27e: {  	v2 =	vld [tilespmem:s13+$0x8100]  }
0x27f: {  	v3 =	vld [tilespmem:s13+$0x8180]  }
0x280: {  	v4 =	vld [tilespmem:s13+$0x8200]  }
0x281: {  	v5 =	vld [tilespmem:s13+$0x8280]  }
0x282: {  	v0 =	vmax.f32 v0, v1;
	v1 =	vld [tilespmem:s13+$0x8300]  }
0x283: {  	v0 =	vmax.f32 v0, v2;
	v2 =	vld [tilespmem:s13+$0x8380]  }
0x284: {  	v0 =	vmax.f32 v0, v3;
	v3 =	vld [tilespmem:s13+$0x8400]  }
0x285: {  	v0 =	vmax.f32 v0, v4;
	v4 =	vld [tilespmem:s13+$0x8480]  }
0x286: {  	v0 =	vmax.f32 v0, v5;
	v5 =	vld [tilespmem:s13+$0x8500]  }
0x287: {  	v0 =	vmax.f32 v0, v1;
	v1 =	vld [tilespmem:s13+$0x8580]  }
0x288: {  	v0 =	vmax.f32 v0, v2;
	v2 =	vld [tilespmem:s13+$0x8600]  }
0x289: {  	v0 =	vmax.f32 v0, v3;
	v3 =	vld [tilespmem:s13+$0x8680]  }
0x28a: {  	v0 =	vmax.f32 v0, v4;
	v4 =	vld [tilespmem:s13+$0x8700]  }
0x28b: {  	v0 =	vmax.f32 v0, v5;
	v5 =	vld [tilespmem:s13+$0x8780]  }
0x28c: {  	v0 =	vmax.f32 v0, v1;
	v1 =	vld [tilespmem:s13+$0x8800]  }
0x28d: {  	v0 =	vmax.f32 v0, v2;
	v2 =	vld [tilespmem:s13+$0x8880]  }
0x28e: {  	v0 =	vmax.f32 v0, v3;
	v3 =	vld [tilespmem:s13+$0x8900]  }
0x28f: {  	v0 =	vmax.f32 v0, v4;
	v4 =	vld [tilespmem:s13+$0x8980]  }
0x290: {  	v0 =	vmax.f32 v0, v5;
	v5 =	vld [tilespmem:s13+$0x8A00]  }
0x291: {  	v0 =	vmax.f32 v0, v1;
	v1 =	vld [tilespmem:s13+$0x8A80]  }
0x292: {  	v0 =	vmax.f32 v0, v2;
	v2 =	vld [tilespmem:s13+$0x8B00]  }
0x293: {  	v0 =	vmax.f32 v0, v3;
	v3 =	vld [tilespmem:s13+$0x8B80]  }
0x294: {  	v0 =	vmax.f32 v0, v4;
	v4 =	vld [tilespmem:s13+$0x8C00]  }
0x295: {  	v0 =	vmax.f32 v0, v5;
	v5 =	vld [tilespmem:s13+$0x8C80]  }
0x296: {  	v0 =	vmax.f32 v0, v1;
	v1 =	vld [tilespmem:s13+$0x8D00]  }
0x297: {  	v0 =	vmax.f32 v0, v2;
	v2 =	vld [tilespmem:s13+$0x8D80]  }
0x298: {  	v0 =	vmax.f32 v0, v3;
	v3 =	vld [tilespmem:s13+$0x8E00]  }
0x299: {  	s12 =	sshll.u32 s12, $0xA;
	v0 =	vmax.f32 v0, v4;
	v4 =	vld [tilespmem:s13+$0x8E80]  }
0x29a: {  	s12 =	sand.u32 $0x3FFFFC00, s12;
	v0 =	vmax.f32 v0, v5;
	v5 =	vld [tilespmem:s13+$0x8F00]  }
0x29b: {  	s12 =	sadd.s32 $0x10000, s12;
	v6 =	vld [tilespmem:s13+$0x8F80];
	v1 =	vmax.f32 v0, v1  }
0x29c: {  	v0 =	vmov s12;
	v1 =	vmax.f32 v1, v2  }
0x29d: {  	v1 =	vmax.f32 v1, v3  }
0x29e: {  	v1 =	vmax.f32 v1, v4  }
0x29f: {  	s31 =	simm.s32 $0x0;
	v1 =	vmax.f32 v1, v5  }
0x2a0: {  	s14 =	sand.u32 $0x3FFFFF80, s31;
	v1 =	vmax.f32 v1, v6  }
0x2a1: {  	[tilespmem:v0+s14+$0x0 ss:$0x1] =	vst.idx.msk $0xffff, v1  }
0x2a2: {  	v1 =	vld [tilespmem:s13+$0x8010]  }
0x2a3: {  	v2 =	vld [tilespmem:s13+$0x8090]  }
0x2a4: {  	v3 =	vld [tilespmem:s13+$0x8110]  }
0x2a5: {  	v4 =	vld [tilespmem:s13+$0x8190]  }
0x2a6: {  	v5 =	vld [tilespmem:s13+$0x8210]  }
0x2a7: {  	v6 =	vld [tilespmem:s13+$0x8290]  }
0x2a8: {  	v1 =	vmax.f32 v1, v2;
	v2 =	vld [tilespmem:s13+$0x8310]  }
0x2a9: {  	v1 =	vmax.f32 v1, v3;
	v3 =	vld [tilespmem:s13+$0x8390]  }
0x2aa: {  	v1 =	vmax.f32 v1, v4;
	v4 =	vld [tilespmem:s13+$0x8410]  }
0x2ab: {  	v1 =	vmax.f32 v1, v5;
	v5 =	vld [tilespmem:s13+$0x8490]  }
0x2ac: {  	v1 =	vmax.f32 v1, v6;
	v6 =	vld [tilespmem:s13+$0x8510]  }
0x2ad: {  	v1 =	vmax.f32 v1, v2;
	v2 =	vld [tilespmem:s13+$0x8590]  }
0x2ae: {  	v1 =	vmax.f32 v1, v3;
	v3 =	vld [tilespmem:s13+$0x8610]  }
0x2af: {  	v1 =	vmax.f32 v1, v4;
	v4 =	vld [tilespmem:s13+$0x8690]  }
0x2b0: {  	v1 =	vmax.f32 v1, v5;
	v5 =	vld [tilespmem:s13+$0x8710]  }
0x2b1: {  	v1 =	vmax.f32 v1, v6;
	v6 =	vld [tilespmem:s13+$0x8790]  }
0x2b2: {  	v1 =	vmax.f32 v1, v2;
	v2 =	vld [tilespmem:s13+$0x8810]  }
0x2b3: {  	v1 =	vmax.f32 v1, v3;
	v3 =	vld [tilespmem:s13+$0x8890]  }
0x2b4: {  	v1 =	vmax.f32 v1, v4;
	v4 =	vld [tilespmem:s13+$0x8910]  }
0x2b5: {  	v1 =	vmax.f32 v1, v5;
	v5 =	vld [tilespmem:s13+$0x8990]  }
0x2b6: {  	v1 =	vmax.f32 v1, v6;
	v6 =	vld [tilespmem:s13+$0x8A10]  }
0x2b7: {  	v1 =	vmax.f32 v1, v2;
	v2 =	vld [tilespmem:s13+$0x8A90]  }
0x2b8: {  	v1 =	vmax.f32 v1, v3;
	v3 =	vld [tilespmem:s13+$0x8B10]  }
0x2b9: {  	v1 =	vmax.f32 v1, v4;
	v4 =	vld [tilespmem:s13+$0x8B90]  }
0x2ba: {  	v1 =	vmax.f32 v1, v5;
	v5 =	vld [tilespmem:s13+$0x8C10]  }
0x2bb: {  	v1 =	vmax.f32 v1, v6;
	v6 =	vld [tilespmem:s13+$0x8C90]  }
0x2bc: {  	v1 =	vmax.f32 v1, v2;
	v2 =	vld [tilespmem:s13+$0x8D10]  }
0x2bd: {  	v1 =	vmax.f32 v1, v3;
	v3 =	vld [tilespmem:s13+$0x8D90]  }
0x2be: {  	v1 =	vmax.f32 v1, v4;
	v4 =	vld [tilespmem:s13+$0x8E10]  }
0x2bf: {  	v1 =	vmax.f32 v1, v5;
	v5 =	vld [tilespmem:s13+$0x8E90]  }
0x2c0: {  	v1 =	vmax.f32 v1, v6;
	v6 =	vld [tilespmem:s13+$0x8F10]  }
0x2c1: {  	v1 =	vmax.f32 v1, v2;
	v2 =	vld [tilespmem:s13+$0x8F90]  }
0x2c2: {  	v1 =	vmax.f32 v1, v3  }
0x2c3: {  	v1 =	vmax.f32 v1, v4  }
0x2c4: {  	v1 =	vmax.f32 v1, v5  }
0x2c5: {  	v1 =	vmax.f32 v1, v6  }
0x2c6: {  	v1 =	vmax.f32 v1, v2  }
0x2c7: {  	[tilespmem:v0+s14+$0x10 ss:$0x1] =	vst.idx.msk $0xffff, v1  }
0x2c8: {  	v1 =	vld [tilespmem:s13+$0x8020]  }
0x2c9: {  	v2 =	vld [tilespmem:s13+$0x80A0]  }
0x2ca: {  	v3 =	vld [tilespmem:s13+$0x8120]  }
0x2cb: {  	v4 =	vld [tilespmem:s13+$0x81A0]  }
0x2cc: {  	v5 =	vld [tilespmem:s13+$0x8220]  }
0x2cd: {  	v6 =	vld [tilespmem:s13+$0x82A0]  }
0x2ce: {  	v1 =	vmax.f32 v1, v2;
	v2 =	vld [tilespmem:s13+$0x8320]  }
0x2cf: {  	v1 =	vmax.f32 v1, v3;
	v3 =	vld [tilespmem:s13+$0x83A0]  }
0x2d0: {  	v1 =	vmax.f32 v1, v4;
	v4 =	vld [tilespmem:s13+$0x8420]  }
0x2d1: {  	v1 =	vmax.f32 v1, v5;
	v5 =	vld [tilespmem:s13+$0x84A0]  }
0x2d2: {  	v1 =	vmax.f32 v1, v6;
	v6 =	vld [tilespmem:s13+$0x8520]  }
0x2d3: {  	v1 =	vmax.f32 v1, v2;
	v2 =	vld [tilespmem:s13+$0x85A0]  }
0x2d4: {  	v1 =	vmax.f32 v1, v3;
	v3 =	vld [tilespmem:s13+$0x8620]  }
0x2d5: {  	v1 =	vmax.f32 v1, v4;
	v4 =	vld [tilespmem:s13+$0x86A0]  }
0x2d6: {  	v1 =	vmax.f32 v1, v5;
	v5 =	vld [tilespmem:s13+$0x8720]  }
0x2d7: {  	v1 =	vmax.f32 v1, v6;
	v6 =	vld [tilespmem:s13+$0x87A0]  }
0x2d8: {  	v1 =	vmax.f32 v1, v2;
	v2 =	vld [tilespmem:s13+$0x8820]  }
0x2d9: {  	v1 =	vmax.f32 v1, v3;
	v3 =	vld [tilespmem:s13+$0x88A0]  }
0x2da: {  	v1 =	vmax.f32 v1, v4;
	v4 =	vld [tilespmem:s13+$0x8920]  }
0x2db: {  	v1 =	vmax.f32 v1, v5;
	v5 =	vld [tilespmem:s13+$0x89A0]  }
0x2dc: {  	v1 =	vmax.f32 v1, v6;
	v6 =	vld [tilespmem:s13+$0x8A20]  }
0x2dd: {  	v1 =	vmax.f32 v1, v2;
	v2 =	vld [tilespmem:s13+$0x8AA0]  }
0x2de: {  	v1 =	vmax.f32 v1, v3;
	v3 =	vld [tilespmem:s13+$0x8B20]  }
0x2df: {  	v1 =	vmax.f32 v1, v4;
	v4 =	vld [tilespmem:s13+$0x8BA0]  }
0x2e0: {  	v1 =	vmax.f32 v1, v5;
	v5 =	vld [tilespmem:s13+$0x8C20]  }
0x2e1: {  	v1 =	vmax.f32 v1, v6;
	v6 =	vld [tilespmem:s13+$0x8CA0]  }
0x2e2: {  	v1 =	vmax.f32 v1, v2;
	v2 =	vld [tilespmem:s13+$0x8D20]  }
0x2e3: {  	v1 =	vmax.f32 v1, v3;
	v3 =	vld [tilespmem:s13+$0x8DA0]  }
0x2e4: {  	v1 =	vmax.f32 v1, v4;
	v4 =	vld [tilespmem:s13+$0x8E20]  }
0x2e5: {  	v1 =	vmax.f32 v1, v5;
	v5 =	vld [tilespmem:s13+$0x8EA0]  }
0x2e6: {  	v1 =	vmax.f32 v1, v6;
	v6 =	vld [tilespmem:s13+$0x8F20]  }
0x2e7: {  	v1 =	vmax.f32 v1, v2;
	v2 =	vld [tilespmem:s13+$0x8FA0]  }
0x2e8: {  	v1 =	vmax.f32 v1, v3  }
0x2e9: {  	v1 =	vmax.f32 v1, v4  }
0x2ea: {  	v1 =	vmax.f32 v1, v5  }
0x2eb: {  	v1 =	vmax.f32 v1, v6  }
0x2ec: {  	v1 =	vmax.f32 v1, v2  }
0x2ed: {  	[tilespmem:v0+s14+$0x20 ss:$0x1] =	vst.idx.msk $0xffff, v1  }
0x2ee: {  	v1 =	vld [tilespmem:s13+$0x8030]  }
0x2ef: {  	v2 =	vld [tilespmem:s13+$0x80B0]  }
0x2f0: {  	v3 =	vld [tilespmem:s13+$0x8130]  }
0x2f1: {  	v4 =	vld [tilespmem:s13+$0x81B0]  }
0x2f2: {  	v5 =	vld [tilespmem:s13+$0x8230]  }
0x2f3: {  	v6 =	vld [tilespmem:s13+$0x82B0]  }
0x2f4: {  	v1 =	vmax.f32 v1, v2;
	v2 =	vld [tilespmem:s13+$0x8330]  }
0x2f5: {  	v1 =	vmax.f32 v1, v3;
	v3 =	vld [tilespmem:s13+$0x83B0]  }
0x2f6: {  	v1 =	vmax.f32 v1, v4;
	v4 =	vld [tilespmem:s13+$0x8430]  }
0x2f7: {  	v1 =	vmax.f32 v1, v5;
	v5 =	vld [tilespmem:s13+$0x84B0]  }
0x2f8: {  	v1 =	vmax.f32 v1, v6;
	v6 =	vld [tilespmem:s13+$0x8530]  }
0x2f9: {  	v1 =	vmax.f32 v1, v2;
	v2 =	vld [tilespmem:s13+$0x85B0]  }
0x2fa: {  	v1 =	vmax.f32 v1, v3;
	v3 =	vld [tilespmem:s13+$0x8630]  }
0x2fb: {  	v1 =	vmax.f32 v1, v4;
	v4 =	vld [tilespmem:s13+$0x86B0]  }
0x2fc: {  	v1 =	vmax.f32 v1, v5;
	v5 =	vld [tilespmem:s13+$0x8730]  }
0x2fd: {  	v1 =	vmax.f32 v1, v6;
	v6 =	vld [tilespmem:s13+$0x87B0]  }
0x2fe: {  	v1 =	vmax.f32 v1, v2;
	v2 =	vld [tilespmem:s13+$0x8830]  }
0x2ff: {  	v1 =	vmax.f32 v1, v3;
	v3 =	vld [tilespmem:s13+$0x88B0]  }
0x300: {  	v1 =	vmax.f32 v1, v4;
	v4 =	vld [tilespmem:s13+$0x8930]  }
0x301: {  	v1 =	vmax.f32 v1, v5;
	v5 =	vld [tilespmem:s13+$0x89B0]  }
0x302: {  	v1 =	vmax.f32 v1, v6;
	v6 =	vld [tilespmem:s13+$0x8A30]  }
0x303: {  	v1 =	vmax.f32 v1, v2;
	v2 =	vld [tilespmem:s13+$0x8AB0]  }
0x304: {  	v1 =	vmax.f32 v1, v3;
	v3 =	vld [tilespmem:s13+$0x8B30]  }
0x305: {  	v1 =	vmax.f32 v1, v4;
	v4 =	vld [tilespmem:s13+$0x8BB0]  }
0x306: {  	v1 =	vmax.f32 v1, v5;
	v5 =	vld [tilespmem:s13+$0x8C30]  }
0x307: {  	v1 =	vmax.f32 v1, v6;
	v6 =	vld [tilespmem:s13+$0x8CB0]  }
0x308: {  	v1 =	vmax.f32 v1, v2;
	v2 =	vld [tilespmem:s13+$0x8D30]  }
0x309: {  	v1 =	vmax.f32 v1, v3;
	v3 =	vld [tilespmem:s13+$0x8DB0]  }
0x30a: {  	v1 =	vmax.f32 v1, v4;
	v4 =	vld [tilespmem:s13+$0x8E30]  }
0x30b: {  	v1 =	vmax.f32 v1, v5;
	v5 =	vld [tilespmem:s13+$0x8EB0]  }
0x30c: {  	v1 =	vmax.f32 v1, v6;
	v6 =	vld [tilespmem:s13+$0x8F30]  }
0x30d: {  	v1 =	vmax.f32 v1, v2;
	v2 =	vld [tilespmem:s13+$0x8FB0]  }
0x30e: {  	v1 =	vmax.f32 v1, v3  }
0x30f: {  	v1 =	vmax.f32 v1, v4  }
0x310: {  	v1 =	vmax.f32 v1, v5  }
0x311: {  	v1 =	vmax.f32 v1, v6  }
0x312: {  	v1 =	vmax.f32 v1, v2  }
0x313: {  	[tilespmem:v0+s14+$0x30 ss:$0x1] =	vst.idx.msk $0xffff, v1  }
0x314: {  	v1 =	vld [tilespmem:s13+$0x8040]  }
0x315: {  	v2 =	vld [tilespmem:s13+$0x80C0]  }
0x316: {  	v3 =	vld [tilespmem:s13+$0x8140]  }
0x317: {  	v4 =	vld [tilespmem:s13+$0x81C0]  }
0x318: {  	v5 =	vld [tilespmem:s13+$0x8240]  }
0x319: {  	v6 =	vld [tilespmem:s13+$0x82C0]  }
0x31a: {  	v1 =	vmax.f32 v1, v2;
	v2 =	vld [tilespmem:s13+$0x8340]  }
0x31b: {  	v1 =	vmax.f32 v1, v3;
	v3 =	vld [tilespmem:s13+$0x83C0]  }
0x31c: {  	v1 =	vmax.f32 v1, v4;
	v4 =	vld [tilespmem:s13+$0x8440]  }
0x31d: {  	v1 =	vmax.f32 v1, v5;
	v5 =	vld [tilespmem:s13+$0x84C0]  }
0x31e: {  	v1 =	vmax.f32 v1, v6;
	v6 =	vld [tilespmem:s13+$0x8540]  }
0x31f: {  	v1 =	vmax.f32 v1, v2;
	v2 =	vld [tilespmem:s13+$0x85C0]  }
0x320: {  	v1 =	vmax.f32 v1, v3;
	v3 =	vld [tilespmem:s13+$0x8640]  }
0x321: {  	v1 =	vmax.f32 v1, v4;
	v4 =	vld [tilespmem:s13+$0x86C0]  }
0x322: {  	v1 =	vmax.f32 v1, v5;
	v5 =	vld [tilespmem:s13+$0x8740]  }
0x323: {  	v1 =	vmax.f32 v1, v6;
	v6 =	vld [tilespmem:s13+$0x87C0]  }
0x324: {  	v1 =	vmax.f32 v1, v2;
	v2 =	vld [tilespmem:s13+$0x8840]  }
0x325: {  	v1 =	vmax.f32 v1, v3;
	v3 =	vld [tilespmem:s13+$0x88C0]  }
0x326: {  	v1 =	vmax.f32 v1, v4;
	v4 =	vld [tilespmem:s13+$0x8940]  }
0x327: {  	v1 =	vmax.f32 v1, v5;
	v5 =	vld [tilespmem:s13+$0x89C0]  }
0x328: {  	v1 =	vmax.f32 v1, v6;
	v6 =	vld [tilespmem:s13+$0x8A40]  }
0x329: {  	v1 =	vmax.f32 v1, v2;
	v2 =	vld [tilespmem:s13+$0x8AC0]  }
0x32a: {  	v1 =	vmax.f32 v1, v3;
	v3 =	vld [tilespmem:s13+$0x8B40]  }
0x32b: {  	v1 =	vmax.f32 v1, v4;
	v4 =	vld [tilespmem:s13+$0x8BC0]  }
0x32c: {  	v1 =	vmax.f32 v1, v5;
	v5 =	vld [tilespmem:s13+$0x8C40]  }
0x32d: {  	v1 =	vmax.f32 v1, v6;
	v6 =	vld [tilespmem:s13+$0x8CC0]  }
0x32e: {  	v1 =	vmax.f32 v1, v2;
	v2 =	vld [tilespmem:s13+$0x8D40]  }
0x32f: {  	v1 =	vmax.f32 v1, v3;
	v3 =	vld [tilespmem:s13+$0x8DC0]  }
0x330: {  	v1 =	vmax.f32 v1, v4;
	v4 =	vld [tilespmem:s13+$0x8E40]  }
0x331: {  	v1 =	vmax.f32 v1, v5;
	v5 =	vld [tilespmem:s13+$0x8EC0]  }
0x332: {  	v1 =	vmax.f32 v1, v6;
	v6 =	vld [tilespmem:s13+$0x8F40]  }
0x333: {  	v1 =	vmax.f32 v1, v2;
	v2 =	vld [tilespmem:s13+$0x8FC0]  }
0x334: {  	v1 =	vmax.f32 v1, v3  }
0x335: {  	v1 =	vmax.f32 v1, v4  }
0x336: {  	v1 =	vmax.f32 v1, v5  }
0x337: {  	v1 =	vmax.f32 v1, v6  }
0x338: {  	v1 =	vmax.f32 v1, v2  }
0x339: {  	[tilespmem:v0+s14+$0x40 ss:$0x1] =	vst.idx.msk $0xffff, v1  }
0x33a: {  	v1 =	vld [tilespmem:s13+$0x8050]  }
0x33b: {  	v2 =	vld [tilespmem:s13+$0x80D0]  }
0x33c: {  	v3 =	vld [tilespmem:s13+$0x8150]  }
0x33d: {  	v4 =	vld [tilespmem:s13+$0x81D0]  }
0x33e: {  	v5 =	vld [tilespmem:s13+$0x8250]  }
0x33f: {  	v6 =	vld [tilespmem:s13+$0x82D0]  }
0x340: {  	v1 =	vmax.f32 v1, v2;
	v2 =	vld [tilespmem:s13+$0x8350]  }
0x341: {  	v1 =	vmax.f32 v1, v3;
	v3 =	vld [tilespmem:s13+$0x83D0]  }
0x342: {  	v1 =	vmax.f32 v1, v4;
	v4 =	vld [tilespmem:s13+$0x8450]  }
0x343: {  	v1 =	vmax.f32 v1, v5;
	v5 =	vld [tilespmem:s13+$0x84D0]  }
0x344: {  	v1 =	vmax.f32 v1, v6;
	v6 =	vld [tilespmem:s13+$0x8550]  }
0x345: {  	v1 =	vmax.f32 v1, v2;
	v2 =	vld [tilespmem:s13+$0x85D0]  }
0x346: {  	v1 =	vmax.f32 v1, v3;
	v3 =	vld [tilespmem:s13+$0x8650]  }
0x347: {  	v1 =	vmax.f32 v1, v4;
	v4 =	vld [tilespmem:s13+$0x86D0]  }
0x348: {  	v1 =	vmax.f32 v1, v5;
	v5 =	vld [tilespmem:s13+$0x8750]  }
0x349: {  	v1 =	vmax.f32 v1, v6;
	v6 =	vld [tilespmem:s13+$0x87D0]  }
0x34a: {  	v1 =	vmax.f32 v1, v2;
	v2 =	vld [tilespmem:s13+$0x8850]  }
0x34b: {  	v1 =	vmax.f32 v1, v3;
	v3 =	vld [tilespmem:s13+$0x88D0]  }
0x34c: {  	v1 =	vmax.f32 v1, v4;
	v4 =	vld [tilespmem:s13+$0x8950]  }
0x34d: {  	v1 =	vmax.f32 v1, v5;
	v5 =	vld [tilespmem:s13+$0x89D0]  }
0x34e: {  	v1 =	vmax.f32 v1, v6;
	v6 =	vld [tilespmem:s13+$0x8A50]  }
0x34f: {  	v1 =	vmax.f32 v1, v2;
	v2 =	vld [tilespmem:s13+$0x8AD0]  }
0x350: {  	v1 =	vmax.f32 v1, v3;
	v3 =	vld [tilespmem:s13+$0x8B50]  }
0x351: {  	v1 =	vmax.f32 v1, v4;
	v4 =	vld [tilespmem:s13+$0x8BD0]  }
0x352: {  	v1 =	vmax.f32 v1, v5;
	v5 =	vld [tilespmem:s13+$0x8C50]  }
0x353: {  	v1 =	vmax.f32 v1, v6;
	v6 =	vld [tilespmem:s13+$0x8CD0]  }
0x354: {  	v1 =	vmax.f32 v1, v2;
	v2 =	vld [tilespmem:s13+$0x8D50]  }
0x355: {  	v1 =	vmax.f32 v1, v3;
	v3 =	vld [tilespmem:s13+$0x8DD0]  }
0x356: {  	v1 =	vmax.f32 v1, v4;
	v4 =	vld [tilespmem:s13+$0x8E50]  }
0x357: {  	v1 =	vmax.f32 v1, v5;
	v5 =	vld [tilespmem:s13+$0x8ED0]  }
0x358: {  	v1 =	vmax.f32 v1, v6;
	v6 =	vld [tilespmem:s13+$0x8F50]  }
0x359: {  	v1 =	vmax.f32 v1, v2;
	v2 =	vld [tilespmem:s13+$0x8FD0]  }
0x35a: {  	v1 =	vmax.f32 v1, v3  }
0x35b: {  	v1 =	vmax.f32 v1, v4  }
0x35c: {  	v1 =	vmax.f32 v1, v5  }
0x35d: {  	v1 =	vmax.f32 v1, v6  }
0x35e: {  	v1 =	vmax.f32 v1, v2  }
0x35f: {  	[tilespmem:v0+s14+$0x50 ss:$0x1] =	vst.idx.msk $0xffff, v1  }
0x360: {  	v1 =	vld [tilespmem:s13+$0x8060]  }
0x361: {  	v2 =	vld [tilespmem:s13+$0x80E0]  }
0x362: {  	v3 =	vld [tilespmem:s13+$0x8160]  }
0x363: {  	v4 =	vld [tilespmem:s13+$0x81E0]  }
0x364: {  	v5 =	vld [tilespmem:s13+$0x8260]  }
0x365: {  	v6 =	vld [tilespmem:s13+$0x82E0]  }
0x366: {  	v1 =	vmax.f32 v1, v2;
	v2 =	vld [tilespmem:s13+$0x8360]  }
0x367: {  	v1 =	vmax.f32 v1, v3;
	v3 =	vld [tilespmem:s13+$0x83E0]  }
0x368: {  	v1 =	vmax.f32 v1, v4;
	v4 =	vld [tilespmem:s13+$0x8460]  }
0x369: {  	v1 =	vmax.f32 v1, v5;
	v5 =	vld [tilespmem:s13+$0x84E0]  }
0x36a: {  	v1 =	vmax.f32 v1, v6;
	v6 =	vld [tilespmem:s13+$0x8560]  }
0x36b: {  	v1 =	vmax.f32 v1, v2;
	v2 =	vld [tilespmem:s13+$0x85E0]  }
0x36c: {  	v1 =	vmax.f32 v1, v3;
	v3 =	vld [tilespmem:s13+$0x8660]  }
0x36d: {  	v1 =	vmax.f32 v1, v4;
	v4 =	vld [tilespmem:s13+$0x86E0]  }
0x36e: {  	v1 =	vmax.f32 v1, v5;
	v5 =	vld [tilespmem:s13+$0x8760]  }
0x36f: {  	v1 =	vmax.f32 v1, v6;
	v6 =	vld [tilespmem:s13+$0x87E0]  }
0x370: {  	v1 =	vmax.f32 v1, v2;
	v2 =	vld [tilespmem:s13+$0x8860]  }
0x371: {  	v1 =	vmax.f32 v1, v3;
	v3 =	vld [tilespmem:s13+$0x88E0]  }
0x372: {  	v1 =	vmax.f32 v1, v4;
	v4 =	vld [tilespmem:s13+$0x8960]  }
0x373: {  	v1 =	vmax.f32 v1, v5;
	v5 =	vld [tilespmem:s13+$0x89E0]  }
0x374: {  	v1 =	vmax.f32 v1, v6;
	v6 =	vld [tilespmem:s13+$0x8A60]  }
0x375: {  	v1 =	vmax.f32 v1, v2;
	v2 =	vld [tilespmem:s13+$0x8AE0]  }
0x376: {  	v1 =	vmax.f32 v1, v3;
	v3 =	vld [tilespmem:s13+$0x8B60]  }
0x377: {  	v1 =	vmax.f32 v1, v4;
	v4 =	vld [tilespmem:s13+$0x8BE0]  }
0x378: {  	v1 =	vmax.f32 v1, v5;
	v5 =	vld [tilespmem:s13+$0x8C60]  }
0x379: {  	v1 =	vmax.f32 v1, v6;
	v6 =	vld [tilespmem:s13+$0x8CE0]  }
0x37a: {  	v1 =	vmax.f32 v1, v2;
	v2 =	vld [tilespmem:s13+$0x8D60]  }
0x37b: {  	v1 =	vmax.f32 v1, v3;
	v3 =	vld [tilespmem:s13+$0x8DE0]  }
0x37c: {  	v1 =	vmax.f32 v1, v4;
	v4 =	vld [tilespmem:s13+$0x8E60]  }
0x37d: {  	v1 =	vmax.f32 v1, v5;
	v5 =	vld [tilespmem:s13+$0x8EE0]  }
0x37e: {  	v1 =	vmax.f32 v1, v6;
	v6 =	vld [tilespmem:s13+$0x8F60]  }
0x37f: {  	v1 =	vmax.f32 v1, v2;
	v2 =	vld [tilespmem:s13+$0x8FE0]  }
0x380: {  	v1 =	vmax.f32 v1, v3  }
0x381: {  	v1 =	vmax.f32 v1, v4  }
0x382: {  	v1 =	vmax.f32 v1, v5  }
0x383: {  	v1 =	vmax.f32 v1, v6  }
0x384: {  	v1 =	vmax.f32 v1, v2  }
0x385: {  	[tilespmem:v0+s14+$0x60 ss:$0x1] =	vst.idx.msk $0xffff, v1  }
0x386: {  	v1 =	vld [tilespmem:s13+$0x8170]  }
0x387: {  	v2 =	vld [tilespmem:s13+$0x8070]  }
0x388: {  	v3 =	vld [tilespmem:s13+$0x80F0]  }
0x389: {  	v4 =	vld [tilespmem:s13+$0x81F0]  }
0x38a: {  	v5 =	vld [tilespmem:s13+$0x8270]  }
0x38b: {  	v6 =	vld [tilespmem:s13+$0x82F0]  }
0x38c: {  	v7 =	vld [tilespmem:s13+$0x8370]  }
0x38d: {  	v8 =	vld [tilespmem:s13+$0x8A70];
	v2 =	vmax.f32 v2, v3  }
0x38e: {  	v3 =	vld [tilespmem:s13+$0x83F0];
	v1 =	vmax.f32 v2, v1  }
0x38f: {  	v2 =	vld [tilespmem:s13+$0x8470];
	v1 =	vmax.f32 v1, v4  }
0x390: {  	v4 =	vld [tilespmem:s13+$0x84F0];
	v1 =	vmax.f32 v1, v5  }
0x391: {  	v5 =	vld [tilespmem:s13+$0x8570];
	v1 =	vmax.f32 v1, v6  }
0x392: {  	v6 =	vld [tilespmem:s13+$0x85F0];
	v1 =	vmax.f32 v1, v7  }
0x393: {  	v7 =	vld [tilespmem:s13+$0x8670];
	v1 =	vmax.f32 v1, v3  }
0x394: {  	v3 =	vld [tilespmem:s13+$0x86F0];
	v1 =	vmax.f32 v1, v2  }
0x395: {  	v2 =	vld [tilespmem:s13+$0x8770];
	v1 =	vmax.f32 v1, v4  }
0x396: {  	v4 =	vld [tilespmem:s13+$0x87F0];
	v1 =	vmax.f32 v1, v5  }
0x397: {  	v5 =	vld [tilespmem:s13+$0x8870];
	v1 =	vmax.f32 v1, v6  }
0x398: {  	v6 =	vld [tilespmem:s13+$0x88F0];
	v1 =	vmax.f32 v1, v7  }
0x399: {  	v7 =	vld [tilespmem:s13+$0x8970];
	v1 =	vmax.f32 v1, v3  }
0x39a: {  	v3 =	vld [tilespmem:s13+$0x89F0];
	v1 =	vmax.f32 v1, v2  }
0x39b: {  	v9 =	vld [tilespmem:s13+$0x8AF0];
	v1 =	vmax.f32 v1, v4  }
0x39c: {  	v1 =	vmax.f32 v1, v5;
	v5 =	vld [tilespmem:s13+$0x8B70]  }
0x39d: {  	v2 =	vmax.f32 v1, v6;
	v1 =	vld [tilespmem:s13+$0x8BF0]  }
0x39e: {  	v4 =	vmax.f32 v2, v7;
	v2 =	vld [tilespmem:s13+$0x8C70]  }
0x39f: {  	v4 =	vmax.f32 v4, v3;
	v3 =	vld [tilespmem:s13+$0x8CF0]  }
0x3a0: {  	v6 =	vmax.f32 v4, v8;
	v4 =	vld [tilespmem:s13+$0x8D70]  }
0x3a1: {  	s15 =	simm.s32 $0x1;
	v7 =	vmax.f32 v6, v9;
	v6 =	vld [tilespmem:s13+$0x8DF0]  }
.LBB2_4:
0x3a2: {  	p0 =	sne.s32 s15, $0x7;
	v5 =	vmax.f32 v7, v5;
	v7 =	vld [tilespmem:s13+$0x8E70];
	s16 =	smov.u32 s15;
	s15 =	sadd.s32 $0x1, s15  }
0x3a3: {  	v1 =	vmax.f32 v5, v1;
	v5 =	vld [tilespmem:s13+$0x8EF0]  }
0x3a4: {  	v1 =	vmax.f32 v1, v2;
	v2 =	vld [tilespmem:s13+$0x8F70]  }
0x3a5: {  	v1 =	vmax.f32 v1, v3;
	v3 =	vld [tilespmem:s13+$0x8FF0]  }
0x3a6: {  	v1 =	vmax.f32 v1, v4  }
0x3a7: {  	v1 =	vmax.f32 v1, v6  }
0x3a8: {  	v1 =	vmax.f32 v1, v7  }
0x3a9: {  	v1 =	vmax.f32 v1, v5  }
0x3aa: {  	s13 =	sshll.u32 s16, $0xC;
	v1 =	vmax.f32 v1, v2  }
0x3ab: {  	s13 =	sand.u32 $0x3FFFF000, s13;
	v1 =	vmax.f32 v1, v3  }
0x3ac: {  	[tilespmem:v0+s14+$0x70 ss:$0x1] =	vst.idx.msk $0xffff, v1  }
0x3ad: {  	v1 =	vld [tilespmem:s13+$0x8000]  }
0x3ae: {  	v2 =	vld [tilespmem:s13+$0x8080]  }
0x3af: {  	v3 =	vld [tilespmem:s13+$0x8100]  }
0x3b0: {  	v4 =	vld [tilespmem:s13+$0x8180]  }
0x3b1: {  	v5 =	vld [tilespmem:s13+$0x8200]  }
0x3b2: {  	v6 =	vld [tilespmem:s13+$0x8280]  }
0x3b3: {  	v1 =	vmax.f32 v1, v2;
	v2 =	vld [tilespmem:s13+$0x8300]  }
0x3b4: {  	v1 =	vmax.f32 v1, v3;
	v3 =	vld [tilespmem:s13+$0x8380]  }
0x3b5: {  	v1 =	vmax.f32 v1, v4;
	v4 =	vld [tilespmem:s13+$0x8400]  }
0x3b6: {  	v1 =	vmax.f32 v1, v5;
	v5 =	vld [tilespmem:s13+$0x8480]  }
0x3b7: {  	v1 =	vmax.f32 v1, v6;
	v6 =	vld [tilespmem:s13+$0x8500]  }
0x3b8: {  	v1 =	vmax.f32 v1, v2;
	v2 =	vld [tilespmem:s13+$0x8580]  }
0x3b9: {  	v1 =	vmax.f32 v1, v3;
	v3 =	vld [tilespmem:s13+$0x8600]  }
0x3ba: {  	v1 =	vmax.f32 v1, v4;
	v4 =	vld [tilespmem:s13+$0x8680]  }
0x3bb: {  	v1 =	vmax.f32 v1, v5;
	v5 =	vld [tilespmem:s13+$0x8700]  }
0x3bc: {  	v1 =	vmax.f32 v1, v6;
	v6 =	vld [tilespmem:s13+$0x8780]  }
0x3bd: {  	v1 =	vmax.f32 v1, v2;
	v2 =	vld [tilespmem:s13+$0x8800]  }
0x3be: {  	v1 =	vmax.f32 v1, v3;
	v3 =	vld [tilespmem:s13+$0x8880]  }
0x3bf: {  	v1 =	vmax.f32 v1, v4;
	v4 =	vld [tilespmem:s13+$0x8900]  }
0x3c0: {  	v1 =	vmax.f32 v1, v5;
	v5 =	vld [tilespmem:s13+$0x8980]  }
0x3c1: {  	v1 =	vmax.f32 v1, v6;
	v6 =	vld [tilespmem:s13+$0x8A00]  }
0x3c2: {  	v1 =	vmax.f32 v1, v2;
	v2 =	vld [tilespmem:s13+$0x8A80]  }
0x3c3: {  	v1 =	vmax.f32 v1, v3;
	v3 =	vld [tilespmem:s13+$0x8B00]  }
0x3c4: {  	v1 =	vmax.f32 v1, v4;
	v4 =	vld [tilespmem:s13+$0x8B80]  }
0x3c5: {  	v1 =	vmax.f32 v1, v5;
	v5 =	vld [tilespmem:s13+$0x8C00]  }
0x3c6: {  	v1 =	vmax.f32 v1, v6;
	v6 =	vld [tilespmem:s13+$0x8C80]  }
0x3c7: {  	v1 =	vmax.f32 v1, v2;
	v2 =	vld [tilespmem:s13+$0x8D00]  }
0x3c8: {  	v1 =	vmax.f32 v1, v3;
	v3 =	vld [tilespmem:s13+$0x8D80]  }
0x3c9: {  	v1 =	vmax.f32 v1, v4;
	v4 =	vld [tilespmem:s13+$0x8E00]  }
0x3ca: {  	v1 =	vmax.f32 v1, v5;
	v5 =	vld [tilespmem:s13+$0x8E80]  }
0x3cb: {  	v1 =	vmax.f32 v1, v6;
	v6 =	vld [tilespmem:s13+$0x8F00]  }
0x3cc: {  	v1 =	vmax.f32 v1, v2;
	v2 =	vld [tilespmem:s13+$0x8F80]  }
0x3cd: {  	v1 =	vmax.f32 v1, v3  }
0x3ce: {  	v1 =	vmax.f32 v1, v4  }
0x3cf: {  	v1 =	vmax.f32 v1, v5  }
0x3d0: {  	s14 =	sshll.u32 s16, $0x7;
	v1 =	vmax.f32 v1, v6  }
0x3d1: {  	s14 =	sand.u32 $0x3FFFFF80, s14;
	v1 =	vmax.f32 v1, v2  }
0x3d2: {  	[tilespmem:v0+s14+$0x0 ss:$0x1] =	vst.idx.msk $0xffff, v1  }
0x3d3: {  	v1 =	vld [tilespmem:s13+$0x8010]  }
0x3d4: {  	v2 =	vld [tilespmem:s13+$0x8090]  }
0x3d5: {  	v3 =	vld [tilespmem:s13+$0x8110]  }
0x3d6: {  	v4 =	vld [tilespmem:s13+$0x8190]  }
0x3d7: {  	v5 =	vld [tilespmem:s13+$0x8210]  }
0x3d8: {  	v6 =	vld [tilespmem:s13+$0x8290]  }
0x3d9: {  	v1 =	vmax.f32 v1, v2;
	v2 =	vld [tilespmem:s13+$0x8310]  }
0x3da: {  	v1 =	vmax.f32 v1, v3;
	v3 =	vld [tilespmem:s13+$0x8390]  }
0x3db: {  	v1 =	vmax.f32 v1, v4;
	v4 =	vld [tilespmem:s13+$0x8410]  }
0x3dc: {  	v1 =	vmax.f32 v1, v5;
	v5 =	vld [tilespmem:s13+$0x8490]  }
0x3dd: {  	v1 =	vmax.f32 v1, v6;
	v6 =	vld [tilespmem:s13+$0x8510]  }
0x3de: {  	v1 =	vmax.f32 v1, v2;
	v2 =	vld [tilespmem:s13+$0x8590]  }
0x3df: {  	v1 =	vmax.f32 v1, v3;
	v3 =	vld [tilespmem:s13+$0x8610]  }
0x3e0: {  	v1 =	vmax.f32 v1, v4;
	v4 =	vld [tilespmem:s13+$0x8690]  }
0x3e1: {  	v1 =	vmax.f32 v1, v5;
	v5 =	vld [tilespmem:s13+$0x8710]  }
0x3e2: {  	v1 =	vmax.f32 v1, v6;
	v6 =	vld [tilespmem:s13+$0x8790]  }
0x3e3: {  	v1 =	vmax.f32 v1, v2;
	v2 =	vld [tilespmem:s13+$0x8810]  }
0x3e4: {  	v1 =	vmax.f32 v1, v3;
	v3 =	vld [tilespmem:s13+$0x8890]  }
0x3e5: {  	v1 =	vmax.f32 v1, v4;
	v4 =	vld [tilespmem:s13+$0x8910]  }
0x3e6: {  	v1 =	vmax.f32 v1, v5;
	v5 =	vld [tilespmem:s13+$0x8990]  }
0x3e7: {  	v1 =	vmax.f32 v1, v6;
	v6 =	vld [tilespmem:s13+$0x8A10]  }
0x3e8: {  	v1 =	vmax.f32 v1, v2;
	v2 =	vld [tilespmem:s13+$0x8A90]  }
0x3e9: {  	v1 =	vmax.f32 v1, v3;
	v3 =	vld [tilespmem:s13+$0x8B10]  }
0x3ea: {  	v1 =	vmax.f32 v1, v4;
	v4 =	vld [tilespmem:s13+$0x8B90]  }
0x3eb: {  	v1 =	vmax.f32 v1, v5;
	v5 =	vld [tilespmem:s13+$0x8C10]  }
0x3ec: {  	v1 =	vmax.f32 v1, v6;
	v6 =	vld [tilespmem:s13+$0x8C90]  }
0x3ed: {  	v1 =	vmax.f32 v1, v2;
	v2 =	vld [tilespmem:s13+$0x8D10]  }
0x3ee: {  	v1 =	vmax.f32 v1, v3;
	v3 =	vld [tilespmem:s13+$0x8D90]  }
0x3ef: {  	v1 =	vmax.f32 v1, v4;
	v4 =	vld [tilespmem:s13+$0x8E10]  }
0x3f0: {  	v1 =	vmax.f32 v1, v5;
	v5 =	vld [tilespmem:s13+$0x8E90]  }
0x3f1: {  	v1 =	vmax.f32 v1, v6;
	v6 =	vld [tilespmem:s13+$0x8F10]  }
0x3f2: {  	v1 =	vmax.f32 v1, v2;
	v2 =	vld [tilespmem:s13+$0x8F90]  }
0x3f3: {  	v1 =	vmax.f32 v1, v3  }
0x3f4: {  	v1 =	vmax.f32 v1, v4  }
0x3f5: {  	v1 =	vmax.f32 v1, v5  }
0x3f6: {  	v1 =	vmax.f32 v1, v6  }
0x3f7: {  	v1 =	vmax.f32 v1, v2  }
0x3f8: {  	[tilespmem:v0+s14+$0x10 ss:$0x1] =	vst.idx.msk $0xffff, v1  }
0x3f9: {  	v1 =	vld [tilespmem:s13+$0x8020]  }
0x3fa: {  	v2 =	vld [tilespmem:s13+$0x80A0]  }
0x3fb: {  	v3 =	vld [tilespmem:s13+$0x8120]  }
0x3fc: {  	v4 =	vld [tilespmem:s13+$0x81A0]  }
0x3fd: {  	v5 =	vld [tilespmem:s13+$0x8220]  }
0x3fe: {  	v6 =	vld [tilespmem:s13+$0x82A0]  }
0x3ff: {  	v1 =	vmax.f32 v1, v2;
	v2 =	vld [tilespmem:s13+$0x8320]  }
0x400: {  	v1 =	vmax.f32 v1, v3;
	v3 =	vld [tilespmem:s13+$0x83A0]  }
0x401: {  	v1 =	vmax.f32 v1, v4;
	v4 =	vld [tilespmem:s13+$0x8420]  }
0x402: {  	v1 =	vmax.f32 v1, v5;
	v5 =	vld [tilespmem:s13+$0x84A0]  }
0x403: {  	v1 =	vmax.f32 v1, v6;
	v6 =	vld [tilespmem:s13+$0x8520]  }
0x404: {  	v1 =	vmax.f32 v1, v2;
	v2 =	vld [tilespmem:s13+$0x85A0]  }
0x405: {  	v1 =	vmax.f32 v1, v3;
	v3 =	vld [tilespmem:s13+$0x8620]  }
0x406: {  	v1 =	vmax.f32 v1, v4;
	v4 =	vld [tilespmem:s13+$0x86A0]  }
0x407: {  	v1 =	vmax.f32 v1, v5;
	v5 =	vld [tilespmem:s13+$0x8720]  }
0x408: {  	v1 =	vmax.f32 v1, v6;
	v6 =	vld [tilespmem:s13+$0x87A0]  }
0x409: {  	v1 =	vmax.f32 v1, v2;
	v2 =	vld [tilespmem:s13+$0x8820]  }
0x40a: {  	v1 =	vmax.f32 v1, v3;
	v3 =	vld [tilespmem:s13+$0x88A0]  }
0x40b: {  	v1 =	vmax.f32 v1, v4;
	v4 =	vld [tilespmem:s13+$0x8920]  }
0x40c: {  	v1 =	vmax.f32 v1, v5;
	v5 =	vld [tilespmem:s13+$0x89A0]  }
0x40d: {  	v1 =	vmax.f32 v1, v6;
	v6 =	vld [tilespmem:s13+$0x8A20]  }
0x40e: {  	v1 =	vmax.f32 v1, v2;
	v2 =	vld [tilespmem:s13+$0x8AA0]  }
0x40f: {  	v1 =	vmax.f32 v1, v3;
	v3 =	vld [tilespmem:s13+$0x8B20]  }
0x410: {  	v1 =	vmax.f32 v1, v4;
	v4 =	vld [tilespmem:s13+$0x8BA0]  }
0x411: {  	v1 =	vmax.f32 v1, v5;
	v5 =	vld [tilespmem:s13+$0x8C20]  }
0x412: {  	v1 =	vmax.f32 v1, v6;
	v6 =	vld [tilespmem:s13+$0x8CA0]  }
0x413: {  	v1 =	vmax.f32 v1, v2;
	v2 =	vld [tilespmem:s13+$0x8D20]  }
0x414: {  	v1 =	vmax.f32 v1, v3;
	v3 =	vld [tilespmem:s13+$0x8DA0]  }
0x415: {  	v1 =	vmax.f32 v1, v4;
	v4 =	vld [tilespmem:s13+$0x8E20]  }
0x416: {  	v1 =	vmax.f32 v1, v5;
	v5 =	vld [tilespmem:s13+$0x8EA0]  }
0x417: {  	v1 =	vmax.f32 v1, v6;
	v6 =	vld [tilespmem:s13+$0x8F20]  }
0x418: {  	v1 =	vmax.f32 v1, v2;
	v2 =	vld [tilespmem:s13+$0x8FA0]  }
0x419: {  	v1 =	vmax.f32 v1, v3  }
0x41a: {  	v1 =	vmax.f32 v1, v4  }
0x41b: {  	v1 =	vmax.f32 v1, v5  }
0x41c: {  	v1 =	vmax.f32 v1, v6  }
0x41d: {  	v1 =	vmax.f32 v1, v2  }
0x41e: {  	[tilespmem:v0+s14+$0x20 ss:$0x1] =	vst.idx.msk $0xffff, v1  }
0x41f: {  	v1 =	vld [tilespmem:s13+$0x8030]  }
0x420: {  	v2 =	vld [tilespmem:s13+$0x80B0]  }
0x421: {  	v3 =	vld [tilespmem:s13+$0x8130]  }
0x422: {  	v4 =	vld [tilespmem:s13+$0x81B0]  }
0x423: {  	v5 =	vld [tilespmem:s13+$0x8230]  }
0x424: {  	v6 =	vld [tilespmem:s13+$0x82B0]  }
0x425: {  	v1 =	vmax.f32 v1, v2;
	v2 =	vld [tilespmem:s13+$0x8330]  }
0x426: {  	v1 =	vmax.f32 v1, v3;
	v3 =	vld [tilespmem:s13+$0x83B0]  }
0x427: {  	v1 =	vmax.f32 v1, v4;
	v4 =	vld [tilespmem:s13+$0x8430]  }
0x428: {  	v1 =	vmax.f32 v1, v5;
	v5 =	vld [tilespmem:s13+$0x84B0]  }
0x429: {  	v1 =	vmax.f32 v1, v6;
	v6 =	vld [tilespmem:s13+$0x8530]  }
0x42a: {  	v1 =	vmax.f32 v1, v2;
	v2 =	vld [tilespmem:s13+$0x85B0]  }
0x42b: {  	v1 =	vmax.f32 v1, v3;
	v3 =	vld [tilespmem:s13+$0x8630]  }
0x42c: {  	v1 =	vmax.f32 v1, v4;
	v4 =	vld [tilespmem:s13+$0x86B0]  }
0x42d: {  	v1 =	vmax.f32 v1, v5;
	v5 =	vld [tilespmem:s13+$0x8730]  }
0x42e: {  	v1 =	vmax.f32 v1, v6;
	v6 =	vld [tilespmem:s13+$0x87B0]  }
0x42f: {  	v1 =	vmax.f32 v1, v2;
	v2 =	vld [tilespmem:s13+$0x8830]  }
0x430: {  	v1 =	vmax.f32 v1, v3;
	v3 =	vld [tilespmem:s13+$0x88B0]  }
0x431: {  	v1 =	vmax.f32 v1, v4;
	v4 =	vld [tilespmem:s13+$0x8930]  }
0x432: {  	v1 =	vmax.f32 v1, v5;
	v5 =	vld [tilespmem:s13+$0x89B0]  }
0x433: {  	v1 =	vmax.f32 v1, v6;
	v6 =	vld [tilespmem:s13+$0x8A30]  }
0x434: {  	v1 =	vmax.f32 v1, v2;
	v2 =	vld [tilespmem:s13+$0x8AB0]  }
0x435: {  	v1 =	vmax.f32 v1, v3;
	v3 =	vld [tilespmem:s13+$0x8B30]  }
0x436: {  	v1 =	vmax.f32 v1, v4;
	v4 =	vld [tilespmem:s13+$0x8BB0]  }
0x437: {  	v1 =	vmax.f32 v1, v5;
	v5 =	vld [tilespmem:s13+$0x8C30]  }
0x438: {  	v1 =	vmax.f32 v1, v6;
	v6 =	vld [tilespmem:s13+$0x8CB0]  }
0x439: {  	v1 =	vmax.f32 v1, v2;
	v2 =	vld [tilespmem:s13+$0x8D30]  }
0x43a: {  	v1 =	vmax.f32 v1, v3;
	v3 =	vld [tilespmem:s13+$0x8DB0]  }
0x43b: {  	v1 =	vmax.f32 v1, v4;
	v4 =	vld [tilespmem:s13+$0x8E30]  }
0x43c: {  	v1 =	vmax.f32 v1, v5;
	v5 =	vld [tilespmem:s13+$0x8EB0]  }
0x43d: {  	v1 =	vmax.f32 v1, v6;
	v6 =	vld [tilespmem:s13+$0x8F30]  }
0x43e: {  	v1 =	vmax.f32 v1, v2;
	v2 =	vld [tilespmem:s13+$0x8FB0]  }
0x43f: {  	v1 =	vmax.f32 v1, v3  }
0x440: {  	v1 =	vmax.f32 v1, v4  }
0x441: {  	v1 =	vmax.f32 v1, v5  }
0x442: {  	v1 =	vmax.f32 v1, v6  }
0x443: {  	v1 =	vmax.f32 v1, v2  }
0x444: {  	[tilespmem:v0+s14+$0x30 ss:$0x1] =	vst.idx.msk $0xffff, v1  }
0x445: {  	v1 =	vld [tilespmem:s13+$0x8040]  }
0x446: {  	v2 =	vld [tilespmem:s13+$0x80C0]  }
0x447: {  	v3 =	vld [tilespmem:s13+$0x8140]  }
0x448: {  	v4 =	vld [tilespmem:s13+$0x81C0]  }
0x449: {  	v5 =	vld [tilespmem:s13+$0x8240]  }
0x44a: {  	v6 =	vld [tilespmem:s13+$0x82C0]  }
0x44b: {  	v1 =	vmax.f32 v1, v2;
	v2 =	vld [tilespmem:s13+$0x8340]  }
0x44c: {  	v1 =	vmax.f32 v1, v3;
	v3 =	vld [tilespmem:s13+$0x83C0]  }
0x44d: {  	v1 =	vmax.f32 v1, v4;
	v4 =	vld [tilespmem:s13+$0x8440]  }
0x44e: {  	v1 =	vmax.f32 v1, v5;
	v5 =	vld [tilespmem:s13+$0x84C0]  }
0x44f: {  	v1 =	vmax.f32 v1, v6;
	v6 =	vld [tilespmem:s13+$0x8540]  }
0x450: {  	v1 =	vmax.f32 v1, v2;
	v2 =	vld [tilespmem:s13+$0x85C0]  }
0x451: {  	v1 =	vmax.f32 v1, v3;
	v3 =	vld [tilespmem:s13+$0x8640]  }
0x452: {  	v1 =	vmax.f32 v1, v4;
	v4 =	vld [tilespmem:s13+$0x86C0]  }
0x453: {  	v1 =	vmax.f32 v1, v5;
	v5 =	vld [tilespmem:s13+$0x8740]  }
0x454: {  	v1 =	vmax.f32 v1, v6;
	v6 =	vld [tilespmem:s13+$0x87C0]  }
0x455: {  	v1 =	vmax.f32 v1, v2;
	v2 =	vld [tilespmem:s13+$0x8840]  }
0x456: {  	v1 =	vmax.f32 v1, v3;
	v3 =	vld [tilespmem:s13+$0x88C0]  }
0x457: {  	v1 =	vmax.f32 v1, v4;
	v4 =	vld [tilespmem:s13+$0x8940]  }
0x458: {  	v1 =	vmax.f32 v1, v5;
	v5 =	vld [tilespmem:s13+$0x89C0]  }
0x459: {  	v1 =	vmax.f32 v1, v6;
	v6 =	vld [tilespmem:s13+$0x8A40]  }
0x45a: {  	v1 =	vmax.f32 v1, v2;
	v2 =	vld [tilespmem:s13+$0x8AC0]  }
0x45b: {  	v1 =	vmax.f32 v1, v3;
	v3 =	vld [tilespmem:s13+$0x8B40]  }
0x45c: {  	v1 =	vmax.f32 v1, v4;
	v4 =	vld [tilespmem:s13+$0x8BC0]  }
0x45d: {  	v1 =	vmax.f32 v1, v5;
	v5 =	vld [tilespmem:s13+$0x8C40]  }
0x45e: {  	v1 =	vmax.f32 v1, v6;
	v6 =	vld [tilespmem:s13+$0x8CC0]  }
0x45f: {  	v1 =	vmax.f32 v1, v2;
	v2 =	vld [tilespmem:s13+$0x8D40]  }
0x460: {  	v1 =	vmax.f32 v1, v3;
	v3 =	vld [tilespmem:s13+$0x8DC0]  }
0x461: {  	v1 =	vmax.f32 v1, v4;
	v4 =	vld [tilespmem:s13+$0x8E40]  }
0x462: {  	v1 =	vmax.f32 v1, v5;
	v5 =	vld [tilespmem:s13+$0x8EC0]  }
0x463: {  	v1 =	vmax.f32 v1, v6;
	v6 =	vld [tilespmem:s13+$0x8F40]  }
0x464: {  	v1 =	vmax.f32 v1, v2;
	v2 =	vld [tilespmem:s13+$0x8FC0]  }
0x465: {  	v1 =	vmax.f32 v1, v3  }
0x466: {  	v1 =	vmax.f32 v1, v4  }
0x467: {  	v1 =	vmax.f32 v1, v5  }
0x468: {  	v1 =	vmax.f32 v1, v6  }
0x469: {  	v1 =	vmax.f32 v1, v2  }
0x46a: {  	[tilespmem:v0+s14+$0x40 ss:$0x1] =	vst.idx.msk $0xffff, v1  }
0x46b: {  	v1 =	vld [tilespmem:s13+$0x8050]  }
0x46c: {  	v2 =	vld [tilespmem:s13+$0x80D0]  }
0x46d: {  	v3 =	vld [tilespmem:s13+$0x8150]  }
0x46e: {  	v4 =	vld [tilespmem:s13+$0x81D0]  }
0x46f: {  	v5 =	vld [tilespmem:s13+$0x8250]  }
0x470: {  	v6 =	vld [tilespmem:s13+$0x82D0]  }
0x471: {  	v1 =	vmax.f32 v1, v2;
	v2 =	vld [tilespmem:s13+$0x8350]  }
0x472: {  	v1 =	vmax.f32 v1, v3;
	v3 =	vld [tilespmem:s13+$0x83D0]  }
0x473: {  	v1 =	vmax.f32 v1, v4;
	v4 =	vld [tilespmem:s13+$0x8450]  }
0x474: {  	v1 =	vmax.f32 v1, v5;
	v5 =	vld [tilespmem:s13+$0x84D0]  }
0x475: {  	v1 =	vmax.f32 v1, v6;
	v6 =	vld [tilespmem:s13+$0x8550]  }
0x476: {  	v1 =	vmax.f32 v1, v2;
	v2 =	vld [tilespmem:s13+$0x85D0]  }
0x477: {  	v1 =	vmax.f32 v1, v3;
	v3 =	vld [tilespmem:s13+$0x8650]  }
0x478: {  	v1 =	vmax.f32 v1, v4;
	v4 =	vld [tilespmem:s13+$0x86D0]  }
0x479: {  	v1 =	vmax.f32 v1, v5;
	v5 =	vld [tilespmem:s13+$0x8750]  }
0x47a: {  	v1 =	vmax.f32 v1, v6;
	v6 =	vld [tilespmem:s13+$0x87D0]  }
0x47b: {  	v1 =	vmax.f32 v1, v2;
	v2 =	vld [tilespmem:s13+$0x8850]  }
0x47c: {  	v1 =	vmax.f32 v1, v3;
	v3 =	vld [tilespmem:s13+$0x88D0]  }
0x47d: {  	v1 =	vmax.f32 v1, v4;
	v4 =	vld [tilespmem:s13+$0x8950]  }
0x47e: {  	v1 =	vmax.f32 v1, v5;
	v5 =	vld [tilespmem:s13+$0x89D0]  }
0x47f: {  	v1 =	vmax.f32 v1, v6;
	v6 =	vld [tilespmem:s13+$0x8A50]  }
0x480: {  	v1 =	vmax.f32 v1, v2;
	v2 =	vld [tilespmem:s13+$0x8AD0]  }
0x481: {  	v1 =	vmax.f32 v1, v3;
	v3 =	vld [tilespmem:s13+$0x8B50]  }
0x482: {  	v1 =	vmax.f32 v1, v4;
	v4 =	vld [tilespmem:s13+$0x8BD0]  }
0x483: {  	v1 =	vmax.f32 v1, v5;
	v5 =	vld [tilespmem:s13+$0x8C50]  }
0x484: {  	v1 =	vmax.f32 v1, v6;
	v6 =	vld [tilespmem:s13+$0x8CD0]  }
0x485: {  	v1 =	vmax.f32 v1, v2;
	v2 =	vld [tilespmem:s13+$0x8D50]  }
0x486: {  	v1 =	vmax.f32 v1, v3;
	v3 =	vld [tilespmem:s13+$0x8DD0]  }
0x487: {  	v1 =	vmax.f32 v1, v4;
	v4 =	vld [tilespmem:s13+$0x8E50]  }
0x488: {  	v1 =	vmax.f32 v1, v5;
	v5 =	vld [tilespmem:s13+$0x8ED0]  }
0x489: {  	v1 =	vmax.f32 v1, v6;
	v6 =	vld [tilespmem:s13+$0x8F50]  }
0x48a: {  	v1 =	vmax.f32 v1, v2;
	v2 =	vld [tilespmem:s13+$0x8FD0]  }
0x48b: {  	v1 =	vmax.f32 v1, v3  }
0x48c: {  	v1 =	vmax.f32 v1, v4  }
0x48d: {  	v1 =	vmax.f32 v1, v5  }
0x48e: {  	v1 =	vmax.f32 v1, v6  }
0x48f: {  	v1 =	vmax.f32 v1, v2  }
0x490: {  	[tilespmem:v0+s14+$0x50 ss:$0x1] =	vst.idx.msk $0xffff, v1  }
0x491: {  	v1 =	vld [tilespmem:s13+$0x8060]  }
0x492: {  	v2 =	vld [tilespmem:s13+$0x80E0]  }
0x493: {  	v3 =	vld [tilespmem:s13+$0x8160]  }
0x494: {  	v4 =	vld [tilespmem:s13+$0x81E0]  }
0x495: {  	v5 =	vld [tilespmem:s13+$0x8260]  }
0x496: {  	v6 =	vld [tilespmem:s13+$0x82E0]  }
0x497: {  	v1 =	vmax.f32 v1, v2;
	v2 =	vld [tilespmem:s13+$0x8360]  }
0x498: {  	v1 =	vmax.f32 v1, v3;
	v3 =	vld [tilespmem:s13+$0x83E0]  }
0x499: {  	v1 =	vmax.f32 v1, v4;
	v4 =	vld [tilespmem:s13+$0x8460]  }
0x49a: {  	v1 =	vmax.f32 v1, v5;
	v5 =	vld [tilespmem:s13+$0x84E0]  }
0x49b: {  	v1 =	vmax.f32 v1, v6;
	v6 =	vld [tilespmem:s13+$0x8560]  }
0x49c: {  	v1 =	vmax.f32 v1, v2;
	v2 =	vld [tilespmem:s13+$0x85E0]  }
0x49d: {  	v1 =	vmax.f32 v1, v3;
	v3 =	vld [tilespmem:s13+$0x8660]  }
0x49e: {  	v1 =	vmax.f32 v1, v4;
	v4 =	vld [tilespmem:s13+$0x86E0]  }
0x49f: {  	v1 =	vmax.f32 v1, v5;
	v5 =	vld [tilespmem:s13+$0x8760]  }
0x4a0: {  	v1 =	vmax.f32 v1, v6;
	v6 =	vld [tilespmem:s13+$0x87E0]  }
0x4a1: {  	v1 =	vmax.f32 v1, v2;
	v2 =	vld [tilespmem:s13+$0x8860]  }
0x4a2: {  	v1 =	vmax.f32 v1, v3;
	v3 =	vld [tilespmem:s13+$0x88E0]  }
0x4a3: {  	v1 =	vmax.f32 v1, v4;
	v4 =	vld [tilespmem:s13+$0x8960]  }
0x4a4: {  	v1 =	vmax.f32 v1, v5;
	v5 =	vld [tilespmem:s13+$0x89E0]  }
0x4a5: {  	v1 =	vmax.f32 v1, v6;
	v6 =	vld [tilespmem:s13+$0x8A60]  }
0x4a6: {  	v1 =	vmax.f32 v1, v2;
	v2 =	vld [tilespmem:s13+$0x8AE0]  }
0x4a7: {  	v1 =	vmax.f32 v1, v3;
	v3 =	vld [tilespmem:s13+$0x8B60]  }
0x4a8: {  	v1 =	vmax.f32 v1, v4;
	v4 =	vld [tilespmem:s13+$0x8BE0]  }
0x4a9: {  	v1 =	vmax.f32 v1, v5;
	v5 =	vld [tilespmem:s13+$0x8C60]  }
0x4aa: {  	v1 =	vmax.f32 v1, v6;
	v6 =	vld [tilespmem:s13+$0x8CE0]  }
0x4ab: {  	v1 =	vmax.f32 v1, v2;
	v2 =	vld [tilespmem:s13+$0x8D60]  }
0x4ac: {  	v1 =	vmax.f32 v1, v3;
	v3 =	vld [tilespmem:s13+$0x8DE0]  }
0x4ad: {  	v1 =	vmax.f32 v1, v4;
	v4 =	vld [tilespmem:s13+$0x8E60]  }
0x4ae: {  	v1 =	vmax.f32 v1, v5;
	v5 =	vld [tilespmem:s13+$0x8EE0]  }
0x4af: {  	v1 =	vmax.f32 v1, v6;
	v6 =	vld [tilespmem:s13+$0x8F60]  }
0x4b0: {  	v1 =	vmax.f32 v1, v2;
	v2 =	vld [tilespmem:s13+$0x8FE0]  }
0x4b1: {  	v1 =	vmax.f32 v1, v3  }
0x4b2: {  	v1 =	vmax.f32 v1, v4  }
0x4b3: {  	v1 =	vmax.f32 v1, v5  }
0x4b4: {  	v1 =	vmax.f32 v1, v6  }
0x4b5: {  	v1 =	vmax.f32 v1, v2  }
0x4b6: {  	[tilespmem:v0+s14+$0x60 ss:$0x1] =	vst.idx.msk $0xffff, v1  }
0x4b7: {  	v1 =	vld [tilespmem:s13+$0x8170]  }
0x4b8: {  	v2 =	vld [tilespmem:s13+$0x8070]  }
0x4b9: {  	v3 =	vld [tilespmem:s13+$0x80F0]  }
0x4ba: {  	v4 =	vld [tilespmem:s13+$0x81F0]  }
0x4bb: {  	v5 =	vld [tilespmem:s13+$0x8270]  }
0x4bc: {  	v6 =	vld [tilespmem:s13+$0x82F0]  }
0x4bd: {  	v7 =	vld [tilespmem:s13+$0x8370]  }
0x4be: {  	v2 =	vmax.f32 v2, v3;
	v3 =	vld [tilespmem:s13+$0x83F0]  }
0x4bf: {  	v1 =	vmax.f32 v2, v1;
	v2 =	vld [tilespmem:s13+$0x8470]  }
0x4c0: {  	v1 =	vmax.f32 v1, v4;
	v4 =	vld [tilespmem:s13+$0x84F0]  }
0x4c1: {  	v1 =	vmax.f32 v1, v5;
	v5 =	vld [tilespmem:s13+$0x8570]  }
0x4c2: {  	v1 =	vmax.f32 v1, v6;
	v6 =	vld [tilespmem:s13+$0x85F0]  }
0x4c3: {  	v1 =	vmax.f32 v1, v7;
	v7 =	vld [tilespmem:s13+$0x8670]  }
0x4c4: {  	v1 =	vmax.f32 v1, v3;
	v3 =	vld [tilespmem:s13+$0x86F0]  }
0x4c5: {  	v1 =	vmax.f32 v1, v2;
	v2 =	vld [tilespmem:s13+$0x8770]  }
0x4c6: {  	v1 =	vmax.f32 v1, v4;
	v4 =	vld [tilespmem:s13+$0x87F0]  }
0x4c7: {  	v1 =	vmax.f32 v1, v5;
	v5 =	vld [tilespmem:s13+$0x8870]  }
0x4c8: {  	v1 =	vmax.f32 v1, v6;
	v6 =	vld [tilespmem:s13+$0x88F0]  }
0x4c9: {  	v1 =	vmax.f32 v1, v7;
	v7 =	vld [tilespmem:s13+$0x8970]  }
0x4ca: {  	v1 =	vmax.f32 v1, v3;
	v3 =	vld [tilespmem:s13+$0x89F0]  }
0x4cb: {  	v1 =	vmax.f32 v1, v2;
	v8 =	vld [tilespmem:s13+$0x8A70]  }
0x4cc: {  	v1 =	vmax.f32 v1, v4;
	v9 =	vld [tilespmem:s13+$0x8AF0]  }
0x4cd: {  	v1 =	vmax.f32 v1, v5;
	v5 =	vld [tilespmem:s13+$0x8B70]  }
.Ltmp1:
0x4ce: {  	v2 =	vmax.f32 v1, v6;
	v1 =	vld [tilespmem:s13+$0x8BF0];
	(pc) =	sbr.rel @p0 .LBB2_4-.Ltmp1, $4  }
0x4cf: {  	v4 =	vmax.f32 v2, v7;
	v2 =	vld [tilespmem:s13+$0x8C70]  }
0x4d0: {  	v4 =	vmax.f32 v4, v3;
	v3 =	vld [tilespmem:s13+$0x8CF0]  }
0x4d1: {  	v6 =	vmax.f32 v4, v8;
	v4 =	vld [tilespmem:s13+$0x8D70]  }
0x4d2: {  	v7 =	vmax.f32 v6, v9;
	v6 =	vld [tilespmem:s13+$0x8DF0]  }
0x4d3: {  	v5 =	vmax.f32 v7, v5  }
0x4d4: {  	v60 =	vld [tilespmem:s13+$0x8E70];
	v1 =	vmax.f32 v5, v1  }
0x4d5: {  	v61 =	vld [tilespmem:s13+$0x8EF0];
	v1 =	vmax.f32 v1, v2  }
0x4d6: {  	v62 =	vld [tilespmem:s13+$0x8F70];
	v1 =	vmax.f32 v1, v3  }
0x4d7: {  	v63 =	vld [tilespmem:s13+$0x8FF0];
	v1 =	vmax.f32 v1, v4  }
0x4d8: {  	s10 =	sadd.s32 $0x1, s10;
	v1 =	vmax.f32 v1, v6  }
0x4d9: {  	p0 =	sne.s32 s10, $0x8;
	v1 =	vmax.f32 v1, v60  }
.Ltmp2:
0x4da: {  	v1 =	vmax.f32 v1, v61;
	(pc) =	sbr.rel @p0 .LBB2_1-.Ltmp2, $4  }
0x4db: {  	v1 =	vmax.f32 v1, v62  }
0x4dc: {  	s11 =	sshll.u32 s11, $0x7;
	v1 =	vmax.f32 v1, v63  }
0x4dd: {  	s11 =	sadd.s32 s4, s11;
	[tilespmem:v0+s14+$0x70 ss:$0x1] =	vst.idx.msk $0xffff, v1  }
0x4de: {  	[hbm4b:s11+s2] =	stream.linear.scatter [tilespmem:s12], [sflag:$0x3], $0x400, $0x38;
	[tilespmem:$0x14000] =	vst v63  }
0x4df: {  	s2 =	simm.s32 $0x3  }
0x4e0: {  	_ =	swait.ge [sflag:s2], $0x4000  }
0x4e1: {  	[sflag:s2] =	ssyncset.done $0x0  }
0x4e2: {  	[sflag:s2] =	ssyncadd.s32 $0xFFFFC000  }
0x4e3: {  	_ =	sfence.sel $0x180000  }
0x4e4: {  	[bflag:$0x0] =	sbarrier.arrive $0xFFFF  }
0x4e5: {  	p0 =	sne.s32 s1, $0x0;
	_ =	strace $0x90000047  }
0x4e6: {  	s0 =	sadd.s32 @!p0 $0x100000, s0;
	[bflag:$0x2] =	sbarrier.arrive $0xFFFF  }
0x4e7: {  	[sflag:s0] =	ssyncadd.tile.s32 @!p0 $0x1;
	_ =	shalt  }
.Lfunc_end2:
_tile_overlayer_lowered:
.L_overlay_start_2:
0x4e8: {  	(tag) =	ssettag $0x2  }
0x4e9: {  	s0 =	rddreg [dreg:$0x0];
	s2 =	stileid.u32  }
0x4ea: {  	s1 =	rddreg [dreg:$0x1];
	p0 =	sne.s32 s2, $0x0  }
0x4eb: {  	s3 =	rddreg [dreg:$0x2];
	[bflag:$0x3] =	sbarrier.arrive $0xFFFF;
	s2 =	simm.s32 @!p0 $0x1C04  }
0x4ec: {  	[timem:s3], [sflag:s2] =	dma.local @!p0 [hbm:s0], s1  }
0x4ed: {  	s0 =	simm.s32 @!p0 $0x4  }
0x4ee: {  	_ =	swait.ge @!p0 [sflag:s0], s1  }
0x4ef: {  	s1 =	ssub.s32 @!p0 $0x0, s1;
	[sflag:s0] =	ssyncset.done @!p0 $0x0  }
0x4f0: {  	[sflag:s0] =	ssyncadd.s32 @!p0 s1  }
0x4f1: {  	[bflag:$0x3] =	sbarrier.arrive $0xFFFF  }
0x4f2: {  	_ =	shalt  }

</sc_bundles>
